<compile_context>
chip_gen: v7x
topology: tpu7x:2x2x1
jax: 0.10.2.dev20260603
libtpu: 0.0.44.dev20260713+nightly
codegen_flags: <defaults>
</compile_context>

<pallas_src>
import functools

import jax
import jax.numpy as jnp
from jax import lax
from jax.experimental import pallas as pl
from jax.experimental.pallas import tpu as pltpu
from jax.experimental.pallas import tpu_sc as plsc

DIM = 256
KNN = 16
XPAD = 128
TW = 2 * DIM + XPAD


def _knn_body(xyzT_ref, xyzb_ref, idx_ref, *, blkr, n):
    nv = n // 128
    f32 = jnp.float32
    i32 = jnp.int32
    BIGF = f32(1.0e38)
    BIGI = i32(0x7F000000)
    xb = xyzb_ref[0]
    xc = [xb[:, c:c + 1] for c in range(3)]
    iota_l = jax.lax.broadcasted_iota(i32, (blkr, 128), 1)

    def key_slice(v):
        acc = jnp.zeros((blkr, 128), f32)
        for c in range(3):
            yc = xyzT_ref[0, c:c + 1, v * 128:(v + 1) * 128]
            d = xc[c] - yc
            acc = acc + d * d
        acc = jnp.maximum(acc, f32(1.0e-37))
        bits = (jax.lax.bitcast_convert_type(acc, i32) & i32(~31)) | i32(v)
        return jax.lax.bitcast_convert_type(bits, f32)

    M = [jnp.full((blkr, 128), BIGF, f32) for _ in range(4)]
    for v in range(nv):
        x = key_slice(v)
        for lvl in range(4):
            lo = jnp.minimum(M[lvl], x)
            x = jnp.maximum(M[lvl], x)
            M[lvl] = lo

    M1, M2, M3, M4 = M
    outs = []
    for _ in range(KNN):
        m = jnp.min(M1, axis=1, keepdims=True)
        eq = M1 == m
        lmin = jnp.min(jnp.where(eq, iota_l, i32(128)), axis=1, keepdims=True)
        pop = eq & (iota_l == lmin)
        fi = ((jax.lax.bitcast_convert_type(M1, i32) & i32(31)) * i32(128)
              + iota_l)
        a = jnp.min(jnp.where(pop, fi, BIGI), axis=1, keepdims=True)
        outs.append(a)
        M1 = jnp.where(pop, M2, M1)
        M2 = jnp.where(pop, M3, M2)
        M3 = jnp.where(pop, M4, M3)
        M4 = jnp.where(pop, BIGF, M4)
    fast = jnp.concatenate(outs, axis=1)
    bad = jnp.any(M1 >= f32(1.0e37))

    def slow():
        kk = jnp.concatenate([key_slice(v) for v in range(nv)], axis=1)
        iota_n = jax.lax.broadcasted_iota(i32, (blkr, n), 1)
        fi2 = ((jax.lax.bitcast_convert_type(kk, i32) & i32(31)) * i32(128)
               + (iota_n & i32(127)))
        res = []
        for _ in range(KNN):
            mm = jnp.min(kk, axis=1, keepdims=True)
            aa = jnp.min(jnp.where(kk == mm, fi2, BIGI), axis=1,
                         keepdims=True)
            res.append(aa)
            kk = jnp.where(fi2 == aa, BIGF, kk)
        return jnp.concatenate(res, axis=1)

    idx_ref[0] = jax.lax.cond(bad, slow, lambda: fast)


def _make_sc_gather(nrows):
    nw = 32
    ch = 64
    rows_w = nrows // nw
    nch = rows_w // ch
    mesh = plsc.VectorSubcoreMesh(core_axis_name="c", subcore_axis_name="s")
    f32 = jnp.float32
    bf16 = jnp.bfloat16

    @functools.partial(
        pl.kernel, mesh=mesh,
        out_type=[
            jax.ShapeDtypeStruct((nrows, DIM), jnp.int32),
            jax.ShapeDtypeStruct((nrows, XPAD), f32),
        ],
        scratch_types=[
            pltpu.VMEM((nch, ch), jnp.int32),
            pltpu.VMEM((ch, DIM), jnp.int32),
            pltpu.VMEM((ch, DIM), jnp.int32),
            pltpu.VMEM((ch, XPAD), f32),
            pltpu.VMEM((ch, XPAD), f32),
            pltpu.SemaphoreType.DMA,
            pltpu.SemaphoreType.DMA,
        ],
    )
    def gather(tab_hbm, xyz_hbm, idx_hbm, tabg_hbm, xg_hbm,
               idx_v, buf0, buf1, xb0, xb1, s0, s1):
        wid = lax.axis_index("s") * 2 + lax.axis_index("c")
        base = wid * rows_w
        pltpu.sync_copy(idx_hbm.at[wid], idx_v)
        pltpu.async_copy(tab_hbm.at[idx_v.at[0]], buf0, s0)
        pltpu.async_copy(xyz_hbm.at[idx_v.at[0]], xb0, s0)
        pltpu.async_copy(tab_hbm.at[idx_v.at[1]], buf1, s1)
        pltpu.async_copy(xyz_hbm.at[idx_v.at[1]], xb1, s1)

        def body(gg, _):
            g0 = gg * 2
            pltpu.make_async_copy(tab_hbm.at[idx_v.at[g0]], buf0, s0).wait()
            pltpu.make_async_copy(xyz_hbm.at[idx_v.at[g0]], xb0, s0).wait()
            o = base + g0 * ch
            pltpu.sync_copy(buf0, tabg_hbm.at[pl.ds(o, ch)])
            pltpu.sync_copy(xb0, xg_hbm.at[pl.ds(o, ch)])

            @pl.when(g0 + 2 < nch)
            def _():
                pltpu.async_copy(tab_hbm.at[idx_v.at[g0 + 2]], buf0, s0)
                pltpu.async_copy(xyz_hbm.at[idx_v.at[g0 + 2]], xb0, s0)

            pltpu.make_async_copy(tab_hbm.at[idx_v.at[g0 + 1]], buf1,
                                  s1).wait()
            pltpu.make_async_copy(xyz_hbm.at[idx_v.at[g0 + 1]], xb1,
                                  s1).wait()
            o1 = o + ch
            pltpu.sync_copy(buf1, tabg_hbm.at[pl.ds(o1, ch)])
            pltpu.sync_copy(xb1, xg_hbm.at[pl.ds(o1, ch)])

            @pl.when(g0 + 3 < nch)
            def _():
                pltpu.async_copy(tab_hbm.at[idx_v.at[g0 + 3]], buf1, s1)
                pltpu.async_copy(xyz_hbm.at[idx_v.at[g0 + 3]], xb1, s1)

            return 0

        lax.fori_loop(0, nch // 2, body, 0)

    return gather


def _pointwise_body(feat_ref, makT_ref, wvT_ref, tab_ref):
    i32 = jnp.int32
    f = feat_ref[...]
    ak = jnp.dot(f, makT_ref[...], preferred_element_type=jnp.float32)
    vf = jnp.dot(f, wvT_ref[...], preferred_element_type=jnp.float32)
    akb = jax.lax.bitcast_convert_type(ak, i32) + i32(0x8000)
    vfb = jax.lax.bitcast_convert_type(vf, i32) + i32(0x8000)
    hi = akb & i32(-65536)
    lo = jax.lax.shift_right_logical(vfb, 16)
    tab_ref[...] = hi | lo


def _attn_body(feat_ref, tabg_ref, xg_ref, xq_ref, maqT_ref, p1wT_ref,
               m1T_ref, a2wT_ref, p2wT_ref, bias_ref, out_ref, *, blk):
    r = blk * KNN
    p1b = bias_ref[0:1, :]
    c1 = bias_ref[1:2, :]
    p2b = bias_ref[2:3, :]
    gamma = bias_ref[3:4, :]
    beta = bias_ref[4:5, :]

    i32 = jnp.int32
    packed = tabg_ref[...]
    akg = jax.lax.bitcast_convert_type(packed & i32(-65536), jnp.float32)
    vfg = jax.lax.bitcast_convert_type(
        jax.lax.shift_left(packed, i32(16)), jnp.float32)
    rel = (xq_ref[...][:, None, :]
           - xg_ref[...].reshape(blk, KNN, XPAD)).reshape(r, XPAD)
    u = jnp.maximum(
        jnp.dot(rel, p1wT_ref[...], preferred_element_type=jnp.float32) + p1b,
        0.0)
    t = jnp.dot(u, m1T_ref[...], preferred_element_type=jnp.float32)
    f = feat_ref[...]
    aqc = jnp.dot(f, maqT_ref[...], preferred_element_type=jnp.float32) + c1
    h = (t.reshape(blk, KNN, DIM) - akg.reshape(blk, KNN, DIM)
         + aqc[:, None, :])
    h2 = jnp.maximum(h, 0.0)
    h3 = jnp.dot(h2.reshape(r, DIM), a2wT_ref[...],
                 preferred_element_type=jnp.float32).reshape(blk, KNN, DIM)
    m = jnp.max(h3, axis=1, keepdims=True)
    e = jnp.exp(h3 - m)
    s = jnp.sum(e, axis=1, keepdims=True)
    attn = e / s
    out_v = jnp.sum(vfg.reshape(blk, KNN, DIM) * attn, axis=1)
    su = jnp.sum(u.reshape(blk, KNN, DIM) * attn, axis=1)
    y = (out_v + jnp.dot(su, p2wT_ref[...], preferred_element_type=jnp.float32)
         + p2b + f)
    mu = jnp.mean(y, axis=1, keepdims=True)
    yc = y - mu
    var = jnp.mean(yc * yc, axis=1, keepdims=True)
    out_ref[...] = yc * jax.lax.rsqrt(var + 1e-5) * gamma + beta


def kernel(xyz, feat, Wq, Wk, Wv, p1w, p1b, p2w, p2b, a1w, a1b, a2w, a2b,
           gamma, beta):
    B, N, _ = xyz.shape
    BN = B * N
    f32 = jnp.float32

    maqT = (a1w @ Wq).T
    makT = (a1w @ Wk).T
    wvT = Wv.T
    m1T = (a1w @ p2w).T
    a2wT = a2w.T
    p2wT = p2w.T
    p1wT = jnp.zeros((XPAD, DIM), f32).at[:3, :].set(p1w.T)
    c1 = a1b + a1w @ p2b
    bias_tab = jnp.zeros((8, DIM), f32)
    bias_tab = bias_tab.at[0].set(p1b).at[1].set(c1).at[2].set(p2b)
    bias_tab = bias_tab.at[3].set(gamma).at[4].set(beta)

    blkr = 64
    xyzT = jnp.zeros((B, 8, N), f32).at[:, :3, :].set(
        jnp.transpose(xyz, (0, 2, 1)))
    xb8 = jnp.zeros((B, N, 8), f32).at[..., :3].set(xyz)
    knn_idx = pl.pallas_call(
        functools.partial(_knn_body, blkr=blkr, n=N),
        grid=(B, N // blkr),
        in_specs=[
            pl.BlockSpec((1, 8, N), lambda b, i: (b, 0, 0)),
            pl.BlockSpec((1, blkr, 8), lambda b, i: (b, i, 0)),
        ],
        out_specs=pl.BlockSpec((1, blkr, KNN), lambda b, i: (b, i, 0)),
        out_shape=jax.ShapeDtypeStruct((B, N, KNN), jnp.int32),
    )(xyzT, xb8)

    feat2 = feat.reshape(BN, DIM)
    xyzP = jnp.zeros((BN, XPAD), f32).at[:, :3].set(xyz.reshape(BN, 3))
    blk_a = 512
    tab = pl.pallas_call(
        _pointwise_body,
        grid=(BN // blk_a,),
        in_specs=[
            pl.BlockSpec((blk_a, DIM), lambda i: (i, 0)),
            pl.BlockSpec((DIM, DIM), lambda i: (0, 0)),
            pl.BlockSpec((DIM, DIM), lambda i: (0, 0)),
        ],
        out_specs=pl.BlockSpec((blk_a, DIM), lambda i: (i, 0)),
        out_shape=jax.ShapeDtypeStruct((BN, DIM), jnp.int32),
    )(feat2, makT, wvT)

    nrows = BN * KNN
    gidx = (knn_idx + (jnp.arange(B, dtype=jnp.int32) * N)[:, None, None])
    gidx3 = gidx.reshape(32, nrows // (32 * 64), 64)
    tabg, xg = _make_sc_gather(nrows)(tab, xyzP, gidx3)

    blk = 64
    rblk = blk * KNN
    wspec = pl.BlockSpec((DIM, DIM), lambda i: (0, 0))
    y = pl.pallas_call(
        functools.partial(_attn_body, blk=blk),
        grid=(BN // blk,),
        in_specs=[
            pl.BlockSpec((blk, DIM), lambda i: (i, 0)),
            pl.BlockSpec((rblk, DIM), lambda i: (i, 0)),
            pl.BlockSpec((rblk, XPAD), lambda i: (i, 0)),
            pl.BlockSpec((blk, XPAD), lambda i: (i, 0)),
            wspec,
            pl.BlockSpec((XPAD, DIM), lambda i: (0, 0)),
            wspec,
            wspec,
            wspec,
            pl.BlockSpec((8, DIM), lambda i: (0, 0)),
        ],
        out_specs=pl.BlockSpec((blk, DIM), lambda i: (i, 0)),
        out_shape=jax.ShapeDtypeStruct((BN, DIM), f32),
    )(feat2, tabg, xg, xyzP, maqT, p1wT, m1T, a2wT, p2wT, bias_tab)

    return y.reshape(B, N, DIM)

# --- scband reference (transcript-rebuilt; emitter-appended) ---
"""Pipeline reference for scband-point-transformer-layer-37091337568769 (READ-ONLY COPY).

The authoritative reference and input builder live on the scoring server;
editing this copy changes nothing except your own understanding.
"""

import jax, jax.numpy as jnp
import numpy as np

DIM = 256
B = 2
N = 4096
K = 16


def setup_inputs(seed: int = 0) -> dict:
    key = jax.random.key(seed)
    ks = jax.random.split(key, 12)
    s = 1.0 / np.sqrt(DIM)

    def w(k, shape, scale):
        return jax.random.normal(k, shape, dtype=jnp.float32) * scale

    return {
        "xyz": jax.random.uniform(ks[0], (B, N, 3), dtype=jnp.float32),
        "feat": jax.random.normal(ks[1], (B, N, DIM), dtype=jnp.float32),
        "Wq": w(ks[2], (DIM, DIM), s),
        "Wk": w(ks[3], (DIM, DIM), s),
        "Wv": w(ks[4], (DIM, DIM), s),
        "p1w": w(ks[5], (DIM, 3), 1.0 / np.sqrt(3.0)),
        "p1b": jnp.zeros((DIM,), jnp.float32),
        "p2w": w(ks[6], (DIM, DIM), s),
        "p2b": jnp.zeros((DIM,), jnp.float32),
        "a1w": w(ks[7], (DIM, DIM), s),
        "a1b": jnp.zeros((DIM,), jnp.float32),
        "a2w": w(ks[8], (DIM, DIM), s),
        "a2b": jnp.zeros((DIM,), jnp.float32),
        "gamma": jnp.ones((DIM,), jnp.float32),
        "beta": jnp.zeros((DIM,), jnp.float32),
    }


def _gather(points, idx):
    # points: (B, N, D), idx: (B, S, K) -> (B, S, K, D)
    return jax.vmap(lambda p, i: p[i])(points, idx)


def _forward(xyz, feat, Wq, Wk, Wv, p1w, p1b, p2w, p2b, a1w, a1b, a2w, a2b, gamma, beta, knn_idx):
    knn_xyz = _gather(xyz, knn_idx)      # (B, N, K, 3)
    knn_feat = _gather(feat, knn_idx)    # (B, N, K, D)
    q = feat @ Wq.T                      # (B, N, D)
    k_ = knn_feat @ Wk.T                 # (B, N, K, D)
    v = knn_feat @ Wv.T                  # (B, N, K, D)
    rel = xyz[:, :, None, :] - knn_xyz   # (B, N, K, 3)
    pe = jax.nn.relu(rel @ p1w.T + p1b) @ p2w.T + p2b  # (B, N, K, D)
    h = q[:, :, None, :] - k_ + pe
    h = jax.nn.relu(h @ a1w.T + a1b) @ a2w.T + a2b
    attn = jax.nn.softmax(h, axis=2)     # softmax over K neighbors (vector attention)
    out = jnp.sum((v + pe) * attn, axis=2)  # (B, N, D)
    y = out + feat
    mu = jnp.mean(y, axis=-1, keepdims=True)
    var = jnp.var(y, axis=-1, keepdims=True)
    return (y - mu) / jnp.sqrt(var + 1e-5) * gamma + beta


def reference(xyz, feat, Wq, Wk, Wv, p1w, p1b, p2w, p2b, a1w, a1b, a2w, a2b, gamma, beta):
    # kNN query: pairwise squared distances + smallest-k (same ordering as torch.cdist + topk(largest=False))
    d2 = jnp.sum((xyz[:, :, None, :] - xyz[:, None, :, :]) ** 2, axis=-1)  # (B, N, N)
    _, knn_idx = jax.lax.top_k(-d2, K)   # (B, N, K)
    return _forward(xyz, feat, Wq, Wk, Wv, p1w, p1b, p2w, p2b, a1w, a1b, a2w, a2b, gamma, beta, knn_idx)

if __name__ == "__main__":
    import jax
    _d = setup_inputs()
    print(jax.jit(kernel)(*tuple(_d.values())))

</pallas_src>

<mosaic_0001>
#map = affine_map<(d0, d1) -> (0, 0)>
#map1 = affine_map<(d0, d1) -> (0, 0, 0)>
module attributes {stable_mosaic.version = 14 : i64} {
  func.func @gather(%arg0: i32, %arg1: i32, %arg2: memref<8192x256xi32, #tpu.memory_space<hbm>>, %arg3: memref<8192x128xf32, #tpu.memory_space<hbm>>, %arg4: memref<32x64x64xi32, #tpu.memory_space<hbm>>, %arg5: memref<131072x256xi32, #tpu.memory_space<hbm>>, %arg6: memref<131072x128xf32, #tpu.memory_space<hbm>>, %arg7: memref<64x64xi32, #tpu.memory_space<vmem>>, %arg8: memref<64x256xi32, #tpu.memory_space<vmem>>, %arg9: memref<64x256xi32, #tpu.memory_space<vmem>>, %arg10: memref<64x128xf32, #tpu.memory_space<vmem>>, %arg11: memref<64x128xf32, #tpu.memory_space<vmem>>, %arg12: memref<!tpu.dma_semaphore, #tpu.memory_space<semaphore_mem>>, %arg13: memref<!tpu.dma_semaphore, #tpu.memory_space<semaphore_mem>>) attributes {dimension_semantics = [#tpu.dimension_semantics<core_parallel>, #tpu.dimension_semantics<subcore_parallel>], iteration_bounds = array<i64: 2, 16>, scalar_prefetch = 0 : i64, scratch_operands = 7 : i64, tpu.core_type = #tpu.core_type<sc_vector_subcore>, window_params = [{transform_indices = #map}, {transform_indices = #map}, {transform_indices = #map1}, {transform_indices = #map}, {transform_indices = #map}]} {
    %mul3A = arith.constant 2 : i32
    %mul3A_0 = arith.muli %arg1, %mul3A : i32
    %add3A = arith.addi %mul3A_0, %arg0 : i32
    %mul3A_1 = arith.constant 4096 : i32
    %mul3A_2 = arith.muli %add3A, %mul3A_1 : i32
    "tpu.region"() ({
      %run_scoped3A = tpu.sem_alloc : memref<!tpu.dma_semaphore, #tpu.memory_space<semaphore_mem>>
      %dma_start3A_36 = arith.constant 0 : i32
      %dma_start3A_37 = arith.constant 0 : i32
      %dma_start3A_38 = tpu.memref_slice %arg4[%add3A, %dma_start3A_36, %dma_start3A_37] : memref<32x64x64xi32, #tpu.memory_space<hbm>> -> memref<1x64x64xi32, #tpu.memory_space<hbm>>
      %dma_start3A_39 = tpu.memref_squeeze %dma_start3A_38 : memref<1x64x64xi32, #tpu.memory_space<hbm>> -> memref<64x64xi32, #tpu.memory_space<hbm>>
      %dma_start3A_40 = arith.constant 0 : i32
      %dma_start3A_41 = arith.constant 0 : i32
      %dma_start3A_42 = tpu.memref_slice %arg4[%add3A, %dma_start3A_40, %dma_start3A_41] : memref<32x64x64xi32, #tpu.memory_space<hbm>> -> memref<1x64x64xi32, #tpu.memory_space<hbm>>
      %dma_start3A_43 = tpu.memref_squeeze %dma_start3A_42 : memref<1x64x64xi32, #tpu.memory_space<hbm>> -> memref<64x64xi32, #tpu.memory_space<hbm>>
      tpu.enqueue_dma source(%dma_start3A_43 : memref<64x64xi32, #tpu.memory_space<hbm>>) target(%arg7 : memref<64x64xi32, #tpu.memory_space<vmem>>) target_semaphore(%run_scoped3A : memref<!tpu.dma_semaphore, #tpu.memory_space<semaphore_mem>>)
      %dma_wait3A = arith.constant 0 : i32
      %dma_wait3A_44 = arith.constant 0 : i32
      %dma_wait3A_45 = tpu.memref_slice %arg4[%add3A, %dma_wait3A, %dma_wait3A_44] : memref<32x64x64xi32, #tpu.memory_space<hbm>> -> memref<1x64x64xi32, #tpu.memory_space<hbm>>
      %dma_wait3A_46 = tpu.memref_squeeze %dma_wait3A_45 : memref<1x64x64xi32, #tpu.memory_space<hbm>> -> memref<64x64xi32, #tpu.memory_space<hbm>>
      %dma_wait3A_47 = arith.constant 0 : i32
      %dma_wait3A_48 = arith.constant 0 : i32
      %dma_wait3A_49 = tpu.memref_slice %arg4[%add3A, %dma_wait3A_47, %dma_wait3A_48] : memref<32x64x64xi32, #tpu.memory_space<hbm>> -> memref<1x64x64xi32, #tpu.memory_space<hbm>>
      %dma_wait3A_50 = tpu.memref_squeeze %dma_wait3A_49 : memref<1x64x64xi32, #tpu.memory_space<hbm>> -> memref<64x64xi32, #tpu.memory_space<hbm>>
      tpu.wait_dma2 semaphore(%run_scoped3A : memref<!tpu.dma_semaphore, #tpu.memory_space<semaphore_mem>>) src(%dma_wait3A_50 : memref<64x64xi32, #tpu.memory_space<hbm>>) dst(%arg7 : memref<64x64xi32, #tpu.memory_space<vmem>>)
      tpu.yield
    }) : () -> ()
    %dma_start3A = arith.constant 0 : i32
    %dma_start3A_3 = arith.constant 0 : i32
    %dma_start3A_4 = tpu.memref_slice %arg7[%dma_start3A, %dma_start3A_3] : memref<64x64xi32, #tpu.memory_space<vmem>> -> memref<1x64xi32, #tpu.memory_space<vmem>>
    %dma_start3A_5 = tpu.memref_squeeze %dma_start3A_4 : memref<1x64xi32, #tpu.memory_space<vmem>> -> memref<64xi32, #tpu.memory_space<vmem>>
    %dma_start3A_6 = arith.constant 0 : i32
    %dma_start3A_7 = arith.constant 0 : i32
    %dma_start3A_8 = tpu.memref_slice %arg2[%dma_start3A_6, %dma_start3A_7] : memref<8192x256xi32, #tpu.memory_space<hbm>> -> memref<8192x256xi32, #tpu.memory_space<hbm>>
    tpu.enqueue_indirect_dma source(%dma_start3A_8 : memref<8192x256xi32, #tpu.memory_space<hbm>>) target(%arg8 : memref<64x256xi32, #tpu.memory_space<vmem>>) offsets(%dma_start3A_5 : memref<64xi32, #tpu.memory_space<vmem>>) semaphore(%arg12 : memref<!tpu.dma_semaphore, #tpu.memory_space<semaphore_mem>>)
    %dma_start3A_9 = arith.constant 0 : i32
    %dma_start3A_10 = arith.constant 0 : i32
    %dma_start3A_11 = tpu.memref_slice %arg7[%dma_start3A_9, %dma_start3A_10] : memref<64x64xi32, #tpu.memory_space<vmem>> -> memref<1x64xi32, #tpu.memory_space<vmem>>
    %dma_start3A_12 = tpu.memref_squeeze %dma_start3A_11 : memref<1x64xi32, #tpu.memory_space<vmem>> -> memref<64xi32, #tpu.memory_space<vmem>>
    %dma_start3A_13 = arith.constant 0 : i32
    %dma_start3A_14 = arith.constant 0 : i32
    %dma_start3A_15 = tpu.memref_slice %arg3[%dma_start3A_13, %dma_start3A_14] : memref<8192x128xf32, #tpu.memory_space<hbm>> -> memref<8192x128xf32, #tpu.memory_space<hbm>>
    tpu.enqueue_indirect_dma source(%dma_start3A_15 : memref<8192x128xf32, #tpu.memory_space<hbm>>) target(%arg10 : memref<64x128xf32, #tpu.memory_space<vmem>>) offsets(%dma_start3A_12 : memref<64xi32, #tpu.memory_space<vmem>>) semaphore(%arg12 : memref<!tpu.dma_semaphore, #tpu.memory_space<semaphore_mem>>)
    %dma_start3A_16 = arith.constant 1 : i32
    %dma_start3A_17 = arith.constant 0 : i32
    %dma_start3A_18 = tpu.memref_slice %arg7[%dma_start3A_16, %dma_start3A_17] : memref<64x64xi32, #tpu.memory_space<vmem>> -> memref<1x64xi32, #tpu.memory_space<vmem>>
    %dma_start3A_19 = tpu.memref_squeeze %dma_start3A_18 : memref<1x64xi32, #tpu.memory_space<vmem>> -> memref<64xi32, #tpu.memory_space<vmem>>
    %dma_start3A_20 = arith.constant 0 : i32
    %dma_start3A_21 = arith.constant 0 : i32
    %dma_start3A_22 = tpu.memref_slice %arg2[%dma_start3A_20, %dma_start3A_21] : memref<8192x256xi32, #tpu.memory_space<hbm>> -> memref<8192x256xi32, #tpu.memory_space<hbm>>
    tpu.enqueue_indirect_dma source(%dma_start3A_22 : memref<8192x256xi32, #tpu.memory_space<hbm>>) target(%arg9 : memref<64x256xi32, #tpu.memory_space<vmem>>) offsets(%dma_start3A_19 : memref<64xi32, #tpu.memory_space<vmem>>) semaphore(%arg13 : memref<!tpu.dma_semaphore, #tpu.memory_space<semaphore_mem>>)
    %dma_start3A_23 = arith.constant 1 : i32
    %dma_start3A_24 = arith.constant 0 : i32
    %dma_start3A_25 = tpu.memref_slice %arg7[%dma_start3A_23, %dma_start3A_24] : memref<64x64xi32, #tpu.memory_space<vmem>> -> memref<1x64xi32, #tpu.memory_space<vmem>>
    %dma_start3A_26 = tpu.memref_squeeze %dma_start3A_25 : memref<1x64xi32, #tpu.memory_space<vmem>> -> memref<64xi32, #tpu.memory_space<vmem>>
    %dma_start3A_27 = arith.constant 0 : i32
    %dma_start3A_28 = arith.constant 0 : i32
    %dma_start3A_29 = tpu.memref_slice %arg3[%dma_start3A_27, %dma_start3A_28] : memref<8192x128xf32, #tpu.memory_space<hbm>> -> memref<8192x128xf32, #tpu.memory_space<hbm>>
    tpu.enqueue_indirect_dma source(%dma_start3A_29 : memref<8192x128xf32, #tpu.memory_space<hbm>>) target(%arg11 : memref<64x128xf32, #tpu.memory_space<vmem>>) offsets(%dma_start3A_26 : memref<64xi32, #tpu.memory_space<vmem>>) semaphore(%arg13 : memref<!tpu.dma_semaphore, #tpu.memory_space<semaphore_mem>>)
    %scan3A = arith.constant 0 : i32
    %scan3A_30 = arith.constant 0 : i32
    %scan3A_31 = arith.constant 32 : i32
    %scan3A_32 = arith.addi %scan3A_30, %scan3A_31 : i32
    %scan3A_33 = arith.constant 1 : i32
    %scan3A_34 = scf.for %scan3A_36 = %scan3A_30 to %scan3A_32 step %scan3A_33 iter_args(%scan3A_37 = %scan3A) -> (i32)  : i32 {
      %mul3A_38 = arith.constant 2 : i32
      %mul3A_39 = arith.muli %scan3A_36, %mul3A_38 : i32
      %dma_wait3A = arith.constant 0 : i32
      %dma_wait3A_40 = tpu.memref_slice %arg7[%mul3A_39, %dma_wait3A] : memref<64x64xi32, #tpu.memory_space<vmem>> -> memref<1x64xi32, #tpu.memory_space<vmem>>
      %dma_wait3A_41 = tpu.memref_squeeze %dma_wait3A_40 : memref<1x64xi32, #tpu.memory_space<vmem>> -> memref<64xi32, #tpu.memory_space<vmem>>
      %dma_wait3A_42 = arith.constant 0 : i32
      %dma_wait3A_43 = arith.constant 0 : i32
      %dma_wait3A_44 = tpu.memref_slice %arg2[%dma_wait3A_42, %dma_wait3A_43] : memref<8192x256xi32, #tpu.memory_space<hbm>> -> memref<8192x256xi32, #tpu.memory_space<hbm>>
      tpu.wait_indirect_dma semaphore(%arg12 : memref<!tpu.dma_semaphore, #tpu.memory_space<semaphore_mem>>) src(%dma_wait3A_44 : memref<8192x256xi32, #tpu.memory_space<hbm>>) dst(%arg8 : memref<64x256xi32, #tpu.memory_space<vmem>>)
      %dma_wait3A_45 = arith.constant 0 : i32
      %dma_wait3A_46 = tpu.memref_slice %arg7[%mul3A_39, %dma_wait3A_45] : memref<64x64xi32, #tpu.memory_space<vmem>> -> memref<1x64xi32, #tpu.memory_space<vmem>>
      %dma_wait3A_47 = tpu.memref_squeeze %dma_wait3A_46 : memref<1x64xi32, #tpu.memory_space<vmem>> -> memref<64xi32, #tpu.memory_space<vmem>>
      %dma_wait3A_48 = arith.constant 0 : i32
      %dma_wait3A_49 = arith.constant 0 : i32
      %dma_wait3A_50 = tpu.memref_slice %arg3[%dma_wait3A_48, %dma_wait3A_49] : memref<8192x128xf32, #tpu.memory_space<hbm>> -> memref<8192x128xf32, #tpu.memory_space<hbm>>
      tpu.wait_indirect_dma semaphore(%arg12 : memref<!tpu.dma_semaphore, #tpu.memory_space<semaphore_mem>>) src(%dma_wait3A_50 : memref<8192x128xf32, #tpu.memory_space<hbm>>) dst(%arg10 : memref<64x128xf32, #tpu.memory_space<vmem>>)
      %mul3A_51 = arith.constant 64 : i32
      %mul3A_52 = arith.muli %mul3A_39, %mul3A_51 : i32
      %add3A_53 = arith.addi %mul3A_2, %mul3A_52 : i32
      "tpu.region"() ({
        %run_scoped3A = tpu.sem_alloc : memref<!tpu.dma_semaphore, #tpu.memory_space<semaphore_mem>>
        %dma_start3A_84 = arith.constant 0 : i32
        %dma_start3A_85 = tpu.memref_slice %arg5[%add3A_53, %dma_start3A_84] : memref<131072x256xi32, #tpu.memory_space<hbm>> -> memref<64x256xi32, #tpu.memory_space<hbm>>
        %dma_start3A_86 = arith.constant 0 : i32
        %dma_start3A_87 = tpu.memref_slice %arg5[%add3A_53, %dma_start3A_86] : memref<131072x256xi32, #tpu.memory_space<hbm>> -> memref<64x256xi32, #tpu.memory_space<hbm>>
        tpu.enqueue_dma source(%arg8 : memref<64x256xi32, #tpu.memory_space<vmem>>) target(%dma_start3A_87 : memref<64x256xi32, #tpu.memory_space<hbm>>) target_semaphore(%run_scoped3A : memref<!tpu.dma_semaphore, #tpu.memory_space<semaphore_mem>>)
        %dma_wait3A_88 = arith.constant 0 : i32
        %dma_wait3A_89 = tpu.memref_slice %arg5[%add3A_53, %dma_wait3A_88] : memref<131072x256xi32, #tpu.memory_space<hbm>> -> memref<64x256xi32, #tpu.memory_space<hbm>>
        %dma_wait3A_90 = arith.constant 0 : i32
        %dma_wait3A_91 = tpu.memref_slice %arg5[%add3A_53, %dma_wait3A_90] : memref<131072x256xi32, #tpu.memory_space<hbm>> -> memref<64x256xi32, #tpu.memory_space<hbm>>
        tpu.wait_dma2 semaphore(%run_scoped3A : memref<!tpu.dma_semaphore, #tpu.memory_space<semaphore_mem>>) src(%arg8 : memref<64x256xi32, #tpu.memory_space<vmem>>) dst(%dma_wait3A_91 : memref<64x256xi32, #tpu.memory_space<hbm>>)
        tpu.yield
      }) : () -> ()
      "tpu.region"() ({
        %run_scoped3A = tpu.sem_alloc : memref<!tpu.dma_semaphore, #tpu.memory_space<semaphore_mem>>
        %dma_start3A_84 = arith.constant 0 : i32
        %dma_start3A_85 = tpu.memref_slice %arg6[%add3A_53, %dma_start3A_84] : memref<131072x128xf32, #tpu.memory_space<hbm>> -> memref<64x128xf32, #tpu.memory_space<hbm>>
        %dma_start3A_86 = arith.constant 0 : i32
        %dma_start3A_87 = tpu.memref_slice %arg6[%add3A_53, %dma_start3A_86] : memref<131072x128xf32, #tpu.memory_space<hbm>> -> memref<64x128xf32, #tpu.memory_space<hbm>>
        tpu.enqueue_dma source(%arg10 : memref<64x128xf32, #tpu.memory_space<vmem>>) target(%dma_start3A_87 : memref<64x128xf32, #tpu.memory_space<hbm>>) target_semaphore(%run_scoped3A : memref<!tpu.dma_semaphore, #tpu.memory_space<semaphore_mem>>)
        %dma_wait3A_88 = arith.constant 0 : i32
        %dma_wait3A_89 = tpu.memref_slice %arg6[%add3A_53, %dma_wait3A_88] : memref<131072x128xf32, #tpu.memory_space<hbm>> -> memref<64x128xf32, #tpu.memory_space<hbm>>
        %dma_wait3A_90 = arith.constant 0 : i32
        %dma_wait3A_91 = tpu.memref_slice %arg6[%add3A_53, %dma_wait3A_90] : memref<131072x128xf32, #tpu.memory_space<hbm>> -> memref<64x128xf32, #tpu.memory_space<hbm>>
        tpu.wait_dma2 semaphore(%run_scoped3A : memref<!tpu.dma_semaphore, #tpu.memory_space<semaphore_mem>>) src(%arg10 : memref<64x128xf32, #tpu.memory_space<vmem>>) dst(%dma_wait3A_91 : memref<64x128xf32, #tpu.memory_space<hbm>>)
        tpu.yield
      }) : () -> ()
      %add3A_54 = arith.constant 2 : i32
      %add3A_55 = arith.addi %mul3A_39, %add3A_54 : i32
      %lt3A = arith.constant 64 : i32
      %lt3A_56 = arith.cmpi slt, %add3A_55, %lt3A : i32
      %convert_element_type3A = arith.extui %lt3A_56 : i1 to i32
      %cond3A = arith.constant 0 : i32
      %cond3A_57 = arith.cmpi ne, %convert_element_type3A, %cond3A : i32
      scf.if %cond3A_57 {
        %add3A_84 = arith.constant 2 : i32
        %add3A_85 = arith.addi %mul3A_39, %add3A_84 : i32
        %dma_start3A_86 = arith.constant 0 : i32
        %dma_start3A_87 = tpu.memref_slice %arg7[%add3A_85, %dma_start3A_86] : memref<64x64xi32, #tpu.memory_space<vmem>> -> memref<1x64xi32, #tpu.memory_space<vmem>>
        %dma_start3A_88 = tpu.memref_squeeze %dma_start3A_87 : memref<1x64xi32, #tpu.memory_space<vmem>> -> memref<64xi32, #tpu.memory_space<vmem>>
        %dma_start3A_89 = arith.constant 0 : i32
        %dma_start3A_90 = arith.constant 0 : i32
        %dma_start3A_91 = tpu.memref_slice %arg2[%dma_start3A_89, %dma_start3A_90] : memref<8192x256xi32, #tpu.memory_space<hbm>> -> memref<8192x256xi32, #tpu.memory_space<hbm>>
        tpu.enqueue_indirect_dma source(%dma_start3A_91 : memref<8192x256xi32, #tpu.memory_space<hbm>>) target(%arg8 : memref<64x256xi32, #tpu.memory_space<vmem>>) offsets(%dma_start3A_88 : memref<64xi32, #tpu.memory_space<vmem>>) semaphore(%arg12 : memref<!tpu.dma_semaphore, #tpu.memory_space<semaphore_mem>>)
        %add3A_92 = arith.constant 2 : i32
        %add3A_93 = arith.addi %mul3A_39, %add3A_92 : i32
        %dma_start3A_94 = arith.constant 0 : i32
        %dma_start3A_95 = tpu.memref_slice %arg7[%add3A_93, %dma_start3A_94] : memref<64x64xi32, #tpu.memory_space<vmem>> -> memref<1x64xi32, #tpu.memory_space<vmem>>
        %dma_start3A_96 = tpu.memref_squeeze %dma_start3A_95 : memref<1x64xi32, #tpu.memory_space<vmem>> -> memref<64xi32, #tpu.memory_space<vmem>>
        %dma_start3A_97 = arith.constant 0 : i32
        %dma_start3A_98 = arith.constant 0 : i32
        %dma_start3A_99 = tpu.memref_slice %arg3[%dma_start3A_97, %dma_start3A_98] : memref<8192x128xf32, #tpu.memory_space<hbm>> -> memref<8192x128xf32, #tpu.memory_space<hbm>>
        tpu.enqueue_indirect_dma source(%dma_start3A_99 : memref<8192x128xf32, #tpu.memory_space<hbm>>) target(%arg10 : memref<64x128xf32, #tpu.memory_space<vmem>>) offsets(%dma_start3A_96 : memref<64xi32, #tpu.memory_space<vmem>>) semaphore(%arg12 : memref<!tpu.dma_semaphore, #tpu.memory_space<semaphore_mem>>)
      } else {
      }
      %add3A_58 = arith.constant 1 : i32
      %add3A_59 = arith.addi %mul3A_39, %add3A_58 : i32
      %dma_wait3A_60 = arith.constant 0 : i32
      %dma_wait3A_61 = tpu.memref_slice %arg7[%add3A_59, %dma_wait3A_60] : memref<64x64xi32, #tpu.memory_space<vmem>> -> memref<1x64xi32, #tpu.memory_space<vmem>>
      %dma_wait3A_62 = tpu.memref_squeeze %dma_wait3A_61 : memref<1x64xi32, #tpu.memory_space<vmem>> -> memref<64xi32, #tpu.memory_space<vmem>>
      %dma_wait3A_63 = arith.constant 0 : i32
      %dma_wait3A_64 = arith.constant 0 : i32
      %dma_wait3A_65 = tpu.memref_slice %arg2[%dma_wait3A_63, %dma_wait3A_64] : memref<8192x256xi32, #tpu.memory_space<hbm>> -> memref<8192x256xi32, #tpu.memory_space<hbm>>
      tpu.wait_indirect_dma semaphore(%arg13 : memref<!tpu.dma_semaphore, #tpu.memory_space<semaphore_mem>>) src(%dma_wait3A_65 : memref<8192x256xi32, #tpu.memory_space<hbm>>) dst(%arg9 : memref<64x256xi32, #tpu.memory_space<vmem>>)
      %add3A_66 = arith.constant 1 : i32
      %add3A_67 = arith.addi %mul3A_39, %add3A_66 : i32
      %dma_wait3A_68 = arith.constant 0 : i32
      %dma_wait3A_69 = tpu.memref_slice %arg7[%add3A_67, %dma_wait3A_68] : memref<64x64xi32, #tpu.memory_space<vmem>> -> memref<1x64xi32, #tpu.memory_space<vmem>>
      %dma_wait3A_70 = tpu.memref_squeeze %dma_wait3A_69 : memref<1x64xi32, #tpu.memory_space<vmem>> -> memref<64xi32, #tpu.memory_space<vmem>>
      %dma_wait3A_71 = arith.constant 0 : i32
      %dma_wait3A_72 = arith.constant 0 : i32
      %dma_wait3A_73 = tpu.memref_slice %arg3[%dma_wait3A_71, %dma_wait3A_72] : memref<8192x128xf32, #tpu.memory_space<hbm>> -> memref<8192x128xf32, #tpu.memory_space<hbm>>
      tpu.wait_indirect_dma semaphore(%arg13 : memref<!tpu.dma_semaphore, #tpu.memory_space<semaphore_mem>>) src(%dma_wait3A_73 : memref<8192x128xf32, #tpu.memory_space<hbm>>) dst(%arg11 : memref<64x128xf32, #tpu.memory_space<vmem>>)
      %add3A_74 = arith.constant 64 : i32
      %add3A_75 = arith.addi %add3A_53, %add3A_74 : i32
      "tpu.region"() ({
        %run_scoped3A = tpu.sem_alloc : memref<!tpu.dma_semaphore, #tpu.memory_space<semaphore_mem>>
        %dma_start3A_84 = arith.constant 0 : i32
        %dma_start3A_85 = tpu.memref_slice %arg5[%add3A_75, %dma_start3A_84] : memref<131072x256xi32, #tpu.memory_space<hbm>> -> memref<64x256xi32, #tpu.memory_space<hbm>>
        %dma_start3A_86 = arith.constant 0 : i32
        %dma_start3A_87 = tpu.memref_slice %arg5[%add3A_75, %dma_start3A_86] : memref<131072x256xi32, #tpu.memory_space<hbm>> -> memref<64x256xi32, #tpu.memory_space<hbm>>
        tpu.enqueue_dma source(%arg9 : memref<64x256xi32, #tpu.memory_space<vmem>>) target(%dma_start3A_87 : memref<64x256xi32, #tpu.memory_space<hbm>>) target_semaphore(%run_scoped3A : memref<!tpu.dma_semaphore, #tpu.memory_space<semaphore_mem>>)
        %dma_wait3A_88 = arith.constant 0 : i32
        %dma_wait3A_89 = tpu.memref_slice %arg5[%add3A_75, %dma_wait3A_88] : memref<131072x256xi32, #tpu.memory_space<hbm>> -> memref<64x256xi32, #tpu.memory_space<hbm>>
        %dma_wait3A_90 = arith.constant 0 : i32
        %dma_wait3A_91 = tpu.memref_slice %arg5[%add3A_75, %dma_wait3A_90] : memref<131072x256xi32, #tpu.memory_space<hbm>> -> memref<64x256xi32, #tpu.memory_space<hbm>>
        tpu.wait_dma2 semaphore(%run_scoped3A : memref<!tpu.dma_semaphore, #tpu.memory_space<semaphore_mem>>) src(%arg9 : memref<64x256xi32, #tpu.memory_space<vmem>>) dst(%dma_wait3A_91 : memref<64x256xi32, #tpu.memory_space<hbm>>)
        tpu.yield
      }) : () -> ()
      "tpu.region"() ({
        %run_scoped3A = tpu.sem_alloc : memref<!tpu.dma_semaphore, #tpu.memory_space<semaphore_mem>>
        %dma_start3A_84 = arith.constant 0 : i32
        %dma_start3A_85 = tpu.memref_slice %arg6[%add3A_75, %dma_start3A_84] : memref<131072x128xf32, #tpu.memory_space<hbm>> -> memref<64x128xf32, #tpu.memory_space<hbm>>
        %dma_start3A_86 = arith.constant 0 : i32
        %dma_start3A_87 = tpu.memref_slice %arg6[%add3A_75, %dma_start3A_86] : memref<131072x128xf32, #tpu.memory_space<hbm>> -> memref<64x128xf32, #tpu.memory_space<hbm>>
        tpu.enqueue_dma source(%arg11 : memref<64x128xf32, #tpu.memory_space<vmem>>) target(%dma_start3A_87 : memref<64x128xf32, #tpu.memory_space<hbm>>) target_semaphore(%run_scoped3A : memref<!tpu.dma_semaphore, #tpu.memory_space<semaphore_mem>>)
        %dma_wait3A_88 = arith.constant 0 : i32
        %dma_wait3A_89 = tpu.memref_slice %arg6[%add3A_75, %dma_wait3A_88] : memref<131072x128xf32, #tpu.memory_space<hbm>> -> memref<64x128xf32, #tpu.memory_space<hbm>>
        %dma_wait3A_90 = arith.constant 0 : i32
        %dma_wait3A_91 = tpu.memref_slice %arg6[%add3A_75, %dma_wait3A_90] : memref<131072x128xf32, #tpu.memory_space<hbm>> -> memref<64x128xf32, #tpu.memory_space<hbm>>
        tpu.wait_dma2 semaphore(%run_scoped3A : memref<!tpu.dma_semaphore, #tpu.memory_space<semaphore_mem>>) src(%arg11 : memref<64x128xf32, #tpu.memory_space<vmem>>) dst(%dma_wait3A_91 : memref<64x128xf32, #tpu.memory_space<hbm>>)
        tpu.yield
      }) : () -> ()
      %add3A_76 = arith.constant 3 : i32
      %add3A_77 = arith.addi %mul3A_39, %add3A_76 : i32
      %lt3A_78 = arith.constant 64 : i32
      %lt3A_79 = arith.cmpi slt, %add3A_77, %lt3A_78 : i32
      %convert_element_type3A_80 = arith.extui %lt3A_79 : i1 to i32
      %cond3A_81 = arith.constant 0 : i32
      %cond3A_82 = arith.cmpi ne, %convert_element_type3A_80, %cond3A_81 : i32
      scf.if %cond3A_82 {
        %add3A_84 = arith.constant 3 : i32
        %add3A_85 = arith.addi %mul3A_39, %add3A_84 : i32
        %dma_start3A_86 = arith.constant 0 : i32
        %dma_start3A_87 = tpu.memref_slice %arg7[%add3A_85, %dma_start3A_86] : memref<64x64xi32, #tpu.memory_space<vmem>> -> memref<1x64xi32, #tpu.memory_space<vmem>>
        %dma_start3A_88 = tpu.memref_squeeze %dma_start3A_87 : memref<1x64xi32, #tpu.memory_space<vmem>> -> memref<64xi32, #tpu.memory_space<vmem>>
        %dma_start3A_89 = arith.constant 0 : i32
        %dma_start3A_90 = arith.constant 0 : i32
        %dma_start3A_91 = tpu.memref_slice %arg2[%dma_start3A_89, %dma_start3A_90] : memref<8192x256xi32, #tpu.memory_space<hbm>> -> memref<8192x256xi32, #tpu.memory_space<hbm>>
        tpu.enqueue_indirect_dma source(%dma_start3A_91 : memref<8192x256xi32, #tpu.memory_space<hbm>>) target(%arg9 : memref<64x256xi32, #tpu.memory_space<vmem>>) offsets(%dma_start3A_88 : memref<64xi32, #tpu.memory_space<vmem>>) semaphore(%arg13 : memref<!tpu.dma_semaphore, #tpu.memory_space<semaphore_mem>>)
        %add3A_92 = arith.constant 3 : i32
        %add3A_93 = arith.addi %mul3A_39, %add3A_92 : i32
        %dma_start3A_94 = arith.constant 0 : i32
        %dma_start3A_95 = tpu.memref_slice %arg7[%add3A_93, %dma_start3A_94] : memref<64x64xi32, #tpu.memory_space<vmem>> -> memref<1x64xi32, #tpu.memory_space<vmem>>
        %dma_start3A_96 = tpu.memref_squeeze %dma_start3A_95 : memref<1x64xi32, #tpu.memory_space<vmem>> -> memref<64xi32, #tpu.memory_space<vmem>>
        %dma_start3A_97 = arith.constant 0 : i32
        %dma_start3A_98 = arith.constant 0 : i32
        %dma_start3A_99 = tpu.memref_slice %arg3[%dma_start3A_97, %dma_start3A_98] : memref<8192x128xf32, #tpu.memory_space<hbm>> -> memref<8192x128xf32, #tpu.memory_space<hbm>>
        tpu.enqueue_indirect_dma source(%dma_start3A_99 : memref<8192x128xf32, #tpu.memory_space<hbm>>) target(%arg11 : memref<64x128xf32, #tpu.memory_space<vmem>>) offsets(%dma_start3A_96 : memref<64xi32, #tpu.memory_space<vmem>>) semaphore(%arg13 : memref<!tpu.dma_semaphore, #tpu.memory_space<semaphore_mem>>)
      } else {
      }
      %scan3A_83 = arith.constant 0 : i32
      scf.yield %scan3A_83 : i32
    }
    %scan3A_35 = arith.constant 32 : i32
    return
  }
}

module attributes {stable_mosaic.version = 14 : i64} {
  func.func @_knn_body(%arg0: i32, %arg1: i32, %arg2: memref<1x8x4096xf32, #tpu.memory_space<vmem>>, %arg3: memref<1x64x8xf32, #tpu.memory_space<vmem>>, %arg4: memref<1x64x16xi32, #tpu.memory_space<vmem>>) attributes {dimension_semantics = [#tpu.dimension_semantics<arbitrary>, #tpu.dimension_semantics<arbitrary>], iteration_bounds = array<i64: 2, 64>, scalar_prefetch = 0 : i64, scratch_operands = 0 : i64, tpu.core_type = #tpu.core_type<tc>, window_params = [{transform_indices = @transform_0, window_bounds = array<i64: 1, 8, 4096>}, {transform_indices = @transform_1, window_bounds = array<i64: 1, 64, 8>}, {transform_indices = @transform_2, window_bounds = array<i64: 1, 64, 16>}]} {
    %get3A = arith.constant 0 : index
    %get3A_0 = arith.constant 0 : index
    %get3A_1 = arith.constant 0 : index
    %get3A_2 = vector.load %arg3[%get3A, %get3A_0, %get3A_1] : memref<1x64x8xf32, #tpu.memory_space<vmem>>, vector<1x64x8xf32>
    %get3A_3 = vector.shape_cast %get3A_2 : vector<1x64x8xf32> to vector<64x8xf32>
    %slice3A = vector.extract_strided_slice %get3A_3 {offsets = [0, 0], sizes = [64, 1], strides = [1, 1]} : vector<64x8xf32> to vector<64x1xf32>
    %slice3A_4 = vector.extract_strided_slice %get3A_3 {offsets = [0, 1], sizes = [64, 1], strides = [1, 1]} : vector<64x8xf32> to vector<64x1xf32>
    %slice3A_5 = vector.extract_strided_slice %get3A_3 {offsets = [0, 2], sizes = [64, 1], strides = [1, 1]} : vector<64x8xf32> to vector<64x1xf32>
    %iota3A = tpu.iota {dimensions = array<i32: 1>} : vector<64x128xi32>
    %broadcast_in_dim3A = arith.constant 9.99999968E+37 : f32
    %broadcast_in_dim3A_6 = vector.broadcast %broadcast_in_dim3A : f32 to vector<64x128xf32>
    %broadcast_in_dim3A_7 = arith.constant 9.99999968E+37 : f32
    %broadcast_in_dim3A_8 = vector.broadcast %broadcast_in_dim3A_7 : f32 to vector<64x128xf32>
    %broadcast_in_dim3A_9 = arith.constant 9.99999968E+37 : f32
    %broadcast_in_dim3A_10 = vector.broadcast %broadcast_in_dim3A_9 : f32 to vector<64x128xf32>
    %broadcast_in_dim3A_11 = arith.constant 9.99999968E+37 : f32
    %broadcast_in_dim3A_12 = vector.broadcast %broadcast_in_dim3A_11 : f32 to vector<64x128xf32>
    %broadcast_in_dim3A_13 = arith.constant 0.000000e+00 : f32
    %broadcast_in_dim3A_14 = vector.broadcast %broadcast_in_dim3A_13 : f32 to vector<64x128xf32>
    %get3A_15 = arith.constant 0 : index
    %get3A_16 = arith.constant 0 : index
    %get3A_17 = arith.constant 0 : index
    %get3A_18 = vector.load %arg2[%get3A_15, %get3A_16, %get3A_17] : memref<1x8x4096xf32, #tpu.memory_space<vmem>>, vector<1x1x128xf32>
    %get3A_19 = vector.shape_cast %get3A_18 : vector<1x1x128xf32> to vector<1x128xf32>
    %sub3A = vector.broadcast %slice3A : vector<64x1xf32> to vector<64x128xf32>
    %sub3A_20 = vector.broadcast %get3A_19 : vector<1x128xf32> to vector<64x128xf32>
    %sub3A_21 = arith.subf %sub3A, %sub3A_20 : vector<64x128xf32>
    %mul3A = arith.mulf %sub3A_21, %sub3A_21 : vector<64x128xf32>
    %add3A = arith.addf %broadcast_in_dim3A_14, %mul3A : vector<64x128xf32>
    %get3A_22 = arith.constant 0 : index
    %get3A_23 = arith.constant 1 : index
    %get3A_24 = arith.constant 0 : index
    %get3A_25 = vector.load %arg2[%get3A_22, %get3A_23, %get3A_24] : memref<1x8x4096xf32, #tpu.memory_space<vmem>>, vector<1x1x128xf32>
    %get3A_26 = vector.shape_cast %get3A_25 : vector<1x1x128xf32> to vector<1x128xf32>
    %sub3A_27 = vector.broadcast %slice3A_4 : vector<64x1xf32> to vector<64x128xf32>
    %sub3A_28 = vector.broadcast %get3A_26 : vector<1x128xf32> to vector<64x128xf32>
    %sub3A_29 = arith.subf %sub3A_27, %sub3A_28 : vector<64x128xf32>
    %mul3A_30 = arith.mulf %sub3A_29, %sub3A_29 : vector<64x128xf32>
    %add3A_31 = arith.addf %add3A, %mul3A_30 : vector<64x128xf32>
    %get3A_32 = arith.constant 0 : index
    %get3A_33 = arith.constant 2 : index
    %get3A_34 = arith.constant 0 : index
    %get3A_35 = vector.load %arg2[%get3A_32, %get3A_33, %get3A_34] : memref<1x8x4096xf32, #tpu.memory_space<vmem>>, vector<1x1x128xf32>
    %get3A_36 = vector.shape_cast %get3A_35 : vector<1x1x128xf32> to vector<1x128xf32>
    %sub3A_37 = vector.broadcast %slice3A_5 : vector<64x1xf32> to vector<64x128xf32>
    %sub3A_38 = vector.broadcast %get3A_36 : vector<1x128xf32> to vector<64x128xf32>
    %sub3A_39 = arith.subf %sub3A_37, %sub3A_38 : vector<64x128xf32>
    %mul3A_40 = arith.mulf %sub3A_39, %sub3A_39 : vector<64x128xf32>
    %add3A_41 = arith.addf %add3A_31, %mul3A_40 : vector<64x128xf32>
    %max3A = arith.constant 9.99999991E-38 : f32
    %max3A_42 = vector.broadcast %max3A : f32 to vector<64x128xf32>
    %max3A_43 = arith.maximumf %add3A_41, %max3A_42 : vector<64x128xf32>
    %bitcast_convert_type3A = tpu.bitcast %max3A_43 : vector<64x128xf32> -> vector<64x128xi32>
    %and3A = arith.constant -32 : i32
    %and3A_44 = vector.broadcast %and3A : i32 to vector<64x128xi32>
    %and3A_45 = arith.andi %bitcast_convert_type3A, %and3A_44 : vector<64x128xi32>
    %or3A = arith.constant 0 : i32
    %or3A_46 = vector.broadcast %or3A : i32 to vector<64x128xi32>
    %or3A_47 = arith.ori %and3A_45, %or3A_46 : vector<64x128xi32>
    %bitcast_convert_type3A_48 = tpu.bitcast %or3A_47 : vector<64x128xi32> -> vector<64x128xf32>
    %min3A = arith.minimumf %broadcast_in_dim3A_6, %bitcast_convert_type3A_48 : vector<64x128xf32>
    %max3A_49 = arith.maximumf %broadcast_in_dim3A_6, %bitcast_convert_type3A_48 : vector<64x128xf32>
    %min3A_50 = arith.minimumf %broadcast_in_dim3A_8, %max3A_49 : vector<64x128xf32>
    %max3A_51 = arith.maximumf %broadcast_in_dim3A_8, %max3A_49 : vector<64x128xf32>
    %min3A_52 = arith.minimumf %broadcast_in_dim3A_10, %max3A_51 : vector<64x128xf32>
    %max3A_53 = arith.maximumf %broadcast_in_dim3A_10, %max3A_51 : vector<64x128xf32>
    %min3A_54 = arith.minimumf %broadcast_in_dim3A_12, %max3A_53 : vector<64x128xf32>
    %broadcast_in_dim3A_55 = arith.constant 0.000000e+00 : f32
    %broadcast_in_dim3A_56 = vector.broadcast %broadcast_in_dim3A_55 : f32 to vector<64x128xf32>
    %get3A_57 = arith.constant 0 : index
    %get3A_58 = arith.constant 0 : index
    %get3A_59 = arith.constant 128 : index
    %get3A_60 = vector.load %arg2[%get3A_57, %get3A_58, %get3A_59] : memref<1x8x4096xf32, #tpu.memory_space<vmem>>, vector<1x1x128xf32>
    %get3A_61 = vector.shape_cast %get3A_60 : vector<1x1x128xf32> to vector<1x128xf32>
    %sub3A_62 = vector.broadcast %slice3A : vector<64x1xf32> to vector<64x128xf32>
    %sub3A_63 = vector.broadcast %get3A_61 : vector<1x128xf32> to vector<64x128xf32>
    %sub3A_64 = arith.subf %sub3A_62, %sub3A_63 : vector<64x128xf32>
    %mul3A_65 = arith.mulf %sub3A_64, %sub3A_64 : vector<64x128xf32>
    %add3A_66 = arith.addf %broadcast_in_dim3A_56, %mul3A_65 : vector<64x128xf32>
    %get3A_67 = arith.constant 0 : index
    %get3A_68 = arith.constant 1 : index
    %get3A_69 = arith.constant 128 : index
    %get3A_70 = vector.load %arg2[%get3A_67, %get3A_68, %get3A_69] : memref<1x8x4096xf32, #tpu.memory_space<vmem>>, vector<1x1x128xf32>
    %get3A_71 = vector.shape_cast %get3A_70 : vector<1x1x128xf32> to vector<1x128xf32>
    %sub3A_72 = vector.broadcast %slice3A_4 : vector<64x1xf32> to vector<64x128xf32>
    %sub3A_73 = vector.broadcast %get3A_71 : vector<1x128xf32> to vector<64x128xf32>
    %sub3A_74 = arith.subf %sub3A_72, %sub3A_73 : vector<64x128xf32>
    %mul3A_75 = arith.mulf %sub3A_74, %sub3A_74 : vector<64x128xf32>
    %add3A_76 = arith.addf %add3A_66, %mul3A_75 : vector<64x128xf32>
    %get3A_77 = arith.constant 0 : index
    %get3A_78 = arith.constant 2 : index
    %get3A_79 = arith.constant 128 : index
    %get3A_80 = vector.load %arg2[%get3A_77, %get3A_78, %get3A_79] : memref<1x8x4096xf32, #tpu.memory_space<vmem>>, vector<1x1x128xf32>
    %get3A_81 = vector.shape_cast %get3A_80 : vector<1x1x128xf32> to vector<1x128xf32>
    %sub3A_82 = vector.broadcast %slice3A_5 : vector<64x1xf32> to vector<64x128xf32>
    %sub3A_83 = vector.broadcast %get3A_81 : vector<1x128xf32> to vector<64x128xf32>
    %sub3A_84 = arith.subf %sub3A_82, %sub3A_83 : vector<64x128xf32>
    %mul3A_85 = arith.mulf %sub3A_84, %sub3A_84 : vector<64x128xf32>
    %add3A_86 = arith.addf %add3A_76, %mul3A_85 : vector<64x128xf32>
    %max3A_87 = arith.constant 9.99999991E-38 : f32
    %max3A_88 = vector.broadcast %max3A_87 : f32 to vector<64x128xf32>
    %max3A_89 = arith.maximumf %add3A_86, %max3A_88 : vector<64x128xf32>
    %bitcast_convert_type3A_90 = tpu.bitcast %max3A_89 : vector<64x128xf32> -> vector<64x128xi32>
    %and3A_91 = arith.constant -32 : i32
    %and3A_92 = vector.broadcast %and3A_91 : i32 to vector<64x128xi32>
    %and3A_93 = arith.andi %bitcast_convert_type3A_90, %and3A_92 : vector<64x128xi32>
    %or3A_94 = arith.constant 1 : i32
    %or3A_95 = vector.broadcast %or3A_94 : i32 to vector<64x128xi32>
    %or3A_96 = arith.ori %and3A_93, %or3A_95 : vector<64x128xi32>
    %bitcast_convert_type3A_97 = tpu.bitcast %or3A_96 : vector<64x128xi32> -> vector<64x128xf32>
    %min3A_98 = arith.minimumf %min3A, %bitcast_convert_type3A_97 : vector<64x128xf32>
    %max3A_99 = arith.maximumf %min3A, %bitcast_convert_type3A_97 : vector<64x128xf32>
    %min3A_100 = arith.minimumf %min3A_50, %max3A_99 : vector<64x128xf32>
    %max3A_101 = arith.maximumf %min3A_50, %max3A_99 : vector<64x128xf32>
    %min3A_102 = arith.minimumf %min3A_52, %max3A_101 : vector<64x128xf32>
    %max3A_103 = arith.maximumf %min3A_52, %max3A_101 : vector<64x128xf32>
    %min3A_104 = arith.minimumf %min3A_54, %max3A_103 : vector<64x128xf32>
    %broadcast_in_dim3A_105 = arith.constant 0.000000e+00 : f32
    %broadcast_in_dim3A_106 = vector.broadcast %broadcast_in_dim3A_105 : f32 to vector<64x128xf32>
    %get3A_107 = arith.constant 0 : index
    %get3A_108 = arith.constant 0 : index
    %get3A_109 = arith.constant 256 : index
    %get3A_110 = vector.load %arg2[%get3A_107, %get3A_108, %get3A_109] : memref<1x8x4096xf32, #tpu.memory_space<vmem>>, vector<1x1x128xf32>
    %get3A_111 = vector.shape_cast %get3A_110 : vector<1x1x128xf32> to vector<1x128xf32>
    %sub3A_112 = vector.broadcast %slice3A : vector<64x1xf32> to vector<64x128xf32>
    %sub3A_113 = vector.broadcast %get3A_111 : vector<1x128xf32> to vector<64x128xf32>
    %sub3A_114 = arith.subf %sub3A_112, %sub3A_113 : vector<64x128xf32>
    %mul3A_115 = arith.mulf %sub3A_114, %sub3A_114 : vector<64x128xf32>
    %add3A_116 = arith.addf %broadcast_in_dim3A_106, %mul3A_115 : vector<64x128xf32>
    %get3A_117 = arith.constant 0 : index
    %get3A_118 = arith.constant 1 : index
    %get3A_119 = arith.constant 256 : index
    %get3A_120 = vector.load %arg2[%get3A_117, %get3A_118, %get3A_119] : memref<1x8x4096xf32, #tpu.memory_space<vmem>>, vector<1x1x128xf32>
    %get3A_121 = vector.shape_cast %get3A_120 : vector<1x1x128xf32> to vector<1x128xf32>
    %sub3A_122 = vector.broadcast %slice3A_4 : vector<64x1xf32> to vector<64x128xf32>
    %sub3A_123 = vector.broadcast %get3A_121 : vector<1x128xf32> to vector<64x128xf32>
    %sub3A_124 = arith.subf %sub3A_122, %sub3A_123 : vector<64x128xf32>
    %mul3A_125 = arith.mulf %sub3A_124, %sub3A_124 : vector<64x128xf32>
    %add3A_126 = arith.addf %add3A_116, %mul3A_125 : vector<64x128xf32>
    %get3A_127 = arith.constant 0 : index
    %get3A_128 = arith.constant 2 : index
    %get3A_129 = arith.constant 256 : index
    %get3A_130 = vector.load %arg2[%get3A_127, %get3A_128, %get3A_129] : memref<1x8x4096xf32, #tpu.memory_space<vmem>>, vector<1x1x128xf32>
    %get3A_131 = vector.shape_cast %get3A_130 : vector<1x1x128xf32> to vector<1x128xf32>
    %sub3A_132 = vector.broadcast %slice3A_5 : vector<64x1xf32> to vector<64x128xf32>
    %sub3A_133 = vector.broadcast %get3A_131 : vector<1x128xf32> to vector<64x128xf32>
    %sub3A_134 = arith.subf %sub3A_132, %sub3A_133 : vector<64x128xf32>
    %mul3A_135 = arith.mulf %sub3A_134, %sub3A_134 : vector<64x128xf32>
    %add3A_136 = arith.addf %add3A_126, %mul3A_135 : vector<64x128xf32>
    %max3A_137 = arith.constant 9.99999991E-38 : f32
    %max3A_138 = vector.broadcast %max3A_137 : f32 to vector<64x128xf32>
    %max3A_139 = arith.maximumf %add3A_136, %max3A_138 : vector<64x128xf32>
    %bitcast_convert_type3A_140 = tpu.bitcast %max3A_139 : vector<64x128xf32> -> vector<64x128xi32>
    %and3A_141 = arith.constant -32 : i32
    %and3A_142 = vector.broadcast %and3A_141 : i32 to vector<64x128xi32>
    %and3A_143 = arith.andi %bitcast_convert_type3A_140, %and3A_142 : vector<64x128xi32>
    %or3A_144 = arith.constant 2 : i32
    %or3A_145 = vector.broadcast %or3A_144 : i32 to vector<64x128xi32>
    %or3A_146 = arith.ori %and3A_143, %or3A_145 : vector<64x128xi32>
    %bitcast_convert_type3A_147 = tpu.bitcast %or3A_146 : vector<64x128xi32> -> vector<64x128xf32>
    %min3A_148 = arith.minimumf %min3A_98, %bitcast_convert_type3A_147 : vector<64x128xf32>
    %max3A_149 = arith.maximumf %min3A_98, %bitcast_convert_type3A_147 : vector<64x128xf32>
    %min3A_150 = arith.minimumf %min3A_100, %max3A_149 : vector<64x128xf32>
    %max3A_151 = arith.maximumf %min3A_100, %max3A_149 : vector<64x128xf32>
    %min3A_152 = arith.minimumf %min3A_102, %max3A_151 : vector<64x128xf32>
    %max3A_153 = arith.maximumf %min3A_102, %max3A_151 : vector<64x128xf32>
    %min3A_154 = arith.minimumf %min3A_104, %max3A_153 : vector<64x128xf32>
    %broadcast_in_dim3A_155 = arith.constant 0.000000e+00 : f32
    %broadcast_in_dim3A_156 = vector.broadcast %broadcast_in_dim3A_155 : f32 to vector<64x128xf32>
    %get3A_157 = arith.constant 0 : index
    %get3A_158 = arith.constant 0 : index
    %get3A_159 = arith.constant 384 : index
    %get3A_160 = vector.load %arg2[%get3A_157, %get3A_158, %get3A_159] : memref<1x8x4096xf32, #tpu.memory_space<vmem>>, vector<1x1x128xf32>
    %get3A_161 = vector.shape_cast %get3A_160 : vector<1x1x128xf32> to vector<1x128xf32>
    %sub3A_162 = vector.broadcast %slice3A : vector<64x1xf32> to vector<64x128xf32>
    %sub3A_163 = vector.broadcast %get3A_161 : vector<1x128xf32> to vector<64x128xf32>
    %sub3A_164 = arith.subf %sub3A_162, %sub3A_163 : vector<64x128xf32>
    %mul3A_165 = arith.mulf %sub3A_164, %sub3A_164 : vector<64x128xf32>
    %add3A_166 = arith.addf %broadcast_in_dim3A_156, %mul3A_165 : vector<64x128xf32>
    %get3A_167 = arith.constant 0 : index
    %get3A_168 = arith.constant 1 : index
    %get3A_169 = arith.constant 384 : index
    %get3A_170 = vector.load %arg2[%get3A_167, %get3A_168, %get3A_169] : memref<1x8x4096xf32, #tpu.memory_space<vmem>>, vector<1x1x128xf32>
    %get3A_171 = vector.shape_cast %get3A_170 : vector<1x1x128xf32> to vector<1x128xf32>
    %sub3A_172 = vector.broadcast %slice3A_4 : vector<64x1xf32> to vector<64x128xf32>
    %sub3A_173 = vector.broadcast %get3A_171 : vector<1x128xf32> to vector<64x128xf32>
    %sub3A_174 = arith.subf %sub3A_172, %sub3A_173 : vector<64x128xf32>
    %mul3A_175 = arith.mulf %sub3A_174, %sub3A_174 : vector<64x128xf32>
    %add3A_176 = arith.addf %add3A_166, %mul3A_175 : vector<64x128xf32>
    %get3A_177 = arith.constant 0 : index
    %get3A_178 = arith.constant 2 : index
    %get3A_179 = arith.constant 384 : index
    %get3A_180 = vector.load %arg2[%get3A_177, %get3A_178, %get3A_179] : memref<1x8x4096xf32, #tpu.memory_space<vmem>>, vector<1x1x128xf32>
    %get3A_181 = vector.shape_cast %get3A_180 : vector<1x1x128xf32> to vector<1x128xf32>
    %sub3A_182 = vector.broadcast %slice3A_5 : vector<64x1xf32> to vector<64x128xf32>
    %sub3A_183 = vector.broadcast %get3A_181 : vector<1x128xf32> to vector<64x128xf32>
    %sub3A_184 = arith.subf %sub3A_182, %sub3A_183 : vector<64x128xf32>
    %mul3A_185 = arith.mulf %sub3A_184, %sub3A_184 : vector<64x128xf32>
    %add3A_186 = arith.addf %add3A_176, %mul3A_185 : vector<64x128xf32>
    %max3A_187 = arith.constant 9.99999991E-38 : f32
    %max3A_188 = vector.broadcast %max3A_187 : f32 to vector<64x128xf32>
    %max3A_189 = arith.maximumf %add3A_186, %max3A_188 : vector<64x128xf32>
    %bitcast_convert_type3A_190 = tpu.bitcast %max3A_189 : vector<64x128xf32> -> vector<64x128xi32>
    %and3A_191 = arith.constant -32 : i32
    %and3A_192 = vector.broadcast %and3A_191 : i32 to vector<64x128xi32>
    %and3A_193 = arith.andi %bitcast_convert_type3A_190, %and3A_192 : vector<64x128xi32>
    %or3A_194 = arith.constant 3 : i32
    %or3A_195 = vector.broadcast %or3A_194 : i32 to vector<64x128xi32>
    %or3A_196 = arith.ori %and3A_193, %or3A_195 : vector<64x128xi32>
    %bitcast_convert_type3A_197 = tpu.bitcast %or3A_196 : vector<64x128xi32> -> vector<64x128xf32>
    %min3A_198 = arith.minimumf %min3A_148, %bitcast_convert_type3A_197 : vector<64x128xf32>
    %max3A_199 = arith.maximumf %min3A_148, %bitcast_convert_type3A_197 : vector<64x128xf32>
    %min3A_200 = arith.minimumf %min3A_150, %max3A_199 : vector<64x128xf32>
    %max3A_201 = arith.maximumf %min3A_150, %max3A_199 : vector<64x128xf32>
    %min3A_202 = arith.minimumf %min3A_152, %max3A_201 : vector<64x128xf32>
    %max3A_203 = arith.maximumf %min3A_152, %max3A_201 : vector<64x128xf32>
    %min3A_204 = arith.minimumf %min3A_154, %max3A_203 : vector<64x128xf32>
    %broadcast_in_dim3A_205 = arith.constant 0.000000e+00 : f32
    %broadcast_in_dim3A_206 = vector.broadcast %broadcast_in_dim3A_205 : f32 to vector<64x128xf32>
    %get3A_207 = arith.constant 0 : index
    %get3A_208 = arith.constant 0 : index
    %get3A_209 = arith.constant 512 : index
    %get3A_210 = vector.load %arg2[%get3A_207, %get3A_208, %get3A_209] : memref<1x8x4096xf32, #tpu.memory_space<vmem>>, vector<1x1x128xf32>
    %get3A_211 = vector.shape_cast %get3A_210 : vector<1x1x128xf32> to vector<1x128xf32>
    %sub3A_212 = vector.broadcast %slice3A : vector<64x1xf32> to vector<64x128xf32>
    %sub3A_213 = vector.broadcast %get3A_211 : vector<1x128xf32> to vector<64x128xf32>
    %sub3A_214 = arith.subf %sub3A_212, %sub3A_213 : vector<64x128xf32>
    %mul3A_215 = arith.mulf %sub3A_214, %sub3A_214 : vector<64x128xf32>
    %add3A_216 = arith.addf %broadcast_in_dim3A_206, %mul3A_215 : vector<64x128xf32>
    %get3A_217 = arith.constant 0 : index
    %get3A_218 = arith.constant 1 : index
    %get3A_219 = arith.constant 512 : index
    %get3A_220 = vector.load %arg2[%get3A_217, %get3A_218, %get3A_219] : memref<1x8x4096xf32, #tpu.memory_space<vmem>>, vector<1x1x128xf32>
    %get3A_221 = vector.shape_cast %get3A_220 : vector<1x1x128xf32> to vector<1x128xf32>
    %sub3A_222 = vector.broadcast %slice3A_4 : vector<64x1xf32> to vector<64x128xf32>
    %sub3A_223 = vector.broadcast %get3A_221 : vector<1x128xf32> to vector<64x128xf32>
    %sub3A_224 = arith.subf %sub3A_222, %sub3A_223 : vector<64x128xf32>
    %mul3A_225 = arith.mulf %sub3A_224, %sub3A_224 : vector<64x128xf32>
    %add3A_226 = arith.addf %add3A_216, %mul3A_225 : vector<64x128xf32>
    %get3A_227 = arith.constant 0 : index
    %get3A_228 = arith.constant 2 : index
    %get3A_229 = arith.constant 512 : index
    %get3A_230 = vector.load %arg2[%get3A_227, %get3A_228, %get3A_229] : memref<1x8x4096xf32, #tpu.memory_space<vmem>>, vector<1x1x128xf32>
    %get3A_231 = vector.shape_cast %get3A_230 : vector<1x1x128xf32> to vector<1x128xf32>
    %sub3A_232 = vector.broadcast %slice3A_5 : vector<64x1xf32> to vector<64x128xf32>
    %sub3A_233 = vector.broadcast %get3A_231 : vector<1x128xf32> to vector<64x128xf32>
    %sub3A_234 = arith.subf %sub3A_232, %sub3A_233 : vector<64x128xf32>
    %mul3A_235 = arith.mulf %sub3A_234, %sub3A_234 : vector<64x128xf32>
    %add3A_236 = arith.addf %add3A_226, %mul3A_235 : vector<64x128xf32>
    %max3A_237 = arith.constant 9.99999991E-38 : f32
    %max3A_238 = vector.broadcast %max3A_237 : f32 to vector<64x128xf32>
    %max3A_239 = arith.maximumf %add3A_236, %max3A_238 : vector<64x128xf32>
    %bitcast_convert_type3A_240 = tpu.bitcast %max3A_239 : vector<64x128xf32> -> vector<64x128xi32>
    %and3A_241 = arith.constant -32 : i32
    %and3A_242 = vector.broadcast %and3A_241 : i32 to vector<64x128xi32>
    %and3A_243 = arith.andi %bitcast_convert_type3A_240, %and3A_242 : vector<64x128xi32>
    %or3A_244 = arith.constant 4 : i32
    %or3A_245 = vector.broadcast %or3A_244 : i32 to vector<64x128xi32>
    %or3A_246 = arith.ori %and3A_243, %or3A_245 : vector<64x128xi32>
    %bitcast_convert_type3A_247 = tpu.bitcast %or3A_246 : vector<64x128xi32> -> vector<64x128xf32>
    %min3A_248 = arith.minimumf %min3A_198, %bitcast_convert_type3A_247 : vector<64x128xf32>
    %max3A_249 = arith.maximumf %min3A_198, %bitcast_convert_type3A_247 : vector<64x128xf32>
    %min3A_250 = arith.minimumf %min3A_200, %max3A_249 : vector<64x128xf32>
    %max3A_251 = arith.maximumf %min3A_200, %max3A_249 : vector<64x128xf32>
    %min3A_252 = arith.minimumf %min3A_202, %max3A_251 : vector<64x128xf32>
    %max3A_253 = arith.maximumf %min3A_202, %max3A_251 : vector<64x128xf32>
    %min3A_254 = arith.minimumf %min3A_204, %max3A_253 : vector<64x128xf32>
    %broadcast_in_dim3A_255 = arith.constant 0.000000e+00 : f32
    %broadcast_in_dim3A_256 = vector.broadcast %broadcast_in_dim3A_255 : f32 to vector<64x128xf32>
    %get3A_257 = arith.constant 0 : index
    %get3A_258 = arith.constant 0 : index
    %get3A_259 = arith.constant 640 : index
    %get3A_260 = vector.load %arg2[%get3A_257, %get3A_258, %get3A_259] : memref<1x8x4096xf32, #tpu.memory_space<vmem>>, vector<1x1x128xf32>
    %get3A_261 = vector.shape_cast %get3A_260 : vector<1x1x128xf32> to vector<1x128xf32>
    %sub3A_262 = vector.broadcast %slice3A : vector<64x1xf32> to vector<64x128xf32>
    %sub3A_263 = vector.broadcast %get3A_261 : vector<1x128xf32> to vector<64x128xf32>
    %sub3A_264 = arith.subf %sub3A_262, %sub3A_263 : vector<64x128xf32>
    %mul3A_265 = arith.mulf %sub3A_264, %sub3A_264 : vector<64x128xf32>
    %add3A_266 = arith.addf %broadcast_in_dim3A_256, %mul3A_265 : vector<64x128xf32>
    %get3A_267 = arith.constant 0 : index
    %get3A_268 = arith.constant 1 : index
    %get3A_269 = arith.constant 640 : index
    %get3A_270 = vector.load %arg2[%get3A_267, %get3A_268, %get3A_269] : memref<1x8x4096xf32, #tpu.memory_space<vmem>>, vector<1x1x128xf32>
    %get3A_271 = vector.shape_cast %get3A_270 : vector<1x1x128xf32> to vector<1x128xf32>
    %sub3A_272 = vector.broadcast %slice3A_4 : vector<64x1xf32> to vector<64x128xf32>
    %sub3A_273 = vector.broadcast %get3A_271 : vector<1x128xf32> to vector<64x128xf32>
    %sub3A_274 = arith.subf %sub3A_272, %sub3A_273 : vector<64x128xf32>
    %mul3A_275 = arith.mulf %sub3A_274, %sub3A_274 : vector<64x128xf32>
    %add3A_276 = arith.addf %add3A_266, %mul3A_275 : vector<64x128xf32>
    %get3A_277 = arith.constant 0 : index
    %get3A_278 = arith.constant 2 : index
    %get3A_279 = arith.constant 640 : index
    %get3A_280 = vector.load %arg2[%get3A_277, %get3A_278, %get3A_279] : memref<1x8x4096xf32, #tpu.memory_space<vmem>>, vector<1x1x128xf32>
    %get3A_281 = vector.shape_cast %get3A_280 : vector<1x1x128xf32> to vector<1x128xf32>
    %sub3A_282 = vector.broadcast %slice3A_5 : vector<64x1xf32> to vector<64x128xf32>
    %sub3A_283 = vector.broadcast %get3A_281 : vector<1x128xf32> to vector<64x128xf32>
    %sub3A_284 = arith.subf %sub3A_282, %sub3A_283 : vector<64x128xf32>
    %mul3A_285 = arith.mulf %sub3A_284, %sub3A_284 : vector<64x128xf32>
    %add3A_286 = arith.addf %add3A_276, %mul3A_285 : vector<64x128xf32>
    %max3A_287 = arith.constant 9.99999991E-38 : f32
    %max3A_288 = vector.broadcast %max3A_287 : f32 to vector<64x128xf32>
    %max3A_289 = arith.maximumf %add3A_286, %max3A_288 : vector<64x128xf32>
    %bitcast_convert_type3A_290 = tpu.bitcast %max3A_289 : vector<64x128xf32> -> vector<64x128xi32>
    %and3A_291 = arith.constant -32 : i32
    %and3A_292 = vector.broadcast %and3A_291 : i32 to vector<64x128xi32>
    %and3A_293 = arith.andi %bitcast_convert_type3A_290, %and3A_292 : vector<64x128xi32>
    %or3A_294 = arith.constant 5 : i32
    %or3A_295 = vector.broadcast %or3A_294 : i32 to vector<64x128xi32>
    %or3A_296 = arith.ori %and3A_293, %or3A_295 : vector<64x128xi32>
    %bitcast_convert_type3A_297 = tpu.bitcast %or3A_296 : vector<64x128xi32> -> vector<64x128xf32>
    %min3A_298 = arith.minimumf %min3A_248, %bitcast_convert_type3A_297 : vector<64x128xf32>
    %max3A_299 = arith.maximumf %min3A_248, %bitcast_convert_type3A_297 : vector<64x128xf32>
    %min3A_300 = arith.minimumf %min3A_250, %max3A_299 : vector<64x128xf32>
    %max3A_301 = arith.maximumf %min3A_250, %max3A_299 : vector<64x128xf32>
    %min3A_302 = arith.minimumf %min3A_252, %max3A_301 : vector<64x128xf32>
    %max3A_303 = arith.maximumf %min3A_252, %max3A_301 : vector<64x128xf32>
    %min3A_304 = arith.minimumf %min3A_254, %max3A_303 : vector<64x128xf32>
    %broadcast_in_dim3A_305 = arith.constant 0.000000e+00 : f32
    %broadcast_in_dim3A_306 = vector.broadcast %broadcast_in_dim3A_305 : f32 to vector<64x128xf32>
    %get3A_307 = arith.constant 0 : index
    %get3A_308 = arith.constant 0 : index
    %get3A_309 = arith.constant 768 : index
    %get3A_310 = vector.load %arg2[%get3A_307, %get3A_308, %get3A_309] : memref<1x8x4096xf32, #tpu.memory_space<vmem>>, vector<1x1x128xf32>
    %get3A_311 = vector.shape_cast %get3A_310 : vector<1x1x128xf32> to vector<1x128xf32>
    %sub3A_312 = vector.broadcast %slice3A : vector<64x1xf32> to vector<64x128xf32>
    %sub3A_313 = vector.broadcast %get3A_311 : vector<1x128xf32> to vector<64x128xf32>
    %sub3A_314 = arith.subf %sub3A_312, %sub3A_313 : vector<64x128xf32>
    %mul3A_315 = arith.mulf %sub3A_314, %sub3A_314 : vector<64x128xf32>
    %add3A_316 = arith.addf %broadcast_in_dim3A_306, %mul3A_315 : vector<64x128xf32>
    %get3A_317 = arith.constant 0 : index
    %get3A_318 = arith.constant 1 : index
    %get3A_319 = arith.constant 768 : index
    %get3A_320 = vector.load %arg2[%get3A_317, %get3A_318, %get3A_319] : memref<1x8x4096xf32, #tpu.memory_space<vmem>>, vector<1x1x128xf32>
    %get3A_321 = vector.shape_cast %get3A_320 : vector<1x1x128xf32> to vector<1x128xf32>
    %sub3A_322 = vector.broadcast %slice3A_4 : vector<64x1xf32> to vector<64x128xf32>
    %sub3A_323 = vector.broadcast %get3A_321 : vector<1x128xf32> to vector<64x128xf32>
    %sub3A_324 = arith.subf %sub3A_322, %sub3A_323 : vector<64x128xf32>
    %mul3A_325 = arith.mulf %sub3A_324, %sub3A_324 : vector<64x128xf32>
    %add3A_326 = arith.addf %add3A_316, %mul3A_325 : vector<64x128xf32>
    %get3A_327 = arith.constant 0 : index
    %get3A_328 = arith.constant 2 : index
    %get3A_329 = arith.constant 768 : index
    %get3A_330 = vector.load %arg2[%get3A_327, %get3A_328, %get3A_329] : memref<1x8x4096xf32, #tpu.memory_space<vmem>>, vector<1x1x128xf32>
    %get3A_331 = vector.shape_cast %get3A_330 : vector<1x1x128xf32> to vector<1x128xf32>
    %sub3A_332 = vector.broadcast %slice3A_5 : vector<64x1xf32> to vector<64x128xf32>
    %sub3A_333 = vector.broadcast %get3A_331 : vector<1x128xf32> to vector<64x128xf32>
    %sub3A_334 = arith.subf %sub3A_332, %sub3A_333 : vector<64x128xf32>
    %mul3A_335 = arith.mulf %sub3A_334, %sub3A_334 : vector<64x128xf32>
    %add3A_336 = arith.addf %add3A_326, %mul3A_335 : vector<64x128xf32>
    %max3A_337 = arith.constant 9.99999991E-38 : f32
    %max3A_338 = vector.broadcast %max3A_337 : f32 to vector<64x128xf32>
    %max3A_339 = arith.maximumf %add3A_336, %max3A_338 : vector<64x128xf32>
    %bitcast_convert_type3A_340 = tpu.bitcast %max3A_339 : vector<64x128xf32> -> vector<64x128xi32>
    %and3A_341 = arith.constant -32 : i32
    %and3A_342 = vector.broadcast %and3A_341 : i32 to vector<64x128xi32>
    %and3A_343 = arith.andi %bitcast_convert_type3A_340, %and3A_342 : vector<64x128xi32>
    %or3A_344 = arith.constant 6 : i32
    %or3A_345 = vector.broadcast %or3A_344 : i32 to vector<64x128xi32>
    %or3A_346 = arith.ori %and3A_343, %or3A_345 : vector<64x128xi32>
    %bitcast_convert_type3A_347 = tpu.bitcast %or3A_346 : vector<64x128xi32> -> vector<64x128xf32>
    %min3A_348 = arith.minimumf %min3A_298, %bitcast_convert_type3A_347 : vector<64x128xf32>
    %max3A_349 = arith.maximumf %min3A_298, %bitcast_convert_type3A_347 : vector<64x128xf32>
    %min3A_350 = arith.minimumf %min3A_300, %max3A_349 : vector<64x128xf32>
    %max3A_351 = arith.maximumf %min3A_300, %max3A_349 : vector<64x128xf32>
    %min3A_352 = arith.minimumf %min3A_302, %max3A_351 : vector<64x128xf32>
    %max3A_353 = arith.maximumf %min3A_302, %max3A_351 : vector<64x128xf32>
    %min3A_354 = arith.minimumf %min3A_304, %max3A_353 : vector<64x128xf32>
    %broadcast_in_dim3A_355 = arith.constant 0.000000e+00 : f32
    %broadcast_in_dim3A_356 = vector.broadcast %broadcast_in_dim3A_355 : f32 to vector<64x128xf32>
    %get3A_357 = arith.constant 0 : index
    %get3A_358 = arith.constant 0 : index
    %get3A_359 = arith.constant 896 : index
    %get3A_360 = vector.load %arg2[%get3A_357, %get3A_358, %get3A_359] : memref<1x8x4096xf32, #tpu.memory_space<vmem>>, vector<1x1x128xf32>
    %get3A_361 = vector.shape_cast %get3A_360 : vector<1x1x128xf32> to vector<1x128xf32>
    %sub3A_362 = vector.broadcast %slice3A : vector<64x1xf32> to vector<64x128xf32>
    %sub3A_363 = vector.broadcast %get3A_361 : vector<1x128xf32> to vector<64x128xf32>
    %sub3A_364 = arith.subf %sub3A_362, %sub3A_363 : vector<64x128xf32>
    %mul3A_365 = arith.mulf %sub3A_364, %sub3A_364 : vector<64x128xf32>
    %add3A_366 = arith.addf %broadcast_in_dim3A_356, %mul3A_365 : vector<64x128xf32>
    %get3A_367 = arith.constant 0 : index
    %get3A_368 = arith.constant 1 : index
    %get3A_369 = arith.constant 896 : index
    %get3A_370 = vector.load %arg2[%get3A_367, %get3A_368, %get3A_369] : memref<1x8x4096xf32, #tpu.memory_space<vmem>>, vector<1x1x128xf32>
    %get3A_371 = vector.shape_cast %get3A_370 : vector<1x1x128xf32> to vector<1x128xf32>
    %sub3A_372 = vector.broadcast %slice3A_4 : vector<64x1xf32> to vector<64x128xf32>
    %sub3A_373 = vector.broadcast %get3A_371 : vector<1x128xf32> to vector<64x128xf32>
    %sub3A_374 = arith.subf %sub3A_372, %sub3A_373 : vector<64x128xf32>
    %mul3A_375 = arith.mulf %sub3A_374, %sub3A_374 : vector<64x128xf32>
    %add3A_376 = arith.addf %add3A_366, %mul3A_375 : vector<64x128xf32>
    %get3A_377 = arith.constant 0 : index
    %get3A_378 = arith.constant 2 : index
    %get3A_379 = arith.constant 896 : index
    %get3A_380 = vector.load %arg2[%get3A_377, %get3A_378, %get3A_379] : memref<1x8x4096xf32, #tpu.memory_space<vmem>>, vector<1x1x128xf32>
    %get3A_381 = vector.shape_cast %get3A_380 : vector<1x1x128xf32> to vector<1x128xf32>
    %sub3A_382 = vector.broadcast %slice3A_5 : vector<64x1xf32> to vector<64x128xf32>
    %sub3A_383 = vector.broadcast %get3A_381 : vector<1x128xf32> to vector<64x128xf32>
    %sub3A_384 = arith.subf %sub3A_382, %sub3A_383 : vector<64x128xf32>
    %mul3A_385 = arith.mulf %sub3A_384, %sub3A_384 : vector<64x128xf32>
    %add3A_386 = arith.addf %add3A_376, %mul3A_385 : vector<64x128xf32>
    %max3A_387 = arith.constant 9.99999991E-38 : f32
    %max3A_388 = vector.broadcast %max3A_387 : f32 to vector<64x128xf32>
    %max3A_389 = arith.maximumf %add3A_386, %max3A_388 : vector<64x128xf32>
    %bitcast_convert_type3A_390 = tpu.bitcast %max3A_389 : vector<64x128xf32> -> vector<64x128xi32>
    %and3A_391 = arith.constant -32 : i32
    %and3A_392 = vector.broadcast %and3A_391 : i32 to vector<64x128xi32>
    %and3A_393 = arith.andi %bitcast_convert_type3A_390, %and3A_392 : vector<64x128xi32>
    %or3A_394 = arith.constant 7 : i32
    %or3A_395 = vector.broadcast %or3A_394 : i32 to vector<64x128xi32>
    %or3A_396 = arith.ori %and3A_393, %or3A_395 : vector<64x128xi32>
    %bitcast_convert_type3A_397 = tpu.bitcast %or3A_396 : vector<64x128xi32> -> vector<64x128xf32>
    %min3A_398 = arith.minimumf %min3A_348, %bitcast_convert_type3A_397 : vector<64x128xf32>
    %max3A_399 = arith.maximumf %min3A_348, %bitcast_convert_type3A_397 : vector<64x128xf32>
    %min3A_400 = arith.minimumf %min3A_350, %max3A_399 : vector<64x128xf32>
    %max3A_401 = arith.maximumf %min3A_350, %max3A_399 : vector<64x128xf32>
    %min3A_402 = arith.minimumf %min3A_352, %max3A_401 : vector<64x128xf32>
    %max3A_403 = arith.maximumf %min3A_352, %max3A_401 : vector<64x128xf32>
    %min3A_404 = arith.minimumf %min3A_354, %max3A_403 : vector<64x128xf32>
    %broadcast_in_dim3A_405 = arith.constant 0.000000e+00 : f32
    %broadcast_in_dim3A_406 = vector.broadcast %broadcast_in_dim3A_405 : f32 to vector<64x128xf32>
    %get3A_407 = arith.constant 0 : index
    %get3A_408 = arith.constant 0 : index
    %get3A_409 = arith.constant 1024 : index
    %get3A_410 = vector.load %arg2[%get3A_407, %get3A_408, %get3A_409] : memref<1x8x4096xf32, #tpu.memory_space<vmem>>, vector<1x1x128xf32>
    %get3A_411 = vector.shape_cast %get3A_410 : vector<1x1x128xf32> to vector<1x128xf32>
    %sub3A_412 = vector.broadcast %slice3A : vector<64x1xf32> to vector<64x128xf32>
    %sub3A_413 = vector.broadcast %get3A_411 : vector<1x128xf32> to vector<64x128xf32>
    %sub3A_414 = arith.subf %sub3A_412, %sub3A_413 : vector<64x128xf32>
    %mul3A_415 = arith.mulf %sub3A_414, %sub3A_414 : vector<64x128xf32>
    %add3A_416 = arith.addf %broadcast_in_dim3A_406, %mul3A_415 : vector<64x128xf32>
    %get3A_417 = arith.constant 0 : index
    %get3A_418 = arith.constant 1 : index
    %get3A_419 = arith.constant 1024 : index
    %get3A_420 = vector.load %arg2[%get3A_417, %get3A_418, %get3A_419] : memref<1x8x4096xf32, #tpu.memory_space<vmem>>, vector<1x1x128xf32>
    %get3A_421 = vector.shape_cast %get3A_420 : vector<1x1x128xf32> to vector<1x128xf32>
    %sub3A_422 = vector.broadcast %slice3A_4 : vector<64x1xf32> to vector<64x128xf32>
    %sub3A_423 = vector.broadcast %get3A_421 : vector<1x128xf32> to vector<64x128xf32>
    %sub3A_424 = arith.subf %sub3A_422, %sub3A_423 : vector<64x128xf32>
    %mul3A_425 = arith.mulf %sub3A_424, %sub3A_424 : vector<64x128xf32>
    %add3A_426 = arith.addf %add3A_416, %mul3A_425 : vector<64x128xf32>
    %get3A_427 = arith.constant 0 : index
    %get3A_428 = arith.constant 2 : index
    %get3A_429 = arith.constant 1024 : index
    %get3A_430 = vector.load %arg2[%get3A_427, %get3A_428, %get3A_429] : memref<1x8x4096xf32, #tpu.memory_space<vmem>>, vector<1x1x128xf32>
    %get3A_431 = vector.shape_cast %get3A_430 : vector<1x1x128xf32> to vector<1x128xf32>
    %sub3A_432 = vector.broadcast %slice3A_5 : vector<64x1xf32> to vector<64x128xf32>
    %sub3A_433 = vector.broadcast %get3A_431 : vector<1x128xf32> to vector<64x128xf32>
    %sub3A_434 = arith.subf %sub3A_432, %sub3A_433 : vector<64x128xf32>
    %mul3A_435 = arith.mulf %sub3A_434, %sub3A_434 : vector<64x128xf32>
    %add3A_436 = arith.addf %add3A_426, %mul3A_435 : vector<64x128xf32>
    %max3A_437 = arith.constant 9.99999991E-38 : f32
    %max3A_438 = vector.broadcast %max3A_437 : f32 to vector<64x128xf32>
    %max3A_439 = arith.maximumf %add3A_436, %max3A_438 : vector<64x128xf32>
    %bitcast_convert_type3A_440 = tpu.bitcast %max3A_439 : vector<64x128xf32> -> vector<64x128xi32>
    %and3A_441 = arith.constant -32 : i32
    %and3A_442 = vector.broadcast %and3A_441 : i32 to vector<64x128xi32>
    %and3A_443 = arith.andi %bitcast_convert_type3A_440, %and3A_442 : vector<64x128xi32>
    %or3A_444 = arith.constant 8 : i32
    %or3A_445 = vector.broadcast %or3A_444 : i32 to vector<64x128xi32>
    %or3A_446 = arith.ori %and3A_443, %or3A_445 : vector<64x128xi32>
    %bitcast_convert_type3A_447 = tpu.bitcast %or3A_446 : vector<64x128xi32> -> vector<64x128xf32>
    %min3A_448 = arith.minimumf %min3A_398, %bitcast_convert_type3A_447 : vector<64x128xf32>
    %max3A_449 = arith.maximumf %min3A_398, %bitcast_convert_type3A_447 : vector<64x128xf32>
    %min3A_450 = arith.minimumf %min3A_400, %max3A_449 : vector<64x128xf32>
    %max3A_451 = arith.maximumf %min3A_400, %max3A_449 : vector<64x128xf32>
    %min3A_452 = arith.minimumf %min3A_402, %max3A_451 : vector<64x128xf32>
    %max3A_453 = arith.maximumf %min3A_402, %max3A_451 : vector<64x128xf32>
    %min3A_454 = arith.minimumf %min3A_404, %max3A_453 : vector<64x128xf32>
    %broadcast_in_dim3A_455 = arith.constant 0.000000e+00 : f32
    %broadcast_in_dim3A_456 = vector.broadcast %broadcast_in_dim3A_455 : f32 to vector<64x128xf32>
    %get3A_457 = arith.constant 0 : index
    %get3A_458 = arith.constant 0 : index
    %get3A_459 = arith.constant 1152 : index
    %get3A_460 = vector.load %arg2[%get3A_457, %get3A_458, %get3A_459] : memref<1x8x4096xf32, #tpu.memory_space<vmem>>, vector<1x1x128xf32>
    %get3A_461 = vector.shape_cast %get3A_460 : vector<1x1x128xf32> to vector<1x128xf32>
    %sub3A_462 = vector.broadcast %slice3A : vector<64x1xf32> to vector<64x128xf32>
    %sub3A_463 = vector.broadcast %get3A_461 : vector<1x128xf32> to vector<64x128xf32>
    %sub3A_464 = arith.subf %sub3A_462, %sub3A_463 : vector<64x128xf32>
    %mul3A_465 = arith.mulf %sub3A_464, %sub3A_464 : vector<64x128xf32>
    %add3A_466 = arith.addf %broadcast_in_dim3A_456, %mul3A_465 : vector<64x128xf32>
    %get3A_467 = arith.constant 0 : index
    %get3A_468 = arith.constant 1 : index
    %get3A_469 = arith.constant 1152 : index
    %get3A_470 = vector.load %arg2[%get3A_467, %get3A_468, %get3A_469] : memref<1x8x4096xf32, #tpu.memory_space<vmem>>, vector<1x1x128xf32>
    %get3A_471 = vector.shape_cast %get3A_470 : vector<1x1x128xf32> to vector<1x128xf32>
    %sub3A_472 = vector.broadcast %slice3A_4 : vector<64x1xf32> to vector<64x128xf32>
    %sub3A_473 = vector.broadcast %get3A_471 : vector<1x128xf32> to vector<64x128xf32>
    %sub3A_474 = arith.subf %sub3A_472, %sub3A_473 : vector<64x128xf32>
    %mul3A_475 = arith.mulf %sub3A_474, %sub3A_474 : vector<64x128xf32>
    %add3A_476 = arith.addf %add3A_466, %mul3A_475 : vector<64x128xf32>
    %get3A_477 = arith.constant 0 : index
    %get3A_478 = arith.constant 2 : index
    %get3A_479 = arith.constant 1152 : index
    %get3A_480 = vector.load %arg2[%get3A_477, %get3A_478, %get3A_479] : memref<1x8x4096xf32, #tpu.memory_space<vmem>>, vector<1x1x128xf32>
    %get3A_481 = vector.shape_cast %get3A_480 : vector<1x1x128xf32> to vector<1x128xf32>
    %sub3A_482 = vector.broadcast %slice3A_5 : vector<64x1xf32> to vector<64x128xf32>
    %sub3A_483 = vector.broadcast %get3A_481 : vector<1x128xf32> to vector<64x128xf32>
    %sub3A_484 = arith.subf %sub3A_482, %sub3A_483 : vector<64x128xf32>
    %mul3A_485 = arith.mulf %sub3A_484, %sub3A_484 : vector<64x128xf32>
    %add3A_486 = arith.addf %add3A_476, %mul3A_485 : vector<64x128xf32>
    %max3A_487 = arith.constant 9.99999991E-38 : f32
    %max3A_488 = vector.broadcast %max3A_487 : f32 to vector<64x128xf32>
    %max3A_489 = arith.maximumf %add3A_486, %max3A_488 : vector<64x128xf32>
    %bitcast_convert_type3A_490 = tpu.bitcast %max3A_489 : vector<64x128xf32> -> vector<64x128xi32>
    %and3A_491 = arith.constant -32 : i32
    %and3A_492 = vector.broadcast %and3A_491 : i32 to vector<64x128xi32>
    %and3A_493 = arith.andi %bitcast_convert_type3A_490, %and3A_492 : vector<64x128xi32>
    %or3A_494 = arith.constant 9 : i32
    %or3A_495 = vector.broadcast %or3A_494 : i32 to vector<64x128xi32>
    %or3A_496 = arith.ori %and3A_493, %or3A_495 : vector<64x128xi32>
    %bitcast_convert_type3A_497 = tpu.bitcast %or3A_496 : vector<64x128xi32> -> vector<64x128xf32>
    %min3A_498 = arith.minimumf %min3A_448, %bitcast_convert_type3A_497 : vector<64x128xf32>
    %max3A_499 = arith.maximumf %min3A_448, %bitcast_convert_type3A_497 : vector<64x128xf32>
    %min3A_500 = arith.minimumf %min3A_450, %max3A_499 : vector<64x128xf32>
    %max3A_501 = arith.maximumf %min3A_450, %max3A_499 : vector<64x128xf32>
    %min3A_502 = arith.minimumf %min3A_452, %max3A_501 : vector<64x128xf32>
    %max3A_503 = arith.maximumf %min3A_452, %max3A_501 : vector<64x128xf32>
    %min3A_504 = arith.minimumf %min3A_454, %max3A_503 : vector<64x128xf32>
    %broadcast_in_dim3A_505 = arith.constant 0.000000e+00 : f32
    %broadcast_in_dim3A_506 = vector.broadcast %broadcast_in_dim3A_505 : f32 to vector<64x128xf32>
    %get3A_507 = arith.constant 0 : index
    %get3A_508 = arith.constant 0 : index
    %get3A_509 = arith.constant 1280 : index
    %get3A_510 = vector.load %arg2[%get3A_507, %get3A_508, %get3A_509] : memref<1x8x4096xf32, #tpu.memory_space<vmem>>, vector<1x1x128xf32>
    %get3A_511 = vector.shape_cast %get3A_510 : vector<1x1x128xf32> to vector<1x128xf32>
    %sub3A_512 = vector.broadcast %slice3A : vector<64x1xf32> to vector<64x128xf32>
    %sub3A_513 = vector.broadcast %get3A_511 : vector<1x128xf32> to vector<64x128xf32>
    %sub3A_514 = arith.subf %sub3A_512, %sub3A_513 : vector<64x128xf32>
    %mul3A_515 = arith.mulf %sub3A_514, %sub3A_514 : vector<64x128xf32>
    %add3A_516 = arith.addf %broadcast_in_dim3A_506, %mul3A_515 : vector<64x128xf32>
    %get3A_517 = arith.constant 0 : index
    %get3A_518 = arith.constant 1 : index
    %get3A_519 = arith.constant 1280 : index
    %get3A_520 = vector.load %arg2[%get3A_517, %get3A_518, %get3A_519] : memref<1x8x4096xf32, #tpu.memory_space<vmem>>, vector<1x1x128xf32>
    %get3A_521 = vector.shape_cast %get3A_520 : vector<1x1x128xf32> to vector<1x128xf32>
    %sub3A_522 = vector.broadcast %slice3A_4 : vector<64x1xf32> to vector<64x128xf32>
    %sub3A_523 = vector.broadcast %get3A_521 : vector<1x128xf32> to vector<64x128xf32>
    %sub3A_524 = arith.subf %sub3A_522, %sub3A_523 : vector<64x128xf32>
    %mul3A_525 = arith.mulf %sub3A_524, %sub3A_524 : vector<64x128xf32>
    %add3A_526 = arith.addf %add3A_516, %mul3A_525 : vector<64x128xf32>
    %get3A_527 = arith.constant 0 : index
    %get3A_528 = arith.constant 2 : index
    %get3A_529 = arith.constant 1280 : index
    %get3A_530 = vector.load %arg2[%get3A_527, %get3A_528, %get3A_529] : memref<1x8x4096xf32, #tpu.memory_space<vmem>>, vector<1x1x128xf32>
    %get3A_531 = vector.shape_cast %get3A_530 : vector<1x1x128xf32> to vector<1x128xf32>
    %sub3A_532 = vector.broadcast %slice3A_5 : vector<64x1xf32> to vector<64x128xf32>
    %sub3A_533 = vector.broadcast %get3A_531 : vector<1x128xf32> to vector<64x128xf32>
    %sub3A_534 = arith.subf %sub3A_532, %sub3A_533 : vector<64x128xf32>
    %mul3A_535 = arith.mulf %sub3A_534, %sub3A_534 : vector<64x128xf32>
    %add3A_536 = arith.addf %add3A_526, %mul3A_535 : vector<64x128xf32>
    %max3A_537 = arith.constant 9.99999991E-38 : f32
    %max3A_538 = vector.broadcast %max3A_537 : f32 to vector<64x128xf32>
    %max3A_539 = arith.maximumf %add3A_536, %max3A_538 : vector<64x128xf32>
    %bitcast_convert_type3A_540 = tpu.bitcast %max3A_539 : vector<64x128xf32> -> vector<64x128xi32>
    %and3A_541 = arith.constant -32 : i32
    %and3A_542 = vector.broadcast %and3A_541 : i32 to vector<64x128xi32>
    %and3A_543 = arith.andi %bitcast_convert_type3A_540, %and3A_542 : vector<64x128xi32>
    %or3A_544 = arith.constant 10 : i32
    %or3A_545 = vector.broadcast %or3A_544 : i32 to vector<64x128xi32>
    %or3A_546 = arith.ori %and3A_543, %or3A_545 : vector<64x128xi32>
    %bitcast_convert_type3A_547 = tpu.bitcast %or3A_546 : vector<64x128xi32> -> vector<64x128xf32>
    %min3A_548 = arith.minimumf %min3A_498, %bitcast_convert_type3A_547 : vector<64x128xf32>
    %max3A_549 = arith.maximumf %min3A_498, %bitcast_convert_type3A_547 : vector<64x128xf32>
    %min3A_550 = arith.minimumf %min3A_500, %max3A_549 : vector<64x128xf32>
    %max3A_551 = arith.maximumf %min3A_500, %max3A_549 : vector<64x128xf32>
    %min3A_552 = arith.minimumf %min3A_502, %max3A_551 : vector<64x128xf32>
    %max3A_553 = arith.maximumf %min3A_502, %max3A_551 : vector<64x128xf32>
    %min3A_554 = arith.minimumf %min3A_504, %max3A_553 : vector<64x128xf32>
    %broadcast_in_dim3A_555 = arith.constant 0.000000e+00 : f32
    %broadcast_in_dim3A_556 = vector.broadcast %broadcast_in_dim3A_555 : f32 to vector<64x128xf32>
    %get3A_557 = arith.constant 0 : index
    %get3A_558 = arith.constant 0 : index
    %get3A_559 = arith.constant 1408 : index
    %get3A_560 = vector.load %arg2[%get3A_557, %get3A_558, %get3A_559] : memref<1x8x4096xf32, #tpu.memory_space<vmem>>, vector<1x1x128xf32>
    %get3A_561 = vector.shape_cast %get3A_560 : vector<1x1x128xf32> to vector<1x128xf32>
    %sub3A_562 = vector.broadcast %slice3A : vector<64x1xf32> to vector<64x128xf32>
    %sub3A_563 = vector.broadcast %get3A_561 : vector<1x128xf32> to vector<64x128xf32>
    %sub3A_564 = arith.subf %sub3A_562, %sub3A_563 : vector<64x128xf32>
    %mul3A_565 = arith.mulf %sub3A_564, %sub3A_564 : vector<64x128xf32>
    %add3A_566 = arith.addf %broadcast_in_dim3A_556, %mul3A_565 : vector<64x128xf32>
    %get3A_567 = arith.constant 0 : index
    %get3A_568 = arith.constant 1 : index
    %get3A_569 = arith.constant 1408 : index
    %get3A_570 = vector.load %arg2[%get3A_567, %get3A_568, %get3A_569] : memref<1x8x4096xf32, #tpu.memory_space<vmem>>, vector<1x1x128xf32>
    %get3A_571 = vector.shape_cast %get3A_570 : vector<1x1x128xf32> to vector<1x128xf32>
    %sub3A_572 = vector.broadcast %slice3A_4 : vector<64x1xf32> to vector<64x128xf32>
    %sub3A_573 = vector.broadcast %get3A_571 : vector<1x128xf32> to vector<64x128xf32>
    %sub3A_574 = arith.subf %sub3A_572, %sub3A_573 : vector<64x128xf32>
    %mul3A_575 = arith.mulf %sub3A_574, %sub3A_574 : vector<64x128xf32>
    %add3A_576 = arith.addf %add3A_566, %mul3A_575 : vector<64x128xf32>
    %get3A_577 = arith.constant 0 : index
    %get3A_578 = arith.constant 2 : index
    %get3A_579 = arith.constant 1408 : index
    %get3A_580 = vector.load %arg2[%get3A_577, %get3A_578, %get3A_579] : memref<1x8x4096xf32, #tpu.memory_space<vmem>>, vector<1x1x128xf32>
    %get3A_581 = vector.shape_cast %get3A_580 : vector<1x1x128xf32> to vector<1x128xf32>
    %sub3A_582 = vector.broadcast %slice3A_5 : vector<64x1xf32> to vector<64x128xf32>
    %sub3A_583 = vector.broadcast %get3A_581 : vector<1x128xf32> to vector<64x128xf32>
    %sub3A_584 = arith.subf %sub3A_582, %sub3A_583 : vector<64x128xf32>
    %mul3A_585 = arith.mulf %sub3A_584, %sub3A_584 : vector<64x128xf32>
    %add3A_586 = arith.addf %add3A_576, %mul3A_585 : vector<64x128xf32>
    %max3A_587 = arith.constant 9.99999991E-38 : f32
    %max3A_588 = vector.broadcast %max3A_587 : f32 to vector<64x128xf32>
    %max3A_589 = arith.maximumf %add3A_586, %max3A_588 : vector<64x128xf32>
    %bitcast_convert_type3A_590 = tpu.bitcast %max3A_589 : vector<64x128xf32> -> vector<64x128xi32>
    %and3A_591 = arith.constant -32 : i32
    %and3A_592 = vector.broadcast %and3A_591 : i32 to vector<64x128xi32>
    %and3A_593 = arith.andi %bitcast_convert_type3A_590, %and3A_592 : vector<64x128xi32>
    %or3A_594 = arith.constant 11 : i32
    %or3A_595 = vector.broadcast %or3A_594 : i32 to vector<64x128xi32>
    %or3A_596 = arith.ori %and3A_593, %or3A_595 : vector<64x128xi32>
    %bitcast_convert_type3A_597 = tpu.bitcast %or3A_596 : vector<64x128xi32> -> vector<64x128xf32>
    %min3A_598 = arith.minimumf %min3A_548, %bitcast_convert_type3A_597 : vector<64x128xf32>
    %max3A_599 = arith.maximumf %min3A_548, %bitcast_convert_type3A_597 : vector<64x128xf32>
    %min3A_600 = arith.minimumf %min3A_550, %max3A_599 : vector<64x128xf32>
    %max3A_601 = arith.maximumf %min3A_550, %max3A_599 : vector<64x128xf32>
    %min3A_602 = arith.minimumf %min3A_552, %max3A_601 : vector<64x128xf32>
    %max3A_603 = arith.maximumf %min3A_552, %max3A_601 : vector<64x128xf32>
    %min3A_604 = arith.minimumf %min3A_554, %max3A_603 : vector<64x128xf32>
    %broadcast_in_dim3A_605 = arith.constant 0.000000e+00 : f32
    %broadcast_in_dim3A_606 = vector.broadcast %broadcast_in_dim3A_605 : f32 to vector<64x128xf32>
    %get3A_607 = arith.constant 0 : index
    %get3A_608 = arith.constant 0 : index
    %get3A_609 = arith.constant 1536 : index
    %get3A_610 = vector.load %arg2[%get3A_607, %get3A_608, %get3A_609] : memref<1x8x4096xf32, #tpu.memory_space<vmem>>, vector<1x1x128xf32>
    %get3A_611 = vector.shape_cast %get3A_610 : vector<1x1x128xf32> to vector<1x128xf32>
    %sub3A_612 = vector.broadcast %slice3A : vector<64x1xf32> to vector<64x128xf32>
    %sub3A_613 = vector.broadcast %get3A_611 : vector<1x128xf32> to vector<64x128xf32>
    %sub3A_614 = arith.subf %sub3A_612, %sub3A_613 : vector<64x128xf32>
    %mul3A_615 = arith.mulf %sub3A_614, %sub3A_614 : vector<64x128xf32>
    %add3A_616 = arith.addf %broadcast_in_dim3A_606, %mul3A_615 : vector<64x128xf32>
    %get3A_617 = arith.constant 0 : index
    %get3A_618 = arith.constant 1 : index
    %get3A_619 = arith.constant 1536 : index
    %get3A_620 = vector.load %arg2[%get3A_617, %get3A_618, %get3A_619] : memref<1x8x4096xf32, #tpu.memory_space<vmem>>, vector<1x1x128xf32>
    %get3A_621 = vector.shape_cast %get3A_620 : vector<1x1x128xf32> to vector<1x128xf32>
    %sub3A_622 = vector.broadcast %slice3A_4 : vector<64x1xf32> to vector<64x128xf32>
    %sub3A_623 = vector.broadcast %get3A_621 : vector<1x128xf32> to vector<64x128xf32>
    %sub3A_624 = arith.subf %sub3A_622, %sub3A_623 : vector<64x128xf32>
    %mul3A_625 = arith.mulf %sub3A_624, %sub3A_624 : vector<64x128xf32>
    %add3A_626 = arith.addf %add3A_616, %mul3A_625 : vector<64x128xf32>
    %get3A_627 = arith.constant 0 : index
    %get3A_628 = arith.constant 2 : index
    %get3A_629 = arith.constant 1536 : index
    %get3A_630 = vector.load %arg2[%get3A_627, %get3A_628, %get3A_629] : memref<1x8x4096xf32, #tpu.memory_space<vmem>>, vector<1x1x128xf32>
    %get3A_631 = vector.shape_cast %get3A_630 : vector<1x1x128xf32> to vector<1x128xf32>
    %sub3A_632 = vector.broadcast %slice3A_5 : vector<64x1xf32> to vector<64x128xf32>
    %sub3A_633 = vector.broadcast %get3A_631 : vector<1x128xf32> to vector<64x128xf32>
    %sub3A_634 = arith.subf %sub3A_632, %sub3A_633 : vector<64x128xf32>
    %mul3A_635 = arith.mulf %sub3A_634, %sub3A_634 : vector<64x128xf32>
    %add3A_636 = arith.addf %add3A_626, %mul3A_635 : vector<64x128xf32>
    %max3A_637 = arith.constant 9.99999991E-38 : f32
    %max3A_638 = vector.broadcast %max3A_637 : f32 to vector<64x128xf32>
    %max3A_639 = arith.maximumf %add3A_636, %max3A_638 : vector<64x128xf32>
    %bitcast_convert_type3A_640 = tpu.bitcast %max3A_639 : vector<64x128xf32> -> vector<64x128xi32>
    %and3A_641 = arith.constant -32 : i32
    %and3A_642 = vector.broadcast %and3A_641 : i32 to vector<64x128xi32>
    %and3A_643 = arith.andi %bitcast_convert_type3A_640, %and3A_642 : vector<64x128xi32>
    %or3A_644 = arith.constant 12 : i32
    %or3A_645 = vector.broadcast %or3A_644 : i32 to vector<64x128xi32>
    %or3A_646 = arith.ori %and3A_643, %or3A_645 : vector<64x128xi32>
    %bitcast_convert_type3A_647 = tpu.bitcast %or3A_646 : vector<64x128xi32> -> vector<64x128xf32>
    %min3A_648 = arith.minimumf %min3A_598, %bitcast_convert_type3A_647 : vector<64x128xf32>
    %max3A_649 = arith.maximumf %min3A_598, %bitcast_convert_type3A_647 : vector<64x128xf32>
    %min3A_650 = arith.minimumf %min3A_600, %max3A_649 : vector<64x128xf32>
    %max3A_651 = arith.maximumf %min3A_600, %max3A_649 : vector<64x128xf32>
    %min3A_652 = arith.minimumf %min3A_602, %max3A_651 : vector<64x128xf32>
    %max3A_653 = arith.maximumf %min3A_602, %max3A_651 : vector<64x128xf32>
    %min3A_654 = arith.minimumf %min3A_604, %max3A_653 : vector<64x128xf32>
    %broadcast_in_dim3A_655 = arith.constant 0.000000e+00 : f32
    %broadcast_in_dim3A_656 = vector.broadcast %broadcast_in_dim3A_655 : f32 to vector<64x128xf32>
    %get3A_657 = arith.constant 0 : index
    %get3A_658 = arith.constant 0 : index
    %get3A_659 = arith.constant 1664 : index
    %get3A_660 = vector.load %arg2[%get3A_657, %get3A_658, %get3A_659] : memref<1x8x4096xf32, #tpu.memory_space<vmem>>, vector<1x1x128xf32>
    %get3A_661 = vector.shape_cast %get3A_660 : vector<1x1x128xf32> to vector<1x128xf32>
    %sub3A_662 = vector.broadcast %slice3A : vector<64x1xf32> to vector<64x128xf32>
    %sub3A_663 = vector.broadcast %get3A_661 : vector<1x128xf32> to vector<64x128xf32>
    %sub3A_664 = arith.subf %sub3A_662, %sub3A_663 : vector<64x128xf32>
    %mul3A_665 = arith.mulf %sub3A_664, %sub3A_664 : vector<64x128xf32>
    %add3A_666 = arith.addf %broadcast_in_dim3A_656, %mul3A_665 : vector<64x128xf32>
    %get3A_667 = arith.constant 0 : index
    %get3A_668 = arith.constant 1 : index
    %get3A_669 = arith.constant 1664 : index
    %get3A_670 = vector.load %arg2[%get3A_667, %get3A_668, %get3A_669] : memref<1x8x4096xf32, #tpu.memory_space<vmem>>, vector<1x1x128xf32>
    %get3A_671 = vector.shape_cast %get3A_670 : vector<1x1x128xf32> to vector<1x128xf32>
    %sub3A_672 = vector.broadcast %slice3A_4 : vector<64x1xf32> to vector<64x128xf32>
    %sub3A_673 = vector.broadcast %get3A_671 : vector<1x128xf32> to vector<64x128xf32>
    %sub3A_674 = arith.subf %sub3A_672, %sub3A_673 : vector<64x128xf32>
    %mul3A_675 = arith.mulf %sub3A_674, %sub3A_674 : vector<64x128xf32>
    %add3A_676 = arith.addf %add3A_666, %mul3A_675 : vector<64x128xf32>
    %get3A_677 = arith.constant 0 : index
    %get3A_678 = arith.constant 2 : index
    %get3A_679 = arith.constant 1664 : index
    %get3A_680 = vector.load %arg2[%get3A_677, %get3A_678, %get3A_679] : memref<1x8x4096xf32, #tpu.memory_space<vmem>>, vector<1x1x128xf32>
    %get3A_681 = vector.shape_cast %get3A_680 : vector<1x1x128xf32> to vector<1x128xf32>
    %sub3A_682 = vector.broadcast %slice3A_5 : vector<64x1xf32> to vector<64x128xf32>
    %sub3A_683 = vector.broadcast %get3A_681 : vector<1x128xf32> to vector<64x128xf32>
    %sub3A_684 = arith.subf %sub3A_682, %sub3A_683 : vector<64x128xf32>
    %mul3A_685 = arith.mulf %sub3A_684, %sub3A_684 : vector<64x128xf32>
    %add3A_686 = arith.addf %add3A_676, %mul3A_685 : vector<64x128xf32>
    %max3A_687 = arith.constant 9.99999991E-38 : f32
    %max3A_688 = vector.broadcast %max3A_687 : f32 to vector<64x128xf32>
    %max3A_689 = arith.maximumf %add3A_686, %max3A_688 : vector<64x128xf32>
    %bitcast_convert_type3A_690 = tpu.bitcast %max3A_689 : vector<64x128xf32> -> vector<64x128xi32>
    %and3A_691 = arith.constant -32 : i32
    %and3A_692 = vector.broadcast %and3A_691 : i32 to vector<64x128xi32>
    %and3A_693 = arith.andi %bitcast_convert_type3A_690, %and3A_692 : vector<64x128xi32>
    %or3A_694 = arith.constant 13 : i32
    %or3A_695 = vector.broadcast %or3A_694 : i32 to vector<64x128xi32>
    %or3A_696 = arith.ori %and3A_693, %or3A_695 : vector<64x128xi32>
    %bitcast_convert_type3A_697 = tpu.bitcast %or3A_696 : vector<64x128xi32> -> vector<64x128xf32>
    %min3A_698 = arith.minimumf %min3A_648, %bitcast_convert_type3A_697 : vector<64x128xf32>
    %max3A_699 = arith.maximumf %min3A_648, %bitcast_convert_type3A_697 : vector<64x128xf32>
    %min3A_700 = arith.minimumf %min3A_650, %max3A_699 : vector<64x128xf32>
    %max3A_701 = arith.maximumf %min3A_650, %max3A_699 : vector<64x128xf32>
    %min3A_702 = arith.minimumf %min3A_652, %max3A_701 : vector<64x128xf32>
    %max3A_703 = arith.maximumf %min3A_652, %max3A_701 : vector<64x128xf32>
    %min3A_704 = arith.minimumf %min3A_654, %max3A_703 : vector<64x128xf32>
    %broadcast_in_dim3A_705 = arith.constant 0.000000e+00 : f32
    %broadcast_in_dim3A_706 = vector.broadcast %broadcast_in_dim3A_705 : f32 to vector<64x128xf32>
    %get3A_707 = arith.constant 0 : index
    %get3A_708 = arith.constant 0 : index
    %get3A_709 = arith.constant 1792 : index
    %get3A_710 = vector.load %arg2[%get3A_707, %get3A_708, %get3A_709] : memref<1x8x4096xf32, #tpu.memory_space<vmem>>, vector<1x1x128xf32>
    %get3A_711 = vector.shape_cast %get3A_710 : vector<1x1x128xf32> to vector<1x128xf32>
    %sub3A_712 = vector.broadcast %slice3A : vector<64x1xf32> to vector<64x128xf32>
    %sub3A_713 = vector.broadcast %get3A_711 : vector<1x128xf32> to vector<64x128xf32>
    %sub3A_714 = arith.subf %sub3A_712, %sub3A_713 : vector<64x128xf32>
    %mul3A_715 = arith.mulf %sub3A_714, %sub3A_714 : vector<64x128xf32>
    %add3A_716 = arith.addf %broadcast_in_dim3A_706, %mul3A_715 : vector<64x128xf32>
    %get3A_717 = arith.constant 0 : index
    %get3A_718 = arith.constant 1 : index
    %get3A_719 = arith.constant 1792 : index
    %get3A_720 = vector.load %arg2[%get3A_717, %get3A_718, %get3A_719] : memref<1x8x4096xf32, #tpu.memory_space<vmem>>, vector<1x1x128xf32>
    %get3A_721 = vector.shape_cast %get3A_720 : vector<1x1x128xf32> to vector<1x128xf32>
    %sub3A_722 = vector.broadcast %slice3A_4 : vector<64x1xf32> to vector<64x128xf32>
    %sub3A_723 = vector.broadcast %get3A_721 : vector<1x128xf32> to vector<64x128xf32>
    %sub3A_724 = arith.subf %sub3A_722, %sub3A_723 : vector<64x128xf32>
    %mul3A_725 = arith.mulf %sub3A_724, %sub3A_724 : vector<64x128xf32>
    %add3A_726 = arith.addf %add3A_716, %mul3A_725 : vector<64x128xf32>
    %get3A_727 = arith.constant 0 : index
    %get3A_728 = arith.constant 2 : index
    %get3A_729 = arith.constant 1792 : index
    %get3A_730 = vector.load %arg2[%get3A_727, %get3A_728, %get3A_729] : memref<1x8x4096xf32, #tpu.memory_space<vmem>>, vector<1x1x128xf32>
    %get3A_731 = vector.shape_cast %get3A_730 : vector<1x1x128xf32> to vector<1x128xf32>
    %sub3A_732 = vector.broadcast %slice3A_5 : vector<64x1xf32> to vector<64x128xf32>
    %sub3A_733 = vector.broadcast %get3A_731 : vector<1x128xf32> to vector<64x128xf32>
    %sub3A_734 = arith.subf %sub3A_732, %sub3A_733 : vector<64x128xf32>
    %mul3A_735 = arith.mulf %sub3A_734, %sub3A_734 : vector<64x128xf32>
    %add3A_736 = arith.addf %add3A_726, %mul3A_735 : vector<64x128xf32>
    %max3A_737 = arith.constant 9.99999991E-38 : f32
    %max3A_738 = vector.broadcast %max3A_737 : f32 to vector<64x128xf32>
    %max3A_739 = arith.maximumf %add3A_736, %max3A_738 : vector<64x128xf32>
    %bitcast_convert_type3A_740 = tpu.bitcast %max3A_739 : vector<64x128xf32> -> vector<64x128xi32>
    %and3A_741 = arith.constant -32 : i32
    %and3A_742 = vector.broadcast %and3A_741 : i32 to vector<64x128xi32>
    %and3A_743 = arith.andi %bitcast_convert_type3A_740, %and3A_742 : vector<64x128xi32>
    %or3A_744 = arith.constant 14 : i32
    %or3A_745 = vector.broadcast %or3A_744 : i32 to vector<64x128xi32>
    %or3A_746 = arith.ori %and3A_743, %or3A_745 : vector<64x128xi32>
    %bitcast_convert_type3A_747 = tpu.bitcast %or3A_746 : vector<64x128xi32> -> vector<64x128xf32>
    %min3A_748 = arith.minimumf %min3A_698, %bitcast_convert_type3A_747 : vector<64x128xf32>
    %max3A_749 = arith.maximumf %min3A_698, %bitcast_convert_type3A_747 : vector<64x128xf32>
    %min3A_750 = arith.minimumf %min3A_700, %max3A_749 : vector<64x128xf32>
    %max3A_751 = arith.maximumf %min3A_700, %max3A_749 : vector<64x128xf32>
    %min3A_752 = arith.minimumf %min3A_702, %max3A_751 : vector<64x128xf32>
    %max3A_753 = arith.maximumf %min3A_702, %max3A_751 : vector<64x128xf32>
    %min3A_754 = arith.minimumf %min3A_704, %max3A_753 : vector<64x128xf32>
    %broadcast_in_dim3A_755 = arith.constant 0.000000e+00 : f32
    %broadcast_in_dim3A_756 = vector.broadcast %broadcast_in_dim3A_755 : f32 to vector<64x128xf32>
    %get3A_757 = arith.constant 0 : index
    %get3A_758 = arith.constant 0 : index
    %get3A_759 = arith.constant 1920 : index
    %get3A_760 = vector.load %arg2[%get3A_757, %get3A_758, %get3A_759] : memref<1x8x4096xf32, #tpu.memory_space<vmem>>, vector<1x1x128xf32>
    %get3A_761 = vector.shape_cast %get3A_760 : vector<1x1x128xf32> to vector<1x128xf32>
    %sub3A_762 = vector.broadcast %slice3A : vector<64x1xf32> to vector<64x128xf32>
    %sub3A_763 = vector.broadcast %get3A_761 : vector<1x128xf32> to vector<64x128xf32>
    %sub3A_764 = arith.subf %sub3A_762, %sub3A_763 : vector<64x128xf32>
    %mul3A_765 = arith.mulf %sub3A_764, %sub3A_764 : vector<64x128xf32>
    %add3A_766 = arith.addf %broadcast_in_dim3A_756, %mul3A_765 : vector<64x128xf32>
    %get3A_767 = arith.constant 0 : index
    %get3A_768 = arith.constant 1 : index
    %get3A_769 = arith.constant 1920 : index
    %get3A_770 = vector.load %arg2[%get3A_767, %get3A_768, %get3A_769] : memref<1x8x4096xf32, #tpu.memory_space<vmem>>, vector<1x1x128xf32>
    %get3A_771 = vector.shape_cast %get3A_770 : vector<1x1x128xf32> to vector<1x128xf32>
    %sub3A_772 = vector.broadcast %slice3A_4 : vector<64x1xf32> to vector<64x128xf32>
    %sub3A_773 = vector.broadcast %get3A_771 : vector<1x128xf32> to vector<64x128xf32>
    %sub3A_774 = arith.subf %sub3A_772, %sub3A_773 : vector<64x128xf32>
    %mul3A_775 = arith.mulf %sub3A_774, %sub3A_774 : vector<64x128xf32>
    %add3A_776 = arith.addf %add3A_766, %mul3A_775 : vector<64x128xf32>
    %get3A_777 = arith.constant 0 : index
    %get3A_778 = arith.constant 2 : index
    %get3A_779 = arith.constant 1920 : index
    %get3A_780 = vector.load %arg2[%get3A_777, %get3A_778, %get3A_779] : memref<1x8x4096xf32, #tpu.memory_space<vmem>>, vector<1x1x128xf32>
    %get3A_781 = vector.shape_cast %get3A_780 : vector<1x1x128xf32> to vector<1x128xf32>
    %sub3A_782 = vector.broadcast %slice3A_5 : vector<64x1xf32> to vector<64x128xf32>
    %sub3A_783 = vector.broadcast %get3A_781 : vector<1x128xf32> to vector<64x128xf32>
    %sub3A_784 = arith.subf %sub3A_782, %sub3A_783 : vector<64x128xf32>
    %mul3A_785 = arith.mulf %sub3A_784, %sub3A_784 : vector<64x128xf32>
    %add3A_786 = arith.addf %add3A_776, %mul3A_785 : vector<64x128xf32>
    %max3A_787 = arith.constant 9.99999991E-38 : f32
    %max3A_788 = vector.broadcast %max3A_787 : f32 to vector<64x128xf32>
    %max3A_789 = arith.maximumf %add3A_786, %max3A_788 : vector<64x128xf32>
    %bitcast_convert_type3A_790 = tpu.bitcast %max3A_789 : vector<64x128xf32> -> vector<64x128xi32>
    %and3A_791 = arith.constant -32 : i32
    %and3A_792 = vector.broadcast %and3A_791 : i32 to vector<64x128xi32>
    %and3A_793 = arith.andi %bitcast_convert_type3A_790, %and3A_792 : vector<64x128xi32>
    %or3A_794 = arith.constant 15 : i32
    %or3A_795 = vector.broadcast %or3A_794 : i32 to vector<64x128xi32>
    %or3A_796 = arith.ori %and3A_793, %or3A_795 : vector<64x128xi32>
    %bitcast_convert_type3A_797 = tpu.bitcast %or3A_796 : vector<64x128xi32> -> vector<64x128xf32>
    %min3A_798 = arith.minimumf %min3A_748, %bitcast_convert_type3A_797 : vector<64x128xf32>
    %max3A_799 = arith.maximumf %min3A_748, %bitcast_convert_type3A_797 : vector<64x128xf32>
    %min3A_800 = arith.minimumf %min3A_750, %max3A_799 : vector<64x128xf32>
    %max3A_801 = arith.maximumf %min3A_750, %max3A_799 : vector<64x128xf32>
    %min3A_802 = arith.minimumf %min3A_752, %max3A_801 : vector<64x128xf32>
    %max3A_803 = arith.maximumf %min3A_752, %max3A_801 : vector<64x128xf32>
    %min3A_804 = arith.minimumf %min3A_754, %max3A_803 : vector<64x128xf32>
    %broadcast_in_dim3A_805 = arith.constant 0.000000e+00 : f32
    %broadcast_in_dim3A_806 = vector.broadcast %broadcast_in_dim3A_805 : f32 to vector<64x128xf32>
    %get3A_807 = arith.constant 0 : index
    %get3A_808 = arith.constant 0 : index
    %get3A_809 = arith.constant 2048 : index
    %get3A_810 = vector.load %arg2[%get3A_807, %get3A_808, %get3A_809] : memref<1x8x4096xf32, #tpu.memory_space<vmem>>, vector<1x1x128xf32>
    %get3A_811 = vector.shape_cast %get3A_810 : vector<1x1x128xf32> to vector<1x128xf32>
    %sub3A_812 = vector.broadcast %slice3A : vector<64x1xf32> to vector<64x128xf32>
    %sub3A_813 = vector.broadcast %get3A_811 : vector<1x128xf32> to vector<64x128xf32>
    %sub3A_814 = arith.subf %sub3A_812, %sub3A_813 : vector<64x128xf32>
    %mul3A_815 = arith.mulf %sub3A_814, %sub3A_814 : vector<64x128xf32>
    %add3A_816 = arith.addf %broadcast_in_dim3A_806, %mul3A_815 : vector<64x128xf32>
    %get3A_817 = arith.constant 0 : index
    %get3A_818 = arith.constant 1 : index
    %get3A_819 = arith.constant 2048 : index
    %get3A_820 = vector.load %arg2[%get3A_817, %get3A_818, %get3A_819] : memref<1x8x4096xf32, #tpu.memory_space<vmem>>, vector<1x1x128xf32>
    %get3A_821 = vector.shape_cast %get3A_820 : vector<1x1x128xf32> to vector<1x128xf32>
    %sub3A_822 = vector.broadcast %slice3A_4 : vector<64x1xf32> to vector<64x128xf32>
    %sub3A_823 = vector.broadcast %get3A_821 : vector<1x128xf32> to vector<64x128xf32>
    %sub3A_824 = arith.subf %sub3A_822, %sub3A_823 : vector<64x128xf32>
    %mul3A_825 = arith.mulf %sub3A_824, %sub3A_824 : vector<64x128xf32>
    %add3A_826 = arith.addf %add3A_816, %mul3A_825 : vector<64x128xf32>
    %get3A_827 = arith.constant 0 : index
    %get3A_828 = arith.constant 2 : index
    %get3A_829 = arith.constant 2048 : index
    %get3A_830 = vector.load %arg2[%get3A_827, %get3A_828, %get3A_829] : memref<1x8x4096xf32, #tpu.memory_space<vmem>>, vector<1x1x128xf32>
    %get3A_831 = vector.shape_cast %get3A_830 : vector<1x1x128xf32> to vector<1x128xf32>
    %sub3A_832 = vector.broadcast %slice3A_5 : vector<64x1xf32> to vector<64x128xf32>
    %sub3A_833 = vector.broadcast %get3A_831 : vector<1x128xf32> to vector<64x128xf32>
    %sub3A_834 = arith.subf %sub3A_832, %sub3A_833 : vector<64x128xf32>
    %mul3A_835 = arith.mulf %sub3A_834, %sub3A_834 : vector<64x128xf32>
    %add3A_836 = arith.addf %add3A_826, %mul3A_835 : vector<64x128xf32>
    %max3A_837 = arith.constant 9.99999991E-38 : f32
    %max3A_838 = vector.broadcast %max3A_837 : f32 to vector<64x128xf32>
    %max3A_839 = arith.maximumf %add3A_836, %max3A_838 : vector<64x128xf32>
    %bitcast_convert_type3A_840 = tpu.bitcast %max3A_839 : vector<64x128xf32> -> vector<64x128xi32>
    %and3A_841 = arith.constant -32 : i32
    %and3A_842 = vector.broadcast %and3A_841 : i32 to vector<64x128xi32>
    %and3A_843 = arith.andi %bitcast_convert_type3A_840, %and3A_842 : vector<64x128xi32>
    %or3A_844 = arith.constant 16 : i32
    %or3A_845 = vector.broadcast %or3A_844 : i32 to vector<64x128xi32>
    %or3A_846 = arith.ori %and3A_843, %or3A_845 : vector<64x128xi32>
    %bitcast_convert_type3A_847 = tpu.bitcast %or3A_846 : vector<64x128xi32> -> vector<64x128xf32>
    %min3A_848 = arith.minimumf %min3A_798, %bitcast_convert_type3A_847 : vector<64x128xf32>
    %max3A_849 = arith.maximumf %min3A_798, %bitcast_convert_type3A_847 : vector<64x128xf32>
    %min3A_850 = arith.minimumf %min3A_800, %max3A_849 : vector<64x128xf32>
    %max3A_851 = arith.maximumf %min3A_800, %max3A_849 : vector<64x128xf32>
    %min3A_852 = arith.minimumf %min3A_802, %max3A_851 : vector<64x128xf32>
    %max3A_853 = arith.maximumf %min3A_802, %max3A_851 : vector<64x128xf32>
    %min3A_854 = arith.minimumf %min3A_804, %max3A_853 : vector<64x128xf32>
    %broadcast_in_dim3A_855 = arith.constant 0.000000e+00 : f32
    %broadcast_in_dim3A_856 = vector.broadcast %broadcast_in_dim3A_855 : f32 to vector<64x128xf32>
    %get3A_857 = arith.constant 0 : index
    %get3A_858 = arith.constant 0 : index
    %get3A_859 = arith.constant 2176 : index
    %get3A_860 = vector.load %arg2[%get3A_857, %get3A_858, %get3A_859] : memref<1x8x4096xf32, #tpu.memory_space<vmem>>, vector<1x1x128xf32>
    %get3A_861 = vector.shape_cast %get3A_860 : vector<1x1x128xf32> to vector<1x128xf32>
    %sub3A_862 = vector.broadcast %slice3A : vector<64x1xf32> to vector<64x128xf32>
    %sub3A_863 = vector.broadcast %get3A_861 : vector<1x128xf32> to vector<64x128xf32>
    %sub3A_864 = arith.subf %sub3A_862, %sub3A_863 : vector<64x128xf32>
    %mul3A_865 = arith.mulf %sub3A_864, %sub3A_864 : vector<64x128xf32>
    %add3A_866 = arith.addf %broadcast_in_dim3A_856, %mul3A_865 : vector<64x128xf32>
    %get3A_867 = arith.constant 0 : index
    %get3A_868 = arith.constant 1 : index
    %get3A_869 = arith.constant 2176 : index
    %get3A_870 = vector.load %arg2[%get3A_867, %get3A_868, %get3A_869] : memref<1x8x4096xf32, #tpu.memory_space<vmem>>, vector<1x1x128xf32>
    %get3A_871 = vector.shape_cast %get3A_870 : vector<1x1x128xf32> to vector<1x128xf32>
    %sub3A_872 = vector.broadcast %slice3A_4 : vector<64x1xf32> to vector<64x128xf32>
    %sub3A_873 = vector.broadcast %get3A_871 : vector<1x128xf32> to vector<64x128xf32>
    %sub3A_874 = arith.subf %sub3A_872, %sub3A_873 : vector<64x128xf32>
    %mul3A_875 = arith.mulf %sub3A_874, %sub3A_874 : vector<64x128xf32>
    %add3A_876 = arith.addf %add3A_866, %mul3A_875 : vector<64x128xf32>
    %get3A_877 = arith.constant 0 : index
    %get3A_878 = arith.constant 2 : index
    %get3A_879 = arith.constant 2176 : index
    %get3A_880 = vector.load %arg2[%get3A_877, %get3A_878, %get3A_879] : memref<1x8x4096xf32, #tpu.memory_space<vmem>>, vector<1x1x128xf32>
    %get3A_881 = vector.shape_cast %get3A_880 : vector<1x1x128xf32> to vector<1x128xf32>
    %sub3A_882 = vector.broadcast %slice3A_5 : vector<64x1xf32> to vector<64x128xf32>
    %sub3A_883 = vector.broadcast %get3A_881 : vector<1x128xf32> to vector<64x128xf32>
    %sub3A_884 = arith.subf %sub3A_882, %sub3A_883 : vector<64x128xf32>
    %mul3A_885 = arith.mulf %sub3A_884, %sub3A_884 : vector<64x128xf32>
    %add3A_886 = arith.addf %add3A_876, %mul3A_885 : vector<64x128xf32>
    %max3A_887 = arith.constant 9.99999991E-38 : f32
    %max3A_888 = vector.broadcast %max3A_887 : f32 to vector<64x128xf32>
    %max3A_889 = arith.maximumf %add3A_886, %max3A_888 : vector<64x128xf32>
    %bitcast_convert_type3A_890 = tpu.bitcast %max3A_889 : vector<64x128xf32> -> vector<64x128xi32>
    %and3A_891 = arith.constant -32 : i32
    %and3A_892 = vector.broadcast %and3A_891 : i32 to vector<64x128xi32>
    %and3A_893 = arith.andi %bitcast_convert_type3A_890, %and3A_892 : vector<64x128xi32>
    %or3A_894 = arith.constant 17 : i32
    %or3A_895 = vector.broadcast %or3A_894 : i32 to vector<64x128xi32>
    %or3A_896 = arith.ori %and3A_893, %or3A_895 : vector<64x128xi32>
    %bitcast_convert_type3A_897 = tpu.bitcast %or3A_896 : vector<64x128xi32> -> vector<64x128xf32>
    %min3A_898 = arith.minimumf %min3A_848, %bitcast_convert_type3A_897 : vector<64x128xf32>
    %max3A_899 = arith.maximumf %min3A_848, %bitcast_convert_type3A_897 : vector<64x128xf32>
    %min3A_900 = arith.minimumf %min3A_850, %max3A_899 : vector<64x128xf32>
    %max3A_901 = arith.maximumf %min3A_850, %max3A_899 : vector<64x128xf32>
    %min3A_902 = arith.minimumf %min3A_852, %max3A_901 : vector<64x128xf32>
    %max3A_903 = arith.maximumf %min3A_852, %max3A_901 : vector<64x128xf32>
    %min3A_904 = arith.minimumf %min3A_854, %max3A_903 : vector<64x128xf32>
    %broadcast_in_dim3A_905 = arith.constant 0.000000e+00 : f32
    %broadcast_in_dim3A_906 = vector.broadcast %broadcast_in_dim3A_905 : f32 to vector<64x128xf32>
    %get3A_907 = arith.constant 0 : index
    %get3A_908 = arith.constant 0 : index
    %get3A_909 = arith.constant 2304 : index
    %get3A_910 = vector.load %arg2[%get3A_907, %get3A_908, %get3A_909] : memref<1x8x4096xf32, #tpu.memory_space<vmem>>, vector<1x1x128xf32>
    %get3A_911 = vector.shape_cast %get3A_910 : vector<1x1x128xf32> to vector<1x128xf32>
    %sub3A_912 = vector.broadcast %slice3A : vector<64x1xf32> to vector<64x128xf32>
    %sub3A_913 = vector.broadcast %get3A_911 : vector<1x128xf32> to vector<64x128xf32>
    %sub3A_914 = arith.subf %sub3A_912, %sub3A_913 : vector<64x128xf32>
    %mul3A_915 = arith.mulf %sub3A_914, %sub3A_914 : vector<64x128xf32>
    %add3A_916 = arith.addf %broadcast_in_dim3A_906, %mul3A_915 : vector<64x128xf32>
    %get3A_917 = arith.constant 0 : index
    %get3A_918 = arith.constant 1 : index
    %get3A_919 = arith.constant 2304 : index
    %get3A_920 = vector.load %arg2[%get3A_917, %get3A_918, %get3A_919] : memref<1x8x4096xf32, #tpu.memory_space<vmem>>, vector<1x1x128xf32>
    %get3A_921 = vector.shape_cast %get3A_920 : vector<1x1x128xf32> to vector<1x128xf32>
    %sub3A_922 = vector.broadcast %slice3A_4 : vector<64x1xf32> to vector<64x128xf32>
    %sub3A_923 = vector.broadcast %get3A_921 : vector<1x128xf32> to vector<64x128xf32>
    %sub3A_924 = arith.subf %sub3A_922, %sub3A_923 : vector<64x128xf32>
    %mul3A_925 = arith.mulf %sub3A_924, %sub3A_924 : vector<64x128xf32>
    %add3A_926 = arith.addf %add3A_916, %mul3A_925 : vector<64x128xf32>
    %get3A_927 = arith.constant 0 : index
    %get3A_928 = arith.constant 2 : index
    %get3A_929 = arith.constant 2304 : index
    %get3A_930 = vector.load %arg2[%get3A_927, %get3A_928, %get3A_929] : memref<1x8x4096xf32, #tpu.memory_space<vmem>>, vector<1x1x128xf32>
    %get3A_931 = vector.shape_cast %get3A_930 : vector<1x1x128xf32> to vector<1x128xf32>
    %sub3A_932 = vector.broadcast %slice3A_5 : vector<64x1xf32> to vector<64x128xf32>
    %sub3A_933 = vector.broadcast %get3A_931 : vector<1x128xf32> to vector<64x128xf32>
    %sub3A_934 = arith.subf %sub3A_932, %sub3A_933 : vector<64x128xf32>
    %mul3A_935 = arith.mulf %sub3A_934, %sub3A_934 : vector<64x128xf32>
    %add3A_936 = arith.addf %add3A_926, %mul3A_935 : vector<64x128xf32>
    %max3A_937 = arith.constant 9.99999991E-38 : f32
    %max3A_938 = vector.broadcast %max3A_937 : f32 to vector<64x128xf32>
    %max3A_939 = arith.maximumf %add3A_936, %max3A_938 : vector<64x128xf32>
    %bitcast_convert_type3A_940 = tpu.bitcast %max3A_939 : vector<64x128xf32> -> vector<64x128xi32>
    %and3A_941 = arith.constant -32 : i32
    %and3A_942 = vector.broadcast %and3A_941 : i32 to vector<64x128xi32>
    %and3A_943 = arith.andi %bitcast_convert_type3A_940, %and3A_942 : vector<64x128xi32>
    %or3A_944 = arith.constant 18 : i32
    %or3A_945 = vector.broadcast %or3A_944 : i32 to vector<64x128xi32>
    %or3A_946 = arith.ori %and3A_943, %or3A_945 : vector<64x128xi32>
    %bitcast_convert_type3A_947 = tpu.bitcast %or3A_946 : vector<64x128xi32> -> vector<64x128xf32>
    %min3A_948 = arith.minimumf %min3A_898, %bitcast_convert_type3A_947 : vector<64x128xf32>
    %max3A_949 = arith.maximumf %min3A_898, %bitcast_convert_type3A_947 : vector<64x128xf32>
    %min3A_950 = arith.minimumf %min3A_900, %max3A_949 : vector<64x128xf32>
    %max3A_951 = arith.maximumf %min3A_900, %max3A_949 : vector<64x128xf32>
    %min3A_952 = arith.minimumf %min3A_902, %max3A_951 : vector<64x128xf32>
    %max3A_953 = arith.maximumf %min3A_902, %max3A_951 : vector<64x128xf32>
    %min3A_954 = arith.minimumf %min3A_904, %max3A_953 : vector<64x128xf32>
    %broadcast_in_dim3A_955 = arith.constant 0.000000e+00 : f32
    %broadcast_in_dim3A_956 = vector.broadcast %broadcast_in_dim3A_955 : f32 to vector<64x128xf32>
    %get3A_957 = arith.constant 0 : index
    %get3A_958 = arith.constant 0 : index
    %get3A_959 = arith.constant 2432 : index
    %get3A_960 = vector.load %arg2[%get3A_957, %get3A_958, %get3A_959] : memref<1x8x4096xf32, #tpu.memory_space<vmem>>, vector<1x1x128xf32>
    %get3A_961 = vector.shape_cast %get3A_960 : vector<1x1x128xf32> to vector<1x128xf32>
    %sub3A_962 = vector.broadcast %slice3A : vector<64x1xf32> to vector<64x128xf32>
    %sub3A_963 = vector.broadcast %get3A_961 : vector<1x128xf32> to vector<64x128xf32>
    %sub3A_964 = arith.subf %sub3A_962, %sub3A_963 : vector<64x128xf32>
    %mul3A_965 = arith.mulf %sub3A_964, %sub3A_964 : vector<64x128xf32>
    %add3A_966 = arith.addf %broadcast_in_dim3A_956, %mul3A_965 : vector<64x128xf32>
    %get3A_967 = arith.constant 0 : index
    %get3A_968 = arith.constant 1 : index
    %get3A_969 = arith.constant 2432 : index
    %get3A_970 = vector.load %arg2[%get3A_967, %get3A_968, %get3A_969] : memref<1x8x4096xf32, #tpu.memory_space<vmem>>, vector<1x1x128xf32>
    %get3A_971 = vector.shape_cast %get3A_970 : vector<1x1x128xf32> to vector<1x128xf32>
    %sub3A_972 = vector.broadcast %slice3A_4 : vector<64x1xf32> to vector<64x128xf32>
    %sub3A_973 = vector.broadcast %get3A_971 : vector<1x128xf32> to vector<64x128xf32>
    %sub3A_974 = arith.subf %sub3A_972, %sub3A_973 : vector<64x128xf32>
    %mul3A_975 = arith.mulf %sub3A_974, %sub3A_974 : vector<64x128xf32>
    %add3A_976 = arith.addf %add3A_966, %mul3A_975 : vector<64x128xf32>
    %get3A_977 = arith.constant 0 : index
    %get3A_978 = arith.constant 2 : index
    %get3A_979 = arith.constant 2432 : index
    %get3A_980 = vector.load %arg2[%get3A_977, %get3A_978, %get3A_979] : memref<1x8x4096xf32, #tpu.memory_space<vmem>>, vector<1x1x128xf32>
    %get3A_981 = vector.shape_cast %get3A_980 : vector<1x1x128xf32> to vector<1x128xf32>
    %sub3A_982 = vector.broadcast %slice3A_5 : vector<64x1xf32> to vector<64x128xf32>
    %sub3A_983 = vector.broadcast %get3A_981 : vector<1x128xf32> to vector<64x128xf32>
    %sub3A_984 = arith.subf %sub3A_982, %sub3A_983 : vector<64x128xf32>
    %mul3A_985 = arith.mulf %sub3A_984, %sub3A_984 : vector<64x128xf32>
    %add3A_986 = arith.addf %add3A_976, %mul3A_985 : vector<64x128xf32>
    %max3A_987 = arith.constant 9.99999991E-38 : f32
    %max3A_988 = vector.broadcast %max3A_987 : f32 to vector<64x128xf32>
    %max3A_989 = arith.maximumf %add3A_986, %max3A_988 : vector<64x128xf32>
    %bitcast_convert_type3A_990 = tpu.bitcast %max3A_989 : vector<64x128xf32> -> vector<64x128xi32>
    %and3A_991 = arith.constant -32 : i32
    %and3A_992 = vector.broadcast %and3A_991 : i32 to vector<64x128xi32>
    %and3A_993 = arith.andi %bitcast_convert_type3A_990, %and3A_992 : vector<64x128xi32>
    %or3A_994 = arith.constant 19 : i32
    %or3A_995 = vector.broadcast %or3A_994 : i32 to vector<64x128xi32>
    %or3A_996 = arith.ori %and3A_993, %or3A_995 : vector<64x128xi32>
    %bitcast_convert_type3A_997 = tpu.bitcast %or3A_996 : vector<64x128xi32> -> vector<64x128xf32>
    %min3A_998 = arith.minimumf %min3A_948, %bitcast_convert_type3A_997 : vector<64x128xf32>
    %max3A_999 = arith.maximumf %min3A_948, %bitcast_convert_type3A_997 : vector<64x128xf32>
    %min3A_1000 = arith.minimumf %min3A_950, %max3A_999 : vector<64x128xf32>
    %max3A_1001 = arith.maximumf %min3A_950, %max3A_999 : vector<64x128xf32>
    %min3A_1002 = arith.minimumf %min3A_952, %max3A_1001 : vector<64x128xf32>
    %max3A_1003 = arith.maximumf %min3A_952, %max3A_1001 : vector<64x128xf32>
    %min3A_1004 = arith.minimumf %min3A_954, %max3A_1003 : vector<64x128xf32>
    %broadcast_in_dim3A_1005 = arith.constant 0.000000e+00 : f32
    %broadcast_in_dim3A_1006 = vector.broadcast %broadcast_in_dim3A_1005 : f32 to vector<64x128xf32>
    %get3A_1007 = arith.constant 0 : index
    %get3A_1008 = arith.constant 0 : index
    %get3A_1009 = arith.constant 2560 : index
    %get3A_1010 = vector.load %arg2[%get3A_1007, %get3A_1008, %get3A_1009] : memref<1x8x4096xf32, #tpu.memory_space<vmem>>, vector<1x1x128xf32>
    %get3A_1011 = vector.shape_cast %get3A_1010 : vector<1x1x128xf32> to vector<1x128xf32>
    %sub3A_1012 = vector.broadcast %slice3A : vector<64x1xf32> to vector<64x128xf32>
    %sub3A_1013 = vector.broadcast %get3A_1011 : vector<1x128xf32> to vector<64x128xf32>
    %sub3A_1014 = arith.subf %sub3A_1012, %sub3A_1013 : vector<64x128xf32>
    %mul3A_1015 = arith.mulf %sub3A_1014, %sub3A_1014 : vector<64x128xf32>
    %add3A_1016 = arith.addf %broadcast_in_dim3A_1006, %mul3A_1015 : vector<64x128xf32>
    %get3A_1017 = arith.constant 0 : index
    %get3A_1018 = arith.constant 1 : index
    %get3A_1019 = arith.constant 2560 : index
    %get3A_1020 = vector.load %arg2[%get3A_1017, %get3A_1018, %get3A_1019] : memref<1x8x4096xf32, #tpu.memory_space<vmem>>, vector<1x1x128xf32>
    %get3A_1021 = vector.shape_cast %get3A_1020 : vector<1x1x128xf32> to vector<1x128xf32>
    %sub3A_1022 = vector.broadcast %slice3A_4 : vector<64x1xf32> to vector<64x128xf32>
    %sub3A_1023 = vector.broadcast %get3A_1021 : vector<1x128xf32> to vector<64x128xf32>
    %sub3A_1024 = arith.subf %sub3A_1022, %sub3A_1023 : vector<64x128xf32>
    %mul3A_1025 = arith.mulf %sub3A_1024, %sub3A_1024 : vector<64x128xf32>
    %add3A_1026 = arith.addf %add3A_1016, %mul3A_1025 : vector<64x128xf32>
    %get3A_1027 = arith.constant 0 : index
    %get3A_1028 = arith.constant 2 : index
    %get3A_1029 = arith.constant 2560 : index
    %get3A_1030 = vector.load %arg2[%get3A_1027, %get3A_1028, %get3A_1029] : memref<1x8x4096xf32, #tpu.memory_space<vmem>>, vector<1x1x128xf32>
    %get3A_1031 = vector.shape_cast %get3A_1030 : vector<1x1x128xf32> to vector<1x128xf32>
    %sub3A_1032 = vector.broadcast %slice3A_5 : vector<64x1xf32> to vector<64x128xf32>
    %sub3A_1033 = vector.broadcast %get3A_1031 : vector<1x128xf32> to vector<64x128xf32>
    %sub3A_1034 = arith.subf %sub3A_1032, %sub3A_1033 : vector<64x128xf32>
    %mul3A_1035 = arith.mulf %sub3A_1034, %sub3A_1034 : vector<64x128xf32>
    %add3A_1036 = arith.addf %add3A_1026, %mul3A_1035 : vector<64x128xf32>
    %max3A_1037 = arith.constant 9.99999991E-38 : f32
    %max3A_1038 = vector.broadcast %max3A_1037 : f32 to vector<64x128xf32>
    %max3A_1039 = arith.maximumf %add3A_1036, %max3A_1038 : vector<64x128xf32>
    %bitcast_convert_type3A_1040 = tpu.bitcast %max3A_1039 : vector<64x128xf32> -> vector<64x128xi32>
    %and3A_1041 = arith.constant -32 : i32
    %and3A_1042 = vector.broadcast %and3A_1041 : i32 to vector<64x128xi32>
    %and3A_1043 = arith.andi %bitcast_convert_type3A_1040, %and3A_1042 : vector<64x128xi32>
    %or3A_1044 = arith.constant 20 : i32
    %or3A_1045 = vector.broadcast %or3A_1044 : i32 to vector<64x128xi32>
    %or3A_1046 = arith.ori %and3A_1043, %or3A_1045 : vector<64x128xi32>
    %bitcast_convert_type3A_1047 = tpu.bitcast %or3A_1046 : vector<64x128xi32> -> vector<64x128xf32>
    %min3A_1048 = arith.minimumf %min3A_998, %bitcast_convert_type3A_1047 : vector<64x128xf32>
    %max3A_1049 = arith.maximumf %min3A_998, %bitcast_convert_type3A_1047 : vector<64x128xf32>
    %min3A_1050 = arith.minimumf %min3A_1000, %max3A_1049 : vector<64x128xf32>
    %max3A_1051 = arith.maximumf %min3A_1000, %max3A_1049 : vector<64x128xf32>
    %min3A_1052 = arith.minimumf %min3A_1002, %max3A_1051 : vector<64x128xf32>
    %max3A_1053 = arith.maximumf %min3A_1002, %max3A_1051 : vector<64x128xf32>
    %min3A_1054 = arith.minimumf %min3A_1004, %max3A_1053 : vector<64x128xf32>
    %broadcast_in_dim3A_1055 = arith.constant 0.000000e+00 : f32
    %broadcast_in_dim3A_1056 = vector.broadcast %broadcast_in_dim3A_1055 : f32 to vector<64x128xf32>
    %get3A_1057 = arith.constant 0 : index
    %get3A_1058 = arith.constant 0 : index
    %get3A_1059 = arith.constant 2688 : index
    %get3A_1060 = vector.load %arg2[%get3A_1057, %get3A_1058, %get3A_1059] : memref<1x8x4096xf32, #tpu.memory_space<vmem>>, vector<1x1x128xf32>
    %get3A_1061 = vector.shape_cast %get3A_1060 : vector<1x1x128xf32> to vector<1x128xf32>
    %sub3A_1062 = vector.broadcast %slice3A : vector<64x1xf32> to vector<64x128xf32>
    %sub3A_1063 = vector.broadcast %get3A_1061 : vector<1x128xf32> to vector<64x128xf32>
    %sub3A_1064 = arith.subf %sub3A_1062, %sub3A_1063 : vector<64x128xf32>
    %mul3A_1065 = arith.mulf %sub3A_1064, %sub3A_1064 : vector<64x128xf32>
    %add3A_1066 = arith.addf %broadcast_in_dim3A_1056, %mul3A_1065 : vector<64x128xf32>
    %get3A_1067 = arith.constant 0 : index
    %get3A_1068 = arith.constant 1 : index
    %get3A_1069 = arith.constant 2688 : index
    %get3A_1070 = vector.load %arg2[%get3A_1067, %get3A_1068, %get3A_1069] : memref<1x8x4096xf32, #tpu.memory_space<vmem>>, vector<1x1x128xf32>
    %get3A_1071 = vector.shape_cast %get3A_1070 : vector<1x1x128xf32> to vector<1x128xf32>
    %sub3A_1072 = vector.broadcast %slice3A_4 : vector<64x1xf32> to vector<64x128xf32>
    %sub3A_1073 = vector.broadcast %get3A_1071 : vector<1x128xf32> to vector<64x128xf32>
    %sub3A_1074 = arith.subf %sub3A_1072, %sub3A_1073 : vector<64x128xf32>
    %mul3A_1075 = arith.mulf %sub3A_1074, %sub3A_1074 : vector<64x128xf32>
    %add3A_1076 = arith.addf %add3A_1066, %mul3A_1075 : vector<64x128xf32>
    %get3A_1077 = arith.constant 0 : index
    %get3A_1078 = arith.constant 2 : index
    %get3A_1079 = arith.constant 2688 : index
    %get3A_1080 = vector.load %arg2[%get3A_1077, %get3A_1078, %get3A_1079] : memref<1x8x4096xf32, #tpu.memory_space<vmem>>, vector<1x1x128xf32>
    %get3A_1081 = vector.shape_cast %get3A_1080 : vector<1x1x128xf32> to vector<1x128xf32>
    %sub3A_1082 = vector.broadcast %slice3A_5 : vector<64x1xf32> to vector<64x128xf32>
    %sub3A_1083 = vector.broadcast %get3A_1081 : vector<1x128xf32> to vector<64x128xf32>
    %sub3A_1084 = arith.subf %sub3A_1082, %sub3A_1083 : vector<64x128xf32>
    %mul3A_1085 = arith.mulf %sub3A_1084, %sub3A_1084 : vector<64x128xf32>
    %add3A_1086 = arith.addf %add3A_1076, %mul3A_1085 : vector<64x128xf32>
    %max3A_1087 = arith.constant 9.99999991E-38 : f32
    %max3A_1088 = vector.broadcast %max3A_1087 : f32 to vector<64x128xf32>
    %max3A_1089 = arith.maximumf %add3A_1086, %max3A_1088 : vector<64x128xf32>
    %bitcast_convert_type3A_1090 = tpu.bitcast %max3A_1089 : vector<64x128xf32> -> vector<64x128xi32>
    %and3A_1091 = arith.constant -32 : i32
    %and3A_1092 = vector.broadcast %and3A_1091 : i32 to vector<64x128xi32>
    %and3A_1093 = arith.andi %bitcast_convert_type3A_1090, %and3A_1092 : vector<64x128xi32>
    %or3A_1094 = arith.constant 21 : i32
    %or3A_1095 = vector.broadcast %or3A_1094 : i32 to vector<64x128xi32>
    %or3A_1096 = arith.ori %and3A_1093, %or3A_1095 : vector<64x128xi32>
    %bitcast_convert_type3A_1097 = tpu.bitcast %or3A_1096 : vector<64x128xi32> -> vector<64x128xf32>
    %min3A_1098 = arith.minimumf %min3A_1048, %bitcast_convert_type3A_1097 : vector<64x128xf32>
    %max3A_1099 = arith.maximumf %min3A_1048, %bitcast_convert_type3A_1097 : vector<64x128xf32>
    %min3A_1100 = arith.minimumf %min3A_1050, %max3A_1099 : vector<64x128xf32>
    %max3A_1101 = arith.maximumf %min3A_1050, %max3A_1099 : vector<64x128xf32>
    %min3A_1102 = arith.minimumf %min3A_1052, %max3A_1101 : vector<64x128xf32>
    %max3A_1103 = arith.maximumf %min3A_1052, %max3A_1101 : vector<64x128xf32>
    %min3A_1104 = arith.minimumf %min3A_1054, %max3A_1103 : vector<64x128xf32>
    %broadcast_in_dim3A_1105 = arith.constant 0.000000e+00 : f32
    %broadcast_in_dim3A_1106 = vector.broadcast %broadcast_in_dim3A_1105 : f32 to vector<64x128xf32>
    %get3A_1107 = arith.constant 0 : index
    %get3A_1108 = arith.constant 0 : index
    %get3A_1109 = arith.constant 2816 : index
    %get3A_1110 = vector.load %arg2[%get3A_1107, %get3A_1108, %get3A_1109] : memref<1x8x4096xf32, #tpu.memory_space<vmem>>, vector<1x1x128xf32>
    %get3A_1111 = vector.shape_cast %get3A_1110 : vector<1x1x128xf32> to vector<1x128xf32>
    %sub3A_1112 = vector.broadcast %slice3A : vector<64x1xf32> to vector<64x128xf32>
    %sub3A_1113 = vector.broadcast %get3A_1111 : vector<1x128xf32> to vector<64x128xf32>
    %sub3A_1114 = arith.subf %sub3A_1112, %sub3A_1113 : vector<64x128xf32>
    %mul3A_1115 = arith.mulf %sub3A_1114, %sub3A_1114 : vector<64x128xf32>
    %add3A_1116 = arith.addf %broadcast_in_dim3A_1106, %mul3A_1115 : vector<64x128xf32>
    %get3A_1117 = arith.constant 0 : index
    %get3A_1118 = arith.constant 1 : index
    %get3A_1119 = arith.constant 2816 : index
    %get3A_1120 = vector.load %arg2[%get3A_1117, %get3A_1118, %get3A_1119] : memref<1x8x4096xf32, #tpu.memory_space<vmem>>, vector<1x1x128xf32>
    %get3A_1121 = vector.shape_cast %get3A_1120 : vector<1x1x128xf32> to vector<1x128xf32>
    %sub3A_1122 = vector.broadcast %slice3A_4 : vector<64x1xf32> to vector<64x128xf32>
    %sub3A_1123 = vector.broadcast %get3A_1121 : vector<1x128xf32> to vector<64x128xf32>
    %sub3A_1124 = arith.subf %sub3A_1122, %sub3A_1123 : vector<64x128xf32>
    %mul3A_1125 = arith.mulf %sub3A_1124, %sub3A_1124 : vector<64x128xf32>
    %add3A_1126 = arith.addf %add3A_1116, %mul3A_1125 : vector<64x128xf32>
    %get3A_1127 = arith.constant 0 : index
    %get3A_1128 = arith.constant 2 : index
    %get3A_1129 = arith.constant 2816 : index
    %get3A_1130 = vector.load %arg2[%get3A_1127, %get3A_1128, %get3A_1129] : memref<1x8x4096xf32, #tpu.memory_space<vmem>>, vector<1x1x128xf32>
    %get3A_1131 = vector.shape_cast %get3A_1130 : vector<1x1x128xf32> to vector<1x128xf32>
    %sub3A_1132 = vector.broadcast %slice3A_5 : vector<64x1xf32> to vector<64x128xf32>
    %sub3A_1133 = vector.broadcast %get3A_1131 : vector<1x128xf32> to vector<64x128xf32>
    %sub3A_1134 = arith.subf %sub3A_1132, %sub3A_1133 : vector<64x128xf32>
    %mul3A_1135 = arith.mulf %sub3A_1134, %sub3A_1134 : vector<64x128xf32>
    %add3A_1136 = arith.addf %add3A_1126, %mul3A_1135 : vector<64x128xf32>
    %max3A_1137 = arith.constant 9.99999991E-38 : f32
    %max3A_1138 = vector.broadcast %max3A_1137 : f32 to vector<64x128xf32>
    %max3A_1139 = arith.maximumf %add3A_1136, %max3A_1138 : vector<64x128xf32>
    %bitcast_convert_type3A_1140 = tpu.bitcast %max3A_1139 : vector<64x128xf32> -> vector<64x128xi32>
    %and3A_1141 = arith.constant -32 : i32
    %and3A_1142 = vector.broadcast %and3A_1141 : i32 to vector<64x128xi32>
    %and3A_1143 = arith.andi %bitcast_convert_type3A_1140, %and3A_1142 : vector<64x128xi32>
    %or3A_1144 = arith.constant 22 : i32
    %or3A_1145 = vector.broadcast %or3A_1144 : i32 to vector<64x128xi32>
    %or3A_1146 = arith.ori %and3A_1143, %or3A_1145 : vector<64x128xi32>
    %bitcast_convert_type3A_1147 = tpu.bitcast %or3A_1146 : vector<64x128xi32> -> vector<64x128xf32>
    %min3A_1148 = arith.minimumf %min3A_1098, %bitcast_convert_type3A_1147 : vector<64x128xf32>
    %max3A_1149 = arith.maximumf %min3A_1098, %bitcast_convert_type3A_1147 : vector<64x128xf32>
    %min3A_1150 = arith.minimumf %min3A_1100, %max3A_1149 : vector<64x128xf32>
    %max3A_1151 = arith.maximumf %min3A_1100, %max3A_1149 : vector<64x128xf32>
    %min3A_1152 = arith.minimumf %min3A_1102, %max3A_1151 : vector<64x128xf32>
    %max3A_1153 = arith.maximumf %min3A_1102, %max3A_1151 : vector<64x128xf32>
    %min3A_1154 = arith.minimumf %min3A_1104, %max3A_1153 : vector<64x128xf32>
    %broadcast_in_dim3A_1155 = arith.constant 0.000000e+00 : f32
    %broadcast_in_dim3A_1156 = vector.broadcast %broadcast_in_dim3A_1155 : f32 to vector<64x128xf32>
    %get3A_1157 = arith.constant 0 : index
    %get3A_1158 = arith.constant 0 : index
    %get3A_1159 = arith.constant 2944 : index
    %get3A_1160 = vector.load %arg2[%get3A_1157, %get3A_1158, %get3A_1159] : memref<1x8x4096xf32, #tpu.memory_space<vmem>>, vector<1x1x128xf32>
    %get3A_1161 = vector.shape_cast %get3A_1160 : vector<1x1x128xf32> to vector<1x128xf32>
    %sub3A_1162 = vector.broadcast %slice3A : vector<64x1xf32> to vector<64x128xf32>
    %sub3A_1163 = vector.broadcast %get3A_1161 : vector<1x128xf32> to vector<64x128xf32>
    %sub3A_1164 = arith.subf %sub3A_1162, %sub3A_1163 : vector<64x128xf32>
    %mul3A_1165 = arith.mulf %sub3A_1164, %sub3A_1164 : vector<64x128xf32>
    %add3A_1166 = arith.addf %broadcast_in_dim3A_1156, %mul3A_1165 : vector<64x128xf32>
    %get3A_1167 = arith.constant 0 : index
    %get3A_1168 = arith.constant 1 : index
    %get3A_1169 = arith.constant 2944 : index
    %get3A_1170 = vector.load %arg2[%get3A_1167, %get3A_1168, %get3A_1169] : memref<1x8x4096xf32, #tpu.memory_space<vmem>>, vector<1x1x128xf32>
    %get3A_1171 = vector.shape_cast %get3A_1170 : vector<1x1x128xf32> to vector<1x128xf32>
    %sub3A_1172 = vector.broadcast %slice3A_4 : vector<64x1xf32> to vector<64x128xf32>
    %sub3A_1173 = vector.broadcast %get3A_1171 : vector<1x128xf32> to vector<64x128xf32>
    %sub3A_1174 = arith.subf %sub3A_1172, %sub3A_1173 : vector<64x128xf32>
    %mul3A_1175 = arith.mulf %sub3A_1174, %sub3A_1174 : vector<64x128xf32>
    %add3A_1176 = arith.addf %add3A_1166, %mul3A_1175 : vector<64x128xf32>
    %get3A_1177 = arith.constant 0 : index
    %get3A_1178 = arith.constant 2 : index
    %get3A_1179 = arith.constant 2944 : index
    %get3A_1180 = vector.load %arg2[%get3A_1177, %get3A_1178, %get3A_1179] : memref<1x8x4096xf32, #tpu.memory_space<vmem>>, vector<1x1x128xf32>
    %get3A_1181 = vector.shape_cast %get3A_1180 : vector<1x1x128xf32> to vector<1x128xf32>
    %sub3A_1182 = vector.broadcast %slice3A_5 : vector<64x1xf32> to vector<64x128xf32>
    %sub3A_1183 = vector.broadcast %get3A_1181 : vector<1x128xf32> to vector<64x128xf32>
    %sub3A_1184 = arith.subf %sub3A_1182, %sub3A_1183 : vector<64x128xf32>
    %mul3A_1185 = arith.mulf %sub3A_1184, %sub3A_1184 : vector<64x128xf32>
    %add3A_1186 = arith.addf %add3A_1176, %mul3A_1185 : vector<64x128xf32>
    %max3A_1187 = arith.constant 9.99999991E-38 : f32
    %max3A_1188 = vector.broadcast %max3A_1187 : f32 to vector<64x128xf32>
    %max3A_1189 = arith.maximumf %add3A_1186, %max3A_1188 : vector<64x128xf32>
    %bitcast_convert_type3A_1190 = tpu.bitcast %max3A_1189 : vector<64x128xf32> -> vector<64x128xi32>
    %and3A_1191 = arith.constant -32 : i32
    %and3A_1192 = vector.broadcast %and3A_1191 : i32 to vector<64x128xi32>
    %and3A_1193 = arith.andi %bitcast_convert_type3A_1190, %and3A_1192 : vector<64x128xi32>
    %or3A_1194 = arith.constant 23 : i32
    %or3A_1195 = vector.broadcast %or3A_1194 : i32 to vector<64x128xi32>
    %or3A_1196 = arith.ori %and3A_1193, %or3A_1195 : vector<64x128xi32>
    %bitcast_convert_type3A_1197 = tpu.bitcast %or3A_1196 : vector<64x128xi32> -> vector<64x128xf32>
    %min3A_1198 = arith.minimumf %min3A_1148, %bitcast_convert_type3A_1197 : vector<64x128xf32>
    %max3A_1199 = arith.maximumf %min3A_1148, %bitcast_convert_type3A_1197 : vector<64x128xf32>
    %min3A_1200 = arith.minimumf %min3A_1150, %max3A_1199 : vector<64x128xf32>
    %max3A_1201 = arith.maximumf %min3A_1150, %max3A_1199 : vector<64x128xf32>
    %min3A_1202 = arith.minimumf %min3A_1152, %max3A_1201 : vector<64x128xf32>
    %max3A_1203 = arith.maximumf %min3A_1152, %max3A_1201 : vector<64x128xf32>
    %min3A_1204 = arith.minimumf %min3A_1154, %max3A_1203 : vector<64x128xf32>
    %broadcast_in_dim3A_1205 = arith.constant 0.000000e+00 : f32
    %broadcast_in_dim3A_1206 = vector.broadcast %broadcast_in_dim3A_1205 : f32 to vector<64x128xf32>
    %get3A_1207 = arith.constant 0 : index
    %get3A_1208 = arith.constant 0 : index
    %get3A_1209 = arith.constant 3072 : index
    %get3A_1210 = vector.load %arg2[%get3A_1207, %get3A_1208, %get3A_1209] : memref<1x8x4096xf32, #tpu.memory_space<vmem>>, vector<1x1x128xf32>
    %get3A_1211 = vector.shape_cast %get3A_1210 : vector<1x1x128xf32> to vector<1x128xf32>
    %sub3A_1212 = vector.broadcast %slice3A : vector<64x1xf32> to vector<64x128xf32>
    %sub3A_1213 = vector.broadcast %get3A_1211 : vector<1x128xf32> to vector<64x128xf32>
    %sub3A_1214 = arith.subf %sub3A_1212, %sub3A_1213 : vector<64x128xf32>
    %mul3A_1215 = arith.mulf %sub3A_1214, %sub3A_1214 : vector<64x128xf32>
    %add3A_1216 = arith.addf %broadcast_in_dim3A_1206, %mul3A_1215 : vector<64x128xf32>
    %get3A_1217 = arith.constant 0 : index
    %get3A_1218 = arith.constant 1 : index
    %get3A_1219 = arith.constant 3072 : index
    %get3A_1220 = vector.load %arg2[%get3A_1217, %get3A_1218, %get3A_1219] : memref<1x8x4096xf32, #tpu.memory_space<vmem>>, vector<1x1x128xf32>
    %get3A_1221 = vector.shape_cast %get3A_1220 : vector<1x1x128xf32> to vector<1x128xf32>
    %sub3A_1222 = vector.broadcast %slice3A_4 : vector<64x1xf32> to vector<64x128xf32>
    %sub3A_1223 = vector.broadcast %get3A_1221 : vector<1x128xf32> to vector<64x128xf32>
    %sub3A_1224 = arith.subf %sub3A_1222, %sub3A_1223 : vector<64x128xf32>
    %mul3A_1225 = arith.mulf %sub3A_1224, %sub3A_1224 : vector<64x128xf32>
    %add3A_1226 = arith.addf %add3A_1216, %mul3A_1225 : vector<64x128xf32>
    %get3A_1227 = arith.constant 0 : index
    %get3A_1228 = arith.constant 2 : index
    %get3A_1229 = arith.constant 3072 : index
    %get3A_1230 = vector.load %arg2[%get3A_1227, %get3A_1228, %get3A_1229] : memref<1x8x4096xf32, #tpu.memory_space<vmem>>, vector<1x1x128xf32>
    %get3A_1231 = vector.shape_cast %get3A_1230 : vector<1x1x128xf32> to vector<1x128xf32>
    %sub3A_1232 = vector.broadcast %slice3A_5 : vector<64x1xf32> to vector<64x128xf32>
    %sub3A_1233 = vector.broadcast %get3A_1231 : vector<1x128xf32> to vector<64x128xf32>
    %sub3A_1234 = arith.subf %sub3A_1232, %sub3A_1233 : vector<64x128xf32>
    %mul3A_1235 = arith.mulf %sub3A_1234, %sub3A_1234 : vector<64x128xf32>
    %add3A_1236 = arith.addf %add3A_1226, %mul3A_1235 : vector<64x128xf32>
    %max3A_1237 = arith.constant 9.99999991E-38 : f32
    %max3A_1238 = vector.broadcast %max3A_1237 : f32 to vector<64x128xf32>
    %max3A_1239 = arith.maximumf %add3A_1236, %max3A_1238 : vector<64x128xf32>
    %bitcast_convert_type3A_1240 = tpu.bitcast %max3A_1239 : vector<64x128xf32> -> vector<64x128xi32>
    %and3A_1241 = arith.constant -32 : i32
    %and3A_1242 = vector.broadcast %and3A_1241 : i32 to vector<64x128xi32>
    %and3A_1243 = arith.andi %bitcast_convert_type3A_1240, %and3A_1242 : vector<64x128xi32>
    %or3A_1244 = arith.constant 24 : i32
    %or3A_1245 = vector.broadcast %or3A_1244 : i32 to vector<64x128xi32>
    %or3A_1246 = arith.ori %and3A_1243, %or3A_1245 : vector<64x128xi32>
    %bitcast_convert_type3A_1247 = tpu.bitcast %or3A_1246 : vector<64x128xi32> -> vector<64x128xf32>
    %min3A_1248 = arith.minimumf %min3A_1198, %bitcast_convert_type3A_1247 : vector<64x128xf32>
    %max3A_1249 = arith.maximumf %min3A_1198, %bitcast_convert_type3A_1247 : vector<64x128xf32>
    %min3A_1250 = arith.minimumf %min3A_1200, %max3A_1249 : vector<64x128xf32>
    %max3A_1251 = arith.maximumf %min3A_1200, %max3A_1249 : vector<64x128xf32>
    %min3A_1252 = arith.minimumf %min3A_1202, %max3A_1251 : vector<64x128xf32>
    %max3A_1253 = arith.maximumf %min3A_1202, %max3A_1251 : vector<64x128xf32>
    %min3A_1254 = arith.minimumf %min3A_1204, %max3A_1253 : vector<64x128xf32>
    %broadcast_in_dim3A_1255 = arith.constant 0.000000e+00 : f32
    %broadcast_in_dim3A_1256 = vector.broadcast %broadcast_in_dim3A_1255 : f32 to vector<64x128xf32>
    %get3A_1257 = arith.constant 0 : index
    %get3A_1258 = arith.constant 0 : index
    %get3A_1259 = arith.constant 3200 : index
    %get3A_1260 = vector.load %arg2[%get3A_1257, %get3A_1258, %get3A_1259] : memref<1x8x4096xf32, #tpu.memory_space<vmem>>, vector<1x1x128xf32>
    %get3A_1261 = vector.shape_cast %get3A_1260 : vector<1x1x128xf32> to vector<1x128xf32>
    %sub3A_1262 = vector.broadcast %slice3A : vector<64x1xf32> to vector<64x128xf32>
    %sub3A_1263 = vector.broadcast %get3A_1261 : vector<1x128xf32> to vector<64x128xf32>
    %sub3A_1264 = arith.subf %sub3A_1262, %sub3A_1263 : vector<64x128xf32>
    %mul3A_1265 = arith.mulf %sub3A_1264, %sub3A_1264 : vector<64x128xf32>
    %add3A_1266 = arith.addf %broadcast_in_dim3A_1256, %mul3A_1265 : vector<64x128xf32>
    %get3A_1267 = arith.constant 0 : index
    %get3A_1268 = arith.constant 1 : index
    %get3A_1269 = arith.constant 3200 : index
    %get3A_1270 = vector.load %arg2[%get3A_1267, %get3A_1268, %get3A_1269] : memref<1x8x4096xf32, #tpu.memory_space<vmem>>, vector<1x1x128xf32>
    %get3A_1271 = vector.shape_cast %get3A_1270 : vector<1x1x128xf32> to vector<1x128xf32>
    %sub3A_1272 = vector.broadcast %slice3A_4 : vector<64x1xf32> to vector<64x128xf32>
    %sub3A_1273 = vector.broadcast %get3A_1271 : vector<1x128xf32> to vector<64x128xf32>
    %sub3A_1274 = arith.subf %sub3A_1272, %sub3A_1273 : vector<64x128xf32>
    %mul3A_1275 = arith.mulf %sub3A_1274, %sub3A_1274 : vector<64x128xf32>
    %add3A_1276 = arith.addf %add3A_1266, %mul3A_1275 : vector<64x128xf32>
    %get3A_1277 = arith.constant 0 : index
    %get3A_1278 = arith.constant 2 : index
    %get3A_1279 = arith.constant 3200 : index
    %get3A_1280 = vector.load %arg2[%get3A_1277, %get3A_1278, %get3A_1279] : memref<1x8x4096xf32, #tpu.memory_space<vmem>>, vector<1x1x128xf32>
    %get3A_1281 = vector.shape_cast %get3A_1280 : vector<1x1x128xf32> to vector<1x128xf32>
    %sub3A_1282 = vector.broadcast %slice3A_5 : vector<64x1xf32> to vector<64x128xf32>
    %sub3A_1283 = vector.broadcast %get3A_1281 : vector<1x128xf32> to vector<64x128xf32>
    %sub3A_1284 = arith.subf %sub3A_1282, %sub3A_1283 : vector<64x128xf32>
    %mul3A_1285 = arith.mulf %sub3A_1284, %sub3A_1284 : vector<64x128xf32>
    %add3A_1286 = arith.addf %add3A_1276, %mul3A_1285 : vector<64x128xf32>
    %max3A_1287 = arith.constant 9.99999991E-38 : f32
    %max3A_1288 = vector.broadcast %max3A_1287 : f32 to vector<64x128xf32>
    %max3A_1289 = arith.maximumf %add3A_1286, %max3A_1288 : vector<64x128xf32>
    %bitcast_convert_type3A_1290 = tpu.bitcast %max3A_1289 : vector<64x128xf32> -> vector<64x128xi32>
    %and3A_1291 = arith.constant -32 : i32
    %and3A_1292 = vector.broadcast %and3A_1291 : i32 to vector<64x128xi32>
    %and3A_1293 = arith.andi %bitcast_convert_type3A_1290, %and3A_1292 : vector<64x128xi32>
    %or3A_1294 = arith.constant 25 : i32
    %or3A_1295 = vector.broadcast %or3A_1294 : i32 to vector<64x128xi32>
    %or3A_1296 = arith.ori %and3A_1293, %or3A_1295 : vector<64x128xi32>
    %bitcast_convert_type3A_1297 = tpu.bitcast %or3A_1296 : vector<64x128xi32> -> vector<64x128xf32>
    %min3A_1298 = arith.minimumf %min3A_1248, %bitcast_convert_type3A_1297 : vector<64x128xf32>
    %max3A_1299 = arith.maximumf %min3A_1248, %bitcast_convert_type3A_1297 : vector<64x128xf32>
    %min3A_1300 = arith.minimumf %min3A_1250, %max3A_1299 : vector<64x128xf32>
    %max3A_1301 = arith.maximumf %min3A_1250, %max3A_1299 : vector<64x128xf32>
    %min3A_1302 = arith.minimumf %min3A_1252, %max3A_1301 : vector<64x128xf32>
    %max3A_1303 = arith.maximumf %min3A_1252, %max3A_1301 : vector<64x128xf32>
    %min3A_1304 = arith.minimumf %min3A_1254, %max3A_1303 : vector<64x128xf32>
    %broadcast_in_dim3A_1305 = arith.constant 0.000000e+00 : f32
    %broadcast_in_dim3A_1306 = vector.broadcast %broadcast_in_dim3A_1305 : f32 to vector<64x128xf32>
    %get3A_1307 = arith.constant 0 : index
    %get3A_1308 = arith.constant 0 : index
    %get3A_1309 = arith.constant 3328 : index
    %get3A_1310 = vector.load %arg2[%get3A_1307, %get3A_1308, %get3A_1309] : memref<1x8x4096xf32, #tpu.memory_space<vmem>>, vector<1x1x128xf32>
    %get3A_1311 = vector.shape_cast %get3A_1310 : vector<1x1x128xf32> to vector<1x128xf32>
    %sub3A_1312 = vector.broadcast %slice3A : vector<64x1xf32> to vector<64x128xf32>
    %sub3A_1313 = vector.broadcast %get3A_1311 : vector<1x128xf32> to vector<64x128xf32>
    %sub3A_1314 = arith.subf %sub3A_1312, %sub3A_1313 : vector<64x128xf32>
    %mul3A_1315 = arith.mulf %sub3A_1314, %sub3A_1314 : vector<64x128xf32>
    %add3A_1316 = arith.addf %broadcast_in_dim3A_1306, %mul3A_1315 : vector<64x128xf32>
    %get3A_1317 = arith.constant 0 : index
    %get3A_1318 = arith.constant 1 : index
    %get3A_1319 = arith.constant 3328 : index
    %get3A_1320 = vector.load %arg2[%get3A_1317, %get3A_1318, %get3A_1319] : memref<1x8x4096xf32, #tpu.memory_space<vmem>>, vector<1x1x128xf32>
    %get3A_1321 = vector.shape_cast %get3A_1320 : vector<1x1x128xf32> to vector<1x128xf32>
    %sub3A_1322 = vector.broadcast %slice3A_4 : vector<64x1xf32> to vector<64x128xf32>
    %sub3A_1323 = vector.broadcast %get3A_1321 : vector<1x128xf32> to vector<64x128xf32>
    %sub3A_1324 = arith.subf %sub3A_1322, %sub3A_1323 : vector<64x128xf32>
    %mul3A_1325 = arith.mulf %sub3A_1324, %sub3A_1324 : vector<64x128xf32>
    %add3A_1326 = arith.addf %add3A_1316, %mul3A_1325 : vector<64x128xf32>
    %get3A_1327 = arith.constant 0 : index
    %get3A_1328 = arith.constant 2 : index
    %get3A_1329 = arith.constant 3328 : index
    %get3A_1330 = vector.load %arg2[%get3A_1327, %get3A_1328, %get3A_1329] : memref<1x8x4096xf32, #tpu.memory_space<vmem>>, vector<1x1x128xf32>
    %get3A_1331 = vector.shape_cast %get3A_1330 : vector<1x1x128xf32> to vector<1x128xf32>
    %sub3A_1332 = vector.broadcast %slice3A_5 : vector<64x1xf32> to vector<64x128xf32>
    %sub3A_1333 = vector.broadcast %get3A_1331 : vector<1x128xf32> to vector<64x128xf32>
    %sub3A_1334 = arith.subf %sub3A_1332, %sub3A_1333 : vector<64x128xf32>
    %mul3A_1335 = arith.mulf %sub3A_1334, %sub3A_1334 : vector<64x128xf32>
    %add3A_1336 = arith.addf %add3A_1326, %mul3A_1335 : vector<64x128xf32>
    %max3A_1337 = arith.constant 9.99999991E-38 : f32
    %max3A_1338 = vector.broadcast %max3A_1337 : f32 to vector<64x128xf32>
    %max3A_1339 = arith.maximumf %add3A_1336, %max3A_1338 : vector<64x128xf32>
    %bitcast_convert_type3A_1340 = tpu.bitcast %max3A_1339 : vector<64x128xf32> -> vector<64x128xi32>
    %and3A_1341 = arith.constant -32 : i32
    %and3A_1342 = vector.broadcast %and3A_1341 : i32 to vector<64x128xi32>
    %and3A_1343 = arith.andi %bitcast_convert_type3A_1340, %and3A_1342 : vector<64x128xi32>
    %or3A_1344 = arith.constant 26 : i32
    %or3A_1345 = vector.broadcast %or3A_1344 : i32 to vector<64x128xi32>
    %or3A_1346 = arith.ori %and3A_1343, %or3A_1345 : vector<64x128xi32>
    %bitcast_convert_type3A_1347 = tpu.bitcast %or3A_1346 : vector<64x128xi32> -> vector<64x128xf32>
    %min3A_1348 = arith.minimumf %min3A_1298, %bitcast_convert_type3A_1347 : vector<64x128xf32>
    %max3A_1349 = arith.maximumf %min3A_1298, %bitcast_convert_type3A_1347 : vector<64x128xf32>
    %min3A_1350 = arith.minimumf %min3A_1300, %max3A_1349 : vector<64x128xf32>
    %max3A_1351 = arith.maximumf %min3A_1300, %max3A_1349 : vector<64x128xf32>
    %min3A_1352 = arith.minimumf %min3A_1302, %max3A_1351 : vector<64x128xf32>
    %max3A_1353 = arith.maximumf %min3A_1302, %max3A_1351 : vector<64x128xf32>
    %min3A_1354 = arith.minimumf %min3A_1304, %max3A_1353 : vector<64x128xf32>
    %broadcast_in_dim3A_1355 = arith.constant 0.000000e+00 : f32
    %broadcast_in_dim3A_1356 = vector.broadcast %broadcast_in_dim3A_1355 : f32 to vector<64x128xf32>
    %get3A_1357 = arith.constant 0 : index
    %get3A_1358 = arith.constant 0 : index
    %get3A_1359 = arith.constant 3456 : index
    %get3A_1360 = vector.load %arg2[%get3A_1357, %get3A_1358, %get3A_1359] : memref<1x8x4096xf32, #tpu.memory_space<vmem>>, vector<1x1x128xf32>
    %get3A_1361 = vector.shape_cast %get3A_1360 : vector<1x1x128xf32> to vector<1x128xf32>
    %sub3A_1362 = vector.broadcast %slice3A : vector<64x1xf32> to vector<64x128xf32>
    %sub3A_1363 = vector.broadcast %get3A_1361 : vector<1x128xf32> to vector<64x128xf32>
    %sub3A_1364 = arith.subf %sub3A_1362, %sub3A_1363 : vector<64x128xf32>
    %mul3A_1365 = arith.mulf %sub3A_1364, %sub3A_1364 : vector<64x128xf32>
    %add3A_1366 = arith.addf %broadcast_in_dim3A_1356, %mul3A_1365 : vector<64x128xf32>
    %get3A_1367 = arith.constant 0 : index
    %get3A_1368 = arith.constant 1 : index
    %get3A_1369 = arith.constant 3456 : index
    %get3A_1370 = vector.load %arg2[%get3A_1367, %get3A_1368, %get3A_1369] : memref<1x8x4096xf32, #tpu.memory_space<vmem>>, vector<1x1x128xf32>
    %get3A_1371 = vector.shape_cast %get3A_1370 : vector<1x1x128xf32> to vector<1x128xf32>
    %sub3A_1372 = vector.broadcast %slice3A_4 : vector<64x1xf32> to vector<64x128xf32>
    %sub3A_1373 = vector.broadcast %get3A_1371 : vector<1x128xf32> to vector<64x128xf32>
    %sub3A_1374 = arith.subf %sub3A_1372, %sub3A_1373 : vector<64x128xf32>
    %mul3A_1375 = arith.mulf %sub3A_1374, %sub3A_1374 : vector<64x128xf32>
    %add3A_1376 = arith.addf %add3A_1366, %mul3A_1375 : vector<64x128xf32>
    %get3A_1377 = arith.constant 0 : index
    %get3A_1378 = arith.constant 2 : index
    %get3A_1379 = arith.constant 3456 : index
    %get3A_1380 = vector.load %arg2[%get3A_1377, %get3A_1378, %get3A_1379] : memref<1x8x4096xf32, #tpu.memory_space<vmem>>, vector<1x1x128xf32>
    %get3A_1381 = vector.shape_cast %get3A_1380 : vector<1x1x128xf32> to vector<1x128xf32>
    %sub3A_1382 = vector.broadcast %slice3A_5 : vector<64x1xf32> to vector<64x128xf32>
    %sub3A_1383 = vector.broadcast %get3A_1381 : vector<1x128xf32> to vector<64x128xf32>
    %sub3A_1384 = arith.subf %sub3A_1382, %sub3A_1383 : vector<64x128xf32>
    %mul3A_1385 = arith.mulf %sub3A_1384, %sub3A_1384 : vector<64x128xf32>
    %add3A_1386 = arith.addf %add3A_1376, %mul3A_1385 : vector<64x128xf32>
    %max3A_1387 = arith.constant 9.99999991E-38 : f32
    %max3A_1388 = vector.broadcast %max3A_1387 : f32 to vector<64x128xf32>
    %max3A_1389 = arith.maximumf %add3A_1386, %max3A_1388 : vector<64x128xf32>
    %bitcast_convert_type3A_1390 = tpu.bitcast %max3A_1389 : vector<64x128xf32> -> vector<64x128xi32>
    %and3A_1391 = arith.constant -32 : i32
    %and3A_1392 = vector.broadcast %and3A_1391 : i32 to vector<64x128xi32>
    %and3A_1393 = arith.andi %bitcast_convert_type3A_1390, %and3A_1392 : vector<64x128xi32>
    %or3A_1394 = arith.constant 27 : i32
    %or3A_1395 = vector.broadcast %or3A_1394 : i32 to vector<64x128xi32>
    %or3A_1396 = arith.ori %and3A_1393, %or3A_1395 : vector<64x128xi32>
    %bitcast_convert_type3A_1397 = tpu.bitcast %or3A_1396 : vector<64x128xi32> -> vector<64x128xf32>
    %min3A_1398 = arith.minimumf %min3A_1348, %bitcast_convert_type3A_1397 : vector<64x128xf32>
    %max3A_1399 = arith.maximumf %min3A_1348, %bitcast_convert_type3A_1397 : vector<64x128xf32>
    %min3A_1400 = arith.minimumf %min3A_1350, %max3A_1399 : vector<64x128xf32>
    %max3A_1401 = arith.maximumf %min3A_1350, %max3A_1399 : vector<64x128xf32>
    %min3A_1402 = arith.minimumf %min3A_1352, %max3A_1401 : vector<64x128xf32>
    %max3A_1403 = arith.maximumf %min3A_1352, %max3A_1401 : vector<64x128xf32>
    %min3A_1404 = arith.minimumf %min3A_1354, %max3A_1403 : vector<64x128xf32>
    %broadcast_in_dim3A_1405 = arith.constant 0.000000e+00 : f32
    %broadcast_in_dim3A_1406 = vector.broadcast %broadcast_in_dim3A_1405 : f32 to vector<64x128xf32>
    %get3A_1407 = arith.constant 0 : index
    %get3A_1408 = arith.constant 0 : index
    %get3A_1409 = arith.constant 3584 : index
    %get3A_1410 = vector.load %arg2[%get3A_1407, %get3A_1408, %get3A_1409] : memref<1x8x4096xf32, #tpu.memory_space<vmem>>, vector<1x1x128xf32>
    %get3A_1411 = vector.shape_cast %get3A_1410 : vector<1x1x128xf32> to vector<1x128xf32>
    %sub3A_1412 = vector.broadcast %slice3A : vector<64x1xf32> to vector<64x128xf32>
    %sub3A_1413 = vector.broadcast %get3A_1411 : vector<1x128xf32> to vector<64x128xf32>
    %sub3A_1414 = arith.subf %sub3A_1412, %sub3A_1413 : vector<64x128xf32>
    %mul3A_1415 = arith.mulf %sub3A_1414, %sub3A_1414 : vector<64x128xf32>
    %add3A_1416 = arith.addf %broadcast_in_dim3A_1406, %mul3A_1415 : vector<64x128xf32>
    %get3A_1417 = arith.constant 0 : index
    %get3A_1418 = arith.constant 1 : index
    %get3A_1419 = arith.constant 3584 : index
    %get3A_1420 = vector.load %arg2[%get3A_1417, %get3A_1418, %get3A_1419] : memref<1x8x4096xf32, #tpu.memory_space<vmem>>, vector<1x1x128xf32>
    %get3A_1421 = vector.shape_cast %get3A_1420 : vector<1x1x128xf32> to vector<1x128xf32>
    %sub3A_1422 = vector.broadcast %slice3A_4 : vector<64x1xf32> to vector<64x128xf32>
    %sub3A_1423 = vector.broadcast %get3A_1421 : vector<1x128xf32> to vector<64x128xf32>
    %sub3A_1424 = arith.subf %sub3A_1422, %sub3A_1423 : vector<64x128xf32>
    %mul3A_1425 = arith.mulf %sub3A_1424, %sub3A_1424 : vector<64x128xf32>
    %add3A_1426 = arith.addf %add3A_1416, %mul3A_1425 : vector<64x128xf32>
    %get3A_1427 = arith.constant 0 : index
    %get3A_1428 = arith.constant 2 : index
    %get3A_1429 = arith.constant 3584 : index
    %get3A_1430 = vector.load %arg2[%get3A_1427, %get3A_1428, %get3A_1429] : memref<1x8x4096xf32, #tpu.memory_space<vmem>>, vector<1x1x128xf32>
    %get3A_1431 = vector.shape_cast %get3A_1430 : vector<1x1x128xf32> to vector<1x128xf32>
    %sub3A_1432 = vector.broadcast %slice3A_5 : vector<64x1xf32> to vector<64x128xf32>
    %sub3A_1433 = vector.broadcast %get3A_1431 : vector<1x128xf32> to vector<64x128xf32>
    %sub3A_1434 = arith.subf %sub3A_1432, %sub3A_1433 : vector<64x128xf32>
    %mul3A_1435 = arith.mulf %sub3A_1434, %sub3A_1434 : vector<64x128xf32>
    %add3A_1436 = arith.addf %add3A_1426, %mul3A_1435 : vector<64x128xf32>
    %max3A_1437 = arith.constant 9.99999991E-38 : f32
    %max3A_1438 = vector.broadcast %max3A_1437 : f32 to vector<64x128xf32>
    %max3A_1439 = arith.maximumf %add3A_1436, %max3A_1438 : vector<64x128xf32>
    %bitcast_convert_type3A_1440 = tpu.bitcast %max3A_1439 : vector<64x128xf32> -> vector<64x128xi32>
    %and3A_1441 = arith.constant -32 : i32
    %and3A_1442 = vector.broadcast %and3A_1441 : i32 to vector<64x128xi32>
    %and3A_1443 = arith.andi %bitcast_convert_type3A_1440, %and3A_1442 : vector<64x128xi32>
    %or3A_1444 = arith.constant 28 : i32
    %or3A_1445 = vector.broadcast %or3A_1444 : i32 to vector<64x128xi32>
    %or3A_1446 = arith.ori %and3A_1443, %or3A_1445 : vector<64x128xi32>
    %bitcast_convert_type3A_1447 = tpu.bitcast %or3A_1446 : vector<64x128xi32> -> vector<64x128xf32>
    %min3A_1448 = arith.minimumf %min3A_1398, %bitcast_convert_type3A_1447 : vector<64x128xf32>
    %max3A_1449 = arith.maximumf %min3A_1398, %bitcast_convert_type3A_1447 : vector<64x128xf32>
    %min3A_1450 = arith.minimumf %min3A_1400, %max3A_1449 : vector<64x128xf32>
    %max3A_1451 = arith.maximumf %min3A_1400, %max3A_1449 : vector<64x128xf32>
    %min3A_1452 = arith.minimumf %min3A_1402, %max3A_1451 : vector<64x128xf32>
    %max3A_1453 = arith.maximumf %min3A_1402, %max3A_1451 : vector<64x128xf32>
    %min3A_1454 = arith.minimumf %min3A_1404, %max3A_1453 : vector<64x128xf32>
    %broadcast_in_dim3A_1455 = arith.constant 0.000000e+00 : f32
    %broadcast_in_dim3A_1456 = vector.broadcast %broadcast_in_dim3A_1455 : f32 to vector<64x128xf32>
    %get3A_1457 = arith.constant 0 : index
    %get3A_1458 = arith.constant 0 : index
    %get3A_1459 = arith.constant 3712 : index
    %get3A_1460 = vector.load %arg2[%get3A_1457, %get3A_1458, %get3A_1459] : memref<1x8x4096xf32, #tpu.memory_space<vmem>>, vector<1x1x128xf32>
    %get3A_1461 = vector.shape_cast %get3A_1460 : vector<1x1x128xf32> to vector<1x128xf32>
    %sub3A_1462 = vector.broadcast %slice3A : vector<64x1xf32> to vector<64x128xf32>
    %sub3A_1463 = vector.broadcast %get3A_1461 : vector<1x128xf32> to vector<64x128xf32>
    %sub3A_1464 = arith.subf %sub3A_1462, %sub3A_1463 : vector<64x128xf32>
    %mul3A_1465 = arith.mulf %sub3A_1464, %sub3A_1464 : vector<64x128xf32>
    %add3A_1466 = arith.addf %broadcast_in_dim3A_1456, %mul3A_1465 : vector<64x128xf32>
    %get3A_1467 = arith.constant 0 : index
    %get3A_1468 = arith.constant 1 : index
    %get3A_1469 = arith.constant 3712 : index
    %get3A_1470 = vector.load %arg2[%get3A_1467, %get3A_1468, %get3A_1469] : memref<1x8x4096xf32, #tpu.memory_space<vmem>>, vector<1x1x128xf32>
    %get3A_1471 = vector.shape_cast %get3A_1470 : vector<1x1x128xf32> to vector<1x128xf32>
    %sub3A_1472 = vector.broadcast %slice3A_4 : vector<64x1xf32> to vector<64x128xf32>
    %sub3A_1473 = vector.broadcast %get3A_1471 : vector<1x128xf32> to vector<64x128xf32>
    %sub3A_1474 = arith.subf %sub3A_1472, %sub3A_1473 : vector<64x128xf32>
    %mul3A_1475 = arith.mulf %sub3A_1474, %sub3A_1474 : vector<64x128xf32>
    %add3A_1476 = arith.addf %add3A_1466, %mul3A_1475 : vector<64x128xf32>
    %get3A_1477 = arith.constant 0 : index
    %get3A_1478 = arith.constant 2 : index
    %get3A_1479 = arith.constant 3712 : index
    %get3A_1480 = vector.load %arg2[%get3A_1477, %get3A_1478, %get3A_1479] : memref<1x8x4096xf32, #tpu.memory_space<vmem>>, vector<1x1x128xf32>
    %get3A_1481 = vector.shape_cast %get3A_1480 : vector<1x1x128xf32> to vector<1x128xf32>
    %sub3A_1482 = vector.broadcast %slice3A_5 : vector<64x1xf32> to vector<64x128xf32>
    %sub3A_1483 = vector.broadcast %get3A_1481 : vector<1x128xf32> to vector<64x128xf32>
    %sub3A_1484 = arith.subf %sub3A_1482, %sub3A_1483 : vector<64x128xf32>
    %mul3A_1485 = arith.mulf %sub3A_1484, %sub3A_1484 : vector<64x128xf32>
    %add3A_1486 = arith.addf %add3A_1476, %mul3A_1485 : vector<64x128xf32>
    %max3A_1487 = arith.constant 9.99999991E-38 : f32
    %max3A_1488 = vector.broadcast %max3A_1487 : f32 to vector<64x128xf32>
    %max3A_1489 = arith.maximumf %add3A_1486, %max3A_1488 : vector<64x128xf32>
    %bitcast_convert_type3A_1490 = tpu.bitcast %max3A_1489 : vector<64x128xf32> -> vector<64x128xi32>
    %and3A_1491 = arith.constant -32 : i32
    %and3A_1492 = vector.broadcast %and3A_1491 : i32 to vector<64x128xi32>
    %and3A_1493 = arith.andi %bitcast_convert_type3A_1490, %and3A_1492 : vector<64x128xi32>
    %or3A_1494 = arith.constant 29 : i32
    %or3A_1495 = vector.broadcast %or3A_1494 : i32 to vector<64x128xi32>
    %or3A_1496 = arith.ori %and3A_1493, %or3A_1495 : vector<64x128xi32>
    %bitcast_convert_type3A_1497 = tpu.bitcast %or3A_1496 : vector<64x128xi32> -> vector<64x128xf32>
    %min3A_1498 = arith.minimumf %min3A_1448, %bitcast_convert_type3A_1497 : vector<64x128xf32>
    %max3A_1499 = arith.maximumf %min3A_1448, %bitcast_convert_type3A_1497 : vector<64x128xf32>
    %min3A_1500 = arith.minimumf %min3A_1450, %max3A_1499 : vector<64x128xf32>
    %max3A_1501 = arith.maximumf %min3A_1450, %max3A_1499 : vector<64x128xf32>
    %min3A_1502 = arith.minimumf %min3A_1452, %max3A_1501 : vector<64x128xf32>
    %max3A_1503 = arith.maximumf %min3A_1452, %max3A_1501 : vector<64x128xf32>
    %min3A_1504 = arith.minimumf %min3A_1454, %max3A_1503 : vector<64x128xf32>
    %broadcast_in_dim3A_1505 = arith.constant 0.000000e+00 : f32
    %broadcast_in_dim3A_1506 = vector.broadcast %broadcast_in_dim3A_1505 : f32 to vector<64x128xf32>
    %get3A_1507 = arith.constant 0 : index
    %get3A_1508 = arith.constant 0 : index
    %get3A_1509 = arith.constant 3840 : index
    %get3A_1510 = vector.load %arg2[%get3A_1507, %get3A_1508, %get3A_1509] : memref<1x8x4096xf32, #tpu.memory_space<vmem>>, vector<1x1x128xf32>
    %get3A_1511 = vector.shape_cast %get3A_1510 : vector<1x1x128xf32> to vector<1x128xf32>
    %sub3A_1512 = vector.broadcast %slice3A : vector<64x1xf32> to vector<64x128xf32>
    %sub3A_1513 = vector.broadcast %get3A_1511 : vector<1x128xf32> to vector<64x128xf32>
    %sub3A_1514 = arith.subf %sub3A_1512, %sub3A_1513 : vector<64x128xf32>
    %mul3A_1515 = arith.mulf %sub3A_1514, %sub3A_1514 : vector<64x128xf32>
    %add3A_1516 = arith.addf %broadcast_in_dim3A_1506, %mul3A_1515 : vector<64x128xf32>
    %get3A_1517 = arith.constant 0 : index
    %get3A_1518 = arith.constant 1 : index
    %get3A_1519 = arith.constant 3840 : index
    %get3A_1520 = vector.load %arg2[%get3A_1517, %get3A_1518, %get3A_1519] : memref<1x8x4096xf32, #tpu.memory_space<vmem>>, vector<1x1x128xf32>
    %get3A_1521 = vector.shape_cast %get3A_1520 : vector<1x1x128xf32> to vector<1x128xf32>
    %sub3A_1522 = vector.broadcast %slice3A_4 : vector<64x1xf32> to vector<64x128xf32>
    %sub3A_1523 = vector.broadcast %get3A_1521 : vector<1x128xf32> to vector<64x128xf32>
    %sub3A_1524 = arith.subf %sub3A_1522, %sub3A_1523 : vector<64x128xf32>
    %mul3A_1525 = arith.mulf %sub3A_1524, %sub3A_1524 : vector<64x128xf32>
    %add3A_1526 = arith.addf %add3A_1516, %mul3A_1525 : vector<64x128xf32>
    %get3A_1527 = arith.constant 0 : index
    %get3A_1528 = arith.constant 2 : index
    %get3A_1529 = arith.constant 3840 : index
    %get3A_1530 = vector.load %arg2[%get3A_1527, %get3A_1528, %get3A_1529] : memref<1x8x4096xf32, #tpu.memory_space<vmem>>, vector<1x1x128xf32>
    %get3A_1531 = vector.shape_cast %get3A_1530 : vector<1x1x128xf32> to vector<1x128xf32>
    %sub3A_1532 = vector.broadcast %slice3A_5 : vector<64x1xf32> to vector<64x128xf32>
    %sub3A_1533 = vector.broadcast %get3A_1531 : vector<1x128xf32> to vector<64x128xf32>
    %sub3A_1534 = arith.subf %sub3A_1532, %sub3A_1533 : vector<64x128xf32>
    %mul3A_1535 = arith.mulf %sub3A_1534, %sub3A_1534 : vector<64x128xf32>
    %add3A_1536 = arith.addf %add3A_1526, %mul3A_1535 : vector<64x128xf32>
    %max3A_1537 = arith.constant 9.99999991E-38 : f32
    %max3A_1538 = vector.broadcast %max3A_1537 : f32 to vector<64x128xf32>
    %max3A_1539 = arith.maximumf %add3A_1536, %max3A_1538 : vector<64x128xf32>
    %bitcast_convert_type3A_1540 = tpu.bitcast %max3A_1539 : vector<64x128xf32> -> vector<64x128xi32>
    %and3A_1541 = arith.constant -32 : i32
    %and3A_1542 = vector.broadcast %and3A_1541 : i32 to vector<64x128xi32>
    %and3A_1543 = arith.andi %bitcast_convert_type3A_1540, %and3A_1542 : vector<64x128xi32>
    %or3A_1544 = arith.constant 30 : i32
    %or3A_1545 = vector.broadcast %or3A_1544 : i32 to vector<64x128xi32>
    %or3A_1546 = arith.ori %and3A_1543, %or3A_1545 : vector<64x128xi32>
    %bitcast_convert_type3A_1547 = tpu.bitcast %or3A_1546 : vector<64x128xi32> -> vector<64x128xf32>
    %min3A_1548 = arith.minimumf %min3A_1498, %bitcast_convert_type3A_1547 : vector<64x128xf32>
    %max3A_1549 = arith.maximumf %min3A_1498, %bitcast_convert_type3A_1547 : vector<64x128xf32>
    %min3A_1550 = arith.minimumf %min3A_1500, %max3A_1549 : vector<64x128xf32>
    %max3A_1551 = arith.maximumf %min3A_1500, %max3A_1549 : vector<64x128xf32>
    %min3A_1552 = arith.minimumf %min3A_1502, %max3A_1551 : vector<64x128xf32>
    %max3A_1553 = arith.maximumf %min3A_1502, %max3A_1551 : vector<64x128xf32>
    %min3A_1554 = arith.minimumf %min3A_1504, %max3A_1553 : vector<64x128xf32>
    %broadcast_in_dim3A_1555 = arith.constant 0.000000e+00 : f32
    %broadcast_in_dim3A_1556 = vector.broadcast %broadcast_in_dim3A_1555 : f32 to vector<64x128xf32>
    %get3A_1557 = arith.constant 0 : index
    %get3A_1558 = arith.constant 0 : index
    %get3A_1559 = arith.constant 3968 : index
    %get3A_1560 = vector.load %arg2[%get3A_1557, %get3A_1558, %get3A_1559] : memref<1x8x4096xf32, #tpu.memory_space<vmem>>, vector<1x1x128xf32>
    %get3A_1561 = vector.shape_cast %get3A_1560 : vector<1x1x128xf32> to vector<1x128xf32>
    %sub3A_1562 = vector.broadcast %slice3A : vector<64x1xf32> to vector<64x128xf32>
    %sub3A_1563 = vector.broadcast %get3A_1561 : vector<1x128xf32> to vector<64x128xf32>
    %sub3A_1564 = arith.subf %sub3A_1562, %sub3A_1563 : vector<64x128xf32>
    %mul3A_1565 = arith.mulf %sub3A_1564, %sub3A_1564 : vector<64x128xf32>
    %add3A_1566 = arith.addf %broadcast_in_dim3A_1556, %mul3A_1565 : vector<64x128xf32>
    %get3A_1567 = arith.constant 0 : index
    %get3A_1568 = arith.constant 1 : index
    %get3A_1569 = arith.constant 3968 : index
    %get3A_1570 = vector.load %arg2[%get3A_1567, %get3A_1568, %get3A_1569] : memref<1x8x4096xf32, #tpu.memory_space<vmem>>, vector<1x1x128xf32>
    %get3A_1571 = vector.shape_cast %get3A_1570 : vector<1x1x128xf32> to vector<1x128xf32>
    %sub3A_1572 = vector.broadcast %slice3A_4 : vector<64x1xf32> to vector<64x128xf32>
    %sub3A_1573 = vector.broadcast %get3A_1571 : vector<1x128xf32> to vector<64x128xf32>
    %sub3A_1574 = arith.subf %sub3A_1572, %sub3A_1573 : vector<64x128xf32>
    %mul3A_1575 = arith.mulf %sub3A_1574, %sub3A_1574 : vector<64x128xf32>
    %add3A_1576 = arith.addf %add3A_1566, %mul3A_1575 : vector<64x128xf32>
    %get3A_1577 = arith.constant 0 : index
    %get3A_1578 = arith.constant 2 : index
    %get3A_1579 = arith.constant 3968 : index
    %get3A_1580 = vector.load %arg2[%get3A_1577, %get3A_1578, %get3A_1579] : memref<1x8x4096xf32, #tpu.memory_space<vmem>>, vector<1x1x128xf32>
    %get3A_1581 = vector.shape_cast %get3A_1580 : vector<1x1x128xf32> to vector<1x128xf32>
    %sub3A_1582 = vector.broadcast %slice3A_5 : vector<64x1xf32> to vector<64x128xf32>
    %sub3A_1583 = vector.broadcast %get3A_1581 : vector<1x128xf32> to vector<64x128xf32>
    %sub3A_1584 = arith.subf %sub3A_1582, %sub3A_1583 : vector<64x128xf32>
    %mul3A_1585 = arith.mulf %sub3A_1584, %sub3A_1584 : vector<64x128xf32>
    %add3A_1586 = arith.addf %add3A_1576, %mul3A_1585 : vector<64x128xf32>
    %max3A_1587 = arith.constant 9.99999991E-38 : f32
    %max3A_1588 = vector.broadcast %max3A_1587 : f32 to vector<64x128xf32>
    %max3A_1589 = arith.maximumf %add3A_1586, %max3A_1588 : vector<64x128xf32>
    %bitcast_convert_type3A_1590 = tpu.bitcast %max3A_1589 : vector<64x128xf32> -> vector<64x128xi32>
    %and3A_1591 = arith.constant -32 : i32
    %and3A_1592 = vector.broadcast %and3A_1591 : i32 to vector<64x128xi32>
    %and3A_1593 = arith.andi %bitcast_convert_type3A_1590, %and3A_1592 : vector<64x128xi32>
    %or3A_1594 = arith.constant 31 : i32
    %or3A_1595 = vector.broadcast %or3A_1594 : i32 to vector<64x128xi32>
    %or3A_1596 = arith.ori %and3A_1593, %or3A_1595 : vector<64x128xi32>
    %bitcast_convert_type3A_1597 = tpu.bitcast %or3A_1596 : vector<64x128xi32> -> vector<64x128xf32>
    %min3A_1598 = arith.minimumf %min3A_1548, %bitcast_convert_type3A_1597 : vector<64x128xf32>
    %max3A_1599 = arith.maximumf %min3A_1548, %bitcast_convert_type3A_1597 : vector<64x128xf32>
    %min3A_1600 = arith.minimumf %min3A_1550, %max3A_1599 : vector<64x128xf32>
    %max3A_1601 = arith.maximumf %min3A_1550, %max3A_1599 : vector<64x128xf32>
    %min3A_1602 = arith.minimumf %min3A_1552, %max3A_1601 : vector<64x128xf32>
    %max3A_1603 = arith.maximumf %min3A_1552, %max3A_1601 : vector<64x128xf32>
    %min3A_1604 = arith.minimumf %min3A_1554, %max3A_1603 : vector<64x128xf32>
    %reduce_min3A = arith.constant dense<0x7F800000> : vector<64xf32>
    %reduce_min3A_1605 = vector.multi_reduction <minimumf>, %min3A_1598, %reduce_min3A [1] : vector<64x128xf32> to vector<64xf32>
    %broadcast_in_dim3A_1606 = vector.shape_cast %reduce_min3A_1605 : vector<64xf32> to vector<64x1xf32>
    %eq3A = vector.broadcast %broadcast_in_dim3A_1606 : vector<64x1xf32> to vector<64x128xf32>
    %eq3A_1607 = arith.cmpf oeq, %min3A_1598, %eq3A : vector<64x128xf32>
    %jit3A = arith.constant 128 : i32
    %broadcast_in_dim3A_1608 = vector.broadcast %jit3A : i32 to vector<64x128xi32>
    %select_n3A = arith.select %eq3A_1607, %iota3A, %broadcast_in_dim3A_1608 : vector<64x128xi1>, vector<64x128xi32>
    %reduce_min3A_1609 = arith.constant dense<2147483647> : vector<64xi32>
    %reduce_min3A_1610 = vector.multi_reduction <minsi>, %select_n3A, %reduce_min3A_1609 [1] : vector<64x128xi32> to vector<64xi32>
    %broadcast_in_dim3A_1611 = vector.shape_cast %reduce_min3A_1610 : vector<64xi32> to vector<64x1xi32>
    %eq3A_1612 = vector.broadcast %broadcast_in_dim3A_1611 : vector<64x1xi32> to vector<64x128xi32>
    %eq3A_1613 = arith.cmpi eq, %iota3A, %eq3A_1612 : vector<64x128xi32>
    %and3A_1614 = arith.andi %eq3A_1607, %eq3A_1613 : vector<64x128xi1>
    %bitcast_convert_type3A_1615 = tpu.bitcast %min3A_1598 : vector<64x128xf32> -> vector<64x128xi32>
    %and3A_1616 = arith.constant 31 : i32
    %and3A_1617 = vector.broadcast %and3A_1616 : i32 to vector<64x128xi32>
    %and3A_1618 = arith.andi %bitcast_convert_type3A_1615, %and3A_1617 : vector<64x128xi32>
    %mul3A_1619 = arith.constant 128 : i32
    %mul3A_1620 = vector.broadcast %mul3A_1619 : i32 to vector<64x128xi32>
    %mul3A_1621 = arith.muli %and3A_1618, %mul3A_1620 : vector<64x128xi32>
    %add3A_1622 = arith.addi %mul3A_1621, %iota3A : vector<64x128xi32>
    %jit3A_1623 = arith.constant 2130706432 : i32
    %broadcast_in_dim3A_1624 = vector.broadcast %jit3A_1623 : i32 to vector<64x128xi32>
    %select_n3A_1625 = arith.select %and3A_1614, %add3A_1622, %broadcast_in_dim3A_1624 : vector<64x128xi1>, vector<64x128xi32>
    %reduce_min3A_1626 = arith.constant dense<2147483647> : vector<64xi32>
    %reduce_min3A_1627 = vector.multi_reduction <minsi>, %select_n3A_1625, %reduce_min3A_1626 [1] : vector<64x128xi32> to vector<64xi32>
    %broadcast_in_dim3A_1628 = vector.shape_cast %reduce_min3A_1627 : vector<64xi32> to vector<64x1xi32>
    %select_n3A_1629 = arith.select %and3A_1614, %min3A_1600, %min3A_1598 : vector<64x128xi1>, vector<64x128xf32>
    %select_n3A_1630 = arith.select %and3A_1614, %min3A_1602, %min3A_1600 : vector<64x128xi1>, vector<64x128xf32>
    %select_n3A_1631 = arith.select %and3A_1614, %min3A_1604, %min3A_1602 : vector<64x128xi1>, vector<64x128xf32>
    %jit3A_1632 = arith.constant 9.99999968E+37 : f32
    %broadcast_in_dim3A_1633 = vector.broadcast %jit3A_1632 : f32 to vector<64x128xf32>
    %select_n3A_1634 = arith.select %and3A_1614, %broadcast_in_dim3A_1633, %min3A_1604 : vector<64x128xi1>, vector<64x128xf32>
    %reduce_min3A_1635 = arith.constant dense<0x7F800000> : vector<64xf32>
    %reduce_min3A_1636 = vector.multi_reduction <minimumf>, %select_n3A_1629, %reduce_min3A_1635 [1] : vector<64x128xf32> to vector<64xf32>
    %broadcast_in_dim3A_1637 = vector.shape_cast %reduce_min3A_1636 : vector<64xf32> to vector<64x1xf32>
    %eq3A_1638 = vector.broadcast %broadcast_in_dim3A_1637 : vector<64x1xf32> to vector<64x128xf32>
    %eq3A_1639 = arith.cmpf oeq, %select_n3A_1629, %eq3A_1638 : vector<64x128xf32>
    %jit3A_1640 = arith.constant 128 : i32
    %broadcast_in_dim3A_1641 = vector.broadcast %jit3A_1640 : i32 to vector<64x128xi32>
    %select_n3A_1642 = arith.select %eq3A_1639, %iota3A, %broadcast_in_dim3A_1641 : vector<64x128xi1>, vector<64x128xi32>
    %reduce_min3A_1643 = arith.constant dense<2147483647> : vector<64xi32>
    %reduce_min3A_1644 = vector.multi_reduction <minsi>, %select_n3A_1642, %reduce_min3A_1643 [1] : vector<64x128xi32> to vector<64xi32>
    %broadcast_in_dim3A_1645 = vector.shape_cast %reduce_min3A_1644 : vector<64xi32> to vector<64x1xi32>
    %eq3A_1646 = vector.broadcast %broadcast_in_dim3A_1645 : vector<64x1xi32> to vector<64x128xi32>
    %eq3A_1647 = arith.cmpi eq, %iota3A, %eq3A_1646 : vector<64x128xi32>
    %and3A_1648 = arith.andi %eq3A_1639, %eq3A_1647 : vector<64x128xi1>
    %bitcast_convert_type3A_1649 = tpu.bitcast %select_n3A_1629 : vector<64x128xf32> -> vector<64x128xi32>
    %and3A_1650 = arith.constant 31 : i32
    %and3A_1651 = vector.broadcast %and3A_1650 : i32 to vector<64x128xi32>
    %and3A_1652 = arith.andi %bitcast_convert_type3A_1649, %and3A_1651 : vector<64x128xi32>
    %mul3A_1653 = arith.constant 128 : i32
    %mul3A_1654 = vector.broadcast %mul3A_1653 : i32 to vector<64x128xi32>
    %mul3A_1655 = arith.muli %and3A_1652, %mul3A_1654 : vector<64x128xi32>
    %add3A_1656 = arith.addi %mul3A_1655, %iota3A : vector<64x128xi32>
    %jit3A_1657 = arith.constant 2130706432 : i32
    %broadcast_in_dim3A_1658 = vector.broadcast %jit3A_1657 : i32 to vector<64x128xi32>
    %select_n3A_1659 = arith.select %and3A_1648, %add3A_1656, %broadcast_in_dim3A_1658 : vector<64x128xi1>, vector<64x128xi32>
    %reduce_min3A_1660 = arith.constant dense<2147483647> : vector<64xi32>
    %reduce_min3A_1661 = vector.multi_reduction <minsi>, %select_n3A_1659, %reduce_min3A_1660 [1] : vector<64x128xi32> to vector<64xi32>
    %broadcast_in_dim3A_1662 = vector.shape_cast %reduce_min3A_1661 : vector<64xi32> to vector<64x1xi32>
    %select_n3A_1663 = arith.select %and3A_1648, %select_n3A_1630, %select_n3A_1629 : vector<64x128xi1>, vector<64x128xf32>
    %select_n3A_1664 = arith.select %and3A_1648, %select_n3A_1631, %select_n3A_1630 : vector<64x128xi1>, vector<64x128xf32>
    %select_n3A_1665 = arith.select %and3A_1648, %select_n3A_1634, %select_n3A_1631 : vector<64x128xi1>, vector<64x128xf32>
    %jit3A_1666 = arith.constant 9.99999968E+37 : f32
    %broadcast_in_dim3A_1667 = vector.broadcast %jit3A_1666 : f32 to vector<64x128xf32>
    %select_n3A_1668 = arith.select %and3A_1648, %broadcast_in_dim3A_1667, %select_n3A_1634 : vector<64x128xi1>, vector<64x128xf32>
    %reduce_min3A_1669 = arith.constant dense<0x7F800000> : vector<64xf32>
    %reduce_min3A_1670 = vector.multi_reduction <minimumf>, %select_n3A_1663, %reduce_min3A_1669 [1] : vector<64x128xf32> to vector<64xf32>
    %broadcast_in_dim3A_1671 = vector.shape_cast %reduce_min3A_1670 : vector<64xf32> to vector<64x1xf32>
    %eq3A_1672 = vector.broadcast %broadcast_in_dim3A_1671 : vector<64x1xf32> to vector<64x128xf32>
    %eq3A_1673 = arith.cmpf oeq, %select_n3A_1663, %eq3A_1672 : vector<64x128xf32>
    %jit3A_1674 = arith.constant 128 : i32
    %broadcast_in_dim3A_1675 = vector.broadcast %jit3A_1674 : i32 to vector<64x128xi32>
    %select_n3A_1676 = arith.select %eq3A_1673, %iota3A, %broadcast_in_dim3A_1675 : vector<64x128xi1>, vector<64x128xi32>
    %reduce_min3A_1677 = arith.constant dense<2147483647> : vector<64xi32>
    %reduce_min3A_1678 = vector.multi_reduction <minsi>, %select_n3A_1676, %reduce_min3A_1677 [1] : vector<64x128xi32> to vector<64xi32>
    %broadcast_in_dim3A_1679 = vector.shape_cast %reduce_min3A_1678 : vector<64xi32> to vector<64x1xi32>
    %eq3A_1680 = vector.broadcast %broadcast_in_dim3A_1679 : vector<64x1xi32> to vector<64x128xi32>
    %eq3A_1681 = arith.cmpi eq, %iota3A, %eq3A_1680 : vector<64x128xi32>
    %and3A_1682 = arith.andi %eq3A_1673, %eq3A_1681 : vector<64x128xi1>
    %bitcast_convert_type3A_1683 = tpu.bitcast %select_n3A_1663 : vector<64x128xf32> -> vector<64x128xi32>
    %and3A_1684 = arith.constant 31 : i32
    %and3A_1685 = vector.broadcast %and3A_1684 : i32 to vector<64x128xi32>
    %and3A_1686 = arith.andi %bitcast_convert_type3A_1683, %and3A_1685 : vector<64x128xi32>
    %mul3A_1687 = arith.constant 128 : i32
    %mul3A_1688 = vector.broadcast %mul3A_1687 : i32 to vector<64x128xi32>
    %mul3A_1689 = arith.muli %and3A_1686, %mul3A_1688 : vector<64x128xi32>
    %add3A_1690 = arith.addi %mul3A_1689, %iota3A : vector<64x128xi32>
    %jit3A_1691 = arith.constant 2130706432 : i32
    %broadcast_in_dim3A_1692 = vector.broadcast %jit3A_1691 : i32 to vector<64x128xi32>
    %select_n3A_1693 = arith.select %and3A_1682, %add3A_1690, %broadcast_in_dim3A_1692 : vector<64x128xi1>, vector<64x128xi32>
    %reduce_min3A_1694 = arith.constant dense<2147483647> : vector<64xi32>
    %reduce_min3A_1695 = vector.multi_reduction <minsi>, %select_n3A_1693, %reduce_min3A_1694 [1] : vector<64x128xi32> to vector<64xi32>
    %broadcast_in_dim3A_1696 = vector.shape_cast %reduce_min3A_1695 : vector<64xi32> to vector<64x1xi32>
    %select_n3A_1697 = arith.select %and3A_1682, %select_n3A_1664, %select_n3A_1663 : vector<64x128xi1>, vector<64x128xf32>
    %select_n3A_1698 = arith.select %and3A_1682, %select_n3A_1665, %select_n3A_1664 : vector<64x128xi1>, vector<64x128xf32>
    %select_n3A_1699 = arith.select %and3A_1682, %select_n3A_1668, %select_n3A_1665 : vector<64x128xi1>, vector<64x128xf32>
    %jit3A_1700 = arith.constant 9.99999968E+37 : f32
    %broadcast_in_dim3A_1701 = vector.broadcast %jit3A_1700 : f32 to vector<64x128xf32>
    %select_n3A_1702 = arith.select %and3A_1682, %broadcast_in_dim3A_1701, %select_n3A_1668 : vector<64x128xi1>, vector<64x128xf32>
    %reduce_min3A_1703 = arith.constant dense<0x7F800000> : vector<64xf32>
    %reduce_min3A_1704 = vector.multi_reduction <minimumf>, %select_n3A_1697, %reduce_min3A_1703 [1] : vector<64x128xf32> to vector<64xf32>
    %broadcast_in_dim3A_1705 = vector.shape_cast %reduce_min3A_1704 : vector<64xf32> to vector<64x1xf32>
    %eq3A_1706 = vector.broadcast %broadcast_in_dim3A_1705 : vector<64x1xf32> to vector<64x128xf32>
    %eq3A_1707 = arith.cmpf oeq, %select_n3A_1697, %eq3A_1706 : vector<64x128xf32>
    %jit3A_1708 = arith.constant 128 : i32
    %broadcast_in_dim3A_1709 = vector.broadcast %jit3A_1708 : i32 to vector<64x128xi32>
    %select_n3A_1710 = arith.select %eq3A_1707, %iota3A, %broadcast_in_dim3A_1709 : vector<64x128xi1>, vector<64x128xi32>
    %reduce_min3A_1711 = arith.constant dense<2147483647> : vector<64xi32>
    %reduce_min3A_1712 = vector.multi_reduction <minsi>, %select_n3A_1710, %reduce_min3A_1711 [1] : vector<64x128xi32> to vector<64xi32>
    %broadcast_in_dim3A_1713 = vector.shape_cast %reduce_min3A_1712 : vector<64xi32> to vector<64x1xi32>
    %eq3A_1714 = vector.broadcast %broadcast_in_dim3A_1713 : vector<64x1xi32> to vector<64x128xi32>
    %eq3A_1715 = arith.cmpi eq, %iota3A, %eq3A_1714 : vector<64x128xi32>
    %and3A_1716 = arith.andi %eq3A_1707, %eq3A_1715 : vector<64x128xi1>
    %bitcast_convert_type3A_1717 = tpu.bitcast %select_n3A_1697 : vector<64x128xf32> -> vector<64x128xi32>
    %and3A_1718 = arith.constant 31 : i32
    %and3A_1719 = vector.broadcast %and3A_1718 : i32 to vector<64x128xi32>
    %and3A_1720 = arith.andi %bitcast_convert_type3A_1717, %and3A_1719 : vector<64x128xi32>
    %mul3A_1721 = arith.constant 128 : i32
    %mul3A_1722 = vector.broadcast %mul3A_1721 : i32 to vector<64x128xi32>
    %mul3A_1723 = arith.muli %and3A_1720, %mul3A_1722 : vector<64x128xi32>
    %add3A_1724 = arith.addi %mul3A_1723, %iota3A : vector<64x128xi32>
    %jit3A_1725 = arith.constant 2130706432 : i32
    %broadcast_in_dim3A_1726 = vector.broadcast %jit3A_1725 : i32 to vector<64x128xi32>
    %select_n3A_1727 = arith.select %and3A_1716, %add3A_1724, %broadcast_in_dim3A_1726 : vector<64x128xi1>, vector<64x128xi32>
    %reduce_min3A_1728 = arith.constant dense<2147483647> : vector<64xi32>
    %reduce_min3A_1729 = vector.multi_reduction <minsi>, %select_n3A_1727, %reduce_min3A_1728 [1] : vector<64x128xi32> to vector<64xi32>
    %broadcast_in_dim3A_1730 = vector.shape_cast %reduce_min3A_1729 : vector<64xi32> to vector<64x1xi32>
    %select_n3A_1731 = arith.select %and3A_1716, %select_n3A_1698, %select_n3A_1697 : vector<64x128xi1>, vector<64x128xf32>
    %select_n3A_1732 = arith.select %and3A_1716, %select_n3A_1699, %select_n3A_1698 : vector<64x128xi1>, vector<64x128xf32>
    %select_n3A_1733 = arith.select %and3A_1716, %select_n3A_1702, %select_n3A_1699 : vector<64x128xi1>, vector<64x128xf32>
    %jit3A_1734 = arith.constant 9.99999968E+37 : f32
    %broadcast_in_dim3A_1735 = vector.broadcast %jit3A_1734 : f32 to vector<64x128xf32>
    %select_n3A_1736 = arith.select %and3A_1716, %broadcast_in_dim3A_1735, %select_n3A_1702 : vector<64x128xi1>, vector<64x128xf32>
    %reduce_min3A_1737 = arith.constant dense<0x7F800000> : vector<64xf32>
    %reduce_min3A_1738 = vector.multi_reduction <minimumf>, %select_n3A_1731, %reduce_min3A_1737 [1] : vector<64x128xf32> to vector<64xf32>
    %broadcast_in_dim3A_1739 = vector.shape_cast %reduce_min3A_1738 : vector<64xf32> to vector<64x1xf32>
    %eq3A_1740 = vector.broadcast %broadcast_in_dim3A_1739 : vector<64x1xf32> to vector<64x128xf32>
    %eq3A_1741 = arith.cmpf oeq, %select_n3A_1731, %eq3A_1740 : vector<64x128xf32>
    %jit3A_1742 = arith.constant 128 : i32
    %broadcast_in_dim3A_1743 = vector.broadcast %jit3A_1742 : i32 to vector<64x128xi32>
    %select_n3A_1744 = arith.select %eq3A_1741, %iota3A, %broadcast_in_dim3A_1743 : vector<64x128xi1>, vector<64x128xi32>
    %reduce_min3A_1745 = arith.constant dense<2147483647> : vector<64xi32>
    %reduce_min3A_1746 = vector.multi_reduction <minsi>, %select_n3A_1744, %reduce_min3A_1745 [1] : vector<64x128xi32> to vector<64xi32>
    %broadcast_in_dim3A_1747 = vector.shape_cast %reduce_min3A_1746 : vector<64xi32> to vector<64x1xi32>
    %eq3A_1748 = vector.broadcast %broadcast_in_dim3A_1747 : vector<64x1xi32> to vector<64x128xi32>
    %eq3A_1749 = arith.cmpi eq, %iota3A, %eq3A_1748 : vector<64x128xi32>
    %and3A_1750 = arith.andi %eq3A_1741, %eq3A_1749 : vector<64x128xi1>
    %bitcast_convert_type3A_1751 = tpu.bitcast %select_n3A_1731 : vector<64x128xf32> -> vector<64x128xi32>
    %and3A_1752 = arith.constant 31 : i32
    %and3A_1753 = vector.broadcast %and3A_1752 : i32 to vector<64x128xi32>
    %and3A_1754 = arith.andi %bitcast_convert_type3A_1751, %and3A_1753 : vector<64x128xi32>
    %mul3A_1755 = arith.constant 128 : i32
    %mul3A_1756 = vector.broadcast %mul3A_1755 : i32 to vector<64x128xi32>
    %mul3A_1757 = arith.muli %and3A_1754, %mul3A_1756 : vector<64x128xi32>
    %add3A_1758 = arith.addi %mul3A_1757, %iota3A : vector<64x128xi32>
    %jit3A_1759 = arith.constant 2130706432 : i32
    %broadcast_in_dim3A_1760 = vector.broadcast %jit3A_1759 : i32 to vector<64x128xi32>
    %select_n3A_1761 = arith.select %and3A_1750, %add3A_1758, %broadcast_in_dim3A_1760 : vector<64x128xi1>, vector<64x128xi32>
    %reduce_min3A_1762 = arith.constant dense<2147483647> : vector<64xi32>
    %reduce_min3A_1763 = vector.multi_reduction <minsi>, %select_n3A_1761, %reduce_min3A_1762 [1] : vector<64x128xi32> to vector<64xi32>
    %broadcast_in_dim3A_1764 = vector.shape_cast %reduce_min3A_1763 : vector<64xi32> to vector<64x1xi32>
    %select_n3A_1765 = arith.select %and3A_1750, %select_n3A_1732, %select_n3A_1731 : vector<64x128xi1>, vector<64x128xf32>
    %select_n3A_1766 = arith.select %and3A_1750, %select_n3A_1733, %select_n3A_1732 : vector<64x128xi1>, vector<64x128xf32>
    %select_n3A_1767 = arith.select %and3A_1750, %select_n3A_1736, %select_n3A_1733 : vector<64x128xi1>, vector<64x128xf32>
    %jit3A_1768 = arith.constant 9.99999968E+37 : f32
    %broadcast_in_dim3A_1769 = vector.broadcast %jit3A_1768 : f32 to vector<64x128xf32>
    %select_n3A_1770 = arith.select %and3A_1750, %broadcast_in_dim3A_1769, %select_n3A_1736 : vector<64x128xi1>, vector<64x128xf32>
    %reduce_min3A_1771 = arith.constant dense<0x7F800000> : vector<64xf32>
    %reduce_min3A_1772 = vector.multi_reduction <minimumf>, %select_n3A_1765, %reduce_min3A_1771 [1] : vector<64x128xf32> to vector<64xf32>
    %broadcast_in_dim3A_1773 = vector.shape_cast %reduce_min3A_1772 : vector<64xf32> to vector<64x1xf32>
    %eq3A_1774 = vector.broadcast %broadcast_in_dim3A_1773 : vector<64x1xf32> to vector<64x128xf32>
    %eq3A_1775 = arith.cmpf oeq, %select_n3A_1765, %eq3A_1774 : vector<64x128xf32>
    %jit3A_1776 = arith.constant 128 : i32
    %broadcast_in_dim3A_1777 = vector.broadcast %jit3A_1776 : i32 to vector<64x128xi32>
    %select_n3A_1778 = arith.select %eq3A_1775, %iota3A, %broadcast_in_dim3A_1777 : vector<64x128xi1>, vector<64x128xi32>
    %reduce_min3A_1779 = arith.constant dense<2147483647> : vector<64xi32>
    %reduce_min3A_1780 = vector.multi_reduction <minsi>, %select_n3A_1778, %reduce_min3A_1779 [1] : vector<64x128xi32> to vector<64xi32>
    %broadcast_in_dim3A_1781 = vector.shape_cast %reduce_min3A_1780 : vector<64xi32> to vector<64x1xi32>
    %eq3A_1782 = vector.broadcast %broadcast_in_dim3A_1781 : vector<64x1xi32> to vector<64x128xi32>
    %eq3A_1783 = arith.cmpi eq, %iota3A, %eq3A_1782 : vector<64x128xi32>
    %and3A_1784 = arith.andi %eq3A_1775, %eq3A_1783 : vector<64x128xi1>
    %bitcast_convert_type3A_1785 = tpu.bitcast %select_n3A_1765 : vector<64x128xf32> -> vector<64x128xi32>
    %and3A_1786 = arith.constant 31 : i32
    %and3A_1787 = vector.broadcast %and3A_1786 : i32 to vector<64x128xi32>
    %and3A_1788 = arith.andi %bitcast_convert_type3A_1785, %and3A_1787 : vector<64x128xi32>
    %mul3A_1789 = arith.constant 128 : i32
    %mul3A_1790 = vector.broadcast %mul3A_1789 : i32 to vector<64x128xi32>
    %mul3A_1791 = arith.muli %and3A_1788, %mul3A_1790 : vector<64x128xi32>
    %add3A_1792 = arith.addi %mul3A_1791, %iota3A : vector<64x128xi32>
    %jit3A_1793 = arith.constant 2130706432 : i32
    %broadcast_in_dim3A_1794 = vector.broadcast %jit3A_1793 : i32 to vector<64x128xi32>
    %select_n3A_1795 = arith.select %and3A_1784, %add3A_1792, %broadcast_in_dim3A_1794 : vector<64x128xi1>, vector<64x128xi32>
    %reduce_min3A_1796 = arith.constant dense<2147483647> : vector<64xi32>
    %reduce_min3A_1797 = vector.multi_reduction <minsi>, %select_n3A_1795, %reduce_min3A_1796 [1] : vector<64x128xi32> to vector<64xi32>
    %broadcast_in_dim3A_1798 = vector.shape_cast %reduce_min3A_1797 : vector<64xi32> to vector<64x1xi32>
    %select_n3A_1799 = arith.select %and3A_1784, %select_n3A_1766, %select_n3A_1765 : vector<64x128xi1>, vector<64x128xf32>
    %select_n3A_1800 = arith.select %and3A_1784, %select_n3A_1767, %select_n3A_1766 : vector<64x128xi1>, vector<64x128xf32>
    %select_n3A_1801 = arith.select %and3A_1784, %select_n3A_1770, %select_n3A_1767 : vector<64x128xi1>, vector<64x128xf32>
    %jit3A_1802 = arith.constant 9.99999968E+37 : f32
    %broadcast_in_dim3A_1803 = vector.broadcast %jit3A_1802 : f32 to vector<64x128xf32>
    %select_n3A_1804 = arith.select %and3A_1784, %broadcast_in_dim3A_1803, %select_n3A_1770 : vector<64x128xi1>, vector<64x128xf32>
    %reduce_min3A_1805 = arith.constant dense<0x7F800000> : vector<64xf32>
    %reduce_min3A_1806 = vector.multi_reduction <minimumf>, %select_n3A_1799, %reduce_min3A_1805 [1] : vector<64x128xf32> to vector<64xf32>
    %broadcast_in_dim3A_1807 = vector.shape_cast %reduce_min3A_1806 : vector<64xf32> to vector<64x1xf32>
    %eq3A_1808 = vector.broadcast %broadcast_in_dim3A_1807 : vector<64x1xf32> to vector<64x128xf32>
    %eq3A_1809 = arith.cmpf oeq, %select_n3A_1799, %eq3A_1808 : vector<64x128xf32>
    %jit3A_1810 = arith.constant 128 : i32
    %broadcast_in_dim3A_1811 = vector.broadcast %jit3A_1810 : i32 to vector<64x128xi32>
    %select_n3A_1812 = arith.select %eq3A_1809, %iota3A, %broadcast_in_dim3A_1811 : vector<64x128xi1>, vector<64x128xi32>
    %reduce_min3A_1813 = arith.constant dense<2147483647> : vector<64xi32>
    %reduce_min3A_1814 = vector.multi_reduction <minsi>, %select_n3A_1812, %reduce_min3A_1813 [1] : vector<64x128xi32> to vector<64xi32>
    %broadcast_in_dim3A_1815 = vector.shape_cast %reduce_min3A_1814 : vector<64xi32> to vector<64x1xi32>
    %eq3A_1816 = vector.broadcast %broadcast_in_dim3A_1815 : vector<64x1xi32> to vector<64x128xi32>
    %eq3A_1817 = arith.cmpi eq, %iota3A, %eq3A_1816 : vector<64x128xi32>
    %and3A_1818 = arith.andi %eq3A_1809, %eq3A_1817 : vector<64x128xi1>
    %bitcast_convert_type3A_1819 = tpu.bitcast %select_n3A_1799 : vector<64x128xf32> -> vector<64x128xi32>
    %and3A_1820 = arith.constant 31 : i32
    %and3A_1821 = vector.broadcast %and3A_1820 : i32 to vector<64x128xi32>
    %and3A_1822 = arith.andi %bitcast_convert_type3A_1819, %and3A_1821 : vector<64x128xi32>
    %mul3A_1823 = arith.constant 128 : i32
    %mul3A_1824 = vector.broadcast %mul3A_1823 : i32 to vector<64x128xi32>
    %mul3A_1825 = arith.muli %and3A_1822, %mul3A_1824 : vector<64x128xi32>
    %add3A_1826 = arith.addi %mul3A_1825, %iota3A : vector<64x128xi32>
    %jit3A_1827 = arith.constant 2130706432 : i32
    %broadcast_in_dim3A_1828 = vector.broadcast %jit3A_1827 : i32 to vector<64x128xi32>
    %select_n3A_1829 = arith.select %and3A_1818, %add3A_1826, %broadcast_in_dim3A_1828 : vector<64x128xi1>, vector<64x128xi32>
    %reduce_min3A_1830 = arith.constant dense<2147483647> : vector<64xi32>
    %reduce_min3A_1831 = vector.multi_reduction <minsi>, %select_n3A_1829, %reduce_min3A_1830 [1] : vector<64x128xi32> to vector<64xi32>
    %broadcast_in_dim3A_1832 = vector.shape_cast %reduce_min3A_1831 : vector<64xi32> to vector<64x1xi32>
    %select_n3A_1833 = arith.select %and3A_1818, %select_n3A_1800, %select_n3A_1799 : vector<64x128xi1>, vector<64x128xf32>
    %select_n3A_1834 = arith.select %and3A_1818, %select_n3A_1801, %select_n3A_1800 : vector<64x128xi1>, vector<64x128xf32>
    %select_n3A_1835 = arith.select %and3A_1818, %select_n3A_1804, %select_n3A_1801 : vector<64x128xi1>, vector<64x128xf32>
    %jit3A_1836 = arith.constant 9.99999968E+37 : f32
    %broadcast_in_dim3A_1837 = vector.broadcast %jit3A_1836 : f32 to vector<64x128xf32>
    %select_n3A_1838 = arith.select %and3A_1818, %broadcast_in_dim3A_1837, %select_n3A_1804 : vector<64x128xi1>, vector<64x128xf32>
    %reduce_min3A_1839 = arith.constant dense<0x7F800000> : vector<64xf32>
    %reduce_min3A_1840 = vector.multi_reduction <minimumf>, %select_n3A_1833, %reduce_min3A_1839 [1] : vector<64x128xf32> to vector<64xf32>
    %broadcast_in_dim3A_1841 = vector.shape_cast %reduce_min3A_1840 : vector<64xf32> to vector<64x1xf32>
    %eq3A_1842 = vector.broadcast %broadcast_in_dim3A_1841 : vector<64x1xf32> to vector<64x128xf32>
    %eq3A_1843 = arith.cmpf oeq, %select_n3A_1833, %eq3A_1842 : vector<64x128xf32>
    %jit3A_1844 = arith.constant 128 : i32
    %broadcast_in_dim3A_1845 = vector.broadcast %jit3A_1844 : i32 to vector<64x128xi32>
    %select_n3A_1846 = arith.select %eq3A_1843, %iota3A, %broadcast_in_dim3A_1845 : vector<64x128xi1>, vector<64x128xi32>
    %reduce_min3A_1847 = arith.constant dense<2147483647> : vector<64xi32>
    %reduce_min3A_1848 = vector.multi_reduction <minsi>, %select_n3A_1846, %reduce_min3A_1847 [1] : vector<64x128xi32> to vector<64xi32>
    %broadcast_in_dim3A_1849 = vector.shape_cast %reduce_min3A_1848 : vector<64xi32> to vector<64x1xi32>
    %eq3A_1850 = vector.broadcast %broadcast_in_dim3A_1849 : vector<64x1xi32> to vector<64x128xi32>
    %eq3A_1851 = arith.cmpi eq, %iota3A, %eq3A_1850 : vector<64x128xi32>
    %and3A_1852 = arith.andi %eq3A_1843, %eq3A_1851 : vector<64x128xi1>
    %bitcast_convert_type3A_1853 = tpu.bitcast %select_n3A_1833 : vector<64x128xf32> -> vector<64x128xi32>
    %and3A_1854 = arith.constant 31 : i32
    %and3A_1855 = vector.broadcast %and3A_1854 : i32 to vector<64x128xi32>
    %and3A_1856 = arith.andi %bitcast_convert_type3A_1853, %and3A_1855 : vector<64x128xi32>
    %mul3A_1857 = arith.constant 128 : i32
    %mul3A_1858 = vector.broadcast %mul3A_1857 : i32 to vector<64x128xi32>
    %mul3A_1859 = arith.muli %and3A_1856, %mul3A_1858 : vector<64x128xi32>
    %add3A_1860 = arith.addi %mul3A_1859, %iota3A : vector<64x128xi32>
    %jit3A_1861 = arith.constant 2130706432 : i32
    %broadcast_in_dim3A_1862 = vector.broadcast %jit3A_1861 : i32 to vector<64x128xi32>
    %select_n3A_1863 = arith.select %and3A_1852, %add3A_1860, %broadcast_in_dim3A_1862 : vector<64x128xi1>, vector<64x128xi32>
    %reduce_min3A_1864 = arith.constant dense<2147483647> : vector<64xi32>
    %reduce_min3A_1865 = vector.multi_reduction <minsi>, %select_n3A_1863, %reduce_min3A_1864 [1] : vector<64x128xi32> to vector<64xi32>
    %broadcast_in_dim3A_1866 = vector.shape_cast %reduce_min3A_1865 : vector<64xi32> to vector<64x1xi32>
    %select_n3A_1867 = arith.select %and3A_1852, %select_n3A_1834, %select_n3A_1833 : vector<64x128xi1>, vector<64x128xf32>
    %select_n3A_1868 = arith.select %and3A_1852, %select_n3A_1835, %select_n3A_1834 : vector<64x128xi1>, vector<64x128xf32>
    %select_n3A_1869 = arith.select %and3A_1852, %select_n3A_1838, %select_n3A_1835 : vector<64x128xi1>, vector<64x128xf32>
    %jit3A_1870 = arith.constant 9.99999968E+37 : f32
    %broadcast_in_dim3A_1871 = vector.broadcast %jit3A_1870 : f32 to vector<64x128xf32>
    %select_n3A_1872 = arith.select %and3A_1852, %broadcast_in_dim3A_1871, %select_n3A_1838 : vector<64x128xi1>, vector<64x128xf32>
    %reduce_min3A_1873 = arith.constant dense<0x7F800000> : vector<64xf32>
    %reduce_min3A_1874 = vector.multi_reduction <minimumf>, %select_n3A_1867, %reduce_min3A_1873 [1] : vector<64x128xf32> to vector<64xf32>
    %broadcast_in_dim3A_1875 = vector.shape_cast %reduce_min3A_1874 : vector<64xf32> to vector<64x1xf32>
    %eq3A_1876 = vector.broadcast %broadcast_in_dim3A_1875 : vector<64x1xf32> to vector<64x128xf32>
    %eq3A_1877 = arith.cmpf oeq, %select_n3A_1867, %eq3A_1876 : vector<64x128xf32>
    %jit3A_1878 = arith.constant 128 : i32
    %broadcast_in_dim3A_1879 = vector.broadcast %jit3A_1878 : i32 to vector<64x128xi32>
    %select_n3A_1880 = arith.select %eq3A_1877, %iota3A, %broadcast_in_dim3A_1879 : vector<64x128xi1>, vector<64x128xi32>
    %reduce_min3A_1881 = arith.constant dense<2147483647> : vector<64xi32>
    %reduce_min3A_1882 = vector.multi_reduction <minsi>, %select_n3A_1880, %reduce_min3A_1881 [1] : vector<64x128xi32> to vector<64xi32>
    %broadcast_in_dim3A_1883 = vector.shape_cast %reduce_min3A_1882 : vector<64xi32> to vector<64x1xi32>
    %eq3A_1884 = vector.broadcast %broadcast_in_dim3A_1883 : vector<64x1xi32> to vector<64x128xi32>
    %eq3A_1885 = arith.cmpi eq, %iota3A, %eq3A_1884 : vector<64x128xi32>
    %and3A_1886 = arith.andi %eq3A_1877, %eq3A_1885 : vector<64x128xi1>
    %bitcast_convert_type3A_1887 = tpu.bitcast %select_n3A_1867 : vector<64x128xf32> -> vector<64x128xi32>
    %and3A_1888 = arith.constant 31 : i32
    %and3A_1889 = vector.broadcast %and3A_1888 : i32 to vector<64x128xi32>
    %and3A_1890 = arith.andi %bitcast_convert_type3A_1887, %and3A_1889 : vector<64x128xi32>
    %mul3A_1891 = arith.constant 128 : i32
    %mul3A_1892 = vector.broadcast %mul3A_1891 : i32 to vector<64x128xi32>
    %mul3A_1893 = arith.muli %and3A_1890, %mul3A_1892 : vector<64x128xi32>
    %add3A_1894 = arith.addi %mul3A_1893, %iota3A : vector<64x128xi32>
    %jit3A_1895 = arith.constant 2130706432 : i32
    %broadcast_in_dim3A_1896 = vector.broadcast %jit3A_1895 : i32 to vector<64x128xi32>
    %select_n3A_1897 = arith.select %and3A_1886, %add3A_1894, %broadcast_in_dim3A_1896 : vector<64x128xi1>, vector<64x128xi32>
    %reduce_min3A_1898 = arith.constant dense<2147483647> : vector<64xi32>
    %reduce_min3A_1899 = vector.multi_reduction <minsi>, %select_n3A_1897, %reduce_min3A_1898 [1] : vector<64x128xi32> to vector<64xi32>
    %broadcast_in_dim3A_1900 = vector.shape_cast %reduce_min3A_1899 : vector<64xi32> to vector<64x1xi32>
    %select_n3A_1901 = arith.select %and3A_1886, %select_n3A_1868, %select_n3A_1867 : vector<64x128xi1>, vector<64x128xf32>
    %select_n3A_1902 = arith.select %and3A_1886, %select_n3A_1869, %select_n3A_1868 : vector<64x128xi1>, vector<64x128xf32>
    %select_n3A_1903 = arith.select %and3A_1886, %select_n3A_1872, %select_n3A_1869 : vector<64x128xi1>, vector<64x128xf32>
    %jit3A_1904 = arith.constant 9.99999968E+37 : f32
    %broadcast_in_dim3A_1905 = vector.broadcast %jit3A_1904 : f32 to vector<64x128xf32>
    %select_n3A_1906 = arith.select %and3A_1886, %broadcast_in_dim3A_1905, %select_n3A_1872 : vector<64x128xi1>, vector<64x128xf32>
    %reduce_min3A_1907 = arith.constant dense<0x7F800000> : vector<64xf32>
    %reduce_min3A_1908 = vector.multi_reduction <minimumf>, %select_n3A_1901, %reduce_min3A_1907 [1] : vector<64x128xf32> to vector<64xf32>
    %broadcast_in_dim3A_1909 = vector.shape_cast %reduce_min3A_1908 : vector<64xf32> to vector<64x1xf32>
    %eq3A_1910 = vector.broadcast %broadcast_in_dim3A_1909 : vector<64x1xf32> to vector<64x128xf32>
    %eq3A_1911 = arith.cmpf oeq, %select_n3A_1901, %eq3A_1910 : vector<64x128xf32>
    %jit3A_1912 = arith.constant 128 : i32
    %broadcast_in_dim3A_1913 = vector.broadcast %jit3A_1912 : i32 to vector<64x128xi32>
    %select_n3A_1914 = arith.select %eq3A_1911, %iota3A, %broadcast_in_dim3A_1913 : vector<64x128xi1>, vector<64x128xi32>
    %reduce_min3A_1915 = arith.constant dense<2147483647> : vector<64xi32>
    %reduce_min3A_1916 = vector.multi_reduction <minsi>, %select_n3A_1914, %reduce_min3A_1915 [1] : vector<64x128xi32> to vector<64xi32>
    %broadcast_in_dim3A_1917 = vector.shape_cast %reduce_min3A_1916 : vector<64xi32> to vector<64x1xi32>
    %eq3A_1918 = vector.broadcast %broadcast_in_dim3A_1917 : vector<64x1xi32> to vector<64x128xi32>
    %eq3A_1919 = arith.cmpi eq, %iota3A, %eq3A_1918 : vector<64x128xi32>
    %and3A_1920 = arith.andi %eq3A_1911, %eq3A_1919 : vector<64x128xi1>
    %bitcast_convert_type3A_1921 = tpu.bitcast %select_n3A_1901 : vector<64x128xf32> -> vector<64x128xi32>
    %and3A_1922 = arith.constant 31 : i32
    %and3A_1923 = vector.broadcast %and3A_1922 : i32 to vector<64x128xi32>
    %and3A_1924 = arith.andi %bitcast_convert_type3A_1921, %and3A_1923 : vector<64x128xi32>
    %mul3A_1925 = arith.constant 128 : i32
    %mul3A_1926 = vector.broadcast %mul3A_1925 : i32 to vector<64x128xi32>
    %mul3A_1927 = arith.muli %and3A_1924, %mul3A_1926 : vector<64x128xi32>
    %add3A_1928 = arith.addi %mul3A_1927, %iota3A : vector<64x128xi32>
    %jit3A_1929 = arith.constant 2130706432 : i32
    %broadcast_in_dim3A_1930 = vector.broadcast %jit3A_1929 : i32 to vector<64x128xi32>
    %select_n3A_1931 = arith.select %and3A_1920, %add3A_1928, %broadcast_in_dim3A_1930 : vector<64x128xi1>, vector<64x128xi32>
    %reduce_min3A_1932 = arith.constant dense<2147483647> : vector<64xi32>
    %reduce_min3A_1933 = vector.multi_reduction <minsi>, %select_n3A_1931, %reduce_min3A_1932 [1] : vector<64x128xi32> to vector<64xi32>
    %broadcast_in_dim3A_1934 = vector.shape_cast %reduce_min3A_1933 : vector<64xi32> to vector<64x1xi32>
    %select_n3A_1935 = arith.select %and3A_1920, %select_n3A_1902, %select_n3A_1901 : vector<64x128xi1>, vector<64x128xf32>
    %select_n3A_1936 = arith.select %and3A_1920, %select_n3A_1903, %select_n3A_1902 : vector<64x128xi1>, vector<64x128xf32>
    %select_n3A_1937 = arith.select %and3A_1920, %select_n3A_1906, %select_n3A_1903 : vector<64x128xi1>, vector<64x128xf32>
    %jit3A_1938 = arith.constant 9.99999968E+37 : f32
    %broadcast_in_dim3A_1939 = vector.broadcast %jit3A_1938 : f32 to vector<64x128xf32>
    %select_n3A_1940 = arith.select %and3A_1920, %broadcast_in_dim3A_1939, %select_n3A_1906 : vector<64x128xi1>, vector<64x128xf32>
    %reduce_min3A_1941 = arith.constant dense<0x7F800000> : vector<64xf32>
    %reduce_min3A_1942 = vector.multi_reduction <minimumf>, %select_n3A_1935, %reduce_min3A_1941 [1] : vector<64x128xf32> to vector<64xf32>
    %broadcast_in_dim3A_1943 = vector.shape_cast %reduce_min3A_1942 : vector<64xf32> to vector<64x1xf32>
    %eq3A_1944 = vector.broadcast %broadcast_in_dim3A_1943 : vector<64x1xf32> to vector<64x128xf32>
    %eq3A_1945 = arith.cmpf oeq, %select_n3A_1935, %eq3A_1944 : vector<64x128xf32>
    %jit3A_1946 = arith.constant 128 : i32
    %broadcast_in_dim3A_1947 = vector.broadcast %jit3A_1946 : i32 to vector<64x128xi32>
    %select_n3A_1948 = arith.select %eq3A_1945, %iota3A, %broadcast_in_dim3A_1947 : vector<64x128xi1>, vector<64x128xi32>
    %reduce_min3A_1949 = arith.constant dense<2147483647> : vector<64xi32>
    %reduce_min3A_1950 = vector.multi_reduction <minsi>, %select_n3A_1948, %reduce_min3A_1949 [1] : vector<64x128xi32> to vector<64xi32>
    %broadcast_in_dim3A_1951 = vector.shape_cast %reduce_min3A_1950 : vector<64xi32> to vector<64x1xi32>
    %eq3A_1952 = vector.broadcast %broadcast_in_dim3A_1951 : vector<64x1xi32> to vector<64x128xi32>
    %eq3A_1953 = arith.cmpi eq, %iota3A, %eq3A_1952 : vector<64x128xi32>
    %and3A_1954 = arith.andi %eq3A_1945, %eq3A_1953 : vector<64x128xi1>
    %bitcast_convert_type3A_1955 = tpu.bitcast %select_n3A_1935 : vector<64x128xf32> -> vector<64x128xi32>
    %and3A_1956 = arith.constant 31 : i32
    %and3A_1957 = vector.broadcast %and3A_1956 : i32 to vector<64x128xi32>
    %and3A_1958 = arith.andi %bitcast_convert_type3A_1955, %and3A_1957 : vector<64x128xi32>
    %mul3A_1959 = arith.constant 128 : i32
    %mul3A_1960 = vector.broadcast %mul3A_1959 : i32 to vector<64x128xi32>
    %mul3A_1961 = arith.muli %and3A_1958, %mul3A_1960 : vector<64x128xi32>
    %add3A_1962 = arith.addi %mul3A_1961, %iota3A : vector<64x128xi32>
    %jit3A_1963 = arith.constant 2130706432 : i32
    %broadcast_in_dim3A_1964 = vector.broadcast %jit3A_1963 : i32 to vector<64x128xi32>
    %select_n3A_1965 = arith.select %and3A_1954, %add3A_1962, %broadcast_in_dim3A_1964 : vector<64x128xi1>, vector<64x128xi32>
    %reduce_min3A_1966 = arith.constant dense<2147483647> : vector<64xi32>
    %reduce_min3A_1967 = vector.multi_reduction <minsi>, %select_n3A_1965, %reduce_min3A_1966 [1] : vector<64x128xi32> to vector<64xi32>
    %broadcast_in_dim3A_1968 = vector.shape_cast %reduce_min3A_1967 : vector<64xi32> to vector<64x1xi32>
    %select_n3A_1969 = arith.select %and3A_1954, %select_n3A_1936, %select_n3A_1935 : vector<64x128xi1>, vector<64x128xf32>
    %select_n3A_1970 = arith.select %and3A_1954, %select_n3A_1937, %select_n3A_1936 : vector<64x128xi1>, vector<64x128xf32>
    %select_n3A_1971 = arith.select %and3A_1954, %select_n3A_1940, %select_n3A_1937 : vector<64x128xi1>, vector<64x128xf32>
    %jit3A_1972 = arith.constant 9.99999968E+37 : f32
    %broadcast_in_dim3A_1973 = vector.broadcast %jit3A_1972 : f32 to vector<64x128xf32>
    %select_n3A_1974 = arith.select %and3A_1954, %broadcast_in_dim3A_1973, %select_n3A_1940 : vector<64x128xi1>, vector<64x128xf32>
    %reduce_min3A_1975 = arith.constant dense<0x7F800000> : vector<64xf32>
    %reduce_min3A_1976 = vector.multi_reduction <minimumf>, %select_n3A_1969, %reduce_min3A_1975 [1] : vector<64x128xf32> to vector<64xf32>
    %broadcast_in_dim3A_1977 = vector.shape_cast %reduce_min3A_1976 : vector<64xf32> to vector<64x1xf32>
    %eq3A_1978 = vector.broadcast %broadcast_in_dim3A_1977 : vector<64x1xf32> to vector<64x128xf32>
    %eq3A_1979 = arith.cmpf oeq, %select_n3A_1969, %eq3A_1978 : vector<64x128xf32>
    %jit3A_1980 = arith.constant 128 : i32
    %broadcast_in_dim3A_1981 = vector.broadcast %jit3A_1980 : i32 to vector<64x128xi32>
    %select_n3A_1982 = arith.select %eq3A_1979, %iota3A, %broadcast_in_dim3A_1981 : vector<64x128xi1>, vector<64x128xi32>
    %reduce_min3A_1983 = arith.constant dense<2147483647> : vector<64xi32>
    %reduce_min3A_1984 = vector.multi_reduction <minsi>, %select_n3A_1982, %reduce_min3A_1983 [1] : vector<64x128xi32> to vector<64xi32>
    %broadcast_in_dim3A_1985 = vector.shape_cast %reduce_min3A_1984 : vector<64xi32> to vector<64x1xi32>
    %eq3A_1986 = vector.broadcast %broadcast_in_dim3A_1985 : vector<64x1xi32> to vector<64x128xi32>
    %eq3A_1987 = arith.cmpi eq, %iota3A, %eq3A_1986 : vector<64x128xi32>
    %and3A_1988 = arith.andi %eq3A_1979, %eq3A_1987 : vector<64x128xi1>
    %bitcast_convert_type3A_1989 = tpu.bitcast %select_n3A_1969 : vector<64x128xf32> -> vector<64x128xi32>
    %and3A_1990 = arith.constant 31 : i32
    %and3A_1991 = vector.broadcast %and3A_1990 : i32 to vector<64x128xi32>
    %and3A_1992 = arith.andi %bitcast_convert_type3A_1989, %and3A_1991 : vector<64x128xi32>
    %mul3A_1993 = arith.constant 128 : i32
    %mul3A_1994 = vector.broadcast %mul3A_1993 : i32 to vector<64x128xi32>
    %mul3A_1995 = arith.muli %and3A_1992, %mul3A_1994 : vector<64x128xi32>
    %add3A_1996 = arith.addi %mul3A_1995, %iota3A : vector<64x128xi32>
    %jit3A_1997 = arith.constant 2130706432 : i32
    %broadcast_in_dim3A_1998 = vector.broadcast %jit3A_1997 : i32 to vector<64x128xi32>
    %select_n3A_1999 = arith.select %and3A_1988, %add3A_1996, %broadcast_in_dim3A_1998 : vector<64x128xi1>, vector<64x128xi32>
    %reduce_min3A_2000 = arith.constant dense<2147483647> : vector<64xi32>
    %reduce_min3A_2001 = vector.multi_reduction <minsi>, %select_n3A_1999, %reduce_min3A_2000 [1] : vector<64x128xi32> to vector<64xi32>
    %broadcast_in_dim3A_2002 = vector.shape_cast %reduce_min3A_2001 : vector<64xi32> to vector<64x1xi32>
    %select_n3A_2003 = arith.select %and3A_1988, %select_n3A_1970, %select_n3A_1969 : vector<64x128xi1>, vector<64x128xf32>
    %select_n3A_2004 = arith.select %and3A_1988, %select_n3A_1971, %select_n3A_1970 : vector<64x128xi1>, vector<64x128xf32>
    %select_n3A_2005 = arith.select %and3A_1988, %select_n3A_1974, %select_n3A_1971 : vector<64x128xi1>, vector<64x128xf32>
    %jit3A_2006 = arith.constant 9.99999968E+37 : f32
    %broadcast_in_dim3A_2007 = vector.broadcast %jit3A_2006 : f32 to vector<64x128xf32>
    %select_n3A_2008 = arith.select %and3A_1988, %broadcast_in_dim3A_2007, %select_n3A_1974 : vector<64x128xi1>, vector<64x128xf32>
    %reduce_min3A_2009 = arith.constant dense<0x7F800000> : vector<64xf32>
    %reduce_min3A_2010 = vector.multi_reduction <minimumf>, %select_n3A_2003, %reduce_min3A_2009 [1] : vector<64x128xf32> to vector<64xf32>
    %broadcast_in_dim3A_2011 = vector.shape_cast %reduce_min3A_2010 : vector<64xf32> to vector<64x1xf32>
    %eq3A_2012 = vector.broadcast %broadcast_in_dim3A_2011 : vector<64x1xf32> to vector<64x128xf32>
    %eq3A_2013 = arith.cmpf oeq, %select_n3A_2003, %eq3A_2012 : vector<64x128xf32>
    %jit3A_2014 = arith.constant 128 : i32
    %broadcast_in_dim3A_2015 = vector.broadcast %jit3A_2014 : i32 to vector<64x128xi32>
    %select_n3A_2016 = arith.select %eq3A_2013, %iota3A, %broadcast_in_dim3A_2015 : vector<64x128xi1>, vector<64x128xi32>
    %reduce_min3A_2017 = arith.constant dense<2147483647> : vector<64xi32>
    %reduce_min3A_2018 = vector.multi_reduction <minsi>, %select_n3A_2016, %reduce_min3A_2017 [1] : vector<64x128xi32> to vector<64xi32>
    %broadcast_in_dim3A_2019 = vector.shape_cast %reduce_min3A_2018 : vector<64xi32> to vector<64x1xi32>
    %eq3A_2020 = vector.broadcast %broadcast_in_dim3A_2019 : vector<64x1xi32> to vector<64x128xi32>
    %eq3A_2021 = arith.cmpi eq, %iota3A, %eq3A_2020 : vector<64x128xi32>
    %and3A_2022 = arith.andi %eq3A_2013, %eq3A_2021 : vector<64x128xi1>
    %bitcast_convert_type3A_2023 = tpu.bitcast %select_n3A_2003 : vector<64x128xf32> -> vector<64x128xi32>
    %and3A_2024 = arith.constant 31 : i32
    %and3A_2025 = vector.broadcast %and3A_2024 : i32 to vector<64x128xi32>
    %and3A_2026 = arith.andi %bitcast_convert_type3A_2023, %and3A_2025 : vector<64x128xi32>
    %mul3A_2027 = arith.constant 128 : i32
    %mul3A_2028 = vector.broadcast %mul3A_2027 : i32 to vector<64x128xi32>
    %mul3A_2029 = arith.muli %and3A_2026, %mul3A_2028 : vector<64x128xi32>
    %add3A_2030 = arith.addi %mul3A_2029, %iota3A : vector<64x128xi32>
    %jit3A_2031 = arith.constant 2130706432 : i32
    %broadcast_in_dim3A_2032 = vector.broadcast %jit3A_2031 : i32 to vector<64x128xi32>
    %select_n3A_2033 = arith.select %and3A_2022, %add3A_2030, %broadcast_in_dim3A_2032 : vector<64x128xi1>, vector<64x128xi32>
    %reduce_min3A_2034 = arith.constant dense<2147483647> : vector<64xi32>
    %reduce_min3A_2035 = vector.multi_reduction <minsi>, %select_n3A_2033, %reduce_min3A_2034 [1] : vector<64x128xi32> to vector<64xi32>
    %broadcast_in_dim3A_2036 = vector.shape_cast %reduce_min3A_2035 : vector<64xi32> to vector<64x1xi32>
    %select_n3A_2037 = arith.select %and3A_2022, %select_n3A_2004, %select_n3A_2003 : vector<64x128xi1>, vector<64x128xf32>
    %select_n3A_2038 = arith.select %and3A_2022, %select_n3A_2005, %select_n3A_2004 : vector<64x128xi1>, vector<64x128xf32>
    %select_n3A_2039 = arith.select %and3A_2022, %select_n3A_2008, %select_n3A_2005 : vector<64x128xi1>, vector<64x128xf32>
    %jit3A_2040 = arith.constant 9.99999968E+37 : f32
    %broadcast_in_dim3A_2041 = vector.broadcast %jit3A_2040 : f32 to vector<64x128xf32>
    %select_n3A_2042 = arith.select %and3A_2022, %broadcast_in_dim3A_2041, %select_n3A_2008 : vector<64x128xi1>, vector<64x128xf32>
    %reduce_min3A_2043 = arith.constant dense<0x7F800000> : vector<64xf32>
    %reduce_min3A_2044 = vector.multi_reduction <minimumf>, %select_n3A_2037, %reduce_min3A_2043 [1] : vector<64x128xf32> to vector<64xf32>
    %broadcast_in_dim3A_2045 = vector.shape_cast %reduce_min3A_2044 : vector<64xf32> to vector<64x1xf32>
    %eq3A_2046 = vector.broadcast %broadcast_in_dim3A_2045 : vector<64x1xf32> to vector<64x128xf32>
    %eq3A_2047 = arith.cmpf oeq, %select_n3A_2037, %eq3A_2046 : vector<64x128xf32>
    %jit3A_2048 = arith.constant 128 : i32
    %broadcast_in_dim3A_2049 = vector.broadcast %jit3A_2048 : i32 to vector<64x128xi32>
    %select_n3A_2050 = arith.select %eq3A_2047, %iota3A, %broadcast_in_dim3A_2049 : vector<64x128xi1>, vector<64x128xi32>
    %reduce_min3A_2051 = arith.constant dense<2147483647> : vector<64xi32>
    %reduce_min3A_2052 = vector.multi_reduction <minsi>, %select_n3A_2050, %reduce_min3A_2051 [1] : vector<64x128xi32> to vector<64xi32>
    %broadcast_in_dim3A_2053 = vector.shape_cast %reduce_min3A_2052 : vector<64xi32> to vector<64x1xi32>
    %eq3A_2054 = vector.broadcast %broadcast_in_dim3A_2053 : vector<64x1xi32> to vector<64x128xi32>
    %eq3A_2055 = arith.cmpi eq, %iota3A, %eq3A_2054 : vector<64x128xi32>
    %and3A_2056 = arith.andi %eq3A_2047, %eq3A_2055 : vector<64x128xi1>
    %bitcast_convert_type3A_2057 = tpu.bitcast %select_n3A_2037 : vector<64x128xf32> -> vector<64x128xi32>
    %and3A_2058 = arith.constant 31 : i32
    %and3A_2059 = vector.broadcast %and3A_2058 : i32 to vector<64x128xi32>
    %and3A_2060 = arith.andi %bitcast_convert_type3A_2057, %and3A_2059 : vector<64x128xi32>
    %mul3A_2061 = arith.constant 128 : i32
    %mul3A_2062 = vector.broadcast %mul3A_2061 : i32 to vector<64x128xi32>
    %mul3A_2063 = arith.muli %and3A_2060, %mul3A_2062 : vector<64x128xi32>
    %add3A_2064 = arith.addi %mul3A_2063, %iota3A : vector<64x128xi32>
    %jit3A_2065 = arith.constant 2130706432 : i32
    %broadcast_in_dim3A_2066 = vector.broadcast %jit3A_2065 : i32 to vector<64x128xi32>
    %select_n3A_2067 = arith.select %and3A_2056, %add3A_2064, %broadcast_in_dim3A_2066 : vector<64x128xi1>, vector<64x128xi32>
    %reduce_min3A_2068 = arith.constant dense<2147483647> : vector<64xi32>
    %reduce_min3A_2069 = vector.multi_reduction <minsi>, %select_n3A_2067, %reduce_min3A_2068 [1] : vector<64x128xi32> to vector<64xi32>
    %broadcast_in_dim3A_2070 = vector.shape_cast %reduce_min3A_2069 : vector<64xi32> to vector<64x1xi32>
    %select_n3A_2071 = arith.select %and3A_2056, %select_n3A_2038, %select_n3A_2037 : vector<64x128xi1>, vector<64x128xf32>
    %select_n3A_2072 = arith.select %and3A_2056, %select_n3A_2039, %select_n3A_2038 : vector<64x128xi1>, vector<64x128xf32>
    %select_n3A_2073 = arith.select %and3A_2056, %select_n3A_2042, %select_n3A_2039 : vector<64x128xi1>, vector<64x128xf32>
    %reduce_min3A_2074 = arith.constant dense<0x7F800000> : vector<64xf32>
    %reduce_min3A_2075 = vector.multi_reduction <minimumf>, %select_n3A_2071, %reduce_min3A_2074 [1] : vector<64x128xf32> to vector<64xf32>
    %broadcast_in_dim3A_2076 = vector.shape_cast %reduce_min3A_2075 : vector<64xf32> to vector<64x1xf32>
    %eq3A_2077 = vector.broadcast %broadcast_in_dim3A_2076 : vector<64x1xf32> to vector<64x128xf32>
    %eq3A_2078 = arith.cmpf oeq, %select_n3A_2071, %eq3A_2077 : vector<64x128xf32>
    %jit3A_2079 = arith.constant 128 : i32
    %broadcast_in_dim3A_2080 = vector.broadcast %jit3A_2079 : i32 to vector<64x128xi32>
    %select_n3A_2081 = arith.select %eq3A_2078, %iota3A, %broadcast_in_dim3A_2080 : vector<64x128xi1>, vector<64x128xi32>
    %reduce_min3A_2082 = arith.constant dense<2147483647> : vector<64xi32>
    %reduce_min3A_2083 = vector.multi_reduction <minsi>, %select_n3A_2081, %reduce_min3A_2082 [1] : vector<64x128xi32> to vector<64xi32>
    %broadcast_in_dim3A_2084 = vector.shape_cast %reduce_min3A_2083 : vector<64xi32> to vector<64x1xi32>
    %eq3A_2085 = vector.broadcast %broadcast_in_dim3A_2084 : vector<64x1xi32> to vector<64x128xi32>
    %eq3A_2086 = arith.cmpi eq, %iota3A, %eq3A_2085 : vector<64x128xi32>
    %and3A_2087 = arith.andi %eq3A_2078, %eq3A_2086 : vector<64x128xi1>
    %bitcast_convert_type3A_2088 = tpu.bitcast %select_n3A_2071 : vector<64x128xf32> -> vector<64x128xi32>
    %and3A_2089 = arith.constant 31 : i32
    %and3A_2090 = vector.broadcast %and3A_2089 : i32 to vector<64x128xi32>
    %and3A_2091 = arith.andi %bitcast_convert_type3A_2088, %and3A_2090 : vector<64x128xi32>
    %mul3A_2092 = arith.constant 128 : i32
    %mul3A_2093 = vector.broadcast %mul3A_2092 : i32 to vector<64x128xi32>
    %mul3A_2094 = arith.muli %and3A_2091, %mul3A_2093 : vector<64x128xi32>
    %add3A_2095 = arith.addi %mul3A_2094, %iota3A : vector<64x128xi32>
    %jit3A_2096 = arith.constant 2130706432 : i32
    %broadcast_in_dim3A_2097 = vector.broadcast %jit3A_2096 : i32 to vector<64x128xi32>
    %select_n3A_2098 = arith.select %and3A_2087, %add3A_2095, %broadcast_in_dim3A_2097 : vector<64x128xi1>, vector<64x128xi32>
    %reduce_min3A_2099 = arith.constant dense<2147483647> : vector<64xi32>
    %reduce_min3A_2100 = vector.multi_reduction <minsi>, %select_n3A_2098, %reduce_min3A_2099 [1] : vector<64x128xi32> to vector<64xi32>
    %broadcast_in_dim3A_2101 = vector.shape_cast %reduce_min3A_2100 : vector<64xi32> to vector<64x1xi32>
    %select_n3A_2102 = arith.select %and3A_2087, %select_n3A_2072, %select_n3A_2071 : vector<64x128xi1>, vector<64x128xf32>
    %select_n3A_2103 = arith.select %and3A_2087, %select_n3A_2073, %select_n3A_2072 : vector<64x128xi1>, vector<64x128xf32>
    %reduce_min3A_2104 = arith.constant dense<0x7F800000> : vector<64xf32>
    %reduce_min3A_2105 = vector.multi_reduction <minimumf>, %select_n3A_2102, %reduce_min3A_2104 [1] : vector<64x128xf32> to vector<64xf32>
    %broadcast_in_dim3A_2106 = vector.shape_cast %reduce_min3A_2105 : vector<64xf32> to vector<64x1xf32>
    %eq3A_2107 = vector.broadcast %broadcast_in_dim3A_2106 : vector<64x1xf32> to vector<64x128xf32>
    %eq3A_2108 = arith.cmpf oeq, %select_n3A_2102, %eq3A_2107 : vector<64x128xf32>
    %jit3A_2109 = arith.constant 128 : i32
    %broadcast_in_dim3A_2110 = vector.broadcast %jit3A_2109 : i32 to vector<64x128xi32>
    %select_n3A_2111 = arith.select %eq3A_2108, %iota3A, %broadcast_in_dim3A_2110 : vector<64x128xi1>, vector<64x128xi32>
    %reduce_min3A_2112 = arith.constant dense<2147483647> : vector<64xi32>
    %reduce_min3A_2113 = vector.multi_reduction <minsi>, %select_n3A_2111, %reduce_min3A_2112 [1] : vector<64x128xi32> to vector<64xi32>
    %broadcast_in_dim3A_2114 = vector.shape_cast %reduce_min3A_2113 : vector<64xi32> to vector<64x1xi32>
    %eq3A_2115 = vector.broadcast %broadcast_in_dim3A_2114 : vector<64x1xi32> to vector<64x128xi32>
    %eq3A_2116 = arith.cmpi eq, %iota3A, %eq3A_2115 : vector<64x128xi32>
    %and3A_2117 = arith.andi %eq3A_2108, %eq3A_2116 : vector<64x128xi1>
    %bitcast_convert_type3A_2118 = tpu.bitcast %select_n3A_2102 : vector<64x128xf32> -> vector<64x128xi32>
    %and3A_2119 = arith.constant 31 : i32
    %and3A_2120 = vector.broadcast %and3A_2119 : i32 to vector<64x128xi32>
    %and3A_2121 = arith.andi %bitcast_convert_type3A_2118, %and3A_2120 : vector<64x128xi32>
    %mul3A_2122 = arith.constant 128 : i32
    %mul3A_2123 = vector.broadcast %mul3A_2122 : i32 to vector<64x128xi32>
    %mul3A_2124 = arith.muli %and3A_2121, %mul3A_2123 : vector<64x128xi32>
    %add3A_2125 = arith.addi %mul3A_2124, %iota3A : vector<64x128xi32>
    %jit3A_2126 = arith.constant 2130706432 : i32
    %broadcast_in_dim3A_2127 = vector.broadcast %jit3A_2126 : i32 to vector<64x128xi32>
    %select_n3A_2128 = arith.select %and3A_2117, %add3A_2125, %broadcast_in_dim3A_2127 : vector<64x128xi1>, vector<64x128xi32>
    %reduce_min3A_2129 = arith.constant dense<2147483647> : vector<64xi32>
    %reduce_min3A_2130 = vector.multi_reduction <minsi>, %select_n3A_2128, %reduce_min3A_2129 [1] : vector<64x128xi32> to vector<64xi32>
    %broadcast_in_dim3A_2131 = vector.shape_cast %reduce_min3A_2130 : vector<64xi32> to vector<64x1xi32>
    %select_n3A_2132 = arith.select %and3A_2117, %select_n3A_2103, %select_n3A_2102 : vector<64x128xi1>, vector<64x128xf32>
    %concatenate3A = tpu.concatenate %broadcast_in_dim3A_1628, %broadcast_in_dim3A_1662, %broadcast_in_dim3A_1696, %broadcast_in_dim3A_1730, %broadcast_in_dim3A_1764, %broadcast_in_dim3A_1798, %broadcast_in_dim3A_1832, %broadcast_in_dim3A_1866, %broadcast_in_dim3A_1900, %broadcast_in_dim3A_1934, %broadcast_in_dim3A_1968, %broadcast_in_dim3A_2002, %broadcast_in_dim3A_2036, %broadcast_in_dim3A_2070, %broadcast_in_dim3A_2101, %broadcast_in_dim3A_2131 in 1 : vector<64x1xi32>, vector<64x1xi32>, vector<64x1xi32>, vector<64x1xi32>, vector<64x1xi32>, vector<64x1xi32>, vector<64x1xi32>, vector<64x1xi32>, vector<64x1xi32>, vector<64x1xi32>, vector<64x1xi32>, vector<64x1xi32>, vector<64x1xi32>, vector<64x1xi32>, vector<64x1xi32>, vector<64x1xi32> -> vector<64x16xi32>
    %ge3A = arith.constant 9.99999993E+36 : f32
    %ge3A_2133 = vector.broadcast %ge3A : f32 to vector<64x128xf32>
    %ge3A_2134 = arith.cmpf oge, %select_n3A_2132, %ge3A_2133 : vector<64x128xf32>
    %reduce_or3A = arith.constant 1.000000e+00 : f32
    %reduce_or3A_2135 = arith.constant 0.000000e+00 : f32
    %reduce_or3A_2136 = vector.broadcast %reduce_or3A : f32 to vector<64x128xf32>
    %reduce_or3A_2137 = vector.broadcast %reduce_or3A_2135 : f32 to vector<64x128xf32>
    %reduce_or3A_2138 = arith.select %ge3A_2134, %reduce_or3A_2136, %reduce_or3A_2137 : vector<64x128xi1>, vector<64x128xf32>
    %reduce_or3A_2139 = vector.shape_cast %reduce_or3A_2138 : vector<64x128xf32> to vector<1x64x128xf32>
    %reduce_or3A_2140 = arith.constant dense<0xFF800000> : vector<1xf32>
    %reduce_or3A_2141 = vector.multi_reduction <maximumf>, %reduce_or3A_2139, %reduce_or3A_2140 [1, 2] : vector<1x64x128xf32> to vector<1xf32>
    %reduce_or3A_2142 = vector.shape_cast %reduce_or3A_2141 : vector<1xf32> to vector<1x1x1xf32>
    %reduce_or3A_2143 = vector.extract %reduce_or3A_2142[0, 0, 0] : f32 from vector<1x1x1xf32>
    %reduce_or3A_2144 = arith.constant 0.000000e+00 : f32
    %reduce_or3A_2145 = arith.cmpf ogt, %reduce_or3A_2143, %reduce_or3A_2144 : f32
    %convert_element_type3A = arith.extui %reduce_or3A_2145 : i1 to i32
    %cond3A = arith.constant 2130706432 : i32
    %cond3A_2146 = arith.constant 9.99999968E+37 : f32
    %cond3A_2147 = arith.constant 0 : i32
    %cond3A_2148 = arith.cmpi ne, %convert_element_type3A, %cond3A_2147 : i32
    %cond3A_2149 = scf.if %cond3A_2148 -> (vector<64x16xi32>) {
      %broadcast_in_dim3A_2155 = arith.constant 0.000000e+00 : f32
      %broadcast_in_dim3A_2156 = vector.broadcast %broadcast_in_dim3A_2155 : f32 to vector<64x128xf32>
      %get3A_2157 = arith.constant 0 : index
      %get3A_2158 = arith.constant 0 : index
      %get3A_2159 = arith.constant 0 : index
      %get3A_2160 = vector.load %arg2[%get3A_2157, %get3A_2158, %get3A_2159] : memref<1x8x4096xf32, #tpu.memory_space<vmem>>, vector<1x1x128xf32>
      %get3A_2161 = vector.shape_cast %get3A_2160 : vector<1x1x128xf32> to vector<1x128xf32>
      %sub3A_2162 = vector.broadcast %slice3A : vector<64x1xf32> to vector<64x128xf32>
      %sub3A_2163 = vector.broadcast %get3A_2161 : vector<1x128xf32> to vector<64x128xf32>
      %sub3A_2164 = arith.subf %sub3A_2162, %sub3A_2163 : vector<64x128xf32>
      %mul3A_2165 = arith.mulf %sub3A_2164, %sub3A_2164 : vector<64x128xf32>
      %add3A_2166 = arith.addf %broadcast_in_dim3A_2156, %mul3A_2165 : vector<64x128xf32>
      %get3A_2167 = arith.constant 0 : index
      %get3A_2168 = arith.constant 1 : index
      %get3A_2169 = arith.constant 0 : index
      %get3A_2170 = vector.load %arg2[%get3A_2167, %get3A_2168, %get3A_2169] : memref<1x8x4096xf32, #tpu.memory_space<vmem>>, vector<1x1x128xf32>
      %get3A_2171 = vector.shape_cast %get3A_2170 : vector<1x1x128xf32> to vector<1x128xf32>
      %sub3A_2172 = vector.broadcast %slice3A_4 : vector<64x1xf32> to vector<64x128xf32>
      %sub3A_2173 = vector.broadcast %get3A_2171 : vector<1x128xf32> to vector<64x128xf32>
      %sub3A_2174 = arith.subf %sub3A_2172, %sub3A_2173 : vector<64x128xf32>
      %mul3A_2175 = arith.mulf %sub3A_2174, %sub3A_2174 : vector<64x128xf32>
      %add3A_2176 = arith.addf %add3A_2166, %mul3A_2175 : vector<64x128xf32>
      %get3A_2177 = arith.constant 0 : index
      %get3A_2178 = arith.constant 2 : index
      %get3A_2179 = arith.constant 0 : index
      %get3A_2180 = vector.load %arg2[%get3A_2177, %get3A_2178, %get3A_2179] : memref<1x8x4096xf32, #tpu.memory_space<vmem>>, vector<1x1x128xf32>
      %get3A_2181 = vector.shape_cast %get3A_2180 : vector<1x1x128xf32> to vector<1x128xf32>
      %sub3A_2182 = vector.broadcast %slice3A_5 : vector<64x1xf32> to vector<64x128xf32>
      %sub3A_2183 = vector.broadcast %get3A_2181 : vector<1x128xf32> to vector<64x128xf32>
      %sub3A_2184 = arith.subf %sub3A_2182, %sub3A_2183 : vector<64x128xf32>
      %mul3A_2185 = arith.mulf %sub3A_2184, %sub3A_2184 : vector<64x128xf32>
      %add3A_2186 = arith.addf %add3A_2176, %mul3A_2185 : vector<64x128xf32>
      %max3A_2187 = arith.constant 9.99999991E-38 : f32
      %max3A_2188 = vector.broadcast %max3A_2187 : f32 to vector<64x128xf32>
      %max3A_2189 = arith.maximumf %add3A_2186, %max3A_2188 : vector<64x128xf32>
      %bitcast_convert_type3A_2190 = tpu.bitcast %max3A_2189 : vector<64x128xf32> -> vector<64x128xi32>
      %and3A_2191 = arith.constant -32 : i32
      %and3A_2192 = vector.broadcast %and3A_2191 : i32 to vector<64x128xi32>
      %and3A_2193 = arith.andi %bitcast_convert_type3A_2190, %and3A_2192 : vector<64x128xi32>
      %or3A_2194 = arith.constant 0 : i32
      %or3A_2195 = vector.broadcast %or3A_2194 : i32 to vector<64x128xi32>
      %or3A_2196 = arith.ori %and3A_2193, %or3A_2195 : vector<64x128xi32>
      %bitcast_convert_type3A_2197 = tpu.bitcast %or3A_2196 : vector<64x128xi32> -> vector<64x128xf32>
      %broadcast_in_dim3A_2198 = arith.constant 0.000000e+00 : f32
      %broadcast_in_dim3A_2199 = vector.broadcast %broadcast_in_dim3A_2198 : f32 to vector<64x128xf32>
      %get3A_2200 = arith.constant 0 : index
      %get3A_2201 = arith.constant 0 : index
      %get3A_2202 = arith.constant 128 : index
      %get3A_2203 = vector.load %arg2[%get3A_2200, %get3A_2201, %get3A_2202] : memref<1x8x4096xf32, #tpu.memory_space<vmem>>, vector<1x1x128xf32>
      %get3A_2204 = vector.shape_cast %get3A_2203 : vector<1x1x128xf32> to vector<1x128xf32>
      %sub3A_2205 = vector.broadcast %slice3A : vector<64x1xf32> to vector<64x128xf32>
      %sub3A_2206 = vector.broadcast %get3A_2204 : vector<1x128xf32> to vector<64x128xf32>
      %sub3A_2207 = arith.subf %sub3A_2205, %sub3A_2206 : vector<64x128xf32>
      %mul3A_2208 = arith.mulf %sub3A_2207, %sub3A_2207 : vector<64x128xf32>
      %add3A_2209 = arith.addf %broadcast_in_dim3A_2199, %mul3A_2208 : vector<64x128xf32>
      %get3A_2210 = arith.constant 0 : index
      %get3A_2211 = arith.constant 1 : index
      %get3A_2212 = arith.constant 128 : index
      %get3A_2213 = vector.load %arg2[%get3A_2210, %get3A_2211, %get3A_2212] : memref<1x8x4096xf32, #tpu.memory_space<vmem>>, vector<1x1x128xf32>
      %get3A_2214 = vector.shape_cast %get3A_2213 : vector<1x1x128xf32> to vector<1x128xf32>
      %sub3A_2215 = vector.broadcast %slice3A_4 : vector<64x1xf32> to vector<64x128xf32>
      %sub3A_2216 = vector.broadcast %get3A_2214 : vector<1x128xf32> to vector<64x128xf32>
      %sub3A_2217 = arith.subf %sub3A_2215, %sub3A_2216 : vector<64x128xf32>
      %mul3A_2218 = arith.mulf %sub3A_2217, %sub3A_2217 : vector<64x128xf32>
      %add3A_2219 = arith.addf %add3A_2209, %mul3A_2218 : vector<64x128xf32>
      %get3A_2220 = arith.constant 0 : index
      %get3A_2221 = arith.constant 2 : index
      %get3A_2222 = arith.constant 128 : index
      %get3A_2223 = vector.load %arg2[%get3A_2220, %get3A_2221, %get3A_2222] : memref<1x8x4096xf32, #tpu.memory_space<vmem>>, vector<1x1x128xf32>
      %get3A_2224 = vector.shape_cast %get3A_2223 : vector<1x1x128xf32> to vector<1x128xf32>
      %sub3A_2225 = vector.broadcast %slice3A_5 : vector<64x1xf32> to vector<64x128xf32>
      %sub3A_2226 = vector.broadcast %get3A_2224 : vector<1x128xf32> to vector<64x128xf32>
      %sub3A_2227 = arith.subf %sub3A_2225, %sub3A_2226 : vector<64x128xf32>
      %mul3A_2228 = arith.mulf %sub3A_2227, %sub3A_2227 : vector<64x128xf32>
      %add3A_2229 = arith.addf %add3A_2219, %mul3A_2228 : vector<64x128xf32>
      %max3A_2230 = arith.constant 9.99999991E-38 : f32
      %max3A_2231 = vector.broadcast %max3A_2230 : f32 to vector<64x128xf32>
      %max3A_2232 = arith.maximumf %add3A_2229, %max3A_2231 : vector<64x128xf32>
      %bitcast_convert_type3A_2233 = tpu.bitcast %max3A_2232 : vector<64x128xf32> -> vector<64x128xi32>
      %and3A_2234 = arith.constant -32 : i32
      %and3A_2235 = vector.broadcast %and3A_2234 : i32 to vector<64x128xi32>
      %and3A_2236 = arith.andi %bitcast_convert_type3A_2233, %and3A_2235 : vector<64x128xi32>
      %or3A_2237 = arith.constant 1 : i32
      %or3A_2238 = vector.broadcast %or3A_2237 : i32 to vector<64x128xi32>
      %or3A_2239 = arith.ori %and3A_2236, %or3A_2238 : vector<64x128xi32>
      %bitcast_convert_type3A_2240 = tpu.bitcast %or3A_2239 : vector<64x128xi32> -> vector<64x128xf32>
      %broadcast_in_dim3A_2241 = arith.constant 0.000000e+00 : f32
      %broadcast_in_dim3A_2242 = vector.broadcast %broadcast_in_dim3A_2241 : f32 to vector<64x128xf32>
      %get3A_2243 = arith.constant 0 : index
      %get3A_2244 = arith.constant 0 : index
      %get3A_2245 = arith.constant 256 : index
      %get3A_2246 = vector.load %arg2[%get3A_2243, %get3A_2244, %get3A_2245] : memref<1x8x4096xf32, #tpu.memory_space<vmem>>, vector<1x1x128xf32>
      %get3A_2247 = vector.shape_cast %get3A_2246 : vector<1x1x128xf32> to vector<1x128xf32>
      %sub3A_2248 = vector.broadcast %slice3A : vector<64x1xf32> to vector<64x128xf32>
      %sub3A_2249 = vector.broadcast %get3A_2247 : vector<1x128xf32> to vector<64x128xf32>
      %sub3A_2250 = arith.subf %sub3A_2248, %sub3A_2249 : vector<64x128xf32>
      %mul3A_2251 = arith.mulf %sub3A_2250, %sub3A_2250 : vector<64x128xf32>
      %add3A_2252 = arith.addf %broadcast_in_dim3A_2242, %mul3A_2251 : vector<64x128xf32>
      %get3A_2253 = arith.constant 0 : index
      %get3A_2254 = arith.constant 1 : index
      %get3A_2255 = arith.constant 256 : index
      %get3A_2256 = vector.load %arg2[%get3A_2253, %get3A_2254, %get3A_2255] : memref<1x8x4096xf32, #tpu.memory_space<vmem>>, vector<1x1x128xf32>
      %get3A_2257 = vector.shape_cast %get3A_2256 : vector<1x1x128xf32> to vector<1x128xf32>
      %sub3A_2258 = vector.broadcast %slice3A_4 : vector<64x1xf32> to vector<64x128xf32>
      %sub3A_2259 = vector.broadcast %get3A_2257 : vector<1x128xf32> to vector<64x128xf32>
      %sub3A_2260 = arith.subf %sub3A_2258, %sub3A_2259 : vector<64x128xf32>
      %mul3A_2261 = arith.mulf %sub3A_2260, %sub3A_2260 : vector<64x128xf32>
      %add3A_2262 = arith.addf %add3A_2252, %mul3A_2261 : vector<64x128xf32>
      %get3A_2263 = arith.constant 0 : index
      %get3A_2264 = arith.constant 2 : index
      %get3A_2265 = arith.constant 256 : index
      %get3A_2266 = vector.load %arg2[%get3A_2263, %get3A_2264, %get3A_2265] : memref<1x8x4096xf32, #tpu.memory_space<vmem>>, vector<1x1x128xf32>
      %get3A_2267 = vector.shape_cast %get3A_2266 : vector<1x1x128xf32> to vector<1x128xf32>
      %sub3A_2268 = vector.broadcast %slice3A_5 : vector<64x1xf32> to vector<64x128xf32>
      %sub3A_2269 = vector.broadcast %get3A_2267 : vector<1x128xf32> to vector<64x128xf32>
      %sub3A_2270 = arith.subf %sub3A_2268, %sub3A_2269 : vector<64x128xf32>
      %mul3A_2271 = arith.mulf %sub3A_2270, %sub3A_2270 : vector<64x128xf32>
      %add3A_2272 = arith.addf %add3A_2262, %mul3A_2271 : vector<64x128xf32>
      %max3A_2273 = arith.constant 9.99999991E-38 : f32
      %max3A_2274 = vector.broadcast %max3A_2273 : f32 to vector<64x128xf32>
      %max3A_2275 = arith.maximumf %add3A_2272, %max3A_2274 : vector<64x128xf32>
      %bitcast_convert_type3A_2276 = tpu.bitcast %max3A_2275 : vector<64x128xf32> -> vector<64x128xi32>
      %and3A_2277 = arith.constant -32 : i32
      %and3A_2278 = vector.broadcast %and3A_2277 : i32 to vector<64x128xi32>
      %and3A_2279 = arith.andi %bitcast_convert_type3A_2276, %and3A_2278 : vector<64x128xi32>
      %or3A_2280 = arith.constant 2 : i32
      %or3A_2281 = vector.broadcast %or3A_2280 : i32 to vector<64x128xi32>
      %or3A_2282 = arith.ori %and3A_2279, %or3A_2281 : vector<64x128xi32>
      %bitcast_convert_type3A_2283 = tpu.bitcast %or3A_2282 : vector<64x128xi32> -> vector<64x128xf32>
      %broadcast_in_dim3A_2284 = arith.constant 0.000000e+00 : f32
      %broadcast_in_dim3A_2285 = vector.broadcast %broadcast_in_dim3A_2284 : f32 to vector<64x128xf32>
      %get3A_2286 = arith.constant 0 : index
      %get3A_2287 = arith.constant 0 : index
      %get3A_2288 = arith.constant 384 : index
      %get3A_2289 = vector.load %arg2[%get3A_2286, %get3A_2287, %get3A_2288] : memref<1x8x4096xf32, #tpu.memory_space<vmem>>, vector<1x1x128xf32>
      %get3A_2290 = vector.shape_cast %get3A_2289 : vector<1x1x128xf32> to vector<1x128xf32>
      %sub3A_2291 = vector.broadcast %slice3A : vector<64x1xf32> to vector<64x128xf32>
      %sub3A_2292 = vector.broadcast %get3A_2290 : vector<1x128xf32> to vector<64x128xf32>
      %sub3A_2293 = arith.subf %sub3A_2291, %sub3A_2292 : vector<64x128xf32>
      %mul3A_2294 = arith.mulf %sub3A_2293, %sub3A_2293 : vector<64x128xf32>
      %add3A_2295 = arith.addf %broadcast_in_dim3A_2285, %mul3A_2294 : vector<64x128xf32>
      %get3A_2296 = arith.constant 0 : index
      %get3A_2297 = arith.constant 1 : index
      %get3A_2298 = arith.constant 384 : index
      %get3A_2299 = vector.load %arg2[%get3A_2296, %get3A_2297, %get3A_2298] : memref<1x8x4096xf32, #tpu.memory_space<vmem>>, vector<1x1x128xf32>
      %get3A_2300 = vector.shape_cast %get3A_2299 : vector<1x1x128xf32> to vector<1x128xf32>
      %sub3A_2301 = vector.broadcast %slice3A_4 : vector<64x1xf32> to vector<64x128xf32>
      %sub3A_2302 = vector.broadcast %get3A_2300 : vector<1x128xf32> to vector<64x128xf32>
      %sub3A_2303 = arith.subf %sub3A_2301, %sub3A_2302 : vector<64x128xf32>
      %mul3A_2304 = arith.mulf %sub3A_2303, %sub3A_2303 : vector<64x128xf32>
      %add3A_2305 = arith.addf %add3A_2295, %mul3A_2304 : vector<64x128xf32>
      %get3A_2306 = arith.constant 0 : index
      %get3A_2307 = arith.constant 2 : index
      %get3A_2308 = arith.constant 384 : index
      %get3A_2309 = vector.load %arg2[%get3A_2306, %get3A_2307, %get3A_2308] : memref<1x8x4096xf32, #tpu.memory_space<vmem>>, vector<1x1x128xf32>
      %get3A_2310 = vector.shape_cast %get3A_2309 : vector<1x1x128xf32> to vector<1x128xf32>
      %sub3A_2311 = vector.broadcast %slice3A_5 : vector<64x1xf32> to vector<64x128xf32>
      %sub3A_2312 = vector.broadcast %get3A_2310 : vector<1x128xf32> to vector<64x128xf32>
      %sub3A_2313 = arith.subf %sub3A_2311, %sub3A_2312 : vector<64x128xf32>
      %mul3A_2314 = arith.mulf %sub3A_2313, %sub3A_2313 : vector<64x128xf32>
      %add3A_2315 = arith.addf %add3A_2305, %mul3A_2314 : vector<64x128xf32>
      %max3A_2316 = arith.constant 9.99999991E-38 : f32
      %max3A_2317 = vector.broadcast %max3A_2316 : f32 to vector<64x128xf32>
      %max3A_2318 = arith.maximumf %add3A_2315, %max3A_2317 : vector<64x128xf32>
      %bitcast_convert_type3A_2319 = tpu.bitcast %max3A_2318 : vector<64x128xf32> -> vector<64x128xi32>
      %and3A_2320 = arith.constant -32 : i32
      %and3A_2321 = vector.broadcast %and3A_2320 : i32 to vector<64x128xi32>
      %and3A_2322 = arith.andi %bitcast_convert_type3A_2319, %and3A_2321 : vector<64x128xi32>
      %or3A_2323 = arith.constant 3 : i32
      %or3A_2324 = vector.broadcast %or3A_2323 : i32 to vector<64x128xi32>
      %or3A_2325 = arith.ori %and3A_2322, %or3A_2324 : vector<64x128xi32>
      %bitcast_convert_type3A_2326 = tpu.bitcast %or3A_2325 : vector<64x128xi32> -> vector<64x128xf32>
      %broadcast_in_dim3A_2327 = arith.constant 0.000000e+00 : f32
      %broadcast_in_dim3A_2328 = vector.broadcast %broadcast_in_dim3A_2327 : f32 to vector<64x128xf32>
      %get3A_2329 = arith.constant 0 : index
      %get3A_2330 = arith.constant 0 : index
      %get3A_2331 = arith.constant 512 : index
      %get3A_2332 = vector.load %arg2[%get3A_2329, %get3A_2330, %get3A_2331] : memref<1x8x4096xf32, #tpu.memory_space<vmem>>, vector<1x1x128xf32>
      %get3A_2333 = vector.shape_cast %get3A_2332 : vector<1x1x128xf32> to vector<1x128xf32>
      %sub3A_2334 = vector.broadcast %slice3A : vector<64x1xf32> to vector<64x128xf32>
      %sub3A_2335 = vector.broadcast %get3A_2333 : vector<1x128xf32> to vector<64x128xf32>
      %sub3A_2336 = arith.subf %sub3A_2334, %sub3A_2335 : vector<64x128xf32>
      %mul3A_2337 = arith.mulf %sub3A_2336, %sub3A_2336 : vector<64x128xf32>
      %add3A_2338 = arith.addf %broadcast_in_dim3A_2328, %mul3A_2337 : vector<64x128xf32>
      %get3A_2339 = arith.constant 0 : index
      %get3A_2340 = arith.constant 1 : index
      %get3A_2341 = arith.constant 512 : index
      %get3A_2342 = vector.load %arg2[%get3A_2339, %get3A_2340, %get3A_2341] : memref<1x8x4096xf32, #tpu.memory_space<vmem>>, vector<1x1x128xf32>
      %get3A_2343 = vector.shape_cast %get3A_2342 : vector<1x1x128xf32> to vector<1x128xf32>
      %sub3A_2344 = vector.broadcast %slice3A_4 : vector<64x1xf32> to vector<64x128xf32>
      %sub3A_2345 = vector.broadcast %get3A_2343 : vector<1x128xf32> to vector<64x128xf32>
      %sub3A_2346 = arith.subf %sub3A_2344, %sub3A_2345 : vector<64x128xf32>
      %mul3A_2347 = arith.mulf %sub3A_2346, %sub3A_2346 : vector<64x128xf32>
      %add3A_2348 = arith.addf %add3A_2338, %mul3A_2347 : vector<64x128xf32>
      %get3A_2349 = arith.constant 0 : index
      %get3A_2350 = arith.constant 2 : index
      %get3A_2351 = arith.constant 512 : index
      %get3A_2352 = vector.load %arg2[%get3A_2349, %get3A_2350, %get3A_2351] : memref<1x8x4096xf32, #tpu.memory_space<vmem>>, vector<1x1x128xf32>
      %get3A_2353 = vector.shape_cast %get3A_2352 : vector<1x1x128xf32> to vector<1x128xf32>
      %sub3A_2354 = vector.broadcast %slice3A_5 : vector<64x1xf32> to vector<64x128xf32>
      %sub3A_2355 = vector.broadcast %get3A_2353 : vector<1x128xf32> to vector<64x128xf32>
      %sub3A_2356 = arith.subf %sub3A_2354, %sub3A_2355 : vector<64x128xf32>
      %mul3A_2357 = arith.mulf %sub3A_2356, %sub3A_2356 : vector<64x128xf32>
      %add3A_2358 = arith.addf %add3A_2348, %mul3A_2357 : vector<64x128xf32>
      %max3A_2359 = arith.constant 9.99999991E-38 : f32
      %max3A_2360 = vector.broadcast %max3A_2359 : f32 to vector<64x128xf32>
      %max3A_2361 = arith.maximumf %add3A_2358, %max3A_2360 : vector<64x128xf32>
      %bitcast_convert_type3A_2362 = tpu.bitcast %max3A_2361 : vector<64x128xf32> -> vector<64x128xi32>
      %and3A_2363 = arith.constant -32 : i32
      %and3A_2364 = vector.broadcast %and3A_2363 : i32 to vector<64x128xi32>
      %and3A_2365 = arith.andi %bitcast_convert_type3A_2362, %and3A_2364 : vector<64x128xi32>
      %or3A_2366 = arith.constant 4 : i32
      %or3A_2367 = vector.broadcast %or3A_2366 : i32 to vector<64x128xi32>
      %or3A_2368 = arith.ori %and3A_2365, %or3A_2367 : vector<64x128xi32>
      %bitcast_convert_type3A_2369 = tpu.bitcast %or3A_2368 : vector<64x128xi32> -> vector<64x128xf32>
      %broadcast_in_dim3A_2370 = arith.constant 0.000000e+00 : f32
      %broadcast_in_dim3A_2371 = vector.broadcast %broadcast_in_dim3A_2370 : f32 to vector<64x128xf32>
      %get3A_2372 = arith.constant 0 : index
      %get3A_2373 = arith.constant 0 : index
      %get3A_2374 = arith.constant 640 : index
      %get3A_2375 = vector.load %arg2[%get3A_2372, %get3A_2373, %get3A_2374] : memref<1x8x4096xf32, #tpu.memory_space<vmem>>, vector<1x1x128xf32>
      %get3A_2376 = vector.shape_cast %get3A_2375 : vector<1x1x128xf32> to vector<1x128xf32>
      %sub3A_2377 = vector.broadcast %slice3A : vector<64x1xf32> to vector<64x128xf32>
      %sub3A_2378 = vector.broadcast %get3A_2376 : vector<1x128xf32> to vector<64x128xf32>
      %sub3A_2379 = arith.subf %sub3A_2377, %sub3A_2378 : vector<64x128xf32>
      %mul3A_2380 = arith.mulf %sub3A_2379, %sub3A_2379 : vector<64x128xf32>
      %add3A_2381 = arith.addf %broadcast_in_dim3A_2371, %mul3A_2380 : vector<64x128xf32>
      %get3A_2382 = arith.constant 0 : index
      %get3A_2383 = arith.constant 1 : index
      %get3A_2384 = arith.constant 640 : index
      %get3A_2385 = vector.load %arg2[%get3A_2382, %get3A_2383, %get3A_2384] : memref<1x8x4096xf32, #tpu.memory_space<vmem>>, vector<1x1x128xf32>
      %get3A_2386 = vector.shape_cast %get3A_2385 : vector<1x1x128xf32> to vector<1x128xf32>
      %sub3A_2387 = vector.broadcast %slice3A_4 : vector<64x1xf32> to vector<64x128xf32>
      %sub3A_2388 = vector.broadcast %get3A_2386 : vector<1x128xf32> to vector<64x128xf32>
      %sub3A_2389 = arith.subf %sub3A_2387, %sub3A_2388 : vector<64x128xf32>
      %mul3A_2390 = arith.mulf %sub3A_2389, %sub3A_2389 : vector<64x128xf32>
      %add3A_2391 = arith.addf %add3A_2381, %mul3A_2390 : vector<64x128xf32>
      %get3A_2392 = arith.constant 0 : index
      %get3A_2393 = arith.constant 2 : index
      %get3A_2394 = arith.constant 640 : index
      %get3A_2395 = vector.load %arg2[%get3A_2392, %get3A_2393, %get3A_2394] : memref<1x8x4096xf32, #tpu.memory_space<vmem>>, vector<1x1x128xf32>
      %get3A_2396 = vector.shape_cast %get3A_2395 : vector<1x1x128xf32> to vector<1x128xf32>
      %sub3A_2397 = vector.broadcast %slice3A_5 : vector<64x1xf32> to vector<64x128xf32>
      %sub3A_2398 = vector.broadcast %get3A_2396 : vector<1x128xf32> to vector<64x128xf32>
      %sub3A_2399 = arith.subf %sub3A_2397, %sub3A_2398 : vector<64x128xf32>
      %mul3A_2400 = arith.mulf %sub3A_2399, %sub3A_2399 : vector<64x128xf32>
      %add3A_2401 = arith.addf %add3A_2391, %mul3A_2400 : vector<64x128xf32>
      %max3A_2402 = arith.constant 9.99999991E-38 : f32
      %max3A_2403 = vector.broadcast %max3A_2402 : f32 to vector<64x128xf32>
      %max3A_2404 = arith.maximumf %add3A_2401, %max3A_2403 : vector<64x128xf32>
      %bitcast_convert_type3A_2405 = tpu.bitcast %max3A_2404 : vector<64x128xf32> -> vector<64x128xi32>
      %and3A_2406 = arith.constant -32 : i32
      %and3A_2407 = vector.broadcast %and3A_2406 : i32 to vector<64x128xi32>
      %and3A_2408 = arith.andi %bitcast_convert_type3A_2405, %and3A_2407 : vector<64x128xi32>
      %or3A_2409 = arith.constant 5 : i32
      %or3A_2410 = vector.broadcast %or3A_2409 : i32 to vector<64x128xi32>
      %or3A_2411 = arith.ori %and3A_2408, %or3A_2410 : vector<64x128xi32>
      %bitcast_convert_type3A_2412 = tpu.bitcast %or3A_2411 : vector<64x128xi32> -> vector<64x128xf32>
      %broadcast_in_dim3A_2413 = arith.constant 0.000000e+00 : f32
      %broadcast_in_dim3A_2414 = vector.broadcast %broadcast_in_dim3A_2413 : f32 to vector<64x128xf32>
      %get3A_2415 = arith.constant 0 : index
      %get3A_2416 = arith.constant 0 : index
      %get3A_2417 = arith.constant 768 : index
      %get3A_2418 = vector.load %arg2[%get3A_2415, %get3A_2416, %get3A_2417] : memref<1x8x4096xf32, #tpu.memory_space<vmem>>, vector<1x1x128xf32>
      %get3A_2419 = vector.shape_cast %get3A_2418 : vector<1x1x128xf32> to vector<1x128xf32>
      %sub3A_2420 = vector.broadcast %slice3A : vector<64x1xf32> to vector<64x128xf32>
      %sub3A_2421 = vector.broadcast %get3A_2419 : vector<1x128xf32> to vector<64x128xf32>
      %sub3A_2422 = arith.subf %sub3A_2420, %sub3A_2421 : vector<64x128xf32>
      %mul3A_2423 = arith.mulf %sub3A_2422, %sub3A_2422 : vector<64x128xf32>
      %add3A_2424 = arith.addf %broadcast_in_dim3A_2414, %mul3A_2423 : vector<64x128xf32>
      %get3A_2425 = arith.constant 0 : index
      %get3A_2426 = arith.constant 1 : index
      %get3A_2427 = arith.constant 768 : index
      %get3A_2428 = vector.load %arg2[%get3A_2425, %get3A_2426, %get3A_2427] : memref<1x8x4096xf32, #tpu.memory_space<vmem>>, vector<1x1x128xf32>
      %get3A_2429 = vector.shape_cast %get3A_2428 : vector<1x1x128xf32> to vector<1x128xf32>
      %sub3A_2430 = vector.broadcast %slice3A_4 : vector<64x1xf32> to vector<64x128xf32>
      %sub3A_2431 = vector.broadcast %get3A_2429 : vector<1x128xf32> to vector<64x128xf32>
      %sub3A_2432 = arith.subf %sub3A_2430, %sub3A_2431 : vector<64x128xf32>
      %mul3A_2433 = arith.mulf %sub3A_2432, %sub3A_2432 : vector<64x128xf32>
      %add3A_2434 = arith.addf %add3A_2424, %mul3A_2433 : vector<64x128xf32>
      %get3A_2435 = arith.constant 0 : index
      %get3A_2436 = arith.constant 2 : index
      %get3A_2437 = arith.constant 768 : index
      %get3A_2438 = vector.load %arg2[%get3A_2435, %get3A_2436, %get3A_2437] : memref<1x8x4096xf32, #tpu.memory_space<vmem>>, vector<1x1x128xf32>
      %get3A_2439 = vector.shape_cast %get3A_2438 : vector<1x1x128xf32> to vector<1x128xf32>
      %sub3A_2440 = vector.broadcast %slice3A_5 : vector<64x1xf32> to vector<64x128xf32>
      %sub3A_2441 = vector.broadcast %get3A_2439 : vector<1x128xf32> to vector<64x128xf32>
      %sub3A_2442 = arith.subf %sub3A_2440, %sub3A_2441 : vector<64x128xf32>
      %mul3A_2443 = arith.mulf %sub3A_2442, %sub3A_2442 : vector<64x128xf32>
      %add3A_2444 = arith.addf %add3A_2434, %mul3A_2443 : vector<64x128xf32>
      %max3A_2445 = arith.constant 9.99999991E-38 : f32
      %max3A_2446 = vector.broadcast %max3A_2445 : f32 to vector<64x128xf32>
      %max3A_2447 = arith.maximumf %add3A_2444, %max3A_2446 : vector<64x128xf32>
      %bitcast_convert_type3A_2448 = tpu.bitcast %max3A_2447 : vector<64x128xf32> -> vector<64x128xi32>
      %and3A_2449 = arith.constant -32 : i32
      %and3A_2450 = vector.broadcast %and3A_2449 : i32 to vector<64x128xi32>
      %and3A_2451 = arith.andi %bitcast_convert_type3A_2448, %and3A_2450 : vector<64x128xi32>
      %or3A_2452 = arith.constant 6 : i32
      %or3A_2453 = vector.broadcast %or3A_2452 : i32 to vector<64x128xi32>
      %or3A_2454 = arith.ori %and3A_2451, %or3A_2453 : vector<64x128xi32>
      %bitcast_convert_type3A_2455 = tpu.bitcast %or3A_2454 : vector<64x128xi32> -> vector<64x128xf32>
      %broadcast_in_dim3A_2456 = arith.constant 0.000000e+00 : f32
      %broadcast_in_dim3A_2457 = vector.broadcast %broadcast_in_dim3A_2456 : f32 to vector<64x128xf32>
      %get3A_2458 = arith.constant 0 : index
      %get3A_2459 = arith.constant 0 : index
      %get3A_2460 = arith.constant 896 : index
      %get3A_2461 = vector.load %arg2[%get3A_2458, %get3A_2459, %get3A_2460] : memref<1x8x4096xf32, #tpu.memory_space<vmem>>, vector<1x1x128xf32>
      %get3A_2462 = vector.shape_cast %get3A_2461 : vector<1x1x128xf32> to vector<1x128xf32>
      %sub3A_2463 = vector.broadcast %slice3A : vector<64x1xf32> to vector<64x128xf32>
      %sub3A_2464 = vector.broadcast %get3A_2462 : vector<1x128xf32> to vector<64x128xf32>
      %sub3A_2465 = arith.subf %sub3A_2463, %sub3A_2464 : vector<64x128xf32>
      %mul3A_2466 = arith.mulf %sub3A_2465, %sub3A_2465 : vector<64x128xf32>
      %add3A_2467 = arith.addf %broadcast_in_dim3A_2457, %mul3A_2466 : vector<64x128xf32>
      %get3A_2468 = arith.constant 0 : index
      %get3A_2469 = arith.constant 1 : index
      %get3A_2470 = arith.constant 896 : index
      %get3A_2471 = vector.load %arg2[%get3A_2468, %get3A_2469, %get3A_2470] : memref<1x8x4096xf32, #tpu.memory_space<vmem>>, vector<1x1x128xf32>
      %get3A_2472 = vector.shape_cast %get3A_2471 : vector<1x1x128xf32> to vector<1x128xf32>
      %sub3A_2473 = vector.broadcast %slice3A_4 : vector<64x1xf32> to vector<64x128xf32>
      %sub3A_2474 = vector.broadcast %get3A_2472 : vector<1x128xf32> to vector<64x128xf32>
      %sub3A_2475 = arith.subf %sub3A_2473, %sub3A_2474 : vector<64x128xf32>
      %mul3A_2476 = arith.mulf %sub3A_2475, %sub3A_2475 : vector<64x128xf32>
      %add3A_2477 = arith.addf %add3A_2467, %mul3A_2476 : vector<64x128xf32>
      %get3A_2478 = arith.constant 0 : index
      %get3A_2479 = arith.constant 2 : index
      %get3A_2480 = arith.constant 896 : index
      %get3A_2481 = vector.load %arg2[%get3A_2478, %get3A_2479, %get3A_2480] : memref<1x8x4096xf32, #tpu.memory_space<vmem>>, vector<1x1x128xf32>
      %get3A_2482 = vector.shape_cast %get3A_2481 : vector<1x1x128xf32> to vector<1x128xf32>
      %sub3A_2483 = vector.broadcast %slice3A_5 : vector<64x1xf32> to vector<64x128xf32>
      %sub3A_2484 = vector.broadcast %get3A_2482 : vector<1x128xf32> to vector<64x128xf32>
      %sub3A_2485 = arith.subf %sub3A_2483, %sub3A_2484 : vector<64x128xf32>
      %mul3A_2486 = arith.mulf %sub3A_2485, %sub3A_2485 : vector<64x128xf32>
      %add3A_2487 = arith.addf %add3A_2477, %mul3A_2486 : vector<64x128xf32>
      %max3A_2488 = arith.constant 9.99999991E-38 : f32
      %max3A_2489 = vector.broadcast %max3A_2488 : f32 to vector<64x128xf32>
      %max3A_2490 = arith.maximumf %add3A_2487, %max3A_2489 : vector<64x128xf32>
      %bitcast_convert_type3A_2491 = tpu.bitcast %max3A_2490 : vector<64x128xf32> -> vector<64x128xi32>
      %and3A_2492 = arith.constant -32 : i32
      %and3A_2493 = vector.broadcast %and3A_2492 : i32 to vector<64x128xi32>
      %and3A_2494 = arith.andi %bitcast_convert_type3A_2491, %and3A_2493 : vector<64x128xi32>
      %or3A_2495 = arith.constant 7 : i32
      %or3A_2496 = vector.broadcast %or3A_2495 : i32 to vector<64x128xi32>
      %or3A_2497 = arith.ori %and3A_2494, %or3A_2496 : vector<64x128xi32>
      %bitcast_convert_type3A_2498 = tpu.bitcast %or3A_2497 : vector<64x128xi32> -> vector<64x128xf32>
      %broadcast_in_dim3A_2499 = arith.constant 0.000000e+00 : f32
      %broadcast_in_dim3A_2500 = vector.broadcast %broadcast_in_dim3A_2499 : f32 to vector<64x128xf32>
      %get3A_2501 = arith.constant 0 : index
      %get3A_2502 = arith.constant 0 : index
      %get3A_2503 = arith.constant 1024 : index
      %get3A_2504 = vector.load %arg2[%get3A_2501, %get3A_2502, %get3A_2503] : memref<1x8x4096xf32, #tpu.memory_space<vmem>>, vector<1x1x128xf32>
      %get3A_2505 = vector.shape_cast %get3A_2504 : vector<1x1x128xf32> to vector<1x128xf32>
      %sub3A_2506 = vector.broadcast %slice3A : vector<64x1xf32> to vector<64x128xf32>
      %sub3A_2507 = vector.broadcast %get3A_2505 : vector<1x128xf32> to vector<64x128xf32>
      %sub3A_2508 = arith.subf %sub3A_2506, %sub3A_2507 : vector<64x128xf32>
      %mul3A_2509 = arith.mulf %sub3A_2508, %sub3A_2508 : vector<64x128xf32>
      %add3A_2510 = arith.addf %broadcast_in_dim3A_2500, %mul3A_2509 : vector<64x128xf32>
      %get3A_2511 = arith.constant 0 : index
      %get3A_2512 = arith.constant 1 : index
      %get3A_2513 = arith.constant 1024 : index
      %get3A_2514 = vector.load %arg2[%get3A_2511, %get3A_2512, %get3A_2513] : memref<1x8x4096xf32, #tpu.memory_space<vmem>>, vector<1x1x128xf32>
      %get3A_2515 = vector.shape_cast %get3A_2514 : vector<1x1x128xf32> to vector<1x128xf32>
      %sub3A_2516 = vector.broadcast %slice3A_4 : vector<64x1xf32> to vector<64x128xf32>
      %sub3A_2517 = vector.broadcast %get3A_2515 : vector<1x128xf32> to vector<64x128xf32>
      %sub3A_2518 = arith.subf %sub3A_2516, %sub3A_2517 : vector<64x128xf32>
      %mul3A_2519 = arith.mulf %sub3A_2518, %sub3A_2518 : vector<64x128xf32>
      %add3A_2520 = arith.addf %add3A_2510, %mul3A_2519 : vector<64x128xf32>
      %get3A_2521 = arith.constant 0 : index
      %get3A_2522 = arith.constant 2 : index
      %get3A_2523 = arith.constant 1024 : index
      %get3A_2524 = vector.load %arg2[%get3A_2521, %get3A_2522, %get3A_2523] : memref<1x8x4096xf32, #tpu.memory_space<vmem>>, vector<1x1x128xf32>
      %get3A_2525 = vector.shape_cast %get3A_2524 : vector<1x1x128xf32> to vector<1x128xf32>
      %sub3A_2526 = vector.broadcast %slice3A_5 : vector<64x1xf32> to vector<64x128xf32>
      %sub3A_2527 = vector.broadcast %get3A_2525 : vector<1x128xf32> to vector<64x128xf32>
      %sub3A_2528 = arith.subf %sub3A_2526, %sub3A_2527 : vector<64x128xf32>
      %mul3A_2529 = arith.mulf %sub3A_2528, %sub3A_2528 : vector<64x128xf32>
      %add3A_2530 = arith.addf %add3A_2520, %mul3A_2529 : vector<64x128xf32>
      %max3A_2531 = arith.constant 9.99999991E-38 : f32
      %max3A_2532 = vector.broadcast %max3A_2531 : f32 to vector<64x128xf32>
      %max3A_2533 = arith.maximumf %add3A_2530, %max3A_2532 : vector<64x128xf32>
      %bitcast_convert_type3A_2534 = tpu.bitcast %max3A_2533 : vector<64x128xf32> -> vector<64x128xi32>
      %and3A_2535 = arith.constant -32 : i32
      %and3A_2536 = vector.broadcast %and3A_2535 : i32 to vector<64x128xi32>
      %and3A_2537 = arith.andi %bitcast_convert_type3A_2534, %and3A_2536 : vector<64x128xi32>
      %or3A_2538 = arith.constant 8 : i32
      %or3A_2539 = vector.broadcast %or3A_2538 : i32 to vector<64x128xi32>
      %or3A_2540 = arith.ori %and3A_2537, %or3A_2539 : vector<64x128xi32>
      %bitcast_convert_type3A_2541 = tpu.bitcast %or3A_2540 : vector<64x128xi32> -> vector<64x128xf32>
      %broadcast_in_dim3A_2542 = arith.constant 0.000000e+00 : f32
      %broadcast_in_dim3A_2543 = vector.broadcast %broadcast_in_dim3A_2542 : f32 to vector<64x128xf32>
      %get3A_2544 = arith.constant 0 : index
      %get3A_2545 = arith.constant 0 : index
      %get3A_2546 = arith.constant 1152 : index
      %get3A_2547 = vector.load %arg2[%get3A_2544, %get3A_2545, %get3A_2546] : memref<1x8x4096xf32, #tpu.memory_space<vmem>>, vector<1x1x128xf32>
      %get3A_2548 = vector.shape_cast %get3A_2547 : vector<1x1x128xf32> to vector<1x128xf32>
      %sub3A_2549 = vector.broadcast %slice3A : vector<64x1xf32> to vector<64x128xf32>
      %sub3A_2550 = vector.broadcast %get3A_2548 : vector<1x128xf32> to vector<64x128xf32>
      %sub3A_2551 = arith.subf %sub3A_2549, %sub3A_2550 : vector<64x128xf32>
      %mul3A_2552 = arith.mulf %sub3A_2551, %sub3A_2551 : vector<64x128xf32>
      %add3A_2553 = arith.addf %broadcast_in_dim3A_2543, %mul3A_2552 : vector<64x128xf32>
      %get3A_2554 = arith.constant 0 : index
      %get3A_2555 = arith.constant 1 : index
      %get3A_2556 = arith.constant 1152 : index
      %get3A_2557 = vector.load %arg2[%get3A_2554, %get3A_2555, %get3A_2556] : memref<1x8x4096xf32, #tpu.memory_space<vmem>>, vector<1x1x128xf32>
      %get3A_2558 = vector.shape_cast %get3A_2557 : vector<1x1x128xf32> to vector<1x128xf32>
      %sub3A_2559 = vector.broadcast %slice3A_4 : vector<64x1xf32> to vector<64x128xf32>
      %sub3A_2560 = vector.broadcast %get3A_2558 : vector<1x128xf32> to vector<64x128xf32>
      %sub3A_2561 = arith.subf %sub3A_2559, %sub3A_2560 : vector<64x128xf32>
      %mul3A_2562 = arith.mulf %sub3A_2561, %sub3A_2561 : vector<64x128xf32>
      %add3A_2563 = arith.addf %add3A_2553, %mul3A_2562 : vector<64x128xf32>
      %get3A_2564 = arith.constant 0 : index
      %get3A_2565 = arith.constant 2 : index
      %get3A_2566 = arith.constant 1152 : index
      %get3A_2567 = vector.load %arg2[%get3A_2564, %get3A_2565, %get3A_2566] : memref<1x8x4096xf32, #tpu.memory_space<vmem>>, vector<1x1x128xf32>
      %get3A_2568 = vector.shape_cast %get3A_2567 : vector<1x1x128xf32> to vector<1x128xf32>
      %sub3A_2569 = vector.broadcast %slice3A_5 : vector<64x1xf32> to vector<64x128xf32>
      %sub3A_2570 = vector.broadcast %get3A_2568 : vector<1x128xf32> to vector<64x128xf32>
      %sub3A_2571 = arith.subf %sub3A_2569, %sub3A_2570 : vector<64x128xf32>
      %mul3A_2572 = arith.mulf %sub3A_2571, %sub3A_2571 : vector<64x128xf32>
      %add3A_2573 = arith.addf %add3A_2563, %mul3A_2572 : vector<64x128xf32>
      %max3A_2574 = arith.constant 9.99999991E-38 : f32
      %max3A_2575 = vector.broadcast %max3A_2574 : f32 to vector<64x128xf32>
      %max3A_2576 = arith.maximumf %add3A_2573, %max3A_2575 : vector<64x128xf32>
      %bitcast_convert_type3A_2577 = tpu.bitcast %max3A_2576 : vector<64x128xf32> -> vector<64x128xi32>
      %and3A_2578 = arith.constant -32 : i32
      %and3A_2579 = vector.broadcast %and3A_2578 : i32 to vector<64x128xi32>
      %and3A_2580 = arith.andi %bitcast_convert_type3A_2577, %and3A_2579 : vector<64x128xi32>
      %or3A_2581 = arith.constant 9 : i32
      %or3A_2582 = vector.broadcast %or3A_2581 : i32 to vector<64x128xi32>
      %or3A_2583 = arith.ori %and3A_2580, %or3A_2582 : vector<64x128xi32>
      %bitcast_convert_type3A_2584 = tpu.bitcast %or3A_2583 : vector<64x128xi32> -> vector<64x128xf32>
      %broadcast_in_dim3A_2585 = arith.constant 0.000000e+00 : f32
      %broadcast_in_dim3A_2586 = vector.broadcast %broadcast_in_dim3A_2585 : f32 to vector<64x128xf32>
      %get3A_2587 = arith.constant 0 : index
      %get3A_2588 = arith.constant 0 : index
      %get3A_2589 = arith.constant 1280 : index
      %get3A_2590 = vector.load %arg2[%get3A_2587, %get3A_2588, %get3A_2589] : memref<1x8x4096xf32, #tpu.memory_space<vmem>>, vector<1x1x128xf32>
      %get3A_2591 = vector.shape_cast %get3A_2590 : vector<1x1x128xf32> to vector<1x128xf32>
      %sub3A_2592 = vector.broadcast %slice3A : vector<64x1xf32> to vector<64x128xf32>
      %sub3A_2593 = vector.broadcast %get3A_2591 : vector<1x128xf32> to vector<64x128xf32>
      %sub3A_2594 = arith.subf %sub3A_2592, %sub3A_2593 : vector<64x128xf32>
      %mul3A_2595 = arith.mulf %sub3A_2594, %sub3A_2594 : vector<64x128xf32>
      %add3A_2596 = arith.addf %broadcast_in_dim3A_2586, %mul3A_2595 : vector<64x128xf32>
      %get3A_2597 = arith.constant 0 : index
      %get3A_2598 = arith.constant 1 : index
      %get3A_2599 = arith.constant 1280 : index
      %get3A_2600 = vector.load %arg2[%get3A_2597, %get3A_2598, %get3A_2599] : memref<1x8x4096xf32, #tpu.memory_space<vmem>>, vector<1x1x128xf32>
      %get3A_2601 = vector.shape_cast %get3A_2600 : vector<1x1x128xf32> to vector<1x128xf32>
      %sub3A_2602 = vector.broadcast %slice3A_4 : vector<64x1xf32> to vector<64x128xf32>
      %sub3A_2603 = vector.broadcast %get3A_2601 : vector<1x128xf32> to vector<64x128xf32>
      %sub3A_2604 = arith.subf %sub3A_2602, %sub3A_2603 : vector<64x128xf32>
      %mul3A_2605 = arith.mulf %sub3A_2604, %sub3A_2604 : vector<64x128xf32>
      %add3A_2606 = arith.addf %add3A_2596, %mul3A_2605 : vector<64x128xf32>
      %get3A_2607 = arith.constant 0 : index
      %get3A_2608 = arith.constant 2 : index
      %get3A_2609 = arith.constant 1280 : index
      %get3A_2610 = vector.load %arg2[%get3A_2607, %get3A_2608, %get3A_2609] : memref<1x8x4096xf32, #tpu.memory_space<vmem>>, vector<1x1x128xf32>
      %get3A_2611 = vector.shape_cast %get3A_2610 : vector<1x1x128xf32> to vector<1x128xf32>
      %sub3A_2612 = vector.broadcast %slice3A_5 : vector<64x1xf32> to vector<64x128xf32>
      %sub3A_2613 = vector.broadcast %get3A_2611 : vector<1x128xf32> to vector<64x128xf32>
      %sub3A_2614 = arith.subf %sub3A_2612, %sub3A_2613 : vector<64x128xf32>
      %mul3A_2615 = arith.mulf %sub3A_2614, %sub3A_2614 : vector<64x128xf32>
      %add3A_2616 = arith.addf %add3A_2606, %mul3A_2615 : vector<64x128xf32>
      %max3A_2617 = arith.constant 9.99999991E-38 : f32
      %max3A_2618 = vector.broadcast %max3A_2617 : f32 to vector<64x128xf32>
      %max3A_2619 = arith.maximumf %add3A_2616, %max3A_2618 : vector<64x128xf32>
      %bitcast_convert_type3A_2620 = tpu.bitcast %max3A_2619 : vector<64x128xf32> -> vector<64x128xi32>
      %and3A_2621 = arith.constant -32 : i32
      %and3A_2622 = vector.broadcast %and3A_2621 : i32 to vector<64x128xi32>
      %and3A_2623 = arith.andi %bitcast_convert_type3A_2620, %and3A_2622 : vector<64x128xi32>
      %or3A_2624 = arith.constant 10 : i32
      %or3A_2625 = vector.broadcast %or3A_2624 : i32 to vector<64x128xi32>
      %or3A_2626 = arith.ori %and3A_2623, %or3A_2625 : vector<64x128xi32>
      %bitcast_convert_type3A_2627 = tpu.bitcast %or3A_2626 : vector<64x128xi32> -> vector<64x128xf32>
      %broadcast_in_dim3A_2628 = arith.constant 0.000000e+00 : f32
      %broadcast_in_dim3A_2629 = vector.broadcast %broadcast_in_dim3A_2628 : f32 to vector<64x128xf32>
      %get3A_2630 = arith.constant 0 : index
      %get3A_2631 = arith.constant 0 : index
      %get3A_2632 = arith.constant 1408 : index
      %get3A_2633 = vector.load %arg2[%get3A_2630, %get3A_2631, %get3A_2632] : memref<1x8x4096xf32, #tpu.memory_space<vmem>>, vector<1x1x128xf32>
      %get3A_2634 = vector.shape_cast %get3A_2633 : vector<1x1x128xf32> to vector<1x128xf32>
      %sub3A_2635 = vector.broadcast %slice3A : vector<64x1xf32> to vector<64x128xf32>
      %sub3A_2636 = vector.broadcast %get3A_2634 : vector<1x128xf32> to vector<64x128xf32>
      %sub3A_2637 = arith.subf %sub3A_2635, %sub3A_2636 : vector<64x128xf32>
      %mul3A_2638 = arith.mulf %sub3A_2637, %sub3A_2637 : vector<64x128xf32>
      %add3A_2639 = arith.addf %broadcast_in_dim3A_2629, %mul3A_2638 : vector<64x128xf32>
      %get3A_2640 = arith.constant 0 : index
      %get3A_2641 = arith.constant 1 : index
      %get3A_2642 = arith.constant 1408 : index
      %get3A_2643 = vector.load %arg2[%get3A_2640, %get3A_2641, %get3A_2642] : memref<1x8x4096xf32, #tpu.memory_space<vmem>>, vector<1x1x128xf32>
      %get3A_2644 = vector.shape_cast %get3A_2643 : vector<1x1x128xf32> to vector<1x128xf32>
      %sub3A_2645 = vector.broadcast %slice3A_4 : vector<64x1xf32> to vector<64x128xf32>
      %sub3A_2646 = vector.broadcast %get3A_2644 : vector<1x128xf32> to vector<64x128xf32>
      %sub3A_2647 = arith.subf %sub3A_2645, %sub3A_2646 : vector<64x128xf32>
      %mul3A_2648 = arith.mulf %sub3A_2647, %sub3A_2647 : vector<64x128xf32>
      %add3A_2649 = arith.addf %add3A_2639, %mul3A_2648 : vector<64x128xf32>
      %get3A_2650 = arith.constant 0 : index
      %get3A_2651 = arith.constant 2 : index
      %get3A_2652 = arith.constant 1408 : index
      %get3A_2653 = vector.load %arg2[%get3A_2650, %get3A_2651, %get3A_2652] : memref<1x8x4096xf32, #tpu.memory_space<vmem>>, vector<1x1x128xf32>
      %get3A_2654 = vector.shape_cast %get3A_2653 : vector<1x1x128xf32> to vector<1x128xf32>
      %sub3A_2655 = vector.broadcast %slice3A_5 : vector<64x1xf32> to vector<64x128xf32>
      %sub3A_2656 = vector.broadcast %get3A_2654 : vector<1x128xf32> to vector<64x128xf32>
      %sub3A_2657 = arith.subf %sub3A_2655, %sub3A_2656 : vector<64x128xf32>
      %mul3A_2658 = arith.mulf %sub3A_2657, %sub3A_2657 : vector<64x128xf32>
      %add3A_2659 = arith.addf %add3A_2649, %mul3A_2658 : vector<64x128xf32>
      %max3A_2660 = arith.constant 9.99999991E-38 : f32
      %max3A_2661 = vector.broadcast %max3A_2660 : f32 to vector<64x128xf32>
      %max3A_2662 = arith.maximumf %add3A_2659, %max3A_2661 : vector<64x128xf32>
      %bitcast_convert_type3A_2663 = tpu.bitcast %max3A_2662 : vector<64x128xf32> -> vector<64x128xi32>
      %and3A_2664 = arith.constant -32 : i32
      %and3A_2665 = vector.broadcast %and3A_2664 : i32 to vector<64x128xi32>
      %and3A_2666 = arith.andi %bitcast_convert_type3A_2663, %and3A_2665 : vector<64x128xi32>
      %or3A_2667 = arith.constant 11 : i32
      %or3A_2668 = vector.broadcast %or3A_2667 : i32 to vector<64x128xi32>
      %or3A_2669 = arith.ori %and3A_2666, %or3A_2668 : vector<64x128xi32>
      %bitcast_convert_type3A_2670 = tpu.bitcast %or3A_2669 : vector<64x128xi32> -> vector<64x128xf32>
      %broadcast_in_dim3A_2671 = arith.constant 0.000000e+00 : f32
      %broadcast_in_dim3A_2672 = vector.broadcast %broadcast_in_dim3A_2671 : f32 to vector<64x128xf32>
      %get3A_2673 = arith.constant 0 : index
      %get3A_2674 = arith.constant 0 : index
      %get3A_2675 = arith.constant 1536 : index
      %get3A_2676 = vector.load %arg2[%get3A_2673, %get3A_2674, %get3A_2675] : memref<1x8x4096xf32, #tpu.memory_space<vmem>>, vector<1x1x128xf32>
      %get3A_2677 = vector.shape_cast %get3A_2676 : vector<1x1x128xf32> to vector<1x128xf32>
      %sub3A_2678 = vector.broadcast %slice3A : vector<64x1xf32> to vector<64x128xf32>
      %sub3A_2679 = vector.broadcast %get3A_2677 : vector<1x128xf32> to vector<64x128xf32>
      %sub3A_2680 = arith.subf %sub3A_2678, %sub3A_2679 : vector<64x128xf32>
      %mul3A_2681 = arith.mulf %sub3A_2680, %sub3A_2680 : vector<64x128xf32>
      %add3A_2682 = arith.addf %broadcast_in_dim3A_2672, %mul3A_2681 : vector<64x128xf32>
      %get3A_2683 = arith.constant 0 : index
      %get3A_2684 = arith.constant 1 : index
      %get3A_2685 = arith.constant 1536 : index
      %get3A_2686 = vector.load %arg2[%get3A_2683, %get3A_2684, %get3A_2685] : memref<1x8x4096xf32, #tpu.memory_space<vmem>>, vector<1x1x128xf32>
      %get3A_2687 = vector.shape_cast %get3A_2686 : vector<1x1x128xf32> to vector<1x128xf32>
      %sub3A_2688 = vector.broadcast %slice3A_4 : vector<64x1xf32> to vector<64x128xf32>
      %sub3A_2689 = vector.broadcast %get3A_2687 : vector<1x128xf32> to vector<64x128xf32>
      %sub3A_2690 = arith.subf %sub3A_2688, %sub3A_2689 : vector<64x128xf32>
      %mul3A_2691 = arith.mulf %sub3A_2690, %sub3A_2690 : vector<64x128xf32>
      %add3A_2692 = arith.addf %add3A_2682, %mul3A_2691 : vector<64x128xf32>
      %get3A_2693 = arith.constant 0 : index
      %get3A_2694 = arith.constant 2 : index
      %get3A_2695 = arith.constant 1536 : index
      %get3A_2696 = vector.load %arg2[%get3A_2693, %get3A_2694, %get3A_2695] : memref<1x8x4096xf32, #tpu.memory_space<vmem>>, vector<1x1x128xf32>
      %get3A_2697 = vector.shape_cast %get3A_2696 : vector<1x1x128xf32> to vector<1x128xf32>
      %sub3A_2698 = vector.broadcast %slice3A_5 : vector<64x1xf32> to vector<64x128xf32>
      %sub3A_2699 = vector.broadcast %get3A_2697 : vector<1x128xf32> to vector<64x128xf32>
      %sub3A_2700 = arith.subf %sub3A_2698, %sub3A_2699 : vector<64x128xf32>
      %mul3A_2701 = arith.mulf %sub3A_2700, %sub3A_2700 : vector<64x128xf32>
      %add3A_2702 = arith.addf %add3A_2692, %mul3A_2701 : vector<64x128xf32>
      %max3A_2703 = arith.constant 9.99999991E-38 : f32
      %max3A_2704 = vector.broadcast %max3A_2703 : f32 to vector<64x128xf32>
      %max3A_2705 = arith.maximumf %add3A_2702, %max3A_2704 : vector<64x128xf32>
      %bitcast_convert_type3A_2706 = tpu.bitcast %max3A_2705 : vector<64x128xf32> -> vector<64x128xi32>
      %and3A_2707 = arith.constant -32 : i32
      %and3A_2708 = vector.broadcast %and3A_2707 : i32 to vector<64x128xi32>
      %and3A_2709 = arith.andi %bitcast_convert_type3A_2706, %and3A_2708 : vector<64x128xi32>
      %or3A_2710 = arith.constant 12 : i32
      %or3A_2711 = vector.broadcast %or3A_2710 : i32 to vector<64x128xi32>
      %or3A_2712 = arith.ori %and3A_2709, %or3A_2711 : vector<64x128xi32>
      %bitcast_convert_type3A_2713 = tpu.bitcast %or3A_2712 : vector<64x128xi32> -> vector<64x128xf32>
      %broadcast_in_dim3A_2714 = arith.constant 0.000000e+00 : f32
      %broadcast_in_dim3A_2715 = vector.broadcast %broadcast_in_dim3A_2714 : f32 to vector<64x128xf32>
      %get3A_2716 = arith.constant 0 : index
      %get3A_2717 = arith.constant 0 : index
      %get3A_2718 = arith.constant 1664 : index
      %get3A_2719 = vector.load %arg2[%get3A_2716, %get3A_2717, %get3A_2718] : memref<1x8x4096xf32, #tpu.memory_space<vmem>>, vector<1x1x128xf32>
      %get3A_2720 = vector.shape_cast %get3A_2719 : vector<1x1x128xf32> to vector<1x128xf32>
      %sub3A_2721 = vector.broadcast %slice3A : vector<64x1xf32> to vector<64x128xf32>
      %sub3A_2722 = vector.broadcast %get3A_2720 : vector<1x128xf32> to vector<64x128xf32>
      %sub3A_2723 = arith.subf %sub3A_2721, %sub3A_2722 : vector<64x128xf32>
      %mul3A_2724 = arith.mulf %sub3A_2723, %sub3A_2723 : vector<64x128xf32>
      %add3A_2725 = arith.addf %broadcast_in_dim3A_2715, %mul3A_2724 : vector<64x128xf32>
      %get3A_2726 = arith.constant 0 : index
      %get3A_2727 = arith.constant 1 : index
      %get3A_2728 = arith.constant 1664 : index
      %get3A_2729 = vector.load %arg2[%get3A_2726, %get3A_2727, %get3A_2728] : memref<1x8x4096xf32, #tpu.memory_space<vmem>>, vector<1x1x128xf32>
      %get3A_2730 = vector.shape_cast %get3A_2729 : vector<1x1x128xf32> to vector<1x128xf32>
      %sub3A_2731 = vector.broadcast %slice3A_4 : vector<64x1xf32> to vector<64x128xf32>
      %sub3A_2732 = vector.broadcast %get3A_2730 : vector<1x128xf32> to vector<64x128xf32>
      %sub3A_2733 = arith.subf %sub3A_2731, %sub3A_2732 : vector<64x128xf32>
      %mul3A_2734 = arith.mulf %sub3A_2733, %sub3A_2733 : vector<64x128xf32>
      %add3A_2735 = arith.addf %add3A_2725, %mul3A_2734 : vector<64x128xf32>
      %get3A_2736 = arith.constant 0 : index
      %get3A_2737 = arith.constant 2 : index
      %get3A_2738 = arith.constant 1664 : index
      %get3A_2739 = vector.load %arg2[%get3A_2736, %get3A_2737, %get3A_2738] : memref<1x8x4096xf32, #tpu.memory_space<vmem>>, vector<1x1x128xf32>
      %get3A_2740 = vector.shape_cast %get3A_2739 : vector<1x1x128xf32> to vector<1x128xf32>
      %sub3A_2741 = vector.broadcast %slice3A_5 : vector<64x1xf32> to vector<64x128xf32>
      %sub3A_2742 = vector.broadcast %get3A_2740 : vector<1x128xf32> to vector<64x128xf32>
      %sub3A_2743 = arith.subf %sub3A_2741, %sub3A_2742 : vector<64x128xf32>
      %mul3A_2744 = arith.mulf %sub3A_2743, %sub3A_2743 : vector<64x128xf32>
      %add3A_2745 = arith.addf %add3A_2735, %mul3A_2744 : vector<64x128xf32>
      %max3A_2746 = arith.constant 9.99999991E-38 : f32
      %max3A_2747 = vector.broadcast %max3A_2746 : f32 to vector<64x128xf32>
      %max3A_2748 = arith.maximumf %add3A_2745, %max3A_2747 : vector<64x128xf32>
      %bitcast_convert_type3A_2749 = tpu.bitcast %max3A_2748 : vector<64x128xf32> -> vector<64x128xi32>
      %and3A_2750 = arith.constant -32 : i32
      %and3A_2751 = vector.broadcast %and3A_2750 : i32 to vector<64x128xi32>
      %and3A_2752 = arith.andi %bitcast_convert_type3A_2749, %and3A_2751 : vector<64x128xi32>
      %or3A_2753 = arith.constant 13 : i32
      %or3A_2754 = vector.broadcast %or3A_2753 : i32 to vector<64x128xi32>
      %or3A_2755 = arith.ori %and3A_2752, %or3A_2754 : vector<64x128xi32>
      %bitcast_convert_type3A_2756 = tpu.bitcast %or3A_2755 : vector<64x128xi32> -> vector<64x128xf32>
      %broadcast_in_dim3A_2757 = arith.constant 0.000000e+00 : f32
      %broadcast_in_dim3A_2758 = vector.broadcast %broadcast_in_dim3A_2757 : f32 to vector<64x128xf32>
      %get3A_2759 = arith.constant 0 : index
      %get3A_2760 = arith.constant 0 : index
      %get3A_2761 = arith.constant 1792 : index
      %get3A_2762 = vector.load %arg2[%get3A_2759, %get3A_2760, %get3A_2761] : memref<1x8x4096xf32, #tpu.memory_space<vmem>>, vector<1x1x128xf32>
      %get3A_2763 = vector.shape_cast %get3A_2762 : vector<1x1x128xf32> to vector<1x128xf32>
      %sub3A_2764 = vector.broadcast %slice3A : vector<64x1xf32> to vector<64x128xf32>
      %sub3A_2765 = vector.broadcast %get3A_2763 : vector<1x128xf32> to vector<64x128xf32>
      %sub3A_2766 = arith.subf %sub3A_2764, %sub3A_2765 : vector<64x128xf32>
      %mul3A_2767 = arith.mulf %sub3A_2766, %sub3A_2766 : vector<64x128xf32>
      %add3A_2768 = arith.addf %broadcast_in_dim3A_2758, %mul3A_2767 : vector<64x128xf32>
      %get3A_2769 = arith.constant 0 : index
      %get3A_2770 = arith.constant 1 : index
      %get3A_2771 = arith.constant 1792 : index
      %get3A_2772 = vector.load %arg2[%get3A_2769, %get3A_2770, %get3A_2771] : memref<1x8x4096xf32, #tpu.memory_space<vmem>>, vector<1x1x128xf32>
      %get3A_2773 = vector.shape_cast %get3A_2772 : vector<1x1x128xf32> to vector<1x128xf32>
      %sub3A_2774 = vector.broadcast %slice3A_4 : vector<64x1xf32> to vector<64x128xf32>
      %sub3A_2775 = vector.broadcast %get3A_2773 : vector<1x128xf32> to vector<64x128xf32>
      %sub3A_2776 = arith.subf %sub3A_2774, %sub3A_2775 : vector<64x128xf32>
      %mul3A_2777 = arith.mulf %sub3A_2776, %sub3A_2776 : vector<64x128xf32>
      %add3A_2778 = arith.addf %add3A_2768, %mul3A_2777 : vector<64x128xf32>
      %get3A_2779 = arith.constant 0 : index
      %get3A_2780 = arith.constant 2 : index
      %get3A_2781 = arith.constant 1792 : index
      %get3A_2782 = vector.load %arg2[%get3A_2779, %get3A_2780, %get3A_2781] : memref<1x8x4096xf32, #tpu.memory_space<vmem>>, vector<1x1x128xf32>
      %get3A_2783 = vector.shape_cast %get3A_2782 : vector<1x1x128xf32> to vector<1x128xf32>
      %sub3A_2784 = vector.broadcast %slice3A_5 : vector<64x1xf32> to vector<64x128xf32>
      %sub3A_2785 = vector.broadcast %get3A_2783 : vector<1x128xf32> to vector<64x128xf32>
      %sub3A_2786 = arith.subf %sub3A_2784, %sub3A_2785 : vector<64x128xf32>
      %mul3A_2787 = arith.mulf %sub3A_2786, %sub3A_2786 : vector<64x128xf32>
      %add3A_2788 = arith.addf %add3A_2778, %mul3A_2787 : vector<64x128xf32>
      %max3A_2789 = arith.constant 9.99999991E-38 : f32
      %max3A_2790 = vector.broadcast %max3A_2789 : f32 to vector<64x128xf32>
      %max3A_2791 = arith.maximumf %add3A_2788, %max3A_2790 : vector<64x128xf32>
      %bitcast_convert_type3A_2792 = tpu.bitcast %max3A_2791 : vector<64x128xf32> -> vector<64x128xi32>
      %and3A_2793 = arith.constant -32 : i32
      %and3A_2794 = vector.broadcast %and3A_2793 : i32 to vector<64x128xi32>
      %and3A_2795 = arith.andi %bitcast_convert_type3A_2792, %and3A_2794 : vector<64x128xi32>
      %or3A_2796 = arith.constant 14 : i32
      %or3A_2797 = vector.broadcast %or3A_2796 : i32 to vector<64x128xi32>
      %or3A_2798 = arith.ori %and3A_2795, %or3A_2797 : vector<64x128xi32>
      %bitcast_convert_type3A_2799 = tpu.bitcast %or3A_2798 : vector<64x128xi32> -> vector<64x128xf32>
      %broadcast_in_dim3A_2800 = arith.constant 0.000000e+00 : f32
      %broadcast_in_dim3A_2801 = vector.broadcast %broadcast_in_dim3A_2800 : f32 to vector<64x128xf32>
      %get3A_2802 = arith.constant 0 : index
      %get3A_2803 = arith.constant 0 : index
      %get3A_2804 = arith.constant 1920 : index
      %get3A_2805 = vector.load %arg2[%get3A_2802, %get3A_2803, %get3A_2804] : memref<1x8x4096xf32, #tpu.memory_space<vmem>>, vector<1x1x128xf32>
      %get3A_2806 = vector.shape_cast %get3A_2805 : vector<1x1x128xf32> to vector<1x128xf32>
      %sub3A_2807 = vector.broadcast %slice3A : vector<64x1xf32> to vector<64x128xf32>
      %sub3A_2808 = vector.broadcast %get3A_2806 : vector<1x128xf32> to vector<64x128xf32>
      %sub3A_2809 = arith.subf %sub3A_2807, %sub3A_2808 : vector<64x128xf32>
      %mul3A_2810 = arith.mulf %sub3A_2809, %sub3A_2809 : vector<64x128xf32>
      %add3A_2811 = arith.addf %broadcast_in_dim3A_2801, %mul3A_2810 : vector<64x128xf32>
      %get3A_2812 = arith.constant 0 : index
      %get3A_2813 = arith.constant 1 : index
      %get3A_2814 = arith.constant 1920 : index
      %get3A_2815 = vector.load %arg2[%get3A_2812, %get3A_2813, %get3A_2814] : memref<1x8x4096xf32, #tpu.memory_space<vmem>>, vector<1x1x128xf32>
      %get3A_2816 = vector.shape_cast %get3A_2815 : vector<1x1x128xf32> to vector<1x128xf32>
      %sub3A_2817 = vector.broadcast %slice3A_4 : vector<64x1xf32> to vector<64x128xf32>
      %sub3A_2818 = vector.broadcast %get3A_2816 : vector<1x128xf32> to vector<64x128xf32>
      %sub3A_2819 = arith.subf %sub3A_2817, %sub3A_2818 : vector<64x128xf32>
      %mul3A_2820 = arith.mulf %sub3A_2819, %sub3A_2819 : vector<64x128xf32>
      %add3A_2821 = arith.addf %add3A_2811, %mul3A_2820 : vector<64x128xf32>
      %get3A_2822 = arith.constant 0 : index
      %get3A_2823 = arith.constant 2 : index
      %get3A_2824 = arith.constant 1920 : index
      %get3A_2825 = vector.load %arg2[%get3A_2822, %get3A_2823, %get3A_2824] : memref<1x8x4096xf32, #tpu.memory_space<vmem>>, vector<1x1x128xf32>
      %get3A_2826 = vector.shape_cast %get3A_2825 : vector<1x1x128xf32> to vector<1x128xf32>
      %sub3A_2827 = vector.broadcast %slice3A_5 : vector<64x1xf32> to vector<64x128xf32>
      %sub3A_2828 = vector.broadcast %get3A_2826 : vector<1x128xf32> to vector<64x128xf32>
      %sub3A_2829 = arith.subf %sub3A_2827, %sub3A_2828 : vector<64x128xf32>
      %mul3A_2830 = arith.mulf %sub3A_2829, %sub3A_2829 : vector<64x128xf32>
      %add3A_2831 = arith.addf %add3A_2821, %mul3A_2830 : vector<64x128xf32>
      %max3A_2832 = arith.constant 9.99999991E-38 : f32
      %max3A_2833 = vector.broadcast %max3A_2832 : f32 to vector<64x128xf32>
      %max3A_2834 = arith.maximumf %add3A_2831, %max3A_2833 : vector<64x128xf32>
      %bitcast_convert_type3A_2835 = tpu.bitcast %max3A_2834 : vector<64x128xf32> -> vector<64x128xi32>
      %and3A_2836 = arith.constant -32 : i32
      %and3A_2837 = vector.broadcast %and3A_2836 : i32 to vector<64x128xi32>
      %and3A_2838 = arith.andi %bitcast_convert_type3A_2835, %and3A_2837 : vector<64x128xi32>
      %or3A_2839 = arith.constant 15 : i32
      %or3A_2840 = vector.broadcast %or3A_2839 : i32 to vector<64x128xi32>
      %or3A_2841 = arith.ori %and3A_2838, %or3A_2840 : vector<64x128xi32>
      %bitcast_convert_type3A_2842 = tpu.bitcast %or3A_2841 : vector<64x128xi32> -> vector<64x128xf32>
      %broadcast_in_dim3A_2843 = arith.constant 0.000000e+00 : f32
      %broadcast_in_dim3A_2844 = vector.broadcast %broadcast_in_dim3A_2843 : f32 to vector<64x128xf32>
      %get3A_2845 = arith.constant 0 : index
      %get3A_2846 = arith.constant 0 : index
      %get3A_2847 = arith.constant 2048 : index
      %get3A_2848 = vector.load %arg2[%get3A_2845, %get3A_2846, %get3A_2847] : memref<1x8x4096xf32, #tpu.memory_space<vmem>>, vector<1x1x128xf32>
      %get3A_2849 = vector.shape_cast %get3A_2848 : vector<1x1x128xf32> to vector<1x128xf32>
      %sub3A_2850 = vector.broadcast %slice3A : vector<64x1xf32> to vector<64x128xf32>
      %sub3A_2851 = vector.broadcast %get3A_2849 : vector<1x128xf32> to vector<64x128xf32>
      %sub3A_2852 = arith.subf %sub3A_2850, %sub3A_2851 : vector<64x128xf32>
      %mul3A_2853 = arith.mulf %sub3A_2852, %sub3A_2852 : vector<64x128xf32>
      %add3A_2854 = arith.addf %broadcast_in_dim3A_2844, %mul3A_2853 : vector<64x128xf32>
      %get3A_2855 = arith.constant 0 : index
      %get3A_2856 = arith.constant 1 : index
      %get3A_2857 = arith.constant 2048 : index
      %get3A_2858 = vector.load %arg2[%get3A_2855, %get3A_2856, %get3A_2857] : memref<1x8x4096xf32, #tpu.memory_space<vmem>>, vector<1x1x128xf32>
      %get3A_2859 = vector.shape_cast %get3A_2858 : vector<1x1x128xf32> to vector<1x128xf32>
      %sub3A_2860 = vector.broadcast %slice3A_4 : vector<64x1xf32> to vector<64x128xf32>
      %sub3A_2861 = vector.broadcast %get3A_2859 : vector<1x128xf32> to vector<64x128xf32>
      %sub3A_2862 = arith.subf %sub3A_2860, %sub3A_2861 : vector<64x128xf32>
      %mul3A_2863 = arith.mulf %sub3A_2862, %sub3A_2862 : vector<64x128xf32>
      %add3A_2864 = arith.addf %add3A_2854, %mul3A_2863 : vector<64x128xf32>
      %get3A_2865 = arith.constant 0 : index
      %get3A_2866 = arith.constant 2 : index
      %get3A_2867 = arith.constant 2048 : index
      %get3A_2868 = vector.load %arg2[%get3A_2865, %get3A_2866, %get3A_2867] : memref<1x8x4096xf32, #tpu.memory_space<vmem>>, vector<1x1x128xf32>
      %get3A_2869 = vector.shape_cast %get3A_2868 : vector<1x1x128xf32> to vector<1x128xf32>
      %sub3A_2870 = vector.broadcast %slice3A_5 : vector<64x1xf32> to vector<64x128xf32>
      %sub3A_2871 = vector.broadcast %get3A_2869 : vector<1x128xf32> to vector<64x128xf32>
      %sub3A_2872 = arith.subf %sub3A_2870, %sub3A_2871 : vector<64x128xf32>
      %mul3A_2873 = arith.mulf %sub3A_2872, %sub3A_2872 : vector<64x128xf32>
      %add3A_2874 = arith.addf %add3A_2864, %mul3A_2873 : vector<64x128xf32>
      %max3A_2875 = arith.constant 9.99999991E-38 : f32
      %max3A_2876 = vector.broadcast %max3A_2875 : f32 to vector<64x128xf32>
      %max3A_2877 = arith.maximumf %add3A_2874, %max3A_2876 : vector<64x128xf32>
      %bitcast_convert_type3A_2878 = tpu.bitcast %max3A_2877 : vector<64x128xf32> -> vector<64x128xi32>
      %and3A_2879 = arith.constant -32 : i32
      %and3A_2880 = vector.broadcast %and3A_2879 : i32 to vector<64x128xi32>
      %and3A_2881 = arith.andi %bitcast_convert_type3A_2878, %and3A_2880 : vector<64x128xi32>
      %or3A_2882 = arith.constant 16 : i32
      %or3A_2883 = vector.broadcast %or3A_2882 : i32 to vector<64x128xi32>
      %or3A_2884 = arith.ori %and3A_2881, %or3A_2883 : vector<64x128xi32>
      %bitcast_convert_type3A_2885 = tpu.bitcast %or3A_2884 : vector<64x128xi32> -> vector<64x128xf32>
      %broadcast_in_dim3A_2886 = arith.constant 0.000000e+00 : f32
      %broadcast_in_dim3A_2887 = vector.broadcast %broadcast_in_dim3A_2886 : f32 to vector<64x128xf32>
      %get3A_2888 = arith.constant 0 : index
      %get3A_2889 = arith.constant 0 : index
      %get3A_2890 = arith.constant 2176 : index
      %get3A_2891 = vector.load %arg2[%get3A_2888, %get3A_2889, %get3A_2890] : memref<1x8x4096xf32, #tpu.memory_space<vmem>>, vector<1x1x128xf32>
      %get3A_2892 = vector.shape_cast %get3A_2891 : vector<1x1x128xf32> to vector<1x128xf32>
      %sub3A_2893 = vector.broadcast %slice3A : vector<64x1xf32> to vector<64x128xf32>
      %sub3A_2894 = vector.broadcast %get3A_2892 : vector<1x128xf32> to vector<64x128xf32>
      %sub3A_2895 = arith.subf %sub3A_2893, %sub3A_2894 : vector<64x128xf32>
      %mul3A_2896 = arith.mulf %sub3A_2895, %sub3A_2895 : vector<64x128xf32>
      %add3A_2897 = arith.addf %broadcast_in_dim3A_2887, %mul3A_2896 : vector<64x128xf32>
      %get3A_2898 = arith.constant 0 : index
      %get3A_2899 = arith.constant 1 : index
      %get3A_2900 = arith.constant 2176 : index
      %get3A_2901 = vector.load %arg2[%get3A_2898, %get3A_2899, %get3A_2900] : memref<1x8x4096xf32, #tpu.memory_space<vmem>>, vector<1x1x128xf32>
      %get3A_2902 = vector.shape_cast %get3A_2901 : vector<1x1x128xf32> to vector<1x128xf32>
      %sub3A_2903 = vector.broadcast %slice3A_4 : vector<64x1xf32> to vector<64x128xf32>
      %sub3A_2904 = vector.broadcast %get3A_2902 : vector<1x128xf32> to vector<64x128xf32>
      %sub3A_2905 = arith.subf %sub3A_2903, %sub3A_2904 : vector<64x128xf32>
      %mul3A_2906 = arith.mulf %sub3A_2905, %sub3A_2905 : vector<64x128xf32>
      %add3A_2907 = arith.addf %add3A_2897, %mul3A_2906 : vector<64x128xf32>
      %get3A_2908 = arith.constant 0 : index
      %get3A_2909 = arith.constant 2 : index
      %get3A_2910 = arith.constant 2176 : index
      %get3A_2911 = vector.load %arg2[%get3A_2908, %get3A_2909, %get3A_2910] : memref<1x8x4096xf32, #tpu.memory_space<vmem>>, vector<1x1x128xf32>
      %get3A_2912 = vector.shape_cast %get3A_2911 : vector<1x1x128xf32> to vector<1x128xf32>
      %sub3A_2913 = vector.broadcast %slice3A_5 : vector<64x1xf32> to vector<64x128xf32>
      %sub3A_2914 = vector.broadcast %get3A_2912 : vector<1x128xf32> to vector<64x128xf32>
      %sub3A_2915 = arith.subf %sub3A_2913, %sub3A_2914 : vector<64x128xf32>
      %mul3A_2916 = arith.mulf %sub3A_2915, %sub3A_2915 : vector<64x128xf32>
      %add3A_2917 = arith.addf %add3A_2907, %mul3A_2916 : vector<64x128xf32>
      %max3A_2918 = arith.constant 9.99999991E-38 : f32
      %max3A_2919 = vector.broadcast %max3A_2918 : f32 to vector<64x128xf32>
      %max3A_2920 = arith.maximumf %add3A_2917, %max3A_2919 : vector<64x128xf32>
      %bitcast_convert_type3A_2921 = tpu.bitcast %max3A_2920 : vector<64x128xf32> -> vector<64x128xi32>
      %and3A_2922 = arith.constant -32 : i32
      %and3A_2923 = vector.broadcast %and3A_2922 : i32 to vector<64x128xi32>
      %and3A_2924 = arith.andi %bitcast_convert_type3A_2921, %and3A_2923 : vector<64x128xi32>
      %or3A_2925 = arith.constant 17 : i32
      %or3A_2926 = vector.broadcast %or3A_2925 : i32 to vector<64x128xi32>
      %or3A_2927 = arith.ori %and3A_2924, %or3A_2926 : vector<64x128xi32>
      %bitcast_convert_type3A_2928 = tpu.bitcast %or3A_2927 : vector<64x128xi32> -> vector<64x128xf32>
      %broadcast_in_dim3A_2929 = arith.constant 0.000000e+00 : f32
      %broadcast_in_dim3A_2930 = vector.broadcast %broadcast_in_dim3A_2929 : f32 to vector<64x128xf32>
      %get3A_2931 = arith.constant 0 : index
      %get3A_2932 = arith.constant 0 : index
      %get3A_2933 = arith.constant 2304 : index
      %get3A_2934 = vector.load %arg2[%get3A_2931, %get3A_2932, %get3A_2933] : memref<1x8x4096xf32, #tpu.memory_space<vmem>>, vector<1x1x128xf32>
      %get3A_2935 = vector.shape_cast %get3A_2934 : vector<1x1x128xf32> to vector<1x128xf32>
      %sub3A_2936 = vector.broadcast %slice3A : vector<64x1xf32> to vector<64x128xf32>
      %sub3A_2937 = vector.broadcast %get3A_2935 : vector<1x128xf32> to vector<64x128xf32>
      %sub3A_2938 = arith.subf %sub3A_2936, %sub3A_2937 : vector<64x128xf32>
      %mul3A_2939 = arith.mulf %sub3A_2938, %sub3A_2938 : vector<64x128xf32>
      %add3A_2940 = arith.addf %broadcast_in_dim3A_2930, %mul3A_2939 : vector<64x128xf32>
      %get3A_2941 = arith.constant 0 : index
      %get3A_2942 = arith.constant 1 : index
      %get3A_2943 = arith.constant 2304 : index
      %get3A_2944 = vector.load %arg2[%get3A_2941, %get3A_2942, %get3A_2943] : memref<1x8x4096xf32, #tpu.memory_space<vmem>>, vector<1x1x128xf32>
      %get3A_2945 = vector.shape_cast %get3A_2944 : vector<1x1x128xf32> to vector<1x128xf32>
      %sub3A_2946 = vector.broadcast %slice3A_4 : vector<64x1xf32> to vector<64x128xf32>
      %sub3A_2947 = vector.broadcast %get3A_2945 : vector<1x128xf32> to vector<64x128xf32>
      %sub3A_2948 = arith.subf %sub3A_2946, %sub3A_2947 : vector<64x128xf32>
      %mul3A_2949 = arith.mulf %sub3A_2948, %sub3A_2948 : vector<64x128xf32>
      %add3A_2950 = arith.addf %add3A_2940, %mul3A_2949 : vector<64x128xf32>
      %get3A_2951 = arith.constant 0 : index
      %get3A_2952 = arith.constant 2 : index
      %get3A_2953 = arith.constant 2304 : index
      %get3A_2954 = vector.load %arg2[%get3A_2951, %get3A_2952, %get3A_2953] : memref<1x8x4096xf32, #tpu.memory_space<vmem>>, vector<1x1x128xf32>
      %get3A_2955 = vector.shape_cast %get3A_2954 : vector<1x1x128xf32> to vector<1x128xf32>
      %sub3A_2956 = vector.broadcast %slice3A_5 : vector<64x1xf32> to vector<64x128xf32>
      %sub3A_2957 = vector.broadcast %get3A_2955 : vector<1x128xf32> to vector<64x128xf32>
      %sub3A_2958 = arith.subf %sub3A_2956, %sub3A_2957 : vector<64x128xf32>
      %mul3A_2959 = arith.mulf %sub3A_2958, %sub3A_2958 : vector<64x128xf32>
      %add3A_2960 = arith.addf %add3A_2950, %mul3A_2959 : vector<64x128xf32>
      %max3A_2961 = arith.constant 9.99999991E-38 : f32
      %max3A_2962 = vector.broadcast %max3A_2961 : f32 to vector<64x128xf32>
      %max3A_2963 = arith.maximumf %add3A_2960, %max3A_2962 : vector<64x128xf32>
      %bitcast_convert_type3A_2964 = tpu.bitcast %max3A_2963 : vector<64x128xf32> -> vector<64x128xi32>
      %and3A_2965 = arith.constant -32 : i32
      %and3A_2966 = vector.broadcast %and3A_2965 : i32 to vector<64x128xi32>
      %and3A_2967 = arith.andi %bitcast_convert_type3A_2964, %and3A_2966 : vector<64x128xi32>
      %or3A_2968 = arith.constant 18 : i32
      %or3A_2969 = vector.broadcast %or3A_2968 : i32 to vector<64x128xi32>
      %or3A_2970 = arith.ori %and3A_2967, %or3A_2969 : vector<64x128xi32>
      %bitcast_convert_type3A_2971 = tpu.bitcast %or3A_2970 : vector<64x128xi32> -> vector<64x128xf32>
      %broadcast_in_dim3A_2972 = arith.constant 0.000000e+00 : f32
      %broadcast_in_dim3A_2973 = vector.broadcast %broadcast_in_dim3A_2972 : f32 to vector<64x128xf32>
      %get3A_2974 = arith.constant 0 : index
      %get3A_2975 = arith.constant 0 : index
      %get3A_2976 = arith.constant 2432 : index
      %get3A_2977 = vector.load %arg2[%get3A_2974, %get3A_2975, %get3A_2976] : memref<1x8x4096xf32, #tpu.memory_space<vmem>>, vector<1x1x128xf32>
      %get3A_2978 = vector.shape_cast %get3A_2977 : vector<1x1x128xf32> to vector<1x128xf32>
      %sub3A_2979 = vector.broadcast %slice3A : vector<64x1xf32> to vector<64x128xf32>
      %sub3A_2980 = vector.broadcast %get3A_2978 : vector<1x128xf32> to vector<64x128xf32>
      %sub3A_2981 = arith.subf %sub3A_2979, %sub3A_2980 : vector<64x128xf32>
      %mul3A_2982 = arith.mulf %sub3A_2981, %sub3A_2981 : vector<64x128xf32>
      %add3A_2983 = arith.addf %broadcast_in_dim3A_2973, %mul3A_2982 : vector<64x128xf32>
      %get3A_2984 = arith.constant 0 : index
      %get3A_2985 = arith.constant 1 : index
      %get3A_2986 = arith.constant 2432 : index
      %get3A_2987 = vector.load %arg2[%get3A_2984, %get3A_2985, %get3A_2986] : memref<1x8x4096xf32, #tpu.memory_space<vmem>>, vector<1x1x128xf32>
      %get3A_2988 = vector.shape_cast %get3A_2987 : vector<1x1x128xf32> to vector<1x128xf32>
      %sub3A_2989 = vector.broadcast %slice3A_4 : vector<64x1xf32> to vector<64x128xf32>
      %sub3A_2990 = vector.broadcast %get3A_2988 : vector<1x128xf32> to vector<64x128xf32>
      %sub3A_2991 = arith.subf %sub3A_2989, %sub3A_2990 : vector<64x128xf32>
      %mul3A_2992 = arith.mulf %sub3A_2991, %sub3A_2991 : vector<64x128xf32>
      %add3A_2993 = arith.addf %add3A_2983, %mul3A_2992 : vector<64x128xf32>
      %get3A_2994 = arith.constant 0 : index
      %get3A_2995 = arith.constant 2 : index
      %get3A_2996 = arith.constant 2432 : index
      %get3A_2997 = vector.load %arg2[%get3A_2994, %get3A_2995, %get3A_2996] : memref<1x8x4096xf32, #tpu.memory_space<vmem>>, vector<1x1x128xf32>
      %get3A_2998 = vector.shape_cast %get3A_2997 : vector<1x1x128xf32> to vector<1x128xf32>
      %sub3A_2999 = vector.broadcast %slice3A_5 : vector<64x1xf32> to vector<64x128xf32>
      %sub3A_3000 = vector.broadcast %get3A_2998 : vector<1x128xf32> to vector<64x128xf32>
      %sub3A_3001 = arith.subf %sub3A_2999, %sub3A_3000 : vector<64x128xf32>
      %mul3A_3002 = arith.mulf %sub3A_3001, %sub3A_3001 : vector<64x128xf32>
      %add3A_3003 = arith.addf %add3A_2993, %mul3A_3002 : vector<64x128xf32>
      %max3A_3004 = arith.constant 9.99999991E-38 : f32
      %max3A_3005 = vector.broadcast %max3A_3004 : f32 to vector<64x128xf32>
      %max3A_3006 = arith.maximumf %add3A_3003, %max3A_3005 : vector<64x128xf32>
      %bitcast_convert_type3A_3007 = tpu.bitcast %max3A_3006 : vector<64x128xf32> -> vector<64x128xi32>
      %and3A_3008 = arith.constant -32 : i32
      %and3A_3009 = vector.broadcast %and3A_3008 : i32 to vector<64x128xi32>
      %and3A_3010 = arith.andi %bitcast_convert_type3A_3007, %and3A_3009 : vector<64x128xi32>
      %or3A_3011 = arith.constant 19 : i32
      %or3A_3012 = vector.broadcast %or3A_3011 : i32 to vector<64x128xi32>
      %or3A_3013 = arith.ori %and3A_3010, %or3A_3012 : vector<64x128xi32>
      %bitcast_convert_type3A_3014 = tpu.bitcast %or3A_3013 : vector<64x128xi32> -> vector<64x128xf32>
      %broadcast_in_dim3A_3015 = arith.constant 0.000000e+00 : f32
      %broadcast_in_dim3A_3016 = vector.broadcast %broadcast_in_dim3A_3015 : f32 to vector<64x128xf32>
      %get3A_3017 = arith.constant 0 : index
      %get3A_3018 = arith.constant 0 : index
      %get3A_3019 = arith.constant 2560 : index
      %get3A_3020 = vector.load %arg2[%get3A_3017, %get3A_3018, %get3A_3019] : memref<1x8x4096xf32, #tpu.memory_space<vmem>>, vector<1x1x128xf32>
      %get3A_3021 = vector.shape_cast %get3A_3020 : vector<1x1x128xf32> to vector<1x128xf32>
      %sub3A_3022 = vector.broadcast %slice3A : vector<64x1xf32> to vector<64x128xf32>
      %sub3A_3023 = vector.broadcast %get3A_3021 : vector<1x128xf32> to vector<64x128xf32>
      %sub3A_3024 = arith.subf %sub3A_3022, %sub3A_3023 : vector<64x128xf32>
      %mul3A_3025 = arith.mulf %sub3A_3024, %sub3A_3024 : vector<64x128xf32>
      %add3A_3026 = arith.addf %broadcast_in_dim3A_3016, %mul3A_3025 : vector<64x128xf32>
      %get3A_3027 = arith.constant 0 : index
      %get3A_3028 = arith.constant 1 : index
      %get3A_3029 = arith.constant 2560 : index
      %get3A_3030 = vector.load %arg2[%get3A_3027, %get3A_3028, %get3A_3029] : memref<1x8x4096xf32, #tpu.memory_space<vmem>>, vector<1x1x128xf32>
      %get3A_3031 = vector.shape_cast %get3A_3030 : vector<1x1x128xf32> to vector<1x128xf32>
      %sub3A_3032 = vector.broadcast %slice3A_4 : vector<64x1xf32> to vector<64x128xf32>
      %sub3A_3033 = vector.broadcast %get3A_3031 : vector<1x128xf32> to vector<64x128xf32>
      %sub3A_3034 = arith.subf %sub3A_3032, %sub3A_3033 : vector<64x128xf32>
      %mul3A_3035 = arith.mulf %sub3A_3034, %sub3A_3034 : vector<64x128xf32>
      %add3A_3036 = arith.addf %add3A_3026, %mul3A_3035 : vector<64x128xf32>
      %get3A_3037 = arith.constant 0 : index
      %get3A_3038 = arith.constant 2 : index
      %get3A_3039 = arith.constant 2560 : index
      %get3A_3040 = vector.load %arg2[%get3A_3037, %get3A_3038, %get3A_3039] : memref<1x8x4096xf32, #tpu.memory_space<vmem>>, vector<1x1x128xf32>
      %get3A_3041 = vector.shape_cast %get3A_3040 : vector<1x1x128xf32> to vector<1x128xf32>
      %sub3A_3042 = vector.broadcast %slice3A_5 : vector<64x1xf32> to vector<64x128xf32>
      %sub3A_3043 = vector.broadcast %get3A_3041 : vector<1x128xf32> to vector<64x128xf32>
      %sub3A_3044 = arith.subf %sub3A_3042, %sub3A_3043 : vector<64x128xf32>
      %mul3A_3045 = arith.mulf %sub3A_3044, %sub3A_3044 : vector<64x128xf32>
      %add3A_3046 = arith.addf %add3A_3036, %mul3A_3045 : vector<64x128xf32>
      %max3A_3047 = arith.constant 9.99999991E-38 : f32
      %max3A_3048 = vector.broadcast %max3A_3047 : f32 to vector<64x128xf32>
      %max3A_3049 = arith.maximumf %add3A_3046, %max3A_3048 : vector<64x128xf32>
      %bitcast_convert_type3A_3050 = tpu.bitcast %max3A_3049 : vector<64x128xf32> -> vector<64x128xi32>
      %and3A_3051 = arith.constant -32 : i32
      %and3A_3052 = vector.broadcast %and3A_3051 : i32 to vector<64x128xi32>
      %and3A_3053 = arith.andi %bitcast_convert_type3A_3050, %and3A_3052 : vector<64x128xi32>
      %or3A_3054 = arith.constant 20 : i32
      %or3A_3055 = vector.broadcast %or3A_3054 : i32 to vector<64x128xi32>
      %or3A_3056 = arith.ori %and3A_3053, %or3A_3055 : vector<64x128xi32>
      %bitcast_convert_type3A_3057 = tpu.bitcast %or3A_3056 : vector<64x128xi32> -> vector<64x128xf32>
      %broadcast_in_dim3A_3058 = arith.constant 0.000000e+00 : f32
      %broadcast_in_dim3A_3059 = vector.broadcast %broadcast_in_dim3A_3058 : f32 to vector<64x128xf32>
      %get3A_3060 = arith.constant 0 : index
      %get3A_3061 = arith.constant 0 : index
      %get3A_3062 = arith.constant 2688 : index
      %get3A_3063 = vector.load %arg2[%get3A_3060, %get3A_3061, %get3A_3062] : memref<1x8x4096xf32, #tpu.memory_space<vmem>>, vector<1x1x128xf32>
      %get3A_3064 = vector.shape_cast %get3A_3063 : vector<1x1x128xf32> to vector<1x128xf32>
      %sub3A_3065 = vector.broadcast %slice3A : vector<64x1xf32> to vector<64x128xf32>
      %sub3A_3066 = vector.broadcast %get3A_3064 : vector<1x128xf32> to vector<64x128xf32>
      %sub3A_3067 = arith.subf %sub3A_3065, %sub3A_3066 : vector<64x128xf32>
      %mul3A_3068 = arith.mulf %sub3A_3067, %sub3A_3067 : vector<64x128xf32>
      %add3A_3069 = arith.addf %broadcast_in_dim3A_3059, %mul3A_3068 : vector<64x128xf32>
      %get3A_3070 = arith.constant 0 : index
      %get3A_3071 = arith.constant 1 : index
      %get3A_3072 = arith.constant 2688 : index
      %get3A_3073 = vector.load %arg2[%get3A_3070, %get3A_3071, %get3A_3072] : memref<1x8x4096xf32, #tpu.memory_space<vmem>>, vector<1x1x128xf32>
      %get3A_3074 = vector.shape_cast %get3A_3073 : vector<1x1x128xf32> to vector<1x128xf32>
      %sub3A_3075 = vector.broadcast %slice3A_4 : vector<64x1xf32> to vector<64x128xf32>
      %sub3A_3076 = vector.broadcast %get3A_3074 : vector<1x128xf32> to vector<64x128xf32>
      %sub3A_3077 = arith.subf %sub3A_3075, %sub3A_3076 : vector<64x128xf32>
      %mul3A_3078 = arith.mulf %sub3A_3077, %sub3A_3077 : vector<64x128xf32>
      %add3A_3079 = arith.addf %add3A_3069, %mul3A_3078 : vector<64x128xf32>
      %get3A_3080 = arith.constant 0 : index
      %get3A_3081 = arith.constant 2 : index
      %get3A_3082 = arith.constant 2688 : index
      %get3A_3083 = vector.load %arg2[%get3A_3080, %get3A_3081, %get3A_3082] : memref<1x8x4096xf32, #tpu.memory_space<vmem>>, vector<1x1x128xf32>
      %get3A_3084 = vector.shape_cast %get3A_3083 : vector<1x1x128xf32> to vector<1x128xf32>
      %sub3A_3085 = vector.broadcast %slice3A_5 : vector<64x1xf32> to vector<64x128xf32>
      %sub3A_3086 = vector.broadcast %get3A_3084 : vector<1x128xf32> to vector<64x128xf32>
      %sub3A_3087 = arith.subf %sub3A_3085, %sub3A_3086 : vector<64x128xf32>
      %mul3A_3088 = arith.mulf %sub3A_3087, %sub3A_3087 : vector<64x128xf32>
      %add3A_3089 = arith.addf %add3A_3079, %mul3A_3088 : vector<64x128xf32>
      %max3A_3090 = arith.constant 9.99999991E-38 : f32
      %max3A_3091 = vector.broadcast %max3A_3090 : f32 to vector<64x128xf32>
      %max3A_3092 = arith.maximumf %add3A_3089, %max3A_3091 : vector<64x128xf32>
      %bitcast_convert_type3A_3093 = tpu.bitcast %max3A_3092 : vector<64x128xf32> -> vector<64x128xi32>
      %and3A_3094 = arith.constant -32 : i32
      %and3A_3095 = vector.broadcast %and3A_3094 : i32 to vector<64x128xi32>
      %and3A_3096 = arith.andi %bitcast_convert_type3A_3093, %and3A_3095 : vector<64x128xi32>
      %or3A_3097 = arith.constant 21 : i32
      %or3A_3098 = vector.broadcast %or3A_3097 : i32 to vector<64x128xi32>
      %or3A_3099 = arith.ori %and3A_3096, %or3A_3098 : vector<64x128xi32>
      %bitcast_convert_type3A_3100 = tpu.bitcast %or3A_3099 : vector<64x128xi32> -> vector<64x128xf32>
      %broadcast_in_dim3A_3101 = arith.constant 0.000000e+00 : f32
      %broadcast_in_dim3A_3102 = vector.broadcast %broadcast_in_dim3A_3101 : f32 to vector<64x128xf32>
      %get3A_3103 = arith.constant 0 : index
      %get3A_3104 = arith.constant 0 : index
      %get3A_3105 = arith.constant 2816 : index
      %get3A_3106 = vector.load %arg2[%get3A_3103, %get3A_3104, %get3A_3105] : memref<1x8x4096xf32, #tpu.memory_space<vmem>>, vector<1x1x128xf32>
      %get3A_3107 = vector.shape_cast %get3A_3106 : vector<1x1x128xf32> to vector<1x128xf32>
      %sub3A_3108 = vector.broadcast %slice3A : vector<64x1xf32> to vector<64x128xf32>
      %sub3A_3109 = vector.broadcast %get3A_3107 : vector<1x128xf32> to vector<64x128xf32>
      %sub3A_3110 = arith.subf %sub3A_3108, %sub3A_3109 : vector<64x128xf32>
      %mul3A_3111 = arith.mulf %sub3A_3110, %sub3A_3110 : vector<64x128xf32>
      %add3A_3112 = arith.addf %broadcast_in_dim3A_3102, %mul3A_3111 : vector<64x128xf32>
      %get3A_3113 = arith.constant 0 : index
      %get3A_3114 = arith.constant 1 : index
      %get3A_3115 = arith.constant 2816 : index
      %get3A_3116 = vector.load %arg2[%get3A_3113, %get3A_3114, %get3A_3115] : memref<1x8x4096xf32, #tpu.memory_space<vmem>>, vector<1x1x128xf32>
      %get3A_3117 = vector.shape_cast %get3A_3116 : vector<1x1x128xf32> to vector<1x128xf32>
      %sub3A_3118 = vector.broadcast %slice3A_4 : vector<64x1xf32> to vector<64x128xf32>
      %sub3A_3119 = vector.broadcast %get3A_3117 : vector<1x128xf32> to vector<64x128xf32>
      %sub3A_3120 = arith.subf %sub3A_3118, %sub3A_3119 : vector<64x128xf32>
      %mul3A_3121 = arith.mulf %sub3A_3120, %sub3A_3120 : vector<64x128xf32>
      %add3A_3122 = arith.addf %add3A_3112, %mul3A_3121 : vector<64x128xf32>
      %get3A_3123 = arith.constant 0 : index
      %get3A_3124 = arith.constant 2 : index
      %get3A_3125 = arith.constant 2816 : index
      %get3A_3126 = vector.load %arg2[%get3A_3123, %get3A_3124, %get3A_3125] : memref<1x8x4096xf32, #tpu.memory_space<vmem>>, vector<1x1x128xf32>
      %get3A_3127 = vector.shape_cast %get3A_3126 : vector<1x1x128xf32> to vector<1x128xf32>
      %sub3A_3128 = vector.broadcast %slice3A_5 : vector<64x1xf32> to vector<64x128xf32>
      %sub3A_3129 = vector.broadcast %get3A_3127 : vector<1x128xf32> to vector<64x128xf32>
      %sub3A_3130 = arith.subf %sub3A_3128, %sub3A_3129 : vector<64x128xf32>
      %mul3A_3131 = arith.mulf %sub3A_3130, %sub3A_3130 : vector<64x128xf32>
      %add3A_3132 = arith.addf %add3A_3122, %mul3A_3131 : vector<64x128xf32>
      %max3A_3133 = arith.constant 9.99999991E-38 : f32
      %max3A_3134 = vector.broadcast %max3A_3133 : f32 to vector<64x128xf32>
      %max3A_3135 = arith.maximumf %add3A_3132, %max3A_3134 : vector<64x128xf32>
      %bitcast_convert_type3A_3136 = tpu.bitcast %max3A_3135 : vector<64x128xf32> -> vector<64x128xi32>
      %and3A_3137 = arith.constant -32 : i32
      %and3A_3138 = vector.broadcast %and3A_3137 : i32 to vector<64x128xi32>
      %and3A_3139 = arith.andi %bitcast_convert_type3A_3136, %and3A_3138 : vector<64x128xi32>
      %or3A_3140 = arith.constant 22 : i32
      %or3A_3141 = vector.broadcast %or3A_3140 : i32 to vector<64x128xi32>
      %or3A_3142 = arith.ori %and3A_3139, %or3A_3141 : vector<64x128xi32>
      %bitcast_convert_type3A_3143 = tpu.bitcast %or3A_3142 : vector<64x128xi32> -> vector<64x128xf32>
      %broadcast_in_dim3A_3144 = arith.constant 0.000000e+00 : f32
      %broadcast_in_dim3A_3145 = vector.broadcast %broadcast_in_dim3A_3144 : f32 to vector<64x128xf32>
      %get3A_3146 = arith.constant 0 : index
      %get3A_3147 = arith.constant 0 : index
      %get3A_3148 = arith.constant 2944 : index
      %get3A_3149 = vector.load %arg2[%get3A_3146, %get3A_3147, %get3A_3148] : memref<1x8x4096xf32, #tpu.memory_space<vmem>>, vector<1x1x128xf32>
      %get3A_3150 = vector.shape_cast %get3A_3149 : vector<1x1x128xf32> to vector<1x128xf32>
      %sub3A_3151 = vector.broadcast %slice3A : vector<64x1xf32> to vector<64x128xf32>
      %sub3A_3152 = vector.broadcast %get3A_3150 : vector<1x128xf32> to vector<64x128xf32>
      %sub3A_3153 = arith.subf %sub3A_3151, %sub3A_3152 : vector<64x128xf32>
      %mul3A_3154 = arith.mulf %sub3A_3153, %sub3A_3153 : vector<64x128xf32>
      %add3A_3155 = arith.addf %broadcast_in_dim3A_3145, %mul3A_3154 : vector<64x128xf32>
      %get3A_3156 = arith.constant 0 : index
      %get3A_3157 = arith.constant 1 : index
      %get3A_3158 = arith.constant 2944 : index
      %get3A_3159 = vector.load %arg2[%get3A_3156, %get3A_3157, %get3A_3158] : memref<1x8x4096xf32, #tpu.memory_space<vmem>>, vector<1x1x128xf32>
      %get3A_3160 = vector.shape_cast %get3A_3159 : vector<1x1x128xf32> to vector<1x128xf32>
      %sub3A_3161 = vector.broadcast %slice3A_4 : vector<64x1xf32> to vector<64x128xf32>
      %sub3A_3162 = vector.broadcast %get3A_3160 : vector<1x128xf32> to vector<64x128xf32>
      %sub3A_3163 = arith.subf %sub3A_3161, %sub3A_3162 : vector<64x128xf32>
      %mul3A_3164 = arith.mulf %sub3A_3163, %sub3A_3163 : vector<64x128xf32>
      %add3A_3165 = arith.addf %add3A_3155, %mul3A_3164 : vector<64x128xf32>
      %get3A_3166 = arith.constant 0 : index
      %get3A_3167 = arith.constant 2 : index
      %get3A_3168 = arith.constant 2944 : index
      %get3A_3169 = vector.load %arg2[%get3A_3166, %get3A_3167, %get3A_3168] : memref<1x8x4096xf32, #tpu.memory_space<vmem>>, vector<1x1x128xf32>
      %get3A_3170 = vector.shape_cast %get3A_3169 : vector<1x1x128xf32> to vector<1x128xf32>
      %sub3A_3171 = vector.broadcast %slice3A_5 : vector<64x1xf32> to vector<64x128xf32>
      %sub3A_3172 = vector.broadcast %get3A_3170 : vector<1x128xf32> to vector<64x128xf32>
      %sub3A_3173 = arith.subf %sub3A_3171, %sub3A_3172 : vector<64x128xf32>
      %mul3A_3174 = arith.mulf %sub3A_3173, %sub3A_3173 : vector<64x128xf32>
      %add3A_3175 = arith.addf %add3A_3165, %mul3A_3174 : vector<64x128xf32>
      %max3A_3176 = arith.constant 9.99999991E-38 : f32
      %max3A_3177 = vector.broadcast %max3A_3176 : f32 to vector<64x128xf32>
      %max3A_3178 = arith.maximumf %add3A_3175, %max3A_3177 : vector<64x128xf32>
      %bitcast_convert_type3A_3179 = tpu.bitcast %max3A_3178 : vector<64x128xf32> -> vector<64x128xi32>
      %and3A_3180 = arith.constant -32 : i32
      %and3A_3181 = vector.broadcast %and3A_3180 : i32 to vector<64x128xi32>
      %and3A_3182 = arith.andi %bitcast_convert_type3A_3179, %and3A_3181 : vector<64x128xi32>
      %or3A_3183 = arith.constant 23 : i32
      %or3A_3184 = vector.broadcast %or3A_3183 : i32 to vector<64x128xi32>
      %or3A_3185 = arith.ori %and3A_3182, %or3A_3184 : vector<64x128xi32>
      %bitcast_convert_type3A_3186 = tpu.bitcast %or3A_3185 : vector<64x128xi32> -> vector<64x128xf32>
      %broadcast_in_dim3A_3187 = arith.constant 0.000000e+00 : f32
      %broadcast_in_dim3A_3188 = vector.broadcast %broadcast_in_dim3A_3187 : f32 to vector<64x128xf32>
      %get3A_3189 = arith.constant 0 : index
      %get3A_3190 = arith.constant 0 : index
      %get3A_3191 = arith.constant 3072 : index
      %get3A_3192 = vector.load %arg2[%get3A_3189, %get3A_3190, %get3A_3191] : memref<1x8x4096xf32, #tpu.memory_space<vmem>>, vector<1x1x128xf32>
      %get3A_3193 = vector.shape_cast %get3A_3192 : vector<1x1x128xf32> to vector<1x128xf32>
      %sub3A_3194 = vector.broadcast %slice3A : vector<64x1xf32> to vector<64x128xf32>
      %sub3A_3195 = vector.broadcast %get3A_3193 : vector<1x128xf32> to vector<64x128xf32>
      %sub3A_3196 = arith.subf %sub3A_3194, %sub3A_3195 : vector<64x128xf32>
      %mul3A_3197 = arith.mulf %sub3A_3196, %sub3A_3196 : vector<64x128xf32>
      %add3A_3198 = arith.addf %broadcast_in_dim3A_3188, %mul3A_3197 : vector<64x128xf32>
      %get3A_3199 = arith.constant 0 : index
      %get3A_3200 = arith.constant 1 : index
      %get3A_3201 = arith.constant 3072 : index
      %get3A_3202 = vector.load %arg2[%get3A_3199, %get3A_3200, %get3A_3201] : memref<1x8x4096xf32, #tpu.memory_space<vmem>>, vector<1x1x128xf32>
      %get3A_3203 = vector.shape_cast %get3A_3202 : vector<1x1x128xf32> to vector<1x128xf32>
      %sub3A_3204 = vector.broadcast %slice3A_4 : vector<64x1xf32> to vector<64x128xf32>
      %sub3A_3205 = vector.broadcast %get3A_3203 : vector<1x128xf32> to vector<64x128xf32>
      %sub3A_3206 = arith.subf %sub3A_3204, %sub3A_3205 : vector<64x128xf32>
      %mul3A_3207 = arith.mulf %sub3A_3206, %sub3A_3206 : vector<64x128xf32>
      %add3A_3208 = arith.addf %add3A_3198, %mul3A_3207 : vector<64x128xf32>
      %get3A_3209 = arith.constant 0 : index
      %get3A_3210 = arith.constant 2 : index
      %get3A_3211 = arith.constant 3072 : index
      %get3A_3212 = vector.load %arg2[%get3A_3209, %get3A_3210, %get3A_3211] : memref<1x8x4096xf32, #tpu.memory_space<vmem>>, vector<1x1x128xf32>
      %get3A_3213 = vector.shape_cast %get3A_3212 : vector<1x1x128xf32> to vector<1x128xf32>
      %sub3A_3214 = vector.broadcast %slice3A_5 : vector<64x1xf32> to vector<64x128xf32>
      %sub3A_3215 = vector.broadcast %get3A_3213 : vector<1x128xf32> to vector<64x128xf32>
      %sub3A_3216 = arith.subf %sub3A_3214, %sub3A_3215 : vector<64x128xf32>
      %mul3A_3217 = arith.mulf %sub3A_3216, %sub3A_3216 : vector<64x128xf32>
      %add3A_3218 = arith.addf %add3A_3208, %mul3A_3217 : vector<64x128xf32>
      %max3A_3219 = arith.constant 9.99999991E-38 : f32
      %max3A_3220 = vector.broadcast %max3A_3219 : f32 to vector<64x128xf32>
      %max3A_3221 = arith.maximumf %add3A_3218, %max3A_3220 : vector<64x128xf32>
      %bitcast_convert_type3A_3222 = tpu.bitcast %max3A_3221 : vector<64x128xf32> -> vector<64x128xi32>
      %and3A_3223 = arith.constant -32 : i32
      %and3A_3224 = vector.broadcast %and3A_3223 : i32 to vector<64x128xi32>
      %and3A_3225 = arith.andi %bitcast_convert_type3A_3222, %and3A_3224 : vector<64x128xi32>
      %or3A_3226 = arith.constant 24 : i32
      %or3A_3227 = vector.broadcast %or3A_3226 : i32 to vector<64x128xi32>
      %or3A_3228 = arith.ori %and3A_3225, %or3A_3227 : vector<64x128xi32>
      %bitcast_convert_type3A_3229 = tpu.bitcast %or3A_3228 : vector<64x128xi32> -> vector<64x128xf32>
      %broadcast_in_dim3A_3230 = arith.constant 0.000000e+00 : f32
      %broadcast_in_dim3A_3231 = vector.broadcast %broadcast_in_dim3A_3230 : f32 to vector<64x128xf32>
      %get3A_3232 = arith.constant 0 : index
      %get3A_3233 = arith.constant 0 : index
      %get3A_3234 = arith.constant 3200 : index
      %get3A_3235 = vector.load %arg2[%get3A_3232, %get3A_3233, %get3A_3234] : memref<1x8x4096xf32, #tpu.memory_space<vmem>>, vector<1x1x128xf32>
      %get3A_3236 = vector.shape_cast %get3A_3235 : vector<1x1x128xf32> to vector<1x128xf32>
      %sub3A_3237 = vector.broadcast %slice3A : vector<64x1xf32> to vector<64x128xf32>
      %sub3A_3238 = vector.broadcast %get3A_3236 : vector<1x128xf32> to vector<64x128xf32>
      %sub3A_3239 = arith.subf %sub3A_3237, %sub3A_3238 : vector<64x128xf32>
      %mul3A_3240 = arith.mulf %sub3A_3239, %sub3A_3239 : vector<64x128xf32>
      %add3A_3241 = arith.addf %broadcast_in_dim3A_3231, %mul3A_3240 : vector<64x128xf32>
      %get3A_3242 = arith.constant 0 : index
      %get3A_3243 = arith.constant 1 : index
      %get3A_3244 = arith.constant 3200 : index
      %get3A_3245 = vector.load %arg2[%get3A_3242, %get3A_3243, %get3A_3244] : memref<1x8x4096xf32, #tpu.memory_space<vmem>>, vector<1x1x128xf32>
      %get3A_3246 = vector.shape_cast %get3A_3245 : vector<1x1x128xf32> to vector<1x128xf32>
      %sub3A_3247 = vector.broadcast %slice3A_4 : vector<64x1xf32> to vector<64x128xf32>
      %sub3A_3248 = vector.broadcast %get3A_3246 : vector<1x128xf32> to vector<64x128xf32>
      %sub3A_3249 = arith.subf %sub3A_3247, %sub3A_3248 : vector<64x128xf32>
      %mul3A_3250 = arith.mulf %sub3A_3249, %sub3A_3249 : vector<64x128xf32>
      %add3A_3251 = arith.addf %add3A_3241, %mul3A_3250 : vector<64x128xf32>
      %get3A_3252 = arith.constant 0 : index
      %get3A_3253 = arith.constant 2 : index
      %get3A_3254 = arith.constant 3200 : index
      %get3A_3255 = vector.load %arg2[%get3A_3252, %get3A_3253, %get3A_3254] : memref<1x8x4096xf32, #tpu.memory_space<vmem>>, vector<1x1x128xf32>
      %get3A_3256 = vector.shape_cast %get3A_3255 : vector<1x1x128xf32> to vector<1x128xf32>
      %sub3A_3257 = vector.broadcast %slice3A_5 : vector<64x1xf32> to vector<64x128xf32>
      %sub3A_3258 = vector.broadcast %get3A_3256 : vector<1x128xf32> to vector<64x128xf32>
      %sub3A_3259 = arith.subf %sub3A_3257, %sub3A_3258 : vector<64x128xf32>
      %mul3A_3260 = arith.mulf %sub3A_3259, %sub3A_3259 : vector<64x128xf32>
      %add3A_3261 = arith.addf %add3A_3251, %mul3A_3260 : vector<64x128xf32>
      %max3A_3262 = arith.constant 9.99999991E-38 : f32
      %max3A_3263 = vector.broadcast %max3A_3262 : f32 to vector<64x128xf32>
      %max3A_3264 = arith.maximumf %add3A_3261, %max3A_3263 : vector<64x128xf32>
      %bitcast_convert_type3A_3265 = tpu.bitcast %max3A_3264 : vector<64x128xf32> -> vector<64x128xi32>
      %and3A_3266 = arith.constant -32 : i32
      %and3A_3267 = vector.broadcast %and3A_3266 : i32 to vector<64x128xi32>
      %and3A_3268 = arith.andi %bitcast_convert_type3A_3265, %and3A_3267 : vector<64x128xi32>
      %or3A_3269 = arith.constant 25 : i32
      %or3A_3270 = vector.broadcast %or3A_3269 : i32 to vector<64x128xi32>
      %or3A_3271 = arith.ori %and3A_3268, %or3A_3270 : vector<64x128xi32>
      %bitcast_convert_type3A_3272 = tpu.bitcast %or3A_3271 : vector<64x128xi32> -> vector<64x128xf32>
      %broadcast_in_dim3A_3273 = arith.constant 0.000000e+00 : f32
      %broadcast_in_dim3A_3274 = vector.broadcast %broadcast_in_dim3A_3273 : f32 to vector<64x128xf32>
      %get3A_3275 = arith.constant 0 : index
      %get3A_3276 = arith.constant 0 : index
      %get3A_3277 = arith.constant 3328 : index
      %get3A_3278 = vector.load %arg2[%get3A_3275, %get3A_3276, %get3A_3277] : memref<1x8x4096xf32, #tpu.memory_space<vmem>>, vector<1x1x128xf32>
      %get3A_3279 = vector.shape_cast %get3A_3278 : vector<1x1x128xf32> to vector<1x128xf32>
      %sub3A_3280 = vector.broadcast %slice3A : vector<64x1xf32> to vector<64x128xf32>
      %sub3A_3281 = vector.broadcast %get3A_3279 : vector<1x128xf32> to vector<64x128xf32>
      %sub3A_3282 = arith.subf %sub3A_3280, %sub3A_3281 : vector<64x128xf32>
      %mul3A_3283 = arith.mulf %sub3A_3282, %sub3A_3282 : vector<64x128xf32>
      %add3A_3284 = arith.addf %broadcast_in_dim3A_3274, %mul3A_3283 : vector<64x128xf32>
      %get3A_3285 = arith.constant 0 : index
      %get3A_3286 = arith.constant 1 : index
      %get3A_3287 = arith.constant 3328 : index
      %get3A_3288 = vector.load %arg2[%get3A_3285, %get3A_3286, %get3A_3287] : memref<1x8x4096xf32, #tpu.memory_space<vmem>>, vector<1x1x128xf32>
      %get3A_3289 = vector.shape_cast %get3A_3288 : vector<1x1x128xf32> to vector<1x128xf32>
      %sub3A_3290 = vector.broadcast %slice3A_4 : vector<64x1xf32> to vector<64x128xf32>
      %sub3A_3291 = vector.broadcast %get3A_3289 : vector<1x128xf32> to vector<64x128xf32>
      %sub3A_3292 = arith.subf %sub3A_3290, %sub3A_3291 : vector<64x128xf32>
      %mul3A_3293 = arith.mulf %sub3A_3292, %sub3A_3292 : vector<64x128xf32>
      %add3A_3294 = arith.addf %add3A_3284, %mul3A_3293 : vector<64x128xf32>
      %get3A_3295 = arith.constant 0 : index
      %get3A_3296 = arith.constant 2 : index
      %get3A_3297 = arith.constant 3328 : index
      %get3A_3298 = vector.load %arg2[%get3A_3295, %get3A_3296, %get3A_3297] : memref<1x8x4096xf32, #tpu.memory_space<vmem>>, vector<1x1x128xf32>
      %get3A_3299 = vector.shape_cast %get3A_3298 : vector<1x1x128xf32> to vector<1x128xf32>
      %sub3A_3300 = vector.broadcast %slice3A_5 : vector<64x1xf32> to vector<64x128xf32>
      %sub3A_3301 = vector.broadcast %get3A_3299 : vector<1x128xf32> to vector<64x128xf32>
      %sub3A_3302 = arith.subf %sub3A_3300, %sub3A_3301 : vector<64x128xf32>
      %mul3A_3303 = arith.mulf %sub3A_3302, %sub3A_3302 : vector<64x128xf32>
      %add3A_3304 = arith.addf %add3A_3294, %mul3A_3303 : vector<64x128xf32>
      %max3A_3305 = arith.constant 9.99999991E-38 : f32
      %max3A_3306 = vector.broadcast %max3A_3305 : f32 to vector<64x128xf32>
      %max3A_3307 = arith.maximumf %add3A_3304, %max3A_3306 : vector<64x128xf32>
      %bitcast_convert_type3A_3308 = tpu.bitcast %max3A_3307 : vector<64x128xf32> -> vector<64x128xi32>
      %and3A_3309 = arith.constant -32 : i32
      %and3A_3310 = vector.broadcast %and3A_3309 : i32 to vector<64x128xi32>
      %and3A_3311 = arith.andi %bitcast_convert_type3A_3308, %and3A_3310 : vector<64x128xi32>
      %or3A_3312 = arith.constant 26 : i32
      %or3A_3313 = vector.broadcast %or3A_3312 : i32 to vector<64x128xi32>
      %or3A_3314 = arith.ori %and3A_3311, %or3A_3313 : vector<64x128xi32>
      %bitcast_convert_type3A_3315 = tpu.bitcast %or3A_3314 : vector<64x128xi32> -> vector<64x128xf32>
      %broadcast_in_dim3A_3316 = arith.constant 0.000000e+00 : f32
      %broadcast_in_dim3A_3317 = vector.broadcast %broadcast_in_dim3A_3316 : f32 to vector<64x128xf32>
      %get3A_3318 = arith.constant 0 : index
      %get3A_3319 = arith.constant 0 : index
      %get3A_3320 = arith.constant 3456 : index
      %get3A_3321 = vector.load %arg2[%get3A_3318, %get3A_3319, %get3A_3320] : memref<1x8x4096xf32, #tpu.memory_space<vmem>>, vector<1x1x128xf32>
      %get3A_3322 = vector.shape_cast %get3A_3321 : vector<1x1x128xf32> to vector<1x128xf32>
      %sub3A_3323 = vector.broadcast %slice3A : vector<64x1xf32> to vector<64x128xf32>
      %sub3A_3324 = vector.broadcast %get3A_3322 : vector<1x128xf32> to vector<64x128xf32>
      %sub3A_3325 = arith.subf %sub3A_3323, %sub3A_3324 : vector<64x128xf32>
      %mul3A_3326 = arith.mulf %sub3A_3325, %sub3A_3325 : vector<64x128xf32>
      %add3A_3327 = arith.addf %broadcast_in_dim3A_3317, %mul3A_3326 : vector<64x128xf32>
      %get3A_3328 = arith.constant 0 : index
      %get3A_3329 = arith.constant 1 : index
      %get3A_3330 = arith.constant 3456 : index
      %get3A_3331 = vector.load %arg2[%get3A_3328, %get3A_3329, %get3A_3330] : memref<1x8x4096xf32, #tpu.memory_space<vmem>>, vector<1x1x128xf32>
      %get3A_3332 = vector.shape_cast %get3A_3331 : vector<1x1x128xf32> to vector<1x128xf32>
      %sub3A_3333 = vector.broadcast %slice3A_4 : vector<64x1xf32> to vector<64x128xf32>
      %sub3A_3334 = vector.broadcast %get3A_3332 : vector<1x128xf32> to vector<64x128xf32>
      %sub3A_3335 = arith.subf %sub3A_3333, %sub3A_3334 : vector<64x128xf32>
      %mul3A_3336 = arith.mulf %sub3A_3335, %sub3A_3335 : vector<64x128xf32>
      %add3A_3337 = arith.addf %add3A_3327, %mul3A_3336 : vector<64x128xf32>
      %get3A_3338 = arith.constant 0 : index
      %get3A_3339 = arith.constant 2 : index
      %get3A_3340 = arith.constant 3456 : index
      %get3A_3341 = vector.load %arg2[%get3A_3338, %get3A_3339, %get3A_3340] : memref<1x8x4096xf32, #tpu.memory_space<vmem>>, vector<1x1x128xf32>
      %get3A_3342 = vector.shape_cast %get3A_3341 : vector<1x1x128xf32> to vector<1x128xf32>
      %sub3A_3343 = vector.broadcast %slice3A_5 : vector<64x1xf32> to vector<64x128xf32>
      %sub3A_3344 = vector.broadcast %get3A_3342 : vector<1x128xf32> to vector<64x128xf32>
      %sub3A_3345 = arith.subf %sub3A_3343, %sub3A_3344 : vector<64x128xf32>
      %mul3A_3346 = arith.mulf %sub3A_3345, %sub3A_3345 : vector<64x128xf32>
      %add3A_3347 = arith.addf %add3A_3337, %mul3A_3346 : vector<64x128xf32>
      %max3A_3348 = arith.constant 9.99999991E-38 : f32
      %max3A_3349 = vector.broadcast %max3A_3348 : f32 to vector<64x128xf32>
      %max3A_3350 = arith.maximumf %add3A_3347, %max3A_3349 : vector<64x128xf32>
      %bitcast_convert_type3A_3351 = tpu.bitcast %max3A_3350 : vector<64x128xf32> -> vector<64x128xi32>
      %and3A_3352 = arith.constant -32 : i32
      %and3A_3353 = vector.broadcast %and3A_3352 : i32 to vector<64x128xi32>
      %and3A_3354 = arith.andi %bitcast_convert_type3A_3351, %and3A_3353 : vector<64x128xi32>
      %or3A_3355 = arith.constant 27 : i32
      %or3A_3356 = vector.broadcast %or3A_3355 : i32 to vector<64x128xi32>
      %or3A_3357 = arith.ori %and3A_3354, %or3A_3356 : vector<64x128xi32>
      %bitcast_convert_type3A_3358 = tpu.bitcast %or3A_3357 : vector<64x128xi32> -> vector<64x128xf32>
      %broadcast_in_dim3A_3359 = arith.constant 0.000000e+00 : f32
      %broadcast_in_dim3A_3360 = vector.broadcast %broadcast_in_dim3A_3359 : f32 to vector<64x128xf32>
      %get3A_3361 = arith.constant 0 : index
      %get3A_3362 = arith.constant 0 : index
      %get3A_3363 = arith.constant 3584 : index
      %get3A_3364 = vector.load %arg2[%get3A_3361, %get3A_3362, %get3A_3363] : memref<1x8x4096xf32, #tpu.memory_space<vmem>>, vector<1x1x128xf32>
      %get3A_3365 = vector.shape_cast %get3A_3364 : vector<1x1x128xf32> to vector<1x128xf32>
      %sub3A_3366 = vector.broadcast %slice3A : vector<64x1xf32> to vector<64x128xf32>
      %sub3A_3367 = vector.broadcast %get3A_3365 : vector<1x128xf32> to vector<64x128xf32>
      %sub3A_3368 = arith.subf %sub3A_3366, %sub3A_3367 : vector<64x128xf32>
      %mul3A_3369 = arith.mulf %sub3A_3368, %sub3A_3368 : vector<64x128xf32>
      %add3A_3370 = arith.addf %broadcast_in_dim3A_3360, %mul3A_3369 : vector<64x128xf32>
      %get3A_3371 = arith.constant 0 : index
      %get3A_3372 = arith.constant 1 : index
      %get3A_3373 = arith.constant 3584 : index
      %get3A_3374 = vector.load %arg2[%get3A_3371, %get3A_3372, %get3A_3373] : memref<1x8x4096xf32, #tpu.memory_space<vmem>>, vector<1x1x128xf32>
      %get3A_3375 = vector.shape_cast %get3A_3374 : vector<1x1x128xf32> to vector<1x128xf32>
      %sub3A_3376 = vector.broadcast %slice3A_4 : vector<64x1xf32> to vector<64x128xf32>
      %sub3A_3377 = vector.broadcast %get3A_3375 : vector<1x128xf32> to vector<64x128xf32>
      %sub3A_3378 = arith.subf %sub3A_3376, %sub3A_3377 : vector<64x128xf32>
      %mul3A_3379 = arith.mulf %sub3A_3378, %sub3A_3378 : vector<64x128xf32>
      %add3A_3380 = arith.addf %add3A_3370, %mul3A_3379 : vector<64x128xf32>
      %get3A_3381 = arith.constant 0 : index
      %get3A_3382 = arith.constant 2 : index
      %get3A_3383 = arith.constant 3584 : index
      %get3A_3384 = vector.load %arg2[%get3A_3381, %get3A_3382, %get3A_3383] : memref<1x8x4096xf32, #tpu.memory_space<vmem>>, vector<1x1x128xf32>
      %get3A_3385 = vector.shape_cast %get3A_3384 : vector<1x1x128xf32> to vector<1x128xf32>
      %sub3A_3386 = vector.broadcast %slice3A_5 : vector<64x1xf32> to vector<64x128xf32>
      %sub3A_3387 = vector.broadcast %get3A_3385 : vector<1x128xf32> to vector<64x128xf32>
      %sub3A_3388 = arith.subf %sub3A_3386, %sub3A_3387 : vector<64x128xf32>
      %mul3A_3389 = arith.mulf %sub3A_3388, %sub3A_3388 : vector<64x128xf32>
      %add3A_3390 = arith.addf %add3A_3380, %mul3A_3389 : vector<64x128xf32>
      %max3A_3391 = arith.constant 9.99999991E-38 : f32
      %max3A_3392 = vector.broadcast %max3A_3391 : f32 to vector<64x128xf32>
      %max3A_3393 = arith.maximumf %add3A_3390, %max3A_3392 : vector<64x128xf32>
      %bitcast_convert_type3A_3394 = tpu.bitcast %max3A_3393 : vector<64x128xf32> -> vector<64x128xi32>
      %and3A_3395 = arith.constant -32 : i32
      %and3A_3396 = vector.broadcast %and3A_3395 : i32 to vector<64x128xi32>
      %and3A_3397 = arith.andi %bitcast_convert_type3A_3394, %and3A_3396 : vector<64x128xi32>
      %or3A_3398 = arith.constant 28 : i32
      %or3A_3399 = vector.broadcast %or3A_3398 : i32 to vector<64x128xi32>
      %or3A_3400 = arith.ori %and3A_3397, %or3A_3399 : vector<64x128xi32>
      %bitcast_convert_type3A_3401 = tpu.bitcast %or3A_3400 : vector<64x128xi32> -> vector<64x128xf32>
      %broadcast_in_dim3A_3402 = arith.constant 0.000000e+00 : f32
      %broadcast_in_dim3A_3403 = vector.broadcast %broadcast_in_dim3A_3402 : f32 to vector<64x128xf32>
      %get3A_3404 = arith.constant 0 : index
      %get3A_3405 = arith.constant 0 : index
      %get3A_3406 = arith.constant 3712 : index
      %get3A_3407 = vector.load %arg2[%get3A_3404, %get3A_3405, %get3A_3406] : memref<1x8x4096xf32, #tpu.memory_space<vmem>>, vector<1x1x128xf32>
      %get3A_3408 = vector.shape_cast %get3A_3407 : vector<1x1x128xf32> to vector<1x128xf32>
      %sub3A_3409 = vector.broadcast %slice3A : vector<64x1xf32> to vector<64x128xf32>
      %sub3A_3410 = vector.broadcast %get3A_3408 : vector<1x128xf32> to vector<64x128xf32>
      %sub3A_3411 = arith.subf %sub3A_3409, %sub3A_3410 : vector<64x128xf32>
      %mul3A_3412 = arith.mulf %sub3A_3411, %sub3A_3411 : vector<64x128xf32>
      %add3A_3413 = arith.addf %broadcast_in_dim3A_3403, %mul3A_3412 : vector<64x128xf32>
      %get3A_3414 = arith.constant 0 : index
      %get3A_3415 = arith.constant 1 : index
      %get3A_3416 = arith.constant 3712 : index
      %get3A_3417 = vector.load %arg2[%get3A_3414, %get3A_3415, %get3A_3416] : memref<1x8x4096xf32, #tpu.memory_space<vmem>>, vector<1x1x128xf32>
      %get3A_3418 = vector.shape_cast %get3A_3417 : vector<1x1x128xf32> to vector<1x128xf32>
      %sub3A_3419 = vector.broadcast %slice3A_4 : vector<64x1xf32> to vector<64x128xf32>
      %sub3A_3420 = vector.broadcast %get3A_3418 : vector<1x128xf32> to vector<64x128xf32>
      %sub3A_3421 = arith.subf %sub3A_3419, %sub3A_3420 : vector<64x128xf32>
      %mul3A_3422 = arith.mulf %sub3A_3421, %sub3A_3421 : vector<64x128xf32>
      %add3A_3423 = arith.addf %add3A_3413, %mul3A_3422 : vector<64x128xf32>
      %get3A_3424 = arith.constant 0 : index
      %get3A_3425 = arith.constant 2 : index
      %get3A_3426 = arith.constant 3712 : index
      %get3A_3427 = vector.load %arg2[%get3A_3424, %get3A_3425, %get3A_3426] : memref<1x8x4096xf32, #tpu.memory_space<vmem>>, vector<1x1x128xf32>
      %get3A_3428 = vector.shape_cast %get3A_3427 : vector<1x1x128xf32> to vector<1x128xf32>
      %sub3A_3429 = vector.broadcast %slice3A_5 : vector<64x1xf32> to vector<64x128xf32>
      %sub3A_3430 = vector.broadcast %get3A_3428 : vector<1x128xf32> to vector<64x128xf32>
      %sub3A_3431 = arith.subf %sub3A_3429, %sub3A_3430 : vector<64x128xf32>
      %mul3A_3432 = arith.mulf %sub3A_3431, %sub3A_3431 : vector<64x128xf32>
      %add3A_3433 = arith.addf %add3A_3423, %mul3A_3432 : vector<64x128xf32>
      %max3A_3434 = arith.constant 9.99999991E-38 : f32
      %max3A_3435 = vector.broadcast %max3A_3434 : f32 to vector<64x128xf32>
      %max3A_3436 = arith.maximumf %add3A_3433, %max3A_3435 : vector<64x128xf32>
      %bitcast_convert_type3A_3437 = tpu.bitcast %max3A_3436 : vector<64x128xf32> -> vector<64x128xi32>
      %and3A_3438 = arith.constant -32 : i32
      %and3A_3439 = vector.broadcast %and3A_3438 : i32 to vector<64x128xi32>
      %and3A_3440 = arith.andi %bitcast_convert_type3A_3437, %and3A_3439 : vector<64x128xi32>
      %or3A_3441 = arith.constant 29 : i32
      %or3A_3442 = vector.broadcast %or3A_3441 : i32 to vector<64x128xi32>
      %or3A_3443 = arith.ori %and3A_3440, %or3A_3442 : vector<64x128xi32>
      %bitcast_convert_type3A_3444 = tpu.bitcast %or3A_3443 : vector<64x128xi32> -> vector<64x128xf32>
      %broadcast_in_dim3A_3445 = arith.constant 0.000000e+00 : f32
      %broadcast_in_dim3A_3446 = vector.broadcast %broadcast_in_dim3A_3445 : f32 to vector<64x128xf32>
      %get3A_3447 = arith.constant 0 : index
      %get3A_3448 = arith.constant 0 : index
      %get3A_3449 = arith.constant 3840 : index
      %get3A_3450 = vector.load %arg2[%get3A_3447, %get3A_3448, %get3A_3449] : memref<1x8x4096xf32, #tpu.memory_space<vmem>>, vector<1x1x128xf32>
      %get3A_3451 = vector.shape_cast %get3A_3450 : vector<1x1x128xf32> to vector<1x128xf32>
      %sub3A_3452 = vector.broadcast %slice3A : vector<64x1xf32> to vector<64x128xf32>
      %sub3A_3453 = vector.broadcast %get3A_3451 : vector<1x128xf32> to vector<64x128xf32>
      %sub3A_3454 = arith.subf %sub3A_3452, %sub3A_3453 : vector<64x128xf32>
      %mul3A_3455 = arith.mulf %sub3A_3454, %sub3A_3454 : vector<64x128xf32>
      %add3A_3456 = arith.addf %broadcast_in_dim3A_3446, %mul3A_3455 : vector<64x128xf32>
      %get3A_3457 = arith.constant 0 : index
      %get3A_3458 = arith.constant 1 : index
      %get3A_3459 = arith.constant 3840 : index
      %get3A_3460 = vector.load %arg2[%get3A_3457, %get3A_3458, %get3A_3459] : memref<1x8x4096xf32, #tpu.memory_space<vmem>>, vector<1x1x128xf32>
      %get3A_3461 = vector.shape_cast %get3A_3460 : vector<1x1x128xf32> to vector<1x128xf32>
      %sub3A_3462 = vector.broadcast %slice3A_4 : vector<64x1xf32> to vector<64x128xf32>
      %sub3A_3463 = vector.broadcast %get3A_3461 : vector<1x128xf32> to vector<64x128xf32>
      %sub3A_3464 = arith.subf %sub3A_3462, %sub3A_3463 : vector<64x128xf32>
      %mul3A_3465 = arith.mulf %sub3A_3464, %sub3A_3464 : vector<64x128xf32>
      %add3A_3466 = arith.addf %add3A_3456, %mul3A_3465 : vector<64x128xf32>
      %get3A_3467 = arith.constant 0 : index
      %get3A_3468 = arith.constant 2 : index
      %get3A_3469 = arith.constant 3840 : index
      %get3A_3470 = vector.load %arg2[%get3A_3467, %get3A_3468, %get3A_3469] : memref<1x8x4096xf32, #tpu.memory_space<vmem>>, vector<1x1x128xf32>
      %get3A_3471 = vector.shape_cast %get3A_3470 : vector<1x1x128xf32> to vector<1x128xf32>
      %sub3A_3472 = vector.broadcast %slice3A_5 : vector<64x1xf32> to vector<64x128xf32>
      %sub3A_3473 = vector.broadcast %get3A_3471 : vector<1x128xf32> to vector<64x128xf32>
      %sub3A_3474 = arith.subf %sub3A_3472, %sub3A_3473 : vector<64x128xf32>
      %mul3A_3475 = arith.mulf %sub3A_3474, %sub3A_3474 : vector<64x128xf32>
      %add3A_3476 = arith.addf %add3A_3466, %mul3A_3475 : vector<64x128xf32>
      %max3A_3477 = arith.constant 9.99999991E-38 : f32
      %max3A_3478 = vector.broadcast %max3A_3477 : f32 to vector<64x128xf32>
      %max3A_3479 = arith.maximumf %add3A_3476, %max3A_3478 : vector<64x128xf32>
      %bitcast_convert_type3A_3480 = tpu.bitcast %max3A_3479 : vector<64x128xf32> -> vector<64x128xi32>
      %and3A_3481 = arith.constant -32 : i32
      %and3A_3482 = vector.broadcast %and3A_3481 : i32 to vector<64x128xi32>
      %and3A_3483 = arith.andi %bitcast_convert_type3A_3480, %and3A_3482 : vector<64x128xi32>
      %or3A_3484 = arith.constant 30 : i32
      %or3A_3485 = vector.broadcast %or3A_3484 : i32 to vector<64x128xi32>
      %or3A_3486 = arith.ori %and3A_3483, %or3A_3485 : vector<64x128xi32>
      %bitcast_convert_type3A_3487 = tpu.bitcast %or3A_3486 : vector<64x128xi32> -> vector<64x128xf32>
      %broadcast_in_dim3A_3488 = arith.constant 0.000000e+00 : f32
      %broadcast_in_dim3A_3489 = vector.broadcast %broadcast_in_dim3A_3488 : f32 to vector<64x128xf32>
      %get3A_3490 = arith.constant 0 : index
      %get3A_3491 = arith.constant 0 : index
      %get3A_3492 = arith.constant 3968 : index
      %get3A_3493 = vector.load %arg2[%get3A_3490, %get3A_3491, %get3A_3492] : memref<1x8x4096xf32, #tpu.memory_space<vmem>>, vector<1x1x128xf32>
      %get3A_3494 = vector.shape_cast %get3A_3493 : vector<1x1x128xf32> to vector<1x128xf32>
      %sub3A_3495 = vector.broadcast %slice3A : vector<64x1xf32> to vector<64x128xf32>
      %sub3A_3496 = vector.broadcast %get3A_3494 : vector<1x128xf32> to vector<64x128xf32>
      %sub3A_3497 = arith.subf %sub3A_3495, %sub3A_3496 : vector<64x128xf32>
      %mul3A_3498 = arith.mulf %sub3A_3497, %sub3A_3497 : vector<64x128xf32>
      %add3A_3499 = arith.addf %broadcast_in_dim3A_3489, %mul3A_3498 : vector<64x128xf32>
      %get3A_3500 = arith.constant 0 : index
      %get3A_3501 = arith.constant 1 : index
      %get3A_3502 = arith.constant 3968 : index
      %get3A_3503 = vector.load %arg2[%get3A_3500, %get3A_3501, %get3A_3502] : memref<1x8x4096xf32, #tpu.memory_space<vmem>>, vector<1x1x128xf32>
      %get3A_3504 = vector.shape_cast %get3A_3503 : vector<1x1x128xf32> to vector<1x128xf32>
      %sub3A_3505 = vector.broadcast %slice3A_4 : vector<64x1xf32> to vector<64x128xf32>
      %sub3A_3506 = vector.broadcast %get3A_3504 : vector<1x128xf32> to vector<64x128xf32>
      %sub3A_3507 = arith.subf %sub3A_3505, %sub3A_3506 : vector<64x128xf32>
      %mul3A_3508 = arith.mulf %sub3A_3507, %sub3A_3507 : vector<64x128xf32>
      %add3A_3509 = arith.addf %add3A_3499, %mul3A_3508 : vector<64x128xf32>
      %get3A_3510 = arith.constant 0 : index
      %get3A_3511 = arith.constant 2 : index
      %get3A_3512 = arith.constant 3968 : index
      %get3A_3513 = vector.load %arg2[%get3A_3510, %get3A_3511, %get3A_3512] : memref<1x8x4096xf32, #tpu.memory_space<vmem>>, vector<1x1x128xf32>
      %get3A_3514 = vector.shape_cast %get3A_3513 : vector<1x1x128xf32> to vector<1x128xf32>
      %sub3A_3515 = vector.broadcast %slice3A_5 : vector<64x1xf32> to vector<64x128xf32>
      %sub3A_3516 = vector.broadcast %get3A_3514 : vector<1x128xf32> to vector<64x128xf32>
      %sub3A_3517 = arith.subf %sub3A_3515, %sub3A_3516 : vector<64x128xf32>
      %mul3A_3518 = arith.mulf %sub3A_3517, %sub3A_3517 : vector<64x128xf32>
      %add3A_3519 = arith.addf %add3A_3509, %mul3A_3518 : vector<64x128xf32>
      %max3A_3520 = arith.constant 9.99999991E-38 : f32
      %max3A_3521 = vector.broadcast %max3A_3520 : f32 to vector<64x128xf32>
      %max3A_3522 = arith.maximumf %add3A_3519, %max3A_3521 : vector<64x128xf32>
      %bitcast_convert_type3A_3523 = tpu.bitcast %max3A_3522 : vector<64x128xf32> -> vector<64x128xi32>
      %and3A_3524 = arith.constant -32 : i32
      %and3A_3525 = vector.broadcast %and3A_3524 : i32 to vector<64x128xi32>
      %and3A_3526 = arith.andi %bitcast_convert_type3A_3523, %and3A_3525 : vector<64x128xi32>
      %or3A_3527 = arith.constant 31 : i32
      %or3A_3528 = vector.broadcast %or3A_3527 : i32 to vector<64x128xi32>
      %or3A_3529 = arith.ori %and3A_3526, %or3A_3528 : vector<64x128xi32>
      %bitcast_convert_type3A_3530 = tpu.bitcast %or3A_3529 : vector<64x128xi32> -> vector<64x128xf32>
      %concatenate3A_3531 = tpu.concatenate %bitcast_convert_type3A_2197, %bitcast_convert_type3A_2240, %bitcast_convert_type3A_2283, %bitcast_convert_type3A_2326, %bitcast_convert_type3A_2369, %bitcast_convert_type3A_2412, %bitcast_convert_type3A_2455, %bitcast_convert_type3A_2498, %bitcast_convert_type3A_2541, %bitcast_convert_type3A_2584, %bitcast_convert_type3A_2627, %bitcast_convert_type3A_2670, %bitcast_convert_type3A_2713, %bitcast_convert_type3A_2756, %bitcast_convert_type3A_2799, %bitcast_convert_type3A_2842, %bitcast_convert_type3A_2885, %bitcast_convert_type3A_2928, %bitcast_convert_type3A_2971, %bitcast_convert_type3A_3014, %bitcast_convert_type3A_3057, %bitcast_convert_type3A_3100, %bitcast_convert_type3A_3143, %bitcast_convert_type3A_3186, %bitcast_convert_type3A_3229, %bitcast_convert_type3A_3272, %bitcast_convert_type3A_3315, %bitcast_convert_type3A_3358, %bitcast_convert_type3A_3401, %bitcast_convert_type3A_3444, %bitcast_convert_type3A_3487, %bitcast_convert_type3A_3530 in 1 : vector<64x128xf32>, vector<64x128xf32>, vector<64x128xf32>, vector<64x128xf32>, vector<64x128xf32>, vector<64x128xf32>, vector<64x128xf32>, vector<64x128xf32>, vector<64x128xf32>, vector<64x128xf32>, vector<64x128xf32>, vector<64x128xf32>, vector<64x128xf32>, vector<64x128xf32>, vector<64x128xf32>, vector<64x128xf32>, vector<64x128xf32>, vector<64x128xf32>, vector<64x128xf32>, vector<64x128xf32>, vector<64x128xf32>, vector<64x128xf32>, vector<64x128xf32>, vector<64x128xf32>, vector<64x128xf32>, vector<64x128xf32>, vector<64x128xf32>, vector<64x128xf32>, vector<64x128xf32>, vector<64x128xf32>, vector<64x128xf32>, vector<64x128xf32> -> vector<64x4096xf32>
      %iota3A_3532 = tpu.iota {dimensions = array<i32: 1>} : vector<64x4096xi32>
      %bitcast_convert_type3A_3533 = tpu.bitcast %concatenate3A_3531 : vector<64x4096xf32> -> vector<64x4096xi32>
      %and3A_3534 = arith.constant 31 : i32
      %and3A_3535 = vector.broadcast %and3A_3534 : i32 to vector<64x4096xi32>
      %and3A_3536 = arith.andi %bitcast_convert_type3A_3533, %and3A_3535 : vector<64x4096xi32>
      %mul3A_3537 = arith.constant 128 : i32
      %mul3A_3538 = vector.broadcast %mul3A_3537 : i32 to vector<64x4096xi32>
      %mul3A_3539 = arith.muli %and3A_3536, %mul3A_3538 : vector<64x4096xi32>
      %and3A_3540 = arith.constant 127 : i32
      %and3A_3541 = vector.broadcast %and3A_3540 : i32 to vector<64x4096xi32>
      %and3A_3542 = arith.andi %iota3A_3532, %and3A_3541 : vector<64x4096xi32>
      %add3A_3543 = arith.addi %mul3A_3539, %and3A_3542 : vector<64x4096xi32>
      %reduce_min3A_3544 = arith.constant dense<0x7F800000> : vector<64xf32>
      %reduce_min3A_3545 = vector.multi_reduction <minimumf>, %concatenate3A_3531, %reduce_min3A_3544 [1] : vector<64x4096xf32> to vector<64xf32>
      %broadcast_in_dim3A_3546 = vector.shape_cast %reduce_min3A_3545 : vector<64xf32> to vector<64x1xf32>
      %eq3A_3547 = vector.broadcast %broadcast_in_dim3A_3546 : vector<64x1xf32> to vector<64x4096xf32>
      %eq3A_3548 = arith.cmpf oeq, %concatenate3A_3531, %eq3A_3547 : vector<64x4096xf32>
      %broadcast_in_dim3A_3549 = vector.broadcast %cond3A : i32 to vector<64x4096xi32>
      %select_n3A_3550 = arith.select %eq3A_3548, %add3A_3543, %broadcast_in_dim3A_3549 : vector<64x4096xi1>, vector<64x4096xi32>
      %reduce_min3A_3551 = arith.constant dense<2147483647> : vector<64xi32>
      %reduce_min3A_3552 = vector.multi_reduction <minsi>, %select_n3A_3550, %reduce_min3A_3551 [1] : vector<64x4096xi32> to vector<64xi32>
      %broadcast_in_dim3A_3553 = vector.shape_cast %reduce_min3A_3552 : vector<64xi32> to vector<64x1xi32>
      %eq3A_3554 = vector.broadcast %broadcast_in_dim3A_3553 : vector<64x1xi32> to vector<64x4096xi32>
      %eq3A_3555 = arith.cmpi eq, %add3A_3543, %eq3A_3554 : vector<64x4096xi32>
      %broadcast_in_dim3A_3556 = vector.broadcast %cond3A_2146 : f32 to vector<64x4096xf32>
      %select_n3A_3557 = arith.select %eq3A_3555, %broadcast_in_dim3A_3556, %concatenate3A_3531 : vector<64x4096xi1>, vector<64x4096xf32>
      %reduce_min3A_3558 = arith.constant dense<0x7F800000> : vector<64xf32>
      %reduce_min3A_3559 = vector.multi_reduction <minimumf>, %select_n3A_3557, %reduce_min3A_3558 [1] : vector<64x4096xf32> to vector<64xf32>
      %broadcast_in_dim3A_3560 = vector.shape_cast %reduce_min3A_3559 : vector<64xf32> to vector<64x1xf32>
      %eq3A_3561 = vector.broadcast %broadcast_in_dim3A_3560 : vector<64x1xf32> to vector<64x4096xf32>
      %eq3A_3562 = arith.cmpf oeq, %select_n3A_3557, %eq3A_3561 : vector<64x4096xf32>
      %broadcast_in_dim3A_3563 = vector.broadcast %cond3A : i32 to vector<64x4096xi32>
      %select_n3A_3564 = arith.select %eq3A_3562, %add3A_3543, %broadcast_in_dim3A_3563 : vector<64x4096xi1>, vector<64x4096xi32>
      %reduce_min3A_3565 = arith.constant dense<2147483647> : vector<64xi32>
      %reduce_min3A_3566 = vector.multi_reduction <minsi>, %select_n3A_3564, %reduce_min3A_3565 [1] : vector<64x4096xi32> to vector<64xi32>
      %broadcast_in_dim3A_3567 = vector.shape_cast %reduce_min3A_3566 : vector<64xi32> to vector<64x1xi32>
      %eq3A_3568 = vector.broadcast %broadcast_in_dim3A_3567 : vector<64x1xi32> to vector<64x4096xi32>
      %eq3A_3569 = arith.cmpi eq, %add3A_3543, %eq3A_3568 : vector<64x4096xi32>
      %broadcast_in_dim3A_3570 = vector.broadcast %cond3A_2146 : f32 to vector<64x4096xf32>
      %select_n3A_3571 = arith.select %eq3A_3569, %broadcast_in_dim3A_3570, %select_n3A_3557 : vector<64x4096xi1>, vector<64x4096xf32>
      %reduce_min3A_3572 = arith.constant dense<0x7F800000> : vector<64xf32>
      %reduce_min3A_3573 = vector.multi_reduction <minimumf>, %select_n3A_3571, %reduce_min3A_3572 [1] : vector<64x4096xf32> to vector<64xf32>
      %broadcast_in_dim3A_3574 = vector.shape_cast %reduce_min3A_3573 : vector<64xf32> to vector<64x1xf32>
      %eq3A_3575 = vector.broadcast %broadcast_in_dim3A_3574 : vector<64x1xf32> to vector<64x4096xf32>
      %eq3A_3576 = arith.cmpf oeq, %select_n3A_3571, %eq3A_3575 : vector<64x4096xf32>
      %broadcast_in_dim3A_3577 = vector.broadcast %cond3A : i32 to vector<64x4096xi32>
      %select_n3A_3578 = arith.select %eq3A_3576, %add3A_3543, %broadcast_in_dim3A_3577 : vector<64x4096xi1>, vector<64x4096xi32>
      %reduce_min3A_3579 = arith.constant dense<2147483647> : vector<64xi32>
      %reduce_min3A_3580 = vector.multi_reduction <minsi>, %select_n3A_3578, %reduce_min3A_3579 [1] : vector<64x4096xi32> to vector<64xi32>
      %broadcast_in_dim3A_3581 = vector.shape_cast %reduce_min3A_3580 : vector<64xi32> to vector<64x1xi32>
      %eq3A_3582 = vector.broadcast %broadcast_in_dim3A_3581 : vector<64x1xi32> to vector<64x4096xi32>
      %eq3A_3583 = arith.cmpi eq, %add3A_3543, %eq3A_3582 : vector<64x4096xi32>
      %broadcast_in_dim3A_3584 = vector.broadcast %cond3A_2146 : f32 to vector<64x4096xf32>
      %select_n3A_3585 = arith.select %eq3A_3583, %broadcast_in_dim3A_3584, %select_n3A_3571 : vector<64x4096xi1>, vector<64x4096xf32>
      %reduce_min3A_3586 = arith.constant dense<0x7F800000> : vector<64xf32>
      %reduce_min3A_3587 = vector.multi_reduction <minimumf>, %select_n3A_3585, %reduce_min3A_3586 [1] : vector<64x4096xf32> to vector<64xf32>
      %broadcast_in_dim3A_3588 = vector.shape_cast %reduce_min3A_3587 : vector<64xf32> to vector<64x1xf32>
      %eq3A_3589 = vector.broadcast %broadcast_in_dim3A_3588 : vector<64x1xf32> to vector<64x4096xf32>
      %eq3A_3590 = arith.cmpf oeq, %select_n3A_3585, %eq3A_3589 : vector<64x4096xf32>
      %broadcast_in_dim3A_3591 = vector.broadcast %cond3A : i32 to vector<64x4096xi32>
      %select_n3A_3592 = arith.select %eq3A_3590, %add3A_3543, %broadcast_in_dim3A_3591 : vector<64x4096xi1>, vector<64x4096xi32>
      %reduce_min3A_3593 = arith.constant dense<2147483647> : vector<64xi32>
      %reduce_min3A_3594 = vector.multi_reduction <minsi>, %select_n3A_3592, %reduce_min3A_3593 [1] : vector<64x4096xi32> to vector<64xi32>
      %broadcast_in_dim3A_3595 = vector.shape_cast %reduce_min3A_3594 : vector<64xi32> to vector<64x1xi32>
      %eq3A_3596 = vector.broadcast %broadcast_in_dim3A_3595 : vector<64x1xi32> to vector<64x4096xi32>
      %eq3A_3597 = arith.cmpi eq, %add3A_3543, %eq3A_3596 : vector<64x4096xi32>
      %broadcast_in_dim3A_3598 = vector.broadcast %cond3A_2146 : f32 to vector<64x4096xf32>
      %select_n3A_3599 = arith.select %eq3A_3597, %broadcast_in_dim3A_3598, %select_n3A_3585 : vector<64x4096xi1>, vector<64x4096xf32>
      %reduce_min3A_3600 = arith.constant dense<0x7F800000> : vector<64xf32>
      %reduce_min3A_3601 = vector.multi_reduction <minimumf>, %select_n3A_3599, %reduce_min3A_3600 [1] : vector<64x4096xf32> to vector<64xf32>
      %broadcast_in_dim3A_3602 = vector.shape_cast %reduce_min3A_3601 : vector<64xf32> to vector<64x1xf32>
      %eq3A_3603 = vector.broadcast %broadcast_in_dim3A_3602 : vector<64x1xf32> to vector<64x4096xf32>
      %eq3A_3604 = arith.cmpf oeq, %select_n3A_3599, %eq3A_3603 : vector<64x4096xf32>
      %broadcast_in_dim3A_3605 = vector.broadcast %cond3A : i32 to vector<64x4096xi32>
      %select_n3A_3606 = arith.select %eq3A_3604, %add3A_3543, %broadcast_in_dim3A_3605 : vector<64x4096xi1>, vector<64x4096xi32>
      %reduce_min3A_3607 = arith.constant dense<2147483647> : vector<64xi32>
      %reduce_min3A_3608 = vector.multi_reduction <minsi>, %select_n3A_3606, %reduce_min3A_3607 [1] : vector<64x4096xi32> to vector<64xi32>
      %broadcast_in_dim3A_3609 = vector.shape_cast %reduce_min3A_3608 : vector<64xi32> to vector<64x1xi32>
      %eq3A_3610 = vector.broadcast %broadcast_in_dim3A_3609 : vector<64x1xi32> to vector<64x4096xi32>
      %eq3A_3611 = arith.cmpi eq, %add3A_3543, %eq3A_3610 : vector<64x4096xi32>
      %broadcast_in_dim3A_3612 = vector.broadcast %cond3A_2146 : f32 to vector<64x4096xf32>
      %select_n3A_3613 = arith.select %eq3A_3611, %broadcast_in_dim3A_3612, %select_n3A_3599 : vector<64x4096xi1>, vector<64x4096xf32>
      %reduce_min3A_3614 = arith.constant dense<0x7F800000> : vector<64xf32>
      %reduce_min3A_3615 = vector.multi_reduction <minimumf>, %select_n3A_3613, %reduce_min3A_3614 [1] : vector<64x4096xf32> to vector<64xf32>
      %broadcast_in_dim3A_3616 = vector.shape_cast %reduce_min3A_3615 : vector<64xf32> to vector<64x1xf32>
      %eq3A_3617 = vector.broadcast %broadcast_in_dim3A_3616 : vector<64x1xf32> to vector<64x4096xf32>
      %eq3A_3618 = arith.cmpf oeq, %select_n3A_3613, %eq3A_3617 : vector<64x4096xf32>
      %broadcast_in_dim3A_3619 = vector.broadcast %cond3A : i32 to vector<64x4096xi32>
      %select_n3A_3620 = arith.select %eq3A_3618, %add3A_3543, %broadcast_in_dim3A_3619 : vector<64x4096xi1>, vector<64x4096xi32>
      %reduce_min3A_3621 = arith.constant dense<2147483647> : vector<64xi32>
      %reduce_min3A_3622 = vector.multi_reduction <minsi>, %select_n3A_3620, %reduce_min3A_3621 [1] : vector<64x4096xi32> to vector<64xi32>
      %broadcast_in_dim3A_3623 = vector.shape_cast %reduce_min3A_3622 : vector<64xi32> to vector<64x1xi32>
      %eq3A_3624 = vector.broadcast %broadcast_in_dim3A_3623 : vector<64x1xi32> to vector<64x4096xi32>
      %eq3A_3625 = arith.cmpi eq, %add3A_3543, %eq3A_3624 : vector<64x4096xi32>
      %broadcast_in_dim3A_3626 = vector.broadcast %cond3A_2146 : f32 to vector<64x4096xf32>
      %select_n3A_3627 = arith.select %eq3A_3625, %broadcast_in_dim3A_3626, %select_n3A_3613 : vector<64x4096xi1>, vector<64x4096xf32>
      %reduce_min3A_3628 = arith.constant dense<0x7F800000> : vector<64xf32>
      %reduce_min3A_3629 = vector.multi_reduction <minimumf>, %select_n3A_3627, %reduce_min3A_3628 [1] : vector<64x4096xf32> to vector<64xf32>
      %broadcast_in_dim3A_3630 = vector.shape_cast %reduce_min3A_3629 : vector<64xf32> to vector<64x1xf32>
      %eq3A_3631 = vector.broadcast %broadcast_in_dim3A_3630 : vector<64x1xf32> to vector<64x4096xf32>
      %eq3A_3632 = arith.cmpf oeq, %select_n3A_3627, %eq3A_3631 : vector<64x4096xf32>
      %broadcast_in_dim3A_3633 = vector.broadcast %cond3A : i32 to vector<64x4096xi32>
      %select_n3A_3634 = arith.select %eq3A_3632, %add3A_3543, %broadcast_in_dim3A_3633 : vector<64x4096xi1>, vector<64x4096xi32>
      %reduce_min3A_3635 = arith.constant dense<2147483647> : vector<64xi32>
      %reduce_min3A_3636 = vector.multi_reduction <minsi>, %select_n3A_3634, %reduce_min3A_3635 [1] : vector<64x4096xi32> to vector<64xi32>
      %broadcast_in_dim3A_3637 = vector.shape_cast %reduce_min3A_3636 : vector<64xi32> to vector<64x1xi32>
      %eq3A_3638 = vector.broadcast %broadcast_in_dim3A_3637 : vector<64x1xi32> to vector<64x4096xi32>
      %eq3A_3639 = arith.cmpi eq, %add3A_3543, %eq3A_3638 : vector<64x4096xi32>
      %broadcast_in_dim3A_3640 = vector.broadcast %cond3A_2146 : f32 to vector<64x4096xf32>
      %select_n3A_3641 = arith.select %eq3A_3639, %broadcast_in_dim3A_3640, %select_n3A_3627 : vector<64x4096xi1>, vector<64x4096xf32>
      %reduce_min3A_3642 = arith.constant dense<0x7F800000> : vector<64xf32>
      %reduce_min3A_3643 = vector.multi_reduction <minimumf>, %select_n3A_3641, %reduce_min3A_3642 [1] : vector<64x4096xf32> to vector<64xf32>
      %broadcast_in_dim3A_3644 = vector.shape_cast %reduce_min3A_3643 : vector<64xf32> to vector<64x1xf32>
      %eq3A_3645 = vector.broadcast %broadcast_in_dim3A_3644 : vector<64x1xf32> to vector<64x4096xf32>
      %eq3A_3646 = arith.cmpf oeq, %select_n3A_3641, %eq3A_3645 : vector<64x4096xf32>
      %broadcast_in_dim3A_3647 = vector.broadcast %cond3A : i32 to vector<64x4096xi32>
      %select_n3A_3648 = arith.select %eq3A_3646, %add3A_3543, %broadcast_in_dim3A_3647 : vector<64x4096xi1>, vector<64x4096xi32>
      %reduce_min3A_3649 = arith.constant dense<2147483647> : vector<64xi32>
      %reduce_min3A_3650 = vector.multi_reduction <minsi>, %select_n3A_3648, %reduce_min3A_3649 [1] : vector<64x4096xi32> to vector<64xi32>
      %broadcast_in_dim3A_3651 = vector.shape_cast %reduce_min3A_3650 : vector<64xi32> to vector<64x1xi32>
      %eq3A_3652 = vector.broadcast %broadcast_in_dim3A_3651 : vector<64x1xi32> to vector<64x4096xi32>
      %eq3A_3653 = arith.cmpi eq, %add3A_3543, %eq3A_3652 : vector<64x4096xi32>
      %broadcast_in_dim3A_3654 = vector.broadcast %cond3A_2146 : f32 to vector<64x4096xf32>
      %select_n3A_3655 = arith.select %eq3A_3653, %broadcast_in_dim3A_3654, %select_n3A_3641 : vector<64x4096xi1>, vector<64x4096xf32>
      %reduce_min3A_3656 = arith.constant dense<0x7F800000> : vector<64xf32>
      %reduce_min3A_3657 = vector.multi_reduction <minimumf>, %select_n3A_3655, %reduce_min3A_3656 [1] : vector<64x4096xf32> to vector<64xf32>
      %broadcast_in_dim3A_3658 = vector.shape_cast %reduce_min3A_3657 : vector<64xf32> to vector<64x1xf32>
      %eq3A_3659 = vector.broadcast %broadcast_in_dim3A_3658 : vector<64x1xf32> to vector<64x4096xf32>
      %eq3A_3660 = arith.cmpf oeq, %select_n3A_3655, %eq3A_3659 : vector<64x4096xf32>
      %broadcast_in_dim3A_3661 = vector.broadcast %cond3A : i32 to vector<64x4096xi32>
      %select_n3A_3662 = arith.select %eq3A_3660, %add3A_3543, %broadcast_in_dim3A_3661 : vector<64x4096xi1>, vector<64x4096xi32>
      %reduce_min3A_3663 = arith.constant dense<2147483647> : vector<64xi32>
      %reduce_min3A_3664 = vector.multi_reduction <minsi>, %select_n3A_3662, %reduce_min3A_3663 [1] : vector<64x4096xi32> to vector<64xi32>
      %broadcast_in_dim3A_3665 = vector.shape_cast %reduce_min3A_3664 : vector<64xi32> to vector<64x1xi32>
      %eq3A_3666 = vector.broadcast %broadcast_in_dim3A_3665 : vector<64x1xi32> to vector<64x4096xi32>
      %eq3A_3667 = arith.cmpi eq, %add3A_3543, %eq3A_3666 : vector<64x4096xi32>
      %broadcast_in_dim3A_3668 = vector.broadcast %cond3A_2146 : f32 to vector<64x4096xf32>
      %select_n3A_3669 = arith.select %eq3A_3667, %broadcast_in_dim3A_3668, %select_n3A_3655 : vector<64x4096xi1>, vector<64x4096xf32>
      %reduce_min3A_3670 = arith.constant dense<0x7F800000> : vector<64xf32>
      %reduce_min3A_3671 = vector.multi_reduction <minimumf>, %select_n3A_3669, %reduce_min3A_3670 [1] : vector<64x4096xf32> to vector<64xf32>
      %broadcast_in_dim3A_3672 = vector.shape_cast %reduce_min3A_3671 : vector<64xf32> to vector<64x1xf32>
      %eq3A_3673 = vector.broadcast %broadcast_in_dim3A_3672 : vector<64x1xf32> to vector<64x4096xf32>
      %eq3A_3674 = arith.cmpf oeq, %select_n3A_3669, %eq3A_3673 : vector<64x4096xf32>
      %broadcast_in_dim3A_3675 = vector.broadcast %cond3A : i32 to vector<64x4096xi32>
      %select_n3A_3676 = arith.select %eq3A_3674, %add3A_3543, %broadcast_in_dim3A_3675 : vector<64x4096xi1>, vector<64x4096xi32>
      %reduce_min3A_3677 = arith.constant dense<2147483647> : vector<64xi32>
      %reduce_min3A_3678 = vector.multi_reduction <minsi>, %select_n3A_3676, %reduce_min3A_3677 [1] : vector<64x4096xi32> to vector<64xi32>
      %broadcast_in_dim3A_3679 = vector.shape_cast %reduce_min3A_3678 : vector<64xi32> to vector<64x1xi32>
      %eq3A_3680 = vector.broadcast %broadcast_in_dim3A_3679 : vector<64x1xi32> to vector<64x4096xi32>
      %eq3A_3681 = arith.cmpi eq, %add3A_3543, %eq3A_3680 : vector<64x4096xi32>
      %broadcast_in_dim3A_3682 = vector.broadcast %cond3A_2146 : f32 to vector<64x4096xf32>
      %select_n3A_3683 = arith.select %eq3A_3681, %broadcast_in_dim3A_3682, %select_n3A_3669 : vector<64x4096xi1>, vector<64x4096xf32>
      %reduce_min3A_3684 = arith.constant dense<0x7F800000> : vector<64xf32>
      %reduce_min3A_3685 = vector.multi_reduction <minimumf>, %select_n3A_3683, %reduce_min3A_3684 [1] : vector<64x4096xf32> to vector<64xf32>
      %broadcast_in_dim3A_3686 = vector.shape_cast %reduce_min3A_3685 : vector<64xf32> to vector<64x1xf32>
      %eq3A_3687 = vector.broadcast %broadcast_in_dim3A_3686 : vector<64x1xf32> to vector<64x4096xf32>
      %eq3A_3688 = arith.cmpf oeq, %select_n3A_3683, %eq3A_3687 : vector<64x4096xf32>
      %broadcast_in_dim3A_3689 = vector.broadcast %cond3A : i32 to vector<64x4096xi32>
      %select_n3A_3690 = arith.select %eq3A_3688, %add3A_3543, %broadcast_in_dim3A_3689 : vector<64x4096xi1>, vector<64x4096xi32>
      %reduce_min3A_3691 = arith.constant dense<2147483647> : vector<64xi32>
      %reduce_min3A_3692 = vector.multi_reduction <minsi>, %select_n3A_3690, %reduce_min3A_3691 [1] : vector<64x4096xi32> to vector<64xi32>
      %broadcast_in_dim3A_3693 = vector.shape_cast %reduce_min3A_3692 : vector<64xi32> to vector<64x1xi32>
      %eq3A_3694 = vector.broadcast %broadcast_in_dim3A_3693 : vector<64x1xi32> to vector<64x4096xi32>
      %eq3A_3695 = arith.cmpi eq, %add3A_3543, %eq3A_3694 : vector<64x4096xi32>
      %broadcast_in_dim3A_3696 = vector.broadcast %cond3A_2146 : f32 to vector<64x4096xf32>
      %select_n3A_3697 = arith.select %eq3A_3695, %broadcast_in_dim3A_3696, %select_n3A_3683 : vector<64x4096xi1>, vector<64x4096xf32>
      %reduce_min3A_3698 = arith.constant dense<0x7F800000> : vector<64xf32>
      %reduce_min3A_3699 = vector.multi_reduction <minimumf>, %select_n3A_3697, %reduce_min3A_3698 [1] : vector<64x4096xf32> to vector<64xf32>
      %broadcast_in_dim3A_3700 = vector.shape_cast %reduce_min3A_3699 : vector<64xf32> to vector<64x1xf32>
      %eq3A_3701 = vector.broadcast %broadcast_in_dim3A_3700 : vector<64x1xf32> to vector<64x4096xf32>
      %eq3A_3702 = arith.cmpf oeq, %select_n3A_3697, %eq3A_3701 : vector<64x4096xf32>
      %broadcast_in_dim3A_3703 = vector.broadcast %cond3A : i32 to vector<64x4096xi32>
      %select_n3A_3704 = arith.select %eq3A_3702, %add3A_3543, %broadcast_in_dim3A_3703 : vector<64x4096xi1>, vector<64x4096xi32>
      %reduce_min3A_3705 = arith.constant dense<2147483647> : vector<64xi32>
      %reduce_min3A_3706 = vector.multi_reduction <minsi>, %select_n3A_3704, %reduce_min3A_3705 [1] : vector<64x4096xi32> to vector<64xi32>
      %broadcast_in_dim3A_3707 = vector.shape_cast %reduce_min3A_3706 : vector<64xi32> to vector<64x1xi32>
      %eq3A_3708 = vector.broadcast %broadcast_in_dim3A_3707 : vector<64x1xi32> to vector<64x4096xi32>
      %eq3A_3709 = arith.cmpi eq, %add3A_3543, %eq3A_3708 : vector<64x4096xi32>
      %broadcast_in_dim3A_3710 = vector.broadcast %cond3A_2146 : f32 to vector<64x4096xf32>
      %select_n3A_3711 = arith.select %eq3A_3709, %broadcast_in_dim3A_3710, %select_n3A_3697 : vector<64x4096xi1>, vector<64x4096xf32>
      %reduce_min3A_3712 = arith.constant dense<0x7F800000> : vector<64xf32>
      %reduce_min3A_3713 = vector.multi_reduction <minimumf>, %select_n3A_3711, %reduce_min3A_3712 [1] : vector<64x4096xf32> to vector<64xf32>
      %broadcast_in_dim3A_3714 = vector.shape_cast %reduce_min3A_3713 : vector<64xf32> to vector<64x1xf32>
      %eq3A_3715 = vector.broadcast %broadcast_in_dim3A_3714 : vector<64x1xf32> to vector<64x4096xf32>
      %eq3A_3716 = arith.cmpf oeq, %select_n3A_3711, %eq3A_3715 : vector<64x4096xf32>
      %broadcast_in_dim3A_3717 = vector.broadcast %cond3A : i32 to vector<64x4096xi32>
      %select_n3A_3718 = arith.select %eq3A_3716, %add3A_3543, %broadcast_in_dim3A_3717 : vector<64x4096xi1>, vector<64x4096xi32>
      %reduce_min3A_3719 = arith.constant dense<2147483647> : vector<64xi32>
      %reduce_min3A_3720 = vector.multi_reduction <minsi>, %select_n3A_3718, %reduce_min3A_3719 [1] : vector<64x4096xi32> to vector<64xi32>
      %broadcast_in_dim3A_3721 = vector.shape_cast %reduce_min3A_3720 : vector<64xi32> to vector<64x1xi32>
      %eq3A_3722 = vector.broadcast %broadcast_in_dim3A_3721 : vector<64x1xi32> to vector<64x4096xi32>
      %eq3A_3723 = arith.cmpi eq, %add3A_3543, %eq3A_3722 : vector<64x4096xi32>
      %broadcast_in_dim3A_3724 = vector.broadcast %cond3A_2146 : f32 to vector<64x4096xf32>
      %select_n3A_3725 = arith.select %eq3A_3723, %broadcast_in_dim3A_3724, %select_n3A_3711 : vector<64x4096xi1>, vector<64x4096xf32>
      %reduce_min3A_3726 = arith.constant dense<0x7F800000> : vector<64xf32>
      %reduce_min3A_3727 = vector.multi_reduction <minimumf>, %select_n3A_3725, %reduce_min3A_3726 [1] : vector<64x4096xf32> to vector<64xf32>
      %broadcast_in_dim3A_3728 = vector.shape_cast %reduce_min3A_3727 : vector<64xf32> to vector<64x1xf32>
      %eq3A_3729 = vector.broadcast %broadcast_in_dim3A_3728 : vector<64x1xf32> to vector<64x4096xf32>
      %eq3A_3730 = arith.cmpf oeq, %select_n3A_3725, %eq3A_3729 : vector<64x4096xf32>
      %broadcast_in_dim3A_3731 = vector.broadcast %cond3A : i32 to vector<64x4096xi32>
      %select_n3A_3732 = arith.select %eq3A_3730, %add3A_3543, %broadcast_in_dim3A_3731 : vector<64x4096xi1>, vector<64x4096xi32>
      %reduce_min3A_3733 = arith.constant dense<2147483647> : vector<64xi32>
      %reduce_min3A_3734 = vector.multi_reduction <minsi>, %select_n3A_3732, %reduce_min3A_3733 [1] : vector<64x4096xi32> to vector<64xi32>
      %broadcast_in_dim3A_3735 = vector.shape_cast %reduce_min3A_3734 : vector<64xi32> to vector<64x1xi32>
      %eq3A_3736 = vector.broadcast %broadcast_in_dim3A_3735 : vector<64x1xi32> to vector<64x4096xi32>
      %eq3A_3737 = arith.cmpi eq, %add3A_3543, %eq3A_3736 : vector<64x4096xi32>
      %broadcast_in_dim3A_3738 = vector.broadcast %cond3A_2146 : f32 to vector<64x4096xf32>
      %select_n3A_3739 = arith.select %eq3A_3737, %broadcast_in_dim3A_3738, %select_n3A_3725 : vector<64x4096xi1>, vector<64x4096xf32>
      %reduce_min3A_3740 = arith.constant dense<0x7F800000> : vector<64xf32>
      %reduce_min3A_3741 = vector.multi_reduction <minimumf>, %select_n3A_3739, %reduce_min3A_3740 [1] : vector<64x4096xf32> to vector<64xf32>
      %broadcast_in_dim3A_3742 = vector.shape_cast %reduce_min3A_3741 : vector<64xf32> to vector<64x1xf32>
      %eq3A_3743 = vector.broadcast %broadcast_in_dim3A_3742 : vector<64x1xf32> to vector<64x4096xf32>
      %eq3A_3744 = arith.cmpf oeq, %select_n3A_3739, %eq3A_3743 : vector<64x4096xf32>
      %broadcast_in_dim3A_3745 = vector.broadcast %cond3A : i32 to vector<64x4096xi32>
      %select_n3A_3746 = arith.select %eq3A_3744, %add3A_3543, %broadcast_in_dim3A_3745 : vector<64x4096xi1>, vector<64x4096xi32>
      %reduce_min3A_3747 = arith.constant dense<2147483647> : vector<64xi32>
      %reduce_min3A_3748 = vector.multi_reduction <minsi>, %select_n3A_3746, %reduce_min3A_3747 [1] : vector<64x4096xi32> to vector<64xi32>
      %broadcast_in_dim3A_3749 = vector.shape_cast %reduce_min3A_3748 : vector<64xi32> to vector<64x1xi32>
      %eq3A_3750 = vector.broadcast %broadcast_in_dim3A_3749 : vector<64x1xi32> to vector<64x4096xi32>
      %eq3A_3751 = arith.cmpi eq, %add3A_3543, %eq3A_3750 : vector<64x4096xi32>
      %broadcast_in_dim3A_3752 = vector.broadcast %cond3A_2146 : f32 to vector<64x4096xf32>
      %select_n3A_3753 = arith.select %eq3A_3751, %broadcast_in_dim3A_3752, %select_n3A_3739 : vector<64x4096xi1>, vector<64x4096xf32>
      %reduce_min3A_3754 = arith.constant dense<0x7F800000> : vector<64xf32>
      %reduce_min3A_3755 = vector.multi_reduction <minimumf>, %select_n3A_3753, %reduce_min3A_3754 [1] : vector<64x4096xf32> to vector<64xf32>
      %broadcast_in_dim3A_3756 = vector.shape_cast %reduce_min3A_3755 : vector<64xf32> to vector<64x1xf32>
      %eq3A_3757 = vector.broadcast %broadcast_in_dim3A_3756 : vector<64x1xf32> to vector<64x4096xf32>
      %eq3A_3758 = arith.cmpf oeq, %select_n3A_3753, %eq3A_3757 : vector<64x4096xf32>
      %broadcast_in_dim3A_3759 = vector.broadcast %cond3A : i32 to vector<64x4096xi32>
      %select_n3A_3760 = arith.select %eq3A_3758, %add3A_3543, %broadcast_in_dim3A_3759 : vector<64x4096xi1>, vector<64x4096xi32>
      %reduce_min3A_3761 = arith.constant dense<2147483647> : vector<64xi32>
      %reduce_min3A_3762 = vector.multi_reduction <minsi>, %select_n3A_3760, %reduce_min3A_3761 [1] : vector<64x4096xi32> to vector<64xi32>
      %broadcast_in_dim3A_3763 = vector.shape_cast %reduce_min3A_3762 : vector<64xi32> to vector<64x1xi32>
      %concatenate3A_3764 = tpu.concatenate %broadcast_in_dim3A_3553, %broadcast_in_dim3A_3567, %broadcast_in_dim3A_3581, %broadcast_in_dim3A_3595, %broadcast_in_dim3A_3609, %broadcast_in_dim3A_3623, %broadcast_in_dim3A_3637, %broadcast_in_dim3A_3651, %broadcast_in_dim3A_3665, %broadcast_in_dim3A_3679, %broadcast_in_dim3A_3693, %broadcast_in_dim3A_3707, %broadcast_in_dim3A_3721, %broadcast_in_dim3A_3735, %broadcast_in_dim3A_3749, %broadcast_in_dim3A_3763 in 1 : vector<64x1xi32>, vector<64x1xi32>, vector<64x1xi32>, vector<64x1xi32>, vector<64x1xi32>, vector<64x1xi32>, vector<64x1xi32>, vector<64x1xi32>, vector<64x1xi32>, vector<64x1xi32>, vector<64x1xi32>, vector<64x1xi32>, vector<64x1xi32>, vector<64x1xi32>, vector<64x1xi32>, vector<64x1xi32> -> vector<64x16xi32>
      scf.yield %concatenate3A_3764 : vector<64x16xi32>
    } else {
      scf.yield %concatenate3A : vector<64x16xi32>
    }
    %swap3A = arith.constant 0 : index
    %swap3A_2150 = arith.constant 0 : index
    %swap3A_2151 = arith.constant 0 : index
    %swap3A_2152 = vector.load %arg4[%swap3A, %swap3A_2150, %swap3A_2151] : memref<1x64x16xi32, #tpu.memory_space<vmem>>, vector<1x64x16xi32>
    %swap3A_2153 = vector.shape_cast %swap3A_2152 : vector<1x64x16xi32> to vector<64x16xi32>
    %swap3A_2154 = vector.shape_cast %cond3A_2149 : vector<64x16xi32> to vector<1x64x16xi32>
    tpu.vector_store %arg4[%swap3A, %swap3A_2150, %swap3A_2151], %swap3A_2154 {strides = array<i32>} : memref<1x64x16xi32, #tpu.memory_space<vmem>>, vector<1x64x16xi32>,
    return
  }
  func.func @transform_0(%arg0: i32, %arg1: i32) -> (i32, i32, i32) {
    %c0_i32 = arith.constant 0 : i32
    %c0_i32_0 = arith.constant 0 : i32
    %c0_i32_1 = arith.constant 0 : i32
    return %arg0, %c0_i32, %c0_i32_0 : i32, i32, i32
  }
  func.func @transform_1(%arg0: i32, %arg1: i32) -> (i32, i32, i32) {
    %c0_i32 = arith.constant 0 : i32
    %c0_i32_0 = arith.constant 0 : i32
    return %arg0, %arg1, %c0_i32 : i32, i32, i32
  }
  func.func @transform_2(%arg0: i32, %arg1: i32) -> (i32, i32, i32) {
    %c0_i32 = arith.constant 0 : i32
    %c0_i32_0 = arith.constant 0 : i32
    return %arg0, %arg1, %c0_i32 : i32, i32, i32
  }
}

module attributes {stable_mosaic.version = 14 : i64} {
  func.func @_pointwise_body(%arg0: i32, %arg1: memref<512x256xf32, #tpu.memory_space<vmem>>, %arg2: memref<256x256xf32, #tpu.memory_space<vmem>>, %arg3: memref<256x256xf32, #tpu.memory_space<vmem>>, %arg4: memref<512x256xi32, #tpu.memory_space<vmem>>) attributes {dimension_semantics = [#tpu.dimension_semantics<arbitrary>], iteration_bounds = array<i64: 16>, scalar_prefetch = 0 : i64, scratch_operands = 0 : i64, tpu.core_type = #tpu.core_type<tc>, window_params = [{transform_indices = @transform_0, window_bounds = array<i64: 512, 256>}, {pipeline_mode = #tpu.pipeline_mode<synchronous>, transform_indices = @transform_1, window_bounds = array<i64: 256, 256>}, {pipeline_mode = #tpu.pipeline_mode<synchronous>, transform_indices = @transform_2, window_bounds = array<i64: 256, 256>}, {transform_indices = @transform_3, window_bounds = array<i64: 512, 256>}]} {
    %get3A = arith.constant 0 : index
    %get3A_0 = arith.constant 0 : index
    %get3A_1 = vector.load %arg1[%get3A, %get3A_0] : memref<512x256xf32, #tpu.memory_space<vmem>>, vector<512x256xf32>
    %get3A_2 = arith.constant 0 : index
    %get3A_3 = arith.constant 0 : index
    %get3A_4 = vector.load %arg2[%get3A_2, %get3A_3] : memref<256x256xf32, #tpu.memory_space<vmem>>, vector<256x256xf32>
    %dot_general3A = arith.constant dense<0.000000e+00> : vector<512x256xf32>
    %dot_general3A_5 = tpu.matmul %get3A_1, %get3A_4, %dot_general3A {dimension_numbers = #tpu.dot_dimension_numbers<[1], [0], [0], [1], [0, 0, 1, 1], [], []>, transpose_lhs_hint = false} : vector<512x256xf32>, vector<256x256xf32>, vector<512x256xf32> -> vector<512x256xf32>
    %get3A_6 = arith.constant 0 : index
    %get3A_7 = arith.constant 0 : index
    %get3A_8 = vector.load %arg3[%get3A_6, %get3A_7] : memref<256x256xf32, #tpu.memory_space<vmem>>, vector<256x256xf32>
    %dot_general3A_9 = arith.constant dense<0.000000e+00> : vector<512x256xf32>
    %dot_general3A_10 = tpu.matmul %get3A_1, %get3A_8, %dot_general3A_9 {dimension_numbers = #tpu.dot_dimension_numbers<[1], [0], [0], [1], [0, 0, 1, 1], [], []>, transpose_lhs_hint = false} : vector<512x256xf32>, vector<256x256xf32>, vector<512x256xf32> -> vector<512x256xf32>
    %bitcast_convert_type3A = tpu.bitcast %dot_general3A_5 : vector<512x256xf32> -> vector<512x256xi32>
    %add3A = arith.constant 32768 : i32
    %add3A_11 = vector.broadcast %add3A : i32 to vector<512x256xi32>
    %add3A_12 = arith.addi %bitcast_convert_type3A, %add3A_11 : vector<512x256xi32>
    %bitcast_convert_type3A_13 = tpu.bitcast %dot_general3A_10 : vector<512x256xf32> -> vector<512x256xi32>
    %add3A_14 = arith.constant 32768 : i32
    %add3A_15 = vector.broadcast %add3A_14 : i32 to vector<512x256xi32>
    %add3A_16 = arith.addi %bitcast_convert_type3A_13, %add3A_15 : vector<512x256xi32>
    %and3A = arith.constant -65536 : i32
    %and3A_17 = vector.broadcast %and3A : i32 to vector<512x256xi32>
    %and3A_18 = arith.andi %add3A_12, %and3A_17 : vector<512x256xi32>
    %shift_right_logical3A = arith.constant 16 : i32
    %shift_right_logical3A_19 = vector.broadcast %shift_right_logical3A : i32 to vector<512x256xi32>
    %shift_right_logical3A_20 = arith.shrui %add3A_16, %shift_right_logical3A_19 : vector<512x256xi32>
    %or3A = arith.ori %and3A_18, %shift_right_logical3A_20 : vector<512x256xi32>
    %swap3A = arith.constant 0 : index
    %swap3A_21 = arith.constant 0 : index
    %swap3A_22 = vector.load %arg4[%swap3A, %swap3A_21] : memref<512x256xi32, #tpu.memory_space<vmem>>, vector<512x256xi32>
    tpu.vector_store %arg4[%swap3A, %swap3A_21], %or3A {strides = array<i32>} : memref<512x256xi32, #tpu.memory_space<vmem>>, vector<512x256xi32>,
    return
  }
  func.func @transform_0(%arg0: i32) -> (i32, i32) {
    %c0_i32 = arith.constant 0 : i32
    %c0_i32_0 = arith.constant 0 : i32
    return %arg0, %c0_i32 : i32, i32
  }
  func.func @transform_1(%arg0: i32) -> (i32, i32) {
    %c0_i32 = arith.constant 0 : i32
    %c0_i32_0 = arith.constant 0 : i32
    %c0_i32_1 = arith.constant 0 : i32
    return %c0_i32, %c0_i32_0 : i32, i32
  }
  func.func @transform_2(%arg0: i32) -> (i32, i32) {
    %c0_i32 = arith.constant 0 : i32
    %c0_i32_0 = arith.constant 0 : i32
    %c0_i32_1 = arith.constant 0 : i32
    return %c0_i32, %c0_i32_0 : i32, i32
  }
  func.func @transform_3(%arg0: i32) -> (i32, i32) {
    %c0_i32 = arith.constant 0 : i32
    %c0_i32_0 = arith.constant 0 : i32
    return %arg0, %c0_i32 : i32, i32
  }
}

module attributes {stable_mosaic.version = 14 : i64} {
  func.func @_attn_body(%arg0: i32, %arg1: memref<64x256xf32, #tpu.memory_space<vmem>>, %arg2: memref<1024x256xi32, #tpu.memory_space<vmem>>, %arg3: memref<1024x128xf32, #tpu.memory_space<vmem>>, %arg4: memref<64x128xf32, #tpu.memory_space<vmem>>, %arg5: memref<256x256xf32, #tpu.memory_space<vmem>>, %arg6: memref<128x256xf32, #tpu.memory_space<vmem>>, %arg7: memref<256x256xf32, #tpu.memory_space<vmem>>, %arg8: memref<256x256xf32, #tpu.memory_space<vmem>>, %arg9: memref<256x256xf32, #tpu.memory_space<vmem>>, %arg10: memref<8x256xf32, #tpu.memory_space<vmem>>, %arg11: memref<64x256xf32, #tpu.memory_space<vmem>>) attributes {dimension_semantics = [#tpu.dimension_semantics<arbitrary>], iteration_bounds = array<i64: 128>, scalar_prefetch = 0 : i64, scratch_operands = 0 : i64, tpu.core_type = #tpu.core_type<tc>, window_params = [{transform_indices = @transform_0, window_bounds = array<i64: 64, 256>}, {transform_indices = @transform_1, window_bounds = array<i64: 1024, 256>}, {transform_indices = @transform_2, window_bounds = array<i64: 1024, 128>}, {transform_indices = @transform_3, window_bounds = array<i64: 64, 128>}, {pipeline_mode = #tpu.pipeline_mode<synchronous>, transform_indices = @transform_4, window_bounds = array<i64: 256, 256>}, {pipeline_mode = #tpu.pipeline_mode<synchronous>, transform_indices = @transform_5, window_bounds = array<i64: 128, 256>}, {pipeline_mode = #tpu.pipeline_mode<synchronous>, transform_indices = @transform_6, window_bounds = array<i64: 256, 256>}, {pipeline_mode = #tpu.pipeline_mode<synchronous>, transform_indices = @transform_7, window_bounds = array<i64: 256, 256>}, {pipeline_mode = #tpu.pipeline_mode<synchronous>, transform_indices = @transform_8, window_bounds = array<i64: 256, 256>}, {pipeline_mode = #tpu.pipeline_mode<synchronous>, transform_indices = @transform_9, window_bounds = array<i64: 8, 256>}, {transform_indices = @transform_10, window_bounds = array<i64: 64, 256>}]} {
    %get3A = arith.constant 0 : index
    %get3A_0 = arith.constant 0 : index
    %get3A_1 = vector.load %arg10[%get3A, %get3A_0] : memref<8x256xf32, #tpu.memory_space<vmem>>, vector<1x256xf32>
    %get3A_2 = arith.constant 1 : index
    %get3A_3 = arith.constant 0 : index
    %get3A_4 = vector.load %arg10[%get3A_2, %get3A_3] : memref<8x256xf32, #tpu.memory_space<vmem>>, vector<1x256xf32>
    %get3A_5 = arith.constant 2 : index
    %get3A_6 = arith.constant 0 : index
    %get3A_7 = vector.load %arg10[%get3A_5, %get3A_6] : memref<8x256xf32, #tpu.memory_space<vmem>>, vector<1x256xf32>
    %get3A_8 = arith.constant 3 : index
    %get3A_9 = arith.constant 0 : index
    %get3A_10 = vector.load %arg10[%get3A_8, %get3A_9] : memref<8x256xf32, #tpu.memory_space<vmem>>, vector<1x256xf32>
    %get3A_11 = arith.constant 4 : index
    %get3A_12 = arith.constant 0 : index
    %get3A_13 = vector.load %arg10[%get3A_11, %get3A_12] : memref<8x256xf32, #tpu.memory_space<vmem>>, vector<1x256xf32>
    %get3A_14 = arith.constant 0 : index
    %get3A_15 = arith.constant 0 : index
    %get3A_16 = vector.load %arg2[%get3A_14, %get3A_15] : memref<1024x256xi32, #tpu.memory_space<vmem>>, vector<1024x256xi32>
    %and3A = arith.constant -65536 : i32
    %and3A_17 = vector.broadcast %and3A : i32 to vector<1024x256xi32>
    %and3A_18 = arith.andi %get3A_16, %and3A_17 : vector<1024x256xi32>
    %bitcast_convert_type3A = tpu.bitcast %and3A_18 : vector<1024x256xi32> -> vector<1024x256xf32>
    %shift_left3A = arith.constant 16 : i32
    %shift_left3A_19 = vector.broadcast %shift_left3A : i32 to vector<1024x256xi32>
    %shift_left3A_20 = arith.shli %get3A_16, %shift_left3A_19 : vector<1024x256xi32>
    %bitcast_convert_type3A_21 = tpu.bitcast %shift_left3A_20 : vector<1024x256xi32> -> vector<1024x256xf32>
    %get3A_22 = arith.constant 0 : index
    %get3A_23 = arith.constant 0 : index
    %get3A_24 = vector.load %arg4[%get3A_22, %get3A_23] : memref<64x128xf32, #tpu.memory_space<vmem>>, vector<64x128xf32>
    %broadcast_in_dim3A = vector.shape_cast %get3A_24 : vector<64x128xf32> to vector<64x1x128xf32>
    %get3A_25 = arith.constant 0 : index
    %get3A_26 = arith.constant 0 : index
    %get3A_27 = vector.load %arg3[%get3A_25, %get3A_26] : memref<1024x128xf32, #tpu.memory_space<vmem>>, vector<1024x128xf32>
    %reshape3A = vector.shape_cast %get3A_27 : vector<1024x128xf32> to vector<64x16x128xf32>
    %sub3A = vector.broadcast %broadcast_in_dim3A : vector<64x1x128xf32> to vector<64x16x128xf32>
    %sub3A_28 = arith.subf %sub3A, %reshape3A : vector<64x16x128xf32>
    %reshape3A_29 = vector.shape_cast %sub3A_28 : vector<64x16x128xf32> to vector<1024x128xf32>
    %get3A_30 = arith.constant 0 : index
    %get3A_31 = arith.constant 0 : index
    %get3A_32 = vector.load %arg6[%get3A_30, %get3A_31] : memref<128x256xf32, #tpu.memory_space<vmem>>, vector<128x256xf32>
    %dot_general3A = arith.constant dense<0.000000e+00> : vector<1024x256xf32>
    %dot_general3A_33 = tpu.matmul %reshape3A_29, %get3A_32, %dot_general3A {dimension_numbers = #tpu.dot_dimension_numbers<[1], [0], [0], [1], [0, 0, 1, 1], [], []>, transpose_lhs_hint = false} : vector<1024x128xf32>, vector<128x256xf32>, vector<1024x256xf32> -> vector<1024x256xf32>
    %add3A = vector.broadcast %get3A_1 : vector<1x256xf32> to vector<1024x256xf32>
    %add3A_34 = arith.addf %dot_general3A_33, %add3A : vector<1024x256xf32>
    %max3A = arith.constant 0.000000e+00 : f32
    %max3A_35 = vector.broadcast %max3A : f32 to vector<1024x256xf32>
    %max3A_36 = arith.maximumf %add3A_34, %max3A_35 : vector<1024x256xf32>
    %get3A_37 = arith.constant 0 : index
    %get3A_38 = arith.constant 0 : index
    %get3A_39 = vector.load %arg7[%get3A_37, %get3A_38] : memref<256x256xf32, #tpu.memory_space<vmem>>, vector<256x256xf32>
    %dot_general3A_40 = arith.constant dense<0.000000e+00> : vector<1024x256xf32>
    %dot_general3A_41 = tpu.matmul %max3A_36, %get3A_39, %dot_general3A_40 {dimension_numbers = #tpu.dot_dimension_numbers<[1], [0], [0], [1], [0, 0, 1, 1], [], []>, transpose_lhs_hint = false} : vector<1024x256xf32>, vector<256x256xf32>, vector<1024x256xf32> -> vector<1024x256xf32>
    %get3A_42 = arith.constant 0 : index
    %get3A_43 = arith.constant 0 : index
    %get3A_44 = vector.load %arg1[%get3A_42, %get3A_43] : memref<64x256xf32, #tpu.memory_space<vmem>>, vector<64x256xf32>
    %get3A_45 = arith.constant 0 : index
    %get3A_46 = arith.constant 0 : index
    %get3A_47 = vector.load %arg5[%get3A_45, %get3A_46] : memref<256x256xf32, #tpu.memory_space<vmem>>, vector<256x256xf32>
    %dot_general3A_48 = arith.constant dense<0.000000e+00> : vector<64x256xf32>
    %dot_general3A_49 = tpu.matmul %get3A_44, %get3A_47, %dot_general3A_48 {dimension_numbers = #tpu.dot_dimension_numbers<[1], [0], [0], [1], [0, 0, 1, 1], [], []>, transpose_lhs_hint = false} : vector<64x256xf32>, vector<256x256xf32>, vector<64x256xf32> -> vector<64x256xf32>
    %add3A_50 = vector.broadcast %get3A_4 : vector<1x256xf32> to vector<64x256xf32>
    %add3A_51 = arith.addf %dot_general3A_49, %add3A_50 : vector<64x256xf32>
    %reshape3A_52 = vector.shape_cast %dot_general3A_41 : vector<1024x256xf32> to vector<64x16x256xf32>
    %reshape3A_53 = vector.shape_cast %bitcast_convert_type3A : vector<1024x256xf32> to vector<64x16x256xf32>
    %sub3A_54 = arith.subf %reshape3A_52, %reshape3A_53 : vector<64x16x256xf32>
    %broadcast_in_dim3A_55 = vector.shape_cast %add3A_51 : vector<64x256xf32> to vector<64x1x256xf32>
    %add3A_56 = vector.broadcast %broadcast_in_dim3A_55 : vector<64x1x256xf32> to vector<64x16x256xf32>
    %add3A_57 = arith.addf %sub3A_54, %add3A_56 : vector<64x16x256xf32>
    %max3A_58 = arith.constant 0.000000e+00 : f32
    %max3A_59 = vector.broadcast %max3A_58 : f32 to vector<64x16x256xf32>
    %max3A_60 = arith.maximumf %add3A_57, %max3A_59 : vector<64x16x256xf32>
    %reshape3A_61 = vector.shape_cast %max3A_60 : vector<64x16x256xf32> to vector<1024x256xf32>
    %get3A_62 = arith.constant 0 : index
    %get3A_63 = arith.constant 0 : index
    %get3A_64 = vector.load %arg8[%get3A_62, %get3A_63] : memref<256x256xf32, #tpu.memory_space<vmem>>, vector<256x256xf32>
    %dot_general3A_65 = arith.constant dense<0.000000e+00> : vector<1024x256xf32>
    %dot_general3A_66 = tpu.matmul %reshape3A_61, %get3A_64, %dot_general3A_65 {dimension_numbers = #tpu.dot_dimension_numbers<[1], [0], [0], [1], [0, 0, 1, 1], [], []>, transpose_lhs_hint = false} : vector<1024x256xf32>, vector<256x256xf32>, vector<1024x256xf32> -> vector<1024x256xf32>
    %reshape3A_67 = vector.shape_cast %dot_general3A_66 : vector<1024x256xf32> to vector<64x16x256xf32>
    %reduce_max3A = arith.constant dense<0xFF800000> : vector<64x256xf32>
    %reduce_max3A_68 = vector.multi_reduction <maximumf>, %reshape3A_67, %reduce_max3A [1] : vector<64x16x256xf32> to vector<64x256xf32>
    %broadcast_in_dim3A_69 = vector.shape_cast %reduce_max3A_68 : vector<64x256xf32> to vector<64x1x256xf32>
    %sub3A_70 = vector.broadcast %broadcast_in_dim3A_69 : vector<64x1x256xf32> to vector<64x16x256xf32>
    %sub3A_71 = arith.subf %reshape3A_67, %sub3A_70 : vector<64x16x256xf32>
    %exp3A = math.exp %sub3A_71 : vector<64x16x256xf32>
    %reduce_sum3A = arith.constant dense<0.000000e+00> : vector<64x256xf32>
    %reduce_sum3A_72 = vector.multi_reduction <add>, %exp3A, %reduce_sum3A [1] : vector<64x16x256xf32> to vector<64x256xf32>
    %broadcast_in_dim3A_73 = vector.shape_cast %reduce_sum3A_72 : vector<64x256xf32> to vector<64x1x256xf32>
    %div3A = vector.broadcast %broadcast_in_dim3A_73 : vector<64x1x256xf32> to vector<64x16x256xf32>
    %div3A_74 = arith.divf %exp3A, %div3A : vector<64x16x256xf32>
    %reshape3A_75 = vector.shape_cast %bitcast_convert_type3A_21 : vector<1024x256xf32> to vector<64x16x256xf32>
    %mul3A = arith.mulf %reshape3A_75, %div3A_74 : vector<64x16x256xf32>
    %reduce_sum3A_76 = arith.constant dense<0.000000e+00> : vector<64x256xf32>
    %reduce_sum3A_77 = vector.multi_reduction <add>, %mul3A, %reduce_sum3A_76 [1] : vector<64x16x256xf32> to vector<64x256xf32>
    %reshape3A_78 = vector.shape_cast %max3A_36 : vector<1024x256xf32> to vector<64x16x256xf32>
    %mul3A_79 = arith.mulf %reshape3A_78, %div3A_74 : vector<64x16x256xf32>
    %reduce_sum3A_80 = arith.constant dense<0.000000e+00> : vector<64x256xf32>
    %reduce_sum3A_81 = vector.multi_reduction <add>, %mul3A_79, %reduce_sum3A_80 [1] : vector<64x16x256xf32> to vector<64x256xf32>
    %get3A_82 = arith.constant 0 : index
    %get3A_83 = arith.constant 0 : index
    %get3A_84 = vector.load %arg9[%get3A_82, %get3A_83] : memref<256x256xf32, #tpu.memory_space<vmem>>, vector<256x256xf32>
    %dot_general3A_85 = arith.constant dense<0.000000e+00> : vector<64x256xf32>
    %dot_general3A_86 = tpu.matmul %reduce_sum3A_81, %get3A_84, %dot_general3A_85 {dimension_numbers = #tpu.dot_dimension_numbers<[1], [0], [0], [1], [0, 0, 1, 1], [], []>, transpose_lhs_hint = false} : vector<64x256xf32>, vector<256x256xf32>, vector<64x256xf32> -> vector<64x256xf32>
    %add3A_87 = arith.addf %reduce_sum3A_77, %dot_general3A_86 : vector<64x256xf32>
    %add3A_88 = vector.broadcast %get3A_7 : vector<1x256xf32> to vector<64x256xf32>
    %add3A_89 = arith.addf %add3A_87, %add3A_88 : vector<64x256xf32>
    %add3A_90 = arith.addf %add3A_89, %get3A_44 : vector<64x256xf32>
    %reduce_sum3A_91 = arith.constant dense<0.000000e+00> : vector<64xf32>
    %reduce_sum3A_92 = vector.multi_reduction <add>, %add3A_90, %reduce_sum3A_91 [1] : vector<64x256xf32> to vector<64xf32>
    %broadcast_in_dim3A_93 = vector.shape_cast %reduce_sum3A_92 : vector<64xf32> to vector<64x1xf32>
    %div3A_94 = arith.constant 2.560000e+02 : f32
    %div3A_95 = vector.broadcast %div3A_94 : f32 to vector<64x1xf32>
    %div3A_96 = arith.divf %broadcast_in_dim3A_93, %div3A_95 : vector<64x1xf32>
    %sub3A_97 = vector.broadcast %div3A_96 : vector<64x1xf32> to vector<64x256xf32>
    %sub3A_98 = arith.subf %add3A_90, %sub3A_97 : vector<64x256xf32>
    %mul3A_99 = arith.mulf %sub3A_98, %sub3A_98 : vector<64x256xf32>
    %reduce_sum3A_100 = arith.constant dense<0.000000e+00> : vector<64xf32>
    %reduce_sum3A_101 = vector.multi_reduction <add>, %mul3A_99, %reduce_sum3A_100 [1] : vector<64x256xf32> to vector<64xf32>
    %broadcast_in_dim3A_102 = vector.shape_cast %reduce_sum3A_101 : vector<64xf32> to vector<64x1xf32>
    %div3A_103 = arith.constant 2.560000e+02 : f32
    %div3A_104 = vector.broadcast %div3A_103 : f32 to vector<64x1xf32>
    %div3A_105 = arith.divf %broadcast_in_dim3A_102, %div3A_104 : vector<64x1xf32>
    %add3A_106 = arith.constant 9.99999974E-6 : f32
    %add3A_107 = vector.broadcast %add3A_106 : f32 to vector<64x1xf32>
    %add3A_108 = arith.addf %div3A_105, %add3A_107 : vector<64x1xf32>
    %rsqrt3A = math.rsqrt %add3A_108 : vector<64x1xf32>
    %mul3A_109 = vector.broadcast %rsqrt3A : vector<64x1xf32> to vector<64x256xf32>
    %mul3A_110 = arith.mulf %sub3A_98, %mul3A_109 : vector<64x256xf32>
    %mul3A_111 = vector.broadcast %get3A_10 : vector<1x256xf32> to vector<64x256xf32>
    %mul3A_112 = arith.mulf %mul3A_110, %mul3A_111 : vector<64x256xf32>
    %add3A_113 = vector.broadcast %get3A_13 : vector<1x256xf32> to vector<64x256xf32>
    %add3A_114 = arith.addf %mul3A_112, %add3A_113 : vector<64x256xf32>
    %swap3A = arith.constant 0 : index
    %swap3A_115 = arith.constant 0 : index
    %swap3A_116 = vector.load %arg11[%swap3A, %swap3A_115] : memref<64x256xf32, #tpu.memory_space<vmem>>, vector<64x256xf32>
    tpu.vector_store %arg11[%swap3A, %swap3A_115], %add3A_114 {strides = array<i32>} : memref<64x256xf32, #tpu.memory_space<vmem>>, vector<64x256xf32>,
    return
  }
  func.func @transform_0(%arg0: i32) -> (i32, i32) {
    %c0_i32 = arith.constant 0 : i32
    %c0_i32_0 = arith.constant 0 : i32
    return %arg0, %c0_i32 : i32, i32
  }
  func.func @transform_1(%arg0: i32) -> (i32, i32) {
    %c0_i32 = arith.constant 0 : i32
    %c0_i32_0 = arith.constant 0 : i32
    return %arg0, %c0_i32 : i32, i32
  }
  func.func @transform_2(%arg0: i32) -> (i32, i32) {
    %c0_i32 = arith.constant 0 : i32
    %c0_i32_0 = arith.constant 0 : i32
    return %arg0, %c0_i32 : i32, i32
  }
  func.func @transform_3(%arg0: i32) -> (i32, i32) {
    %c0_i32 = arith.constant 0 : i32
    %c0_i32_0 = arith.constant 0 : i32
    return %arg0, %c0_i32 : i32, i32
  }
  func.func @transform_4(%arg0: i32) -> (i32, i32) {
    %c0_i32 = arith.constant 0 : i32
    %c0_i32_0 = arith.constant 0 : i32
    %c0_i32_1 = arith.constant 0 : i32
    return %c0_i32, %c0_i32_0 : i32, i32
  }
  func.func @transform_5(%arg0: i32) -> (i32, i32) {
    %c0_i32 = arith.constant 0 : i32
    %c0_i32_0 = arith.constant 0 : i32
    %c0_i32_1 = arith.constant 0 : i32
    return %c0_i32, %c0_i32_0 : i32, i32
  }
  func.func @transform_6(%arg0: i32) -> (i32, i32) {
    %c0_i32 = arith.constant 0 : i32
    %c0_i32_0 = arith.constant 0 : i32
    %c0_i32_1 = arith.constant 0 : i32
    return %c0_i32, %c0_i32_0 : i32, i32
  }
  func.func @transform_7(%arg0: i32) -> (i32, i32) {
    %c0_i32 = arith.constant 0 : i32
    %c0_i32_0 = arith.constant 0 : i32
    %c0_i32_1 = arith.constant 0 : i32
    return %c0_i32, %c0_i32_0 : i32, i32
  }
  func.func @transform_8(%arg0: i32) -> (i32, i32) {
    %c0_i32 = arith.constant 0 : i32
    %c0_i32_0 = arith.constant 0 : i32
    %c0_i32_1 = arith.constant 0 : i32
    return %c0_i32, %c0_i32_0 : i32, i32
  }
  func.func @transform_9(%arg0: i32) -> (i32, i32) {
    %c0_i32 = arith.constant 0 : i32
    %c0_i32_0 = arith.constant 0 : i32
    %c0_i32_1 = arith.constant 0 : i32
    return %c0_i32, %c0_i32_0 : i32, i32
  }
  func.func @transform_10(%arg0: i32) -> (i32, i32) {
    %c0_i32 = arith.constant 0 : i32
    %c0_i32_0 = arith.constant 0 : i32
    return %arg0, %c0_i32 : i32, i32
  }
}

</mosaic_0001>

<sc_bundles>
// kernel: kernel.6.cloned.1.call-start
scs
__scs_entry_jumppad:
0x0: {  	(pc) =	sbr.rel $0x88, $3  }
0x1: {  	(tag) =	ssettag $0x0;
	lr =	simm.s32 $0x1  }
0x2: {  	[smem:$0x3F93] =	sst lr;
	_ =	strace $0xD0000000  }
0x3: {  	_ = 	snop  }
0x4: {  	_ = 	snop  }
0x5: {  	_ = 	snop  }
0x6: {  	_ = 	snop  }
0x7: {  	_ = 	snop  }
__scs_overlays_trampoline_lowered:
0x8: {  	[smem:$0x3FA2] =	sst s0  }
0x9: {  	[smem:$0x3FA3] =	sst s1  }
0xa: {  	[smem:$0x3FA4] =	sst s2  }
0xb: {  	[smem:$0x3FA5] =	sst s3  }
0xc: {  	[smem:$0x3FA6] =	sst s4  }
0xd: {  	[smem:$0x3FA7] =	sst s5  }
0xe: {  	[smem:$0x3FA8] =	sst s6  }
0xf: {  	[smem:$0x3FA9] =	sst s7  }
0x10: {  	[smem:$0x3FAA] =	sst s8  }
0x11: {  	[smem:$0x3FAB] =	sst s9;
	s0 =	simm.s32 @!p0 $0x0  }
0x12: {  	s1 =	sld [smem:$0x3F91];
	s0 =	simm.s32 @p0 $0x1  }
0x13: {  	[smem:$0x3FAC] =	sst s0;
	s0 =	simm.s32 @!p1 $0x0  }
0x14: {  	s2 =	sld [smem:$0x3F90];
	s0 =	simm.s32 @p1 $0x1  }
0x15: {  	[smem:$0x3FAD] =	sst s0;
	s0 =	simm.s32 @!p2 $0x0  }
0x16: {  	s3 =	sld [smem:$0x3FDB];
	s0 =	simm.s32 @p2 $0x1  }
0x17: {  	s4 =	simm.s32 $0x1BF5;
	[smem:$0x3FAF] =	sst s0  }
0x18: {  	s0 =	sld [smem:$0x3F92];
	_ =	swait.ge [sflag:s4], $0x0  }
0x19: {  	s7 =	sld [smem:$0x3F93]  }
0x1a: {  	s8 =	sadd.s32 $0xFFFFE003, lr  }
0x1b: {  	s9 =	sadd.s32 $0xFFFFFEF7, lr;
	s5 =	simm.s32 $0xFFFFFFFF;
	p2 =	slt.u32 s8, $0xFFFFF086  }
0x1c: {  	p1 =	slt.u32 s9, $0xF7A;
	s5 =	simm.s32 @!p2 $0x0  }
0x1d: {  	s5 =	simm.s32 @p1 $0x1;
	p0 =	seq.s32 s7, s2  }
0x1e: {  	s7 =	smul.u32 @!p0 $0xF7A, s2;
	p2 =	seq.s32 @!p0 s5, $0x0  }
0x1f: {  	s9 =	smul.u32 $0xF7A, s1;
	s8 =	simm.s32 @!p0 $0x1BF5;
	p2 =	por !p2, p0  }
0x20: {  	[sflag:s8] =	ssyncset.s32 @!p0 $0xFFFFF086;
	s6 =	sadd.s32 @!p0 s3, s7;
	s7 =	simm.s32 @!p0 $0x108  }
0x21: {  	s3 =	sadd.s32 s3, s9;
	s6 =	sadd.s32 @!p0 $0x88, s6;
	s7 =	simm.s32 @p2 $0x1082  }
0x22: {  	[simem:s7], [sflag:s8] =	dma.local @!p0 [hbm:s6], $0xF7A  }
0x23: {  	s9 =	sor.u32 $0xD0000000, s2;
	s6 =	simm.s32 $0x108;
	_ =	swait.ge @!p0 [sflag:s8], $0x0  }
0x24: {  	s3 =	sadd.s32 $0x88, s3;
	s6 =	simm.s32 @!p1 $0x1082;
	[sflag:s4] =	ssyncset.s32 $0xFFFFF086  }
0x25: {  	[simem:s6], [sflag:s4] =	dma.local [hbm:s3], $0xF7A  }
0x26: {  	[smem:$0x3F93] =	sst s1;
	(tag) =	ssettag s2;
	_ =	strace s9  }
0x27: {  	s1 =	sld [smem:$0x3FA3]  }
0x28: {  	s2 =	sld [smem:$0x3FA4]  }
0x29: {  	s4 =	sld [smem:$0x3FA6]  }
0x2a: {  	p0 =	seq.s32 s5, $0x0;
	s5 =	sld [smem:$0x3FA7]  }
0x2b: {  	s6 =	sld [smem:$0x3FA8]  }
0x2c: {  	s7 =	sld [smem:$0x3FA9]  }
0x2d: {  	s3 =	simm.s32 $0x108;
	s8 =	sld [smem:$0x3FAA]  }
0x2e: {  	s3 =	simm.s32 @!p0 $0x1082;
	s9 =	sld [smem:$0x3FAB]  }
0x2f: {  	lr =	sadd.s32 s0, s3;
	s0 =	sld [smem:$0x3FA2]  }
0x30: {  	s3 =	sld [smem:$0x3FA5]  }
0x31: {  	[smem:$0x3FAE] =	sst s10  }
0x32: {  	s10 =	sld [smem:$0x3FAC];
	_ =	sdelay $0x3  }
0x33: {  	p0 =	seq.s32 s10, $0x1;
	s10 =	sld [smem:$0x3FAE];
	_ =	sdelay $0x3  }
0x34: {  	[smem:$0x3FAE] =	sst s10  }
0x35: {  	s10 =	sld [smem:$0x3FAD];
	_ =	sdelay $0x3  }
0x36: {  	p1 =	seq.s32 s10, $0x1;
	s10 =	sld [smem:$0x3FAE];
	_ =	sdelay $0x3  }
0x37: {  	[smem:$0x3FAE] =	sst s10  }
0x38: {  	s10 =	sld [smem:$0x3FAF]  }
0x39: {  	_ = 	snop;
	(pc) =	sbr.ind lr, $3  }
0x3a: {  	_ = 	snop  }
0x3b: {  	_ = 	snop  }
0x3c: {  	p2 =	seq.s32 s10, $0x1;
	s10 =	sld [smem:$0x3FAE]  }
0x3d: {  	_ =	shalt  }
0x3e: {  	_ =	shalt  }
0x3f: {  	_ =	shalt  }
0x40: {  	_ =	shalt  }
0x41: {  	_ =	shalt  }
0x42: {  	_ =	shalt  }
0x43: {  	_ =	shalt  }
0x44: {  	_ =	shalt  }
0x45: {  	_ =	shalt  }
0x46: {  	_ =	shalt  }
0x47: {  	_ =	shalt  }
0x48: {  	_ =	shalt  }
0x49: {  	_ =	shalt  }
0x4a: {  	_ =	shalt  }
0x4b: {  	_ =	shalt  }
0x4c: {  	_ =	shalt  }
0x4d: {  	_ =	shalt  }
0x4e: {  	_ =	shalt  }
0x4f: {  	_ =	shalt  }
0x50: {  	_ =	shalt  }
0x51: {  	_ =	shalt  }
0x52: {  	_ =	shalt  }
0x53: {  	_ =	shalt  }
0x54: {  	_ =	shalt  }
0x55: {  	_ =	shalt  }
0x56: {  	_ =	shalt  }
0x57: {  	_ =	shalt  }
0x58: {  	_ =	shalt  }
0x59: {  	_ =	shalt  }
0x5a: {  	_ =	shalt  }
0x5b: {  	_ =	shalt  }
0x5c: {  	_ =	shalt  }
0x5d: {  	_ =	shalt  }
0x5e: {  	_ =	shalt  }
0x5f: {  	_ =	shalt  }
0x60: {  	_ =	shalt  }
0x61: {  	_ =	shalt  }
0x62: {  	_ =	shalt  }
0x63: {  	_ =	shalt  }
0x64: {  	_ =	shalt  }
0x65: {  	_ =	shalt  }
0x66: {  	_ =	shalt  }
0x67: {  	_ =	shalt  }
0x68: {  	_ =	shalt  }
0x69: {  	_ =	shalt  }
0x6a: {  	_ =	shalt  }
0x6b: {  	_ =	shalt  }
0x6c: {  	_ =	shalt  }
0x6d: {  	_ =	shalt  }
0x6e: {  	_ =	shalt  }
0x6f: {  	_ =	shalt  }
0x70: {  	_ =	shalt  }
0x71: {  	_ =	shalt  }
0x72: {  	_ =	shalt  }
0x73: {  	_ =	shalt  }
0x74: {  	_ =	shalt  }
0x75: {  	_ =	shalt  }
0x76: {  	_ =	shalt  }
0x77: {  	_ =	shalt  }
0x78: {  	_ =	shalt  }
0x79: {  	_ =	shalt  }
0x7a: {  	_ =	shalt  }
0x7b: {  	_ =	shalt  }
0x7c: {  	_ =	shalt  }
0x7d: {  	_ =	shalt  }
0x7e: {  	_ =	shalt  }
0x7f: {  	_ =	shalt  }
0x80: {  	_ =	shalt  }
0x81: {  	_ =	shalt  }
0x82: {  	_ =	shalt  }
0x83: {  	_ =	shalt  }
0x84: {  	_ =	shalt  }
0x85: {  	_ =	shalt  }
0x86: {  	_ =	shalt  }
0x87: {  	_ =	shalt  }
.Lfunc_end0:
.L_simem_size_0:
called_computation_lowered:
.L_overlay_start_0:
0x88: {  	s2 =	sld [smem:$0x3FD9]  }
0x89: {  	s3 =	sld [smem:$0x3FFE];
	_ =	sdelay $0x1  }
0x8a: {  	s1 =	srdreg.scid  }
0x8b: {  	s0 =	sand.u32 $0x1, s1  }
0x8c: {  	s17 =	sshll.u32 s0, $0xA;
	s2 =	sadd.s32 s3, s2  }
0x8d: {  	s2 =	sadd.s32 s2, s17  }
0x8e: {  	[smem:$0x3FBA] =	sst s2  }
0x8f: {  	_ = 	snop  }
0x90: {  	s2 =	sld [smem:$0x3FD0];
	(tm) =	ssettm $0x1  }
0x91: {  	s18 =	sld [smem:$0x3FFB];
	_ =	sdelay $0x3  }
0x92: {  	_ =	strace s18  }
0x93: {  	s3 =	sld [smem:$0x3FFC];
	_ =	sdelay $0x3  }
0x94: {  	_ =	strace s3  }
0x95: {  	s3 =	sld [smem:$0x3FFD];
	_ =	sdelay $0x3  }
0x96: {  	_ =	strace s3  }
0x97: {  	_ =	strace $0x8FFFFFFF  }
0x98: {  	s19 =	sld [smem:$0x3FDB];
	_ =	sdelay $0x1  }
0x99: {  	s4 =	simm.s32 $_scs_section_size  }
0x9a: {  	s5 =	simm.s32 $_size__tile_overlayer_lowered;
	s6 =	simm.s32 $_tile_overlayer_lowered  }
0x9b: {  	s22 =	simm.s32 $0x1BFF;
	s21 =	sshll.u32 s6, $0x1;
	s3 =	sadd.s32 s4, s19  }
0x9c: {  	s7 =	simm.s32 $0x0;
	s20 =	sshll.u32 s5, $0x1;
	s5 =	sadd.s32 s21, s3  }
0x9d: {  	[timem:s7], [sflag:s22] =	dma.local [hbm:s5], s20  }
0x9e: {  	_ =	swait.ge [sflag:s22], s20  }
0x9f: {  	s4 =	ssub.s32 $0x0, s20;
	[sflag:s22] =	ssyncset.done $0x0  }
0xa0: {  	[sflag:s22] =	ssyncadd.s32 s4;
	_ =	sdelay $0x1  }
0xa1: {  	s23 =	simm.s32 $0x1B8B  }
0xa2: {  	_ =	swait.ge [sflag:s23], $0x1  }
0xa3: {  	[sflag:s23] =	ssyncset.done $0x0  }
0xa4: {  	s25 =	simm.s32 $0x1B8E;
	s24 =	sld [smem:$0x3FFE];
	[sflag:s23] =	ssyncadd.s32 $0xFFFFFFFF  }
0xa5: {  	s26 =	simm.s32 $execute0_lowered;
	[smem:$0x3FD2] =	sst s25  }
0xa6: {  	s5 =	sshll.u32 s26, $0x1;
	_ =	strace $0x80000046;
	[dreg:$0x1] =	wrdreg $0xFFFFFFFF  }
0xa7: {  	s28 =	simm.s32 $_size_execute0_lowered;
	s3 =	sadd.s32 s3, s5;
	[dreg:$0x0] =	wrdreg $0x0  }
0xa8: {  	s5 =	sshll.u32 s28, $0x1;
	[dreg:$0x2] =	wrdreg s3  }
0xa9: {  	[dreg:$0x3] =	wrdreg s5  }
0xaa: {  	[dreg:$0x4] =	wrdreg $0xC0  }
0xab: {  	_ =	task [dreg:s7], $0x5FFFF  }
0xac: {  	[dreg:$0x1] =	wrdreg $0xFFFFFFFF  }
0xad: {  	[dreg:$0x0] =	wrdreg $0x60  }
0xae: {  	[dreg:$0x2] =	wrdreg s2  }
0xaf: {  	[dreg:$0x3] =	wrdreg s24  }
0xb0: {  	[dreg:$0x4] =	wrdreg $0x9  }
0xb1: {  	_ =	task.clear_ibuf [dreg:s7], $0x5FFFF;
	_ =	strace $0x90000046  }
0xb2: {  	s29 =	simm.s32 $0x9;
	_ =	strace $0x80000048  }
0xb3: {  	_ =	swait.ge [sflag:s29], $0x1  }
0xb4: {  	[sflag:s29] =	ssyncadd.s32 $0xFFFFFFFF  }
0xb5: {  	_ =	strace $0x90000048  }
0xb6: {  	_ =	sfence  }
0xb7: {  	s30 =	sld [smem:$0x0];
	_ =	sdelay $0x2  }
0xb8: {  	s31 =	sshll.u32 s1, $0xD;
	s1 =	sshrl.u32 s1, $0x2  }
0xb9: {  	s3 =	sand.u32 $0x4000, s31;
	s1 =	sadd.s32 s1, s30  }
0xba: {  	s0 =	sor.u32 s3, s0;
	s1 =	sshll.u32 s1, $0x11  }
0xbb: {  	s0 =	sor.u32 s1, s0  }
0xbc: {  	s0 =	sadd.s32 $0x8F2B, s0  }
0xbd: {  	[sflag:s0] =	ssyncadd.remote.s32 $0x1  }
0xbe: {  	_ =	sfence.sel $0xFFFF  }
0xbf: {  	[dreg:$0x0] =	wrdreg $0xFFFFFFFF;
	(pc) =	sbr.abs _section_cstart, $3  }
0xc0: {  	[dreg:$0x1] =	wrdreg $0xFFFFFFFF  }
0xc1: {  	_ =	task.clear_ibuf [dreg:s7], $0x2FFFF;
	_ =	strace $0x9FFFFFFF  }
0xc2: {  	(tm) =	ssettm $0x7FFFFFFF  }
0xc3: {  	_ =	shalt  }
tec
execute0_lowered:
.L_overlay_start_1:
0x0: {  	(tag) =	ssettag $0x1  }
0x1: {  	s2 =	rddreg [dreg:$0x0]  }
0x2: {  	s0 =	rddreg [dreg:$0x1]  }
0x3: {  	s1 =	srdreg.scid;
	s7 =	stileid.u32;
	s3 =	simm.s32 $0x0  }
0x4: {  	s9 =	simm.s32 $0x3;
	s10 =	simm.s32 $0x2000;
	s17 =	simm.s32 $0x5800  }
0x5: {  	s18 =	simm.s32 $0x40;
	s19 =	simm.s32 $0xA000;
	s20 =	simm.s32 $0x6000  }
0x6: {  	s21 =	simm.s32 $0x6800;
	s22 =	simm.s32 $0x7000;
	s23 =	simm.s32 $0x7800  }
0x7: {  	s24 =	simm.s32 $0x8000;
	s28 =	simm.s32 $0x9800;
	s29 =	simm.s32 $0x80  }
0x8: {  	s30 =	simm.s32 $0xC000;
	s31 =	simm.s32 $0x1;
	s1 =	sand.u32 $0x1, s1  }
0x9: {  	s4 =	sshll.u32 s7, $0xB;
	[smem:$0x7FF] =	sst s3;
	s6 =	sshll.u32 s7, $0x12  }
0xa: {  	s7 =	sshll.u32 s7, $0x11;
	s5 =	sshll.u32 s1, $0xA;
	_ =	strace $0x80000047  }
0xb: {  	s8 =	ssub.s32 $0x2, s1;
	s6 =	sadd.s32 s6, s0;
	s26 =	sshll.u32 s1, $0x10  }
0xc: {  	s1 =	sshll.u32 s1, $0x11;
	s5 =	sor.u32 s5, s4;
	s4 =	sadd.s32 $0x2A00, s0  }
.Ltmp0:
0xd: {  	s25 =	sshrl.u32 s8, $0x1;
	s1 =	sadd.s32 s1, s6;
	(pc) =	sbr.rel .LBB2_1-.Ltmp0, $4  }
0xe: {  	s5 =	sadd.s32 s5, s0;
	s0 =	sadd.s32 s7, s0;
	s7 =	ssub.s32 s8, s25  }
0xf: {  	v2 =	vlaneseq.u32;
	s12 =	sadd.s32 $0x2AA00, s1;
	s25 =	simm.s32 $0x8800;
	s1 =	simm.s32 $0x0  }
0x10: {  	vm0 =	vmmov $0xffff;
	v1 =	vshrl.u32 v2, $0x3;
	s5 =	sadd.s32 $0x22A00, s5;
	s0 =	sadd.s32 s26, s0;
	s6 =	smax.u32 s7, $0x1  }
0x11: {  	v0 =	vand.u32 $0x7, v2;
	v2 =	vor.u32 $0x8, v2;
	v1 =	vmul.u32 $0x8, v1;
	s26 =	simm.s32 $0x9000;
	s13 =	sadd.s32 $0x42AA00, s0;
	s0 =	simm.s32 $0x2  }
.LBB2_4:
0x12: {  	s1 =	sadd.s32 $0x1, s1  }
0x13: {  	p0 =	sne.s32 s1, s6  }
.Ltmp1:
0x14: {  	_ = 	snop;
	(pc) =	sbr.rel @!p0 .LBB2_5-.Ltmp1, $1  }
0x15: {  	_ =	sdelay $0x3  }
.LBB2_1:
0x16: {  	[tilespmem:s3], [sflag:$0x3] =	stream.linear.gather [hbm4b:s5+s3], $0x2000, $0x38;
	[tilespmem:$0xE000] =	vst v63  }
0x17: {  	_ =	swait.ge [sflag:s9], $0x2000  }
0x18: {  	[sflag:s9] =	ssyncset.done $0x0  }
0x19: {  	[sflag:s9] =	ssyncadd.s32 $0xFFFFE000  }
0x1a: {  	v3 =	vld [tilespmem:$0x0];
	_ =	sdelay $0x4  }
0x1b: {  	v4 =	vshll.u32 v3, $0x1  }
0x1c: {  	v3 =	vand.u32 $0x7, v3;
	v4 =	vand.u32 $0xFFFFFFF0, v4  }
0x1d: {  	v3 =	vor.u32 v3, v4  }
0x1e: {  	v4 =	vperm.xlane v3, v0;
	_ =	sdelay $0x1  }
0x1f: {  	v3 =	vperm.xlane v3, v2;
	v4 =	vadd.s32 v1, v4;
	_ =	sdelay $0x1  }
0x20: {  	v3 =	vadd.s32 v1, v3;
	_ =	sdelay $0x2  }
0x21: {  	[tilespmem:s10], [sflag:$0x1] =	stream.indirect_vreg.gather [hbm4b:s2+s3], $0x80, v4, vm0, $0xb8;
	[tilespmem:$0xE000] =	vst v63  }
0x22: {  	s7 =	simm.s32 $0x2800  }
0x23: {  	[tilespmem:s7], [sflag:$0x1] =	stream.indirect_vreg.gather [hbm4b:s2+s3], $0x80, v3, vm0, $0xb8;
	[tilespmem:$0xE000] =	vst v63  }
0x24: {  	v3 =	vld [tilespmem:$0x10];
	_ =	sdelay $0x4  }
0x25: {  	v57 =	vshll.u32 v3, $0x1  }
0x26: {  	v3 =	vand.u32 $0x7, v3;
	v4 =	vand.u32 $0xFFFFFFF0, v57  }
0x27: {  	v3 =	vor.u32 v3, v4  }
0x28: {  	v4 =	vperm.xlane v3, v0;
	_ =	sdelay $0x1  }
0x29: {  	v3 =	vperm.xlane v3, v2;
	v4 =	vadd.s32 v1, v4;
	_ =	sdelay $0x1  }
0x2a: {  	v3 =	vadd.s32 v1, v3;
	_ =	sdelay $0x1  }
0x2b: {  	s8 =	simm.s32 $0x3000  }
0x2c: {  	[tilespmem:s8], [sflag:$0x1] =	stream.indirect_vreg.gather [hbm4b:s2+s3], $0x80, v4, vm0, $0xb8;
	[tilespmem:$0xE000] =	vst v63  }
0x2d: {  	s11 =	simm.s32 $0x3800  }
0x2e: {  	[tilespmem:s11], [sflag:$0x1] =	stream.indirect_vreg.gather [hbm4b:s2+s3], $0x80, v3, vm0, $0xb8;
	[tilespmem:$0xE000] =	vst v63  }
0x2f: {  	v3 =	vld [tilespmem:$0x20];
	_ =	sdelay $0x4  }
0x30: {  	v58 =	vshll.u32 v3, $0x1  }
0x31: {  	v3 =	vand.u32 $0x7, v3;
	v4 =	vand.u32 $0xFFFFFFF0, v58  }
0x32: {  	v3 =	vor.u32 v3, v4  }
0x33: {  	v4 =	vperm.xlane v3, v0;
	_ =	sdelay $0x1  }
0x34: {  	v3 =	vperm.xlane v3, v2;
	v4 =	vadd.s32 v1, v4;
	_ =	sdelay $0x1  }
0x35: {  	v3 =	vadd.s32 v1, v3;
	_ =	sdelay $0x1  }
0x36: {  	s14 =	simm.s32 $0x4000  }
0x37: {  	[tilespmem:s14], [sflag:$0x1] =	stream.indirect_vreg.gather [hbm4b:s2+s3], $0x80, v4, vm0, $0xb8;
	[tilespmem:$0xE000] =	vst v63  }
0x38: {  	s15 =	simm.s32 $0x4800  }
0x39: {  	[tilespmem:s15], [sflag:$0x1] =	stream.indirect_vreg.gather [hbm4b:s2+s3], $0x80, v3, vm0, $0xb8;
	[tilespmem:$0xE000] =	vst v63  }
0x3a: {  	v3 =	vld [tilespmem:$0x30];
	_ =	sdelay $0x4  }
0x3b: {  	v59 =	vshll.u32 v3, $0x1  }
0x3c: {  	v3 =	vand.u32 $0x7, v3;
	v4 =	vand.u32 $0xFFFFFFF0, v59  }
0x3d: {  	v3 =	vor.u32 v3, v4  }
0x3e: {  	v4 =	vperm.xlane v3, v0;
	_ =	sdelay $0x1  }
0x3f: {  	v3 =	vperm.xlane v3, v2;
	v4 =	vadd.s32 v1, v4;
	_ =	sdelay $0x1  }
0x40: {  	v3 =	vadd.s32 v1, v3;
	_ =	sdelay $0x1  }
0x41: {  	s16 =	simm.s32 $0x5000  }
0x42: {  	[tilespmem:s16], [sflag:$0x1] =	stream.indirect_vreg.gather [hbm4b:s2+s3], $0x80, v4, vm0, $0xb8;
	[tilespmem:$0xE000] =	vst v63  }
0x43: {  	_ = 	snop  }
0x44: {  	[tilespmem:s17], [sflag:$0x1] =	stream.indirect_vreg.gather [hbm4b:s2+s3], $0x80, v3, vm0, $0xb8;
	[tilespmem:$0xE000] =	vst v63  }
0x45: {  	_ = 	snop  }
0x46: {  	[tilespmem:s19], [sflag:$0x1] =	stream.indirect.gather [hbm4b:s4+s18], $0x80, s3, s18, $0xb8;
	[tilespmem:$0xE000] =	vst v63  }
0x47: {  	v3 =	vld [tilespmem:$0x80];
	_ =	sdelay $0x4  }
0x48: {  	v60 =	vshll.u32 v3, $0x1  }
0x49: {  	v3 =	vand.u32 $0x7, v3;
	v4 =	vand.u32 $0xFFFFFFF0, v60  }
0x4a: {  	v3 =	vor.u32 v3, v4  }
0x4b: {  	v4 =	vperm.xlane v3, v0;
	_ =	sdelay $0x1  }
0x4c: {  	v3 =	vperm.xlane v3, v2;
	v4 =	vadd.s32 v1, v4;
	_ =	sdelay $0x1  }
0x4d: {  	v3 =	vadd.s32 v1, v3;
	_ =	sdelay $0x2  }
0x4e: {  	[tilespmem:s20], [sflag:$0x2] =	stream.indirect_vreg.gather [hbm4b:s2+s3], $0x80, v4, vm0, $0xb8;
	[tilespmem:$0xE000] =	vst v63  }
0x4f: {  	_ = 	snop  }
0x50: {  	[tilespmem:s21], [sflag:$0x2] =	stream.indirect_vreg.gather [hbm4b:s2+s3], $0x80, v3, vm0, $0xb8;
	[tilespmem:$0xE000] =	vst v63  }
0x51: {  	v3 =	vld [tilespmem:$0x90];
	_ =	sdelay $0x4  }
0x52: {  	v61 =	vshll.u32 v3, $0x1  }
0x53: {  	v3 =	vand.u32 $0x7, v3;
	v4 =	vand.u32 $0xFFFFFFF0, v61  }
0x54: {  	v3 =	vor.u32 v3, v4  }
0x55: {  	v4 =	vperm.xlane v3, v0;
	_ =	sdelay $0x1  }
0x56: {  	v3 =	vperm.xlane v3, v2;
	v4 =	vadd.s32 v1, v4;
	_ =	sdelay $0x1  }
0x57: {  	v3 =	vadd.s32 v1, v3;
	_ =	sdelay $0x2  }
0x58: {  	[tilespmem:s22], [sflag:$0x2] =	stream.indirect_vreg.gather [hbm4b:s2+s3], $0x80, v4, vm0, $0xb8;
	[tilespmem:$0xE000] =	vst v63  }
0x59: {  	_ = 	snop  }
0x5a: {  	[tilespmem:s23], [sflag:$0x2] =	stream.indirect_vreg.gather [hbm4b:s2+s3], $0x80, v3, vm0, $0xb8;
	[tilespmem:$0xE000] =	vst v63  }
0x5b: {  	v3 =	vld [tilespmem:$0xA0];
	_ =	sdelay $0x4  }
0x5c: {  	v62 =	vshll.u32 v3, $0x1  }
0x5d: {  	v3 =	vand.u32 $0x7, v3;
	v4 =	vand.u32 $0xFFFFFFF0, v62  }
0x5e: {  	v3 =	vor.u32 v3, v4  }
0x5f: {  	v4 =	vperm.xlane v3, v0;
	_ =	sdelay $0x1  }
0x60: {  	v3 =	vperm.xlane v3, v2;
	v4 =	vadd.s32 v1, v4;
	_ =	sdelay $0x1  }
0x61: {  	v3 =	vadd.s32 v1, v3;
	_ =	sdelay $0x2  }
0x62: {  	[tilespmem:s24], [sflag:$0x2] =	stream.indirect_vreg.gather [hbm4b:s2+s3], $0x80, v4, vm0, $0xb8;
	[tilespmem:$0xE000] =	vst v63  }
0x63: {  	_ = 	snop  }
0x64: {  	[tilespmem:s25], [sflag:$0x2] =	stream.indirect_vreg.gather [hbm4b:s2+s3], $0x80, v3, vm0, $0xb8;
	[tilespmem:$0xE000] =	vst v63  }
0x65: {  	v3 =	vld [tilespmem:$0xB0];
	_ =	sdelay $0x4  }
0x66: {  	v63 =	vshll.u32 v3, $0x1  }
0x67: {  	v3 =	vand.u32 $0x7, v3;
	v4 =	vand.u32 $0xFFFFFFF0, v63  }
0x68: {  	v3 =	vor.u32 v3, v4  }
0x69: {  	v4 =	vperm.xlane v3, v0;
	_ =	sdelay $0x1  }
0x6a: {  	v3 =	vperm.xlane v3, v2;
	v4 =	vadd.s32 v1, v4;
	_ =	sdelay $0x1  }
0x6b: {  	v3 =	vadd.s32 v1, v3;
	_ =	sdelay $0x2  }
0x6c: {  	[tilespmem:s26], [sflag:$0x2] =	stream.indirect_vreg.gather [hbm4b:s2+s3], $0x80, v4, vm0, $0xb8;
	[tilespmem:$0xE000] =	vst v63  }
0x6d: {  	_ = 	snop  }
0x6e: {  	[tilespmem:s28], [sflag:$0x2] =	stream.indirect_vreg.gather [hbm4b:s2+s3], $0x80, v3, vm0, $0xb8;
	[tilespmem:$0xE000] =	vst v63  }
0x6f: {  	s7 =	smov.u32 s13;
	s8 =	smov.u32 s12;
	s11 =	simm.s32 $0x0  }
0x70: {  	[tilespmem:s30], [sflag:$0x2] =	stream.indirect.gather [hbm4b:s4+s18], $0x80, s29, s18, $0xb8;
	[tilespmem:$0xE000] =	vst v63  }
.LBB2_2:
0x71: {  	_ =	swait.ge [sflag:s31], $0x4000  }
0x72: {  	[sflag:s31] =	ssyncset.done $0x0  }
0x73: {  	[sflag:s31] =	ssyncadd.s32 $0xFFFFC000  }
0x74: {  	_ =	swait.ge [sflag:s31], $0x2000  }
0x75: {  	[sflag:s31] =	ssyncset.done $0x0  }
0x76: {  	[sflag:s31] =	ssyncadd.s32 $0xFFFFE000  }
0x77: {  	[hbm4b:s8+s3] =	stream.linear.scatter [tilespmem:s10], [sflag:$0x3], $0x4000, $0x38;
	[tilespmem:$0xE000] =	vst v63  }
0x78: {  	_ =	swait.ge [sflag:s9], $0x4000  }
0x79: {  	[sflag:s9] =	ssyncset.done $0x0  }
0x7a: {  	[sflag:s9] =	ssyncadd.s32 $0xFFFFC000  }
0x7b: {  	[hbm4b:s7+s3] =	stream.linear.scatter [tilespmem:s19], [sflag:$0x3], $0x2000, $0x38;
	[tilespmem:$0xE000] =	vst v63  }
0x7c: {  	_ =	swait.ge [sflag:s9], $0x2000  }
0x7d: {  	p0 =	seq.s32 s11, $0x7C00;
	[sflag:s9] =	ssyncset.done $0x0  }
0x7e: {  	s14 =	sshra.s32 @!p0 s11, $0x2;
	[sflag:s9] =	ssyncadd.s32 $0xFFFFE000  }
0x7f: {  	v3 =	vld @!p0 [tilespmem:s14+$0x100];
	_ =	sdelay $0x4  }
0x80: {  	v4 =	vshll.u32 @!p0 v3, $0x1  }
0x81: {  	v5 =	vlaneseq.u32 @!p0;
	v3 =	vand.u32 @!p0 $0x7, v3;
	v4 =	vand.u32 @!p0 $0xFFFFFFF0, v4  }
0x82: {  	v6 =	vshrl.u32 @!p0 v5, $0x3;
	v3 =	vor.u32 @!p0 v3, v4;
	v4 =	vand.u32 @!p0 $0x7, v5  }
0x83: {  	v6 =	vmul.u32 @!p0 $0x8, v6;
	v7 =	vperm.xlane @!p0 v3, v4  }
0x84: {  	v5 =	vor.u32 @!p0 $0x8, v5  }
0x85: {  	v3 =	vperm.xlane @!p0 v3, v5;
	v7 =	vadd.s32 @!p0 v6, v7;
	_ =	sdelay $0x1  }
0x86: {  	v3 =	vadd.s32 @!p0 v6, v3;
	_ =	sdelay $0x1  }
0x87: {  	vm1 =	vmmov @!p0 $0xffff;
	s15 =	simm.s32 @!p0 $0x0;
	s16 =	simm.s32 @!p0 $0x2000  }
0x88: {  	[tilespmem:s16], [sflag:$0x1] =	stream.indirect_vreg.gather @!p0 [hbm4b:s2+s15], $0x80, v7, vm1, $0xb8;
	[tilespmem:$0xE000] =	vst v63  }
0x89: {  	s16 =	simm.s32 @!p0 $0x2800  }
0x8a: {  	[tilespmem:s16], [sflag:$0x1] =	stream.indirect_vreg.gather @!p0 [hbm4b:s2+s15], $0x80, v3, vm1, $0xb8;
	[tilespmem:$0xE000] =	vst v63  }
0x8b: {  	v3 =	vld @!p0 [tilespmem:s14+$0x110];
	_ =	sdelay $0x4  }
0x8c: {  	v7 =	vshll.u32 @!p0 v3, $0x1  }
0x8d: {  	v3 =	vand.u32 @!p0 $0x7, v3;
	v7 =	vand.u32 @!p0 $0xFFFFFFF0, v7  }
0x8e: {  	v3 =	vor.u32 @!p0 v3, v7  }
0x8f: {  	v7 =	vperm.xlane @!p0 v3, v4;
	_ =	sdelay $0x1  }
0x90: {  	v3 =	vperm.xlane @!p0 v3, v5;
	v7 =	vadd.s32 @!p0 v6, v7;
	_ =	sdelay $0x1  }
0x91: {  	v3 =	vadd.s32 @!p0 v6, v3;
	_ =	sdelay $0x1  }
0x92: {  	s16 =	simm.s32 @!p0 $0x3000  }
0x93: {  	[tilespmem:s16], [sflag:$0x1] =	stream.indirect_vreg.gather @!p0 [hbm4b:s2+s15], $0x80, v7, vm1, $0xb8;
	[tilespmem:$0xE000] =	vst v63  }
0x94: {  	s16 =	simm.s32 @!p0 $0x3800  }
0x95: {  	[tilespmem:s16], [sflag:$0x1] =	stream.indirect_vreg.gather @!p0 [hbm4b:s2+s15], $0x80, v3, vm1, $0xb8;
	[tilespmem:$0xE000] =	vst v63  }
0x96: {  	v3 =	vld @!p0 [tilespmem:s14+$0x120];
	_ =	sdelay $0x4  }
0x97: {  	v7 =	vshll.u32 @!p0 v3, $0x1  }
0x98: {  	v3 =	vand.u32 @!p0 $0x7, v3;
	v7 =	vand.u32 @!p0 $0xFFFFFFF0, v7  }
0x99: {  	v3 =	vor.u32 @!p0 v3, v7  }
0x9a: {  	v7 =	vperm.xlane @!p0 v3, v4;
	_ =	sdelay $0x1  }
0x9b: {  	v3 =	vperm.xlane @!p0 v3, v5;
	v7 =	vadd.s32 @!p0 v6, v7;
	_ =	sdelay $0x1  }
0x9c: {  	v3 =	vadd.s32 @!p0 v6, v3;
	_ =	sdelay $0x1  }
0x9d: {  	s16 =	simm.s32 @!p0 $0x4000  }
0x9e: {  	[tilespmem:s16], [sflag:$0x1] =	stream.indirect_vreg.gather @!p0 [hbm4b:s2+s15], $0x80, v7, vm1, $0xb8;
	[tilespmem:$0xE000] =	vst v63  }
0x9f: {  	s16 =	simm.s32 @!p0 $0x4800  }
0xa0: {  	[tilespmem:s16], [sflag:$0x1] =	stream.indirect_vreg.gather @!p0 [hbm4b:s2+s15], $0x80, v3, vm1, $0xb8;
	[tilespmem:$0xE000] =	vst v63  }
0xa1: {  	v3 =	vld @!p0 [tilespmem:s14+$0x130];
	_ =	sdelay $0x4  }
0xa2: {  	v7 =	vshll.u32 @!p0 v3, $0x1  }
0xa3: {  	v3 =	vand.u32 @!p0 $0x7, v3;
	v7 =	vand.u32 @!p0 $0xFFFFFFF0, v7  }
0xa4: {  	v3 =	vor.u32 @!p0 v3, v7  }
0xa5: {  	v4 =	vperm.xlane @!p0 v3, v4;
	_ =	sdelay $0x1  }
0xa6: {  	v3 =	vperm.xlane @!p0 v3, v5;
	v4 =	vadd.s32 @!p0 v6, v4;
	_ =	sdelay $0x1  }
0xa7: {  	v3 =	vadd.s32 @!p0 v6, v3;
	_ =	sdelay $0x1  }
0xa8: {  	s16 =	simm.s32 @!p0 $0x5000  }
0xa9: {  	[tilespmem:s16], [sflag:$0x1] =	stream.indirect_vreg.gather @!p0 [hbm4b:s2+s15], $0x80, v4, vm1, $0xb8;
	[tilespmem:$0xE000] =	vst v63  }
0xaa: {  	s16 =	simm.s32 @!p0 $0x5800  }
0xab: {  	[tilespmem:s16], [sflag:$0x1] =	stream.indirect_vreg.gather @!p0 [hbm4b:s2+s15], $0x80, v3, vm1, $0xb8;
	[tilespmem:$0xE000] =	vst v63  }
0xac: {  	s14 =	sadd.s32 @!p0 $0x100, s14;
	s15 =	simm.s32 @!p0 $0x40;
	s16 =	simm.s32 @!p0 $0xA000  }
0xad: {  	[tilespmem:s16], [sflag:$0x1] =	stream.indirect.gather @!p0 [hbm4b:s4+s15], $0x80, s14, s15, $0xb8;
	[tilespmem:$0xE000] =	vst v63  }
0xae: {  	_ =	swait.ge [sflag:s0], $0x4000  }
0xaf: {  	[sflag:s0] =	ssyncset.done $0x0  }
0xb0: {  	[sflag:s0] =	ssyncadd.s32 $0xFFFFC000  }
0xb1: {  	_ =	swait.ge [sflag:s0], $0x2000  }
0xb2: {  	[sflag:s0] =	ssyncset.done $0x0  }
0xb3: {  	s15 =	sadd.s32 $0x800, s8;
	[sflag:s0] =	ssyncadd.s32 $0xFFFFE000  }
0xb4: {  	[hbm4b:s15+s3] =	stream.linear.scatter [tilespmem:s20], [sflag:$0x3], $0x4000, $0x38;
	[tilespmem:$0xE000] =	vst v63  }
0xb5: {  	_ =	swait.ge [sflag:s9], $0x4000  }
0xb6: {  	[sflag:s9] =	ssyncset.done $0x0  }
.Ltmp2:
0xb7: {  	s16 =	sadd.s32 $0x400, s7;
	[sflag:s9] =	ssyncadd.s32 $0xFFFFC000;
	(pc) =	sbr.rel @p0 .LBB2_4-.Ltmp2, $4  }
0xb8: {  	[hbm4b:s16+s3] =	stream.linear.scatter [tilespmem:s30], [sflag:$0x3], $0x2000, $0x38;
	[tilespmem:$0xE000] =	vst v63  }
0xb9: {  	_ =	swait.ge [sflag:s9], $0x2000  }
0xba: {  	[sflag:s9] =	ssyncset.done $0x0  }
0xbb: {  	[sflag:s9] =	ssyncadd.s32 $0xFFFFE000  }
0xbc: {  	s14 =	sshra.s32 s11, $0x2  }
0xbd: {  	v3 =	vld [tilespmem:s14+$0x180];
	_ =	sdelay $0x4  }
0xbe: {  	v4 =	vshll.u32 v3, $0x1  }
0xbf: {  	v3 =	vand.u32 $0x7, v3;
	v4 =	vand.u32 $0xFFFFFFF0, v4  }
0xc0: {  	v3 =	vor.u32 v3, v4  }
0xc1: {  	v4 =	vperm.xlane v3, v0;
	_ =	sdelay $0x1  }
0xc2: {  	v3 =	vperm.xlane v3, v2;
	v4 =	vadd.s32 v1, v4;
	_ =	sdelay $0x1  }
0xc3: {  	v3 =	vadd.s32 v1, v3;
	_ =	sdelay $0x2  }
0xc4: {  	[tilespmem:s20], [sflag:$0x2] =	stream.indirect_vreg.gather [hbm4b:s2+s3], $0x80, v4, vm0, $0xb8;
	[tilespmem:$0xE000] =	vst v63  }
0xc5: {  	_ = 	snop  }
0xc6: {  	[tilespmem:s21], [sflag:$0x2] =	stream.indirect_vreg.gather [hbm4b:s2+s3], $0x80, v3, vm0, $0xb8;
	[tilespmem:$0xE000] =	vst v63  }
0xc7: {  	v3 =	vld [tilespmem:s14+$0x190];
	_ =	sdelay $0x4  }
0xc8: {  	v61 =	vshll.u32 v3, $0x1  }
0xc9: {  	v3 =	vand.u32 $0x7, v3;
	v4 =	vand.u32 $0xFFFFFFF0, v61  }
0xca: {  	v3 =	vor.u32 v3, v4  }
0xcb: {  	v4 =	vperm.xlane v3, v0;
	_ =	sdelay $0x1  }
0xcc: {  	v3 =	vperm.xlane v3, v2;
	v4 =	vadd.s32 v1, v4;
	_ =	sdelay $0x1  }
0xcd: {  	v3 =	vadd.s32 v1, v3;
	_ =	sdelay $0x2  }
0xce: {  	[tilespmem:s22], [sflag:$0x2] =	stream.indirect_vreg.gather [hbm4b:s2+s3], $0x80, v4, vm0, $0xb8;
	[tilespmem:$0xE000] =	vst v63  }
0xcf: {  	_ = 	snop  }
0xd0: {  	[tilespmem:s23], [sflag:$0x2] =	stream.indirect_vreg.gather [hbm4b:s2+s3], $0x80, v3, vm0, $0xb8;
	[tilespmem:$0xE000] =	vst v63  }
0xd1: {  	v3 =	vld [tilespmem:s14+$0x1A0];
	_ =	sdelay $0x4  }
0xd2: {  	v62 =	vshll.u32 v3, $0x1  }
0xd3: {  	v3 =	vand.u32 $0x7, v3;
	v4 =	vand.u32 $0xFFFFFFF0, v62  }
0xd4: {  	v3 =	vor.u32 v3, v4  }
0xd5: {  	v4 =	vperm.xlane v3, v0;
	_ =	sdelay $0x1  }
0xd6: {  	v3 =	vperm.xlane v3, v2;
	v4 =	vadd.s32 v1, v4;
	_ =	sdelay $0x1  }
0xd7: {  	v3 =	vadd.s32 v1, v3;
	_ =	sdelay $0x2  }
0xd8: {  	[tilespmem:s24], [sflag:$0x2] =	stream.indirect_vreg.gather [hbm4b:s2+s3], $0x80, v4, vm0, $0xb8;
	[tilespmem:$0xE000] =	vst v63  }
0xd9: {  	_ = 	snop  }
0xda: {  	[tilespmem:s25], [sflag:$0x2] =	stream.indirect_vreg.gather [hbm4b:s2+s3], $0x80, v3, vm0, $0xb8;
	[tilespmem:$0xE000] =	vst v63  }
0xdb: {  	v3 =	vld [tilespmem:s14+$0x1B0];
	_ =	sdelay $0x4  }
0xdc: {  	v63 =	vshll.u32 v3, $0x1  }
0xdd: {  	v3 =	vand.u32 $0x7, v3;
	v4 =	vand.u32 $0xFFFFFFF0, v63  }
0xde: {  	v3 =	vor.u32 v3, v4  }
0xdf: {  	v4 =	vperm.xlane v3, v0;
	_ =	sdelay $0x1  }
0xe0: {  	v4 =	vadd.s32 v1, v4  }
0xe1: {  	v3 =	vperm.xlane v3, v2;
	_ =	sdelay $0x1  }
0xe2: {  	v3 =	vadd.s32 v1, v3;
	_ =	sdelay $0x1  }
0xe3: {  	[tilespmem:s26], [sflag:$0x2] =	stream.indirect_vreg.gather [hbm4b:s2+s3], $0x80, v4, vm0, $0xb8;
	[tilespmem:$0xE000] =	vst v63  }
.Ltmp3:
0xe4: {  	_ = 	snop;
	(pc) =	sbr.rel .LBB2_2-.Ltmp3, $4  }
0xe5: {  	s7 =	sadd.s32 $0x800, s7  }
0xe6: {  	[tilespmem:s28], [sflag:$0x2] =	stream.indirect_vreg.gather [hbm4b:s2+s3], $0x80, v3, vm0, $0xb8;
	[tilespmem:$0xE000] =	vst v63  }
0xe7: {  	s8 =	sadd.s32 $0x1000, s8;
	s11 =	sadd.s32 $0x400, s11;
	s14 =	sadd.s32 $0x180, s14  }
0xe8: {  	[tilespmem:s30], [sflag:$0x2] =	stream.indirect.gather [hbm4b:s4+s18], $0x80, s14, s18, $0xb8;
	[tilespmem:$0xE000] =	vst v63  }
.LBB2_5:
0xe9: {  	_ =	sfence.sel $0x180000  }
0xea: {  	[bflag:$0x0] =	sbarrier.arrive $0xFFFF  }
0xeb: {  	_ =	strace $0x90000047  }
0xec: {  	s0 =	stileid.u32;
	[bflag:$0x2] =	sbarrier.arrive $0xFFFF  }
0xed: {  	p0 =	sne.s32 s0, $0x0;
	s0 =	rddreg [dreg:$0x2]  }
0xee: {  	s0 =	sadd.s32 @!p0 $0x100000, s0  }
0xef: {  	[sflag:s0] =	ssyncadd.tile.s32 @!p0 $0x1;
	_ =	shalt  }
.Lfunc_end2:
_tile_overlayer_lowered:
.L_overlay_start_2:
0xf0: {  	(tag) =	ssettag $0x2  }
0xf1: {  	s0 =	rddreg [dreg:$0x0];
	s2 =	stileid.u32  }
0xf2: {  	s1 =	rddreg [dreg:$0x1];
	p0 =	sne.s32 s2, $0x0  }
0xf3: {  	s3 =	rddreg [dreg:$0x2];
	[bflag:$0x3] =	sbarrier.arrive $0xFFFF;
	s2 =	simm.s32 @!p0 $0x1C03  }
0xf4: {  	[timem:s3], [sflag:s2] =	dma.local @!p0 [hbm:s0], s1  }
0xf5: {  	s0 =	simm.s32 @!p0 $0x3  }
0xf6: {  	_ =	swait.ge @!p0 [sflag:s0], s1  }
0xf7: {  	s1 =	ssub.s32 @!p0 $0x0, s1;
	[sflag:s0] =	ssyncset.done @!p0 $0x0  }
0xf8: {  	[sflag:s0] =	ssyncadd.s32 @!p0 s1  }
0xf9: {  	[bflag:$0x3] =	sbarrier.arrive $0xFFFF  }
0xfa: {  	_ =	shalt  }

</sc_bundles>
